<compile_context>
chip_gen: v7x
topology: tpu7x:2x2x1
jax: 0.10.2.dev20260603
libtpu: 0.0.44.dev20260713+nightly
codegen_flags: <defaults>
</compile_context>

<pallas_src>
import functools

import jax
import jax.numpy as jnp
from jax import lax
from jax.experimental import pallas as pl
from jax.experimental.pallas import tpu as pltpu
from jax.experimental.pallas import tpu_sc as plsc

_N = 10000
_E = 320000
_D = 128
_NC = 2
_NS = 16
_NW = _NC * _NS
_EPW = _E // _NW
_CH = 80
_NCH = _EPW // _CH
_ACH = 80
_ANCH = _EPW // _ACH
_RPT = 640
_NP = _RPT * _NS
_BLK = 1024
_GRID = _NP // _BLK


def _sc_mesh():
    return plsc.VectorSubcoreMesh(core_axis_name="c", subcore_axis_name="s")


@functools.partial(
    pl.kernel,
    out_type=jax.ShapeDtypeStruct((2 * _NP, _D), jnp.float32),
    mesh=_sc_mesh(),
    scratch_types=[
        pltpu.VMEM_SHARED((_NP, _D), jnp.float32),
        pltpu.VMEM((_NCH, _CH), jnp.int32),
        pltpu.VMEM((_CH, _D), jnp.float32),
        pltpu.SemaphoreType.DMA,
        pltpu.SemaphoreType.DMA,
    ],
)
def _sc_deg(dst3_hbm, zeros_hbm, ones_hbm, out_hbm, acc, didx, ones_v,
            sm0, sm1):
    c = lax.axis_index("c")
    s = lax.axis_index("s")
    wid = s * _NC + c
    pltpu.sync_copy(zeros_hbm.at[pl.ds(s * _RPT, _RPT)],
                    acc.at[pl.ds(s * _RPT, _RPT)])
    pltpu.sync_copy(ones_hbm, ones_v)
    pltpu.sync_copy(dst3_hbm.at[wid], didx)
    plsc.subcore_barrier()

    def issue(j, sm):
        pltpu.async_copy(ones_v, acc.at[didx.at[j]], sm, add=True)

    def drain(j, sm):
        pltpu.make_async_copy(ones_v, acc.at[didx.at[j]], sm).wait()

    issue(0, sm0)

    def step2(i, carry):
        j = 2 * i
        issue(j + 1, sm1)
        drain(j, sm0)

        @pl.when(j + 2 < _NCH)
        def _():
            issue(j + 2, sm0)

        drain(j + 1, sm1)
        return carry

    lax.fori_loop(0, (_NCH - 1) // 2, step2, 0)
    drain(_NCH - 1, sm0)
    plsc.subcore_barrier()
    pltpu.sync_copy(acc.at[pl.ds(s * _RPT, _RPT)],
                    out_hbm.at[pl.ds(c * _NP + s * _RPT, _RPT)])


@functools.partial(
    pl.kernel,
    out_type=jax.ShapeDtypeStruct((2 * _NP, _D), jnp.float32),
    mesh=_sc_mesh(),
    scratch_types=[
        pltpu.VMEM_SHARED((_NP, _D), jnp.float32),
        pltpu.VMEM((_ACH,), jnp.int32),
        pltpu.VMEM((_ACH,), jnp.int32),
        pltpu.VMEM((_ACH,), jnp.int32),
        pltpu.VMEM((_ACH,), jnp.int32),
        pltpu.VMEM((_ACH,), jnp.int32),
        pltpu.VMEM((_ACH,), jnp.int32),
        pltpu.VMEM((_ACH,), jnp.int32),
        pltpu.VMEM((_ACH,), jnp.int32),
        pltpu.VMEM((_ACH, _D), jnp.float32),
        pltpu.VMEM((_ACH, _D), jnp.float32),
        pltpu.VMEM((_ACH, _D), jnp.float32),
        pltpu.VMEM((_ACH, _D), jnp.float32),
        pltpu.SemaphoreType.DMA,
        pltpu.SemaphoreType.DMA,
        pltpu.SemaphoreType.DMA,
        pltpu.SemaphoreType.DMA,
        pltpu.SemaphoreType.DMA,
        pltpu.SemaphoreType.DMA,
        pltpu.SemaphoreType.DMA,
        pltpu.SemaphoreType.DMA,
    ],
)
def _sc_agg(table_hbm, src_hbm, dst_hbm, zeros_hbm, out_hbm,
            acc, si0, si1, si2, si3, di0, di1, di2, di3,
            ro0, ro1, ro2, ro3,
            sa0, sa1, sa2, sa3, sg0, sg1, sg2, sg3):
    c = lax.axis_index("c")
    s = lax.axis_index("s")
    wid = s * _NC + c
    ebase = wid * _EPW
    pltpu.sync_copy(zeros_hbm.at[pl.ds(s * _RPT, _RPT)],
                    acc.at[pl.ds(s * _RPT, _RPT)])
    plsc.subcore_barrier()

    slots = ((si0, di0, ro0, sa0, sg0), (si1, di1, ro1, sa1, sg1),
             (si2, di2, ro2, sa2, sg2), (si3, di3, ro3, sa3, sg3))

    def start(j, b):
        si, di, ro, sa, sg = slots[b]
        pltpu.async_copy(src_hbm.at[pl.ds(ebase + j * _ACH, _ACH)], si, sa)
        pltpu.async_copy(dst_hbm.at[pl.ds(ebase + j * _ACH, _ACH)], di, sa)

    def arm(j, b):
        si, di, ro, sa, sg = slots[b]
        pltpu.make_async_copy(src_hbm.at[pl.ds(ebase, _ACH)], si, sa).wait()
        pltpu.make_async_copy(dst_hbm.at[pl.ds(ebase, _ACH)], di, sa).wait()
        pltpu.async_copy(table_hbm.at[si], ro, sg)

    def finish(j, b):
        si, di, ro, sa, sg = slots[b]
        pltpu.make_async_copy(table_hbm.at[si], ro, sg).wait()
        pltpu.sync_copy(ro, acc.at[di], add=True)

    start(0, 0)
    start(1, 1)
    start(2, 2)
    start(3, 3)
    arm(0, 0)
    arm(1, 1)
    arm(2, 2)

    def quad(i, carry):
        j = 4 * i
        finish(j, 0)
        start(j + 4, 0)
        arm(j + 3, 3)
        finish(j + 1, 1)
        start(j + 5, 1)
        arm(j + 4, 0)
        finish(j + 2, 2)
        start(j + 6, 2)
        arm(j + 5, 1)
        finish(j + 3, 3)
        start(j + 7, 3)
        arm(j + 6, 2)
        return carry

    lax.fori_loop(0, (_ANCH - 5) // 4, quad, 0)
    jj = _ANCH - 5
    finish(jj, jj % 4)
    start(jj + 4, (jj + 4) % 4)
    arm(jj + 3, (jj + 3) % 4)
    finish(jj + 1, (jj + 1) % 4)
    arm(jj + 4, (jj + 4) % 4)
    finish(jj + 2, (jj + 2) % 4)
    finish(jj + 3, (jj + 3) % 4)
    finish(jj + 4, (jj + 4) % 4)
    plsc.subcore_barrier()
    pltpu.sync_copy(acc.at[pl.ds(s * _RPT, _RPT)],
                    out_hbm.at[pl.ds(c * _NP + s * _RPT, _RPT)])


def _tc_first_body(deg0_ref, deg1_ref, x_ref, w_ref, dis_ref, hwp_ref):
    p0 = deg0_ref[:, 0:1]
    p1 = deg1_ref[:, 0:1]
    dis = lax.rsqrt(1.0 + p0 + p1)
    dis_b = jnp.broadcast_to(dis, (_BLK, _D))
    hw = jnp.dot(x_ref[...], w_ref[...], preferred_element_type=jnp.float32)
    dis_ref[...] = dis_b
    hwp_ref[...] = hw * dis_b


def _tc_first(deg, x, W1):
    return pl.pallas_call(
        _tc_first_body,
        grid=(_GRID,),
        in_specs=[
            pl.BlockSpec((_BLK, _D), lambda j: (j, 0)),
            pl.BlockSpec((_BLK, _D), lambda j: (j + _GRID, 0)),
            pl.BlockSpec((_BLK, _D), lambda j: (j, 0)),
            pl.BlockSpec((_D, _D), lambda j: (0, 0)),
        ],
        out_specs=[
            pl.BlockSpec((_BLK, _D), lambda j: (j, 0)),
            pl.BlockSpec((_BLK, _D), lambda j: (j, 0)),
        ],
        out_shape=[
            jax.ShapeDtypeStruct((_NP, _D), jnp.float32),
            jax.ShapeDtypeStruct((_NP, _D), jnp.float32),
        ],
    )(deg, deg, x, W1)


def _tc_mid_body(s0_ref, s1_ref, hwp_ref, dis_ref, b_ref, w_ref, out_ref):
    h = dis_ref[...] * (s0_ref[...] + s1_ref[...] + hwp_ref[...]) + b_ref[...]
    h = jnp.maximum(h, 0.0)
    out_ref[...] = (
        jnp.dot(h, w_ref[...], preferred_element_type=jnp.float32)
        * dis_ref[...]
    )


def _tc_mid(S, hwp, dis, b, W):
    return pl.pallas_call(
        _tc_mid_body,
        grid=(_GRID,),
        in_specs=[
            pl.BlockSpec((_BLK, _D), lambda j: (j, 0)),
            pl.BlockSpec((_BLK, _D), lambda j: (j + _GRID, 0)),
            pl.BlockSpec((_BLK, _D), lambda j: (j, 0)),
            pl.BlockSpec((_BLK, _D), lambda j: (j, 0)),
            pl.BlockSpec((1, _D), lambda j: (0, 0)),
            pl.BlockSpec((_D, _D), lambda j: (0, 0)),
        ],
        out_specs=pl.BlockSpec((_BLK, _D), lambda j: (j, 0)),
        out_shape=jax.ShapeDtypeStruct((_NP, _D), jnp.float32),
    )(S, S, hwp, dis, b, W)


def _tc_last_body(s0_ref, s1_ref, hwp_ref, dis_ref, b_ref, wo_ref, bo_ref,
                  out_ref):
    h = dis_ref[...] * (s0_ref[...] + s1_ref[...] + hwp_ref[...]) + b_ref[...]
    h = jnp.maximum(h, 0.0)
    z = jnp.dot(h, wo_ref[...], preferred_element_type=jnp.float32) + bo_ref[...]
    out_ref[...] = jax.nn.sigmoid(z)


def _tc_last(S, hwp, dis, b3, Wo, bo):
    return pl.pallas_call(
        _tc_last_body,
        grid=(_GRID,),
        in_specs=[
            pl.BlockSpec((_BLK, _D), lambda j: (j, 0)),
            pl.BlockSpec((_BLK, _D), lambda j: (j + _GRID, 0)),
            pl.BlockSpec((_BLK, _D), lambda j: (j, 0)),
            pl.BlockSpec((_BLK, _D), lambda j: (j, 0)),
            pl.BlockSpec((1, _D), lambda j: (0, 0)),
            pl.BlockSpec((_D, 1), lambda j: (0, 0)),
            pl.BlockSpec((1, 1), lambda j: (0, 0)),
        ],
        out_specs=pl.BlockSpec((_BLK, 1), lambda j: (j, 0)),
        out_shape=jax.ShapeDtypeStruct((_N, 1), jnp.float32),
    )(S, S, hwp, dis, b3, Wo, bo)


def kernel(x, edge_index, W1, b1, W2, b2, W3, b3, Wo, bo):
    src1 = edge_index[0]
    dst2 = edge_index[1].reshape(_NW, _NCH, _CH)
    zeros = jnp.zeros((_NP, _D), jnp.float32)
    ones = jnp.ones((_CH, _D), jnp.float32)

    deg = _sc_deg(dst2, zeros, ones)
    dis, hw1p = _tc_first(deg, x, W1)
    dst1 = edge_index[1]
    S1 = _sc_agg(hw1p, src1, dst1, zeros)
    hw2p = _tc_mid(S1, hw1p, dis, b1.reshape(1, _D), W2)
    S2 = _sc_agg(hw2p, src1, dst1, zeros)
    hw3p = _tc_mid(S2, hw2p, dis, b2.reshape(1, _D), W3)
    S3 = _sc_agg(hw3p, src1, dst1, zeros)
    return _tc_last(S3, hw3p, dis, b3.reshape(1, _D), Wo, bo.reshape(1, 1))

# --- scband reference (transcript-rebuilt; emitter-appended) ---
"""Pipeline reference for scband-gcn-27960237097168 (READ-ONLY COPY).

The authoritative reference and input builder live on the scoring server;
editing this copy changes nothing except your own understanding.
"""

import jax, jax.numpy as jnp
import numpy as np

N = 10000
E = 320000
D = 128
H = 128


def _gcn_conv(x, edge_index, W, b):
    n = x.shape[0]
    loop = jnp.arange(n, dtype=edge_index.dtype)
    src = jnp.concatenate([edge_index[0], loop])
    dst = jnp.concatenate([edge_index[1], loop])
    deg = jax.ops.segment_sum(jnp.ones(src.shape[0], dtype=x.dtype), dst, num_segments=n)
    dis = jnp.where(deg > 0, 1.0 / jnp.sqrt(jnp.maximum(deg, 1e-12)), 0.0)
    norm = dis[src] * dis[dst]
    h = x @ W
    msg = h[src] * norm[:, None]
    out = jax.ops.segment_sum(msg, dst, num_segments=n)
    return out + b


def setup_inputs(seed: int = 0):
    key = jax.random.key(seed)
    ks = jax.random.split(key, 10)
    x = jax.random.normal(ks[0], (N, D), dtype=jnp.float32)
    edge_index = jax.random.randint(ks[1], (2, E), 0, N, dtype=jnp.int32)
    W1 = jax.random.normal(ks[2], (D, H), dtype=jnp.float32) * (1.0 / np.sqrt(D))
    b1 = jnp.zeros((H,), dtype=jnp.float32)
    W2 = jax.random.normal(ks[3], (H, H), dtype=jnp.float32) * (1.0 / np.sqrt(H))
    b2 = jnp.zeros((H,), dtype=jnp.float32)
    W3 = jax.random.normal(ks[4], (H, H), dtype=jnp.float32) * (1.0 / np.sqrt(H))
    b3 = jnp.zeros((H,), dtype=jnp.float32)
    Wo = jax.random.normal(ks[5], (H, 1), dtype=jnp.float32) * (1.0 / np.sqrt(H))
    bo = jnp.zeros((1,), dtype=jnp.float32)
    return {"x": x, "edge_index": edge_index, "W1": W1, "b1": b1, "W2": W2, "b2": b2, "W3": W3, "b3": b3, "Wo": Wo, "bo": bo}


def reference(x, edge_index, W1, b1, W2, b2, W3, b3, Wo, bo):
    h = _gcn_conv(x, edge_index, W1, b1)
    h = jax.nn.relu(h)
    h = _gcn_conv(h, edge_index, W2, b2)
    h = jax.nn.relu(h)
    h = _gcn_conv(h, edge_index, W3, b3)
    h = jax.nn.relu(h)
    out = h @ Wo + bo
    return jax.nn.sigmoid(out)

if __name__ == "__main__":
    import jax
    _d = setup_inputs()
    print(jax.jit(kernel)(*tuple(_d.values())))

</pallas_src>

<mosaic_0001>
#map = affine_map<(d0, d1) -> (0, 0)>
#map1 = affine_map<(d0, d1) -> (0)>
module attributes {stable_mosaic.version = 14 : i64} {
  func.func @_sc_agg(%arg0: i32, %arg1: i32, %arg2: memref<10240x128xf32, #tpu.memory_space<hbm>>, %arg3: memref<320000xi32, #tpu.memory_space<hbm>>, %arg4: memref<320000xi32, #tpu.memory_space<hbm>>, %arg5: memref<10240x128xf32, #tpu.memory_space<hbm>>, %arg6: memref<20480x128xf32, #tpu.memory_space<hbm>>, %arg7: memref<10240x128xf32, #tpu.memory_space<vmem_shared>>, %arg8: memref<80xi32, #tpu.memory_space<vmem>>, %arg9: memref<80xi32, #tpu.memory_space<vmem>>, %arg10: memref<80xi32, #tpu.memory_space<vmem>>, %arg11: memref<80xi32, #tpu.memory_space<vmem>>, %arg12: memref<80xi32, #tpu.memory_space<vmem>>, %arg13: memref<80xi32, #tpu.memory_space<vmem>>, %arg14: memref<80xi32, #tpu.memory_space<vmem>>, %arg15: memref<80xi32, #tpu.memory_space<vmem>>, %arg16: memref<80x128xf32, #tpu.memory_space<vmem>>, %arg17: memref<80x128xf32, #tpu.memory_space<vmem>>, %arg18: memref<80x128xf32, #tpu.memory_space<vmem>>, %arg19: memref<80x128xf32, #tpu.memory_space<vmem>>, %arg20: memref<!tpu.dma_semaphore, #tpu.memory_space<semaphore_mem>>, %arg21: memref<!tpu.dma_semaphore, #tpu.memory_space<semaphore_mem>>, %arg22: memref<!tpu.dma_semaphore, #tpu.memory_space<semaphore_mem>>, %arg23: memref<!tpu.dma_semaphore, #tpu.memory_space<semaphore_mem>>, %arg24: memref<!tpu.dma_semaphore, #tpu.memory_space<semaphore_mem>>, %arg25: memref<!tpu.dma_semaphore, #tpu.memory_space<semaphore_mem>>, %arg26: memref<!tpu.dma_semaphore, #tpu.memory_space<semaphore_mem>>, %arg27: memref<!tpu.dma_semaphore, #tpu.memory_space<semaphore_mem>>) attributes {dimension_semantics = [#tpu.dimension_semantics<core_parallel>, #tpu.dimension_semantics<subcore_parallel>], iteration_bounds = array<i64: 2, 16>, scalar_prefetch = 0 : i64, scratch_operands = 21 : i64, tpu.core_type = #tpu.core_type<sc_vector_subcore>, window_params = [{transform_indices = #map}, {transform_indices = #map1}, {transform_indices = #map1}, {transform_indices = #map}, {transform_indices = #map}]} {
    %mul3A = arith.constant 2 : i32
    %mul3A_0 = arith.muli %arg1, %mul3A : i32
    %add3A = arith.addi %mul3A_0, %arg0 : i32
    %mul3A_1 = arith.constant 10000 : i32
    %mul3A_2 = arith.muli %add3A, %mul3A_1 : i32
    %mul3A_3 = arith.constant 640 : i32
    %mul3A_4 = arith.muli %arg1, %mul3A_3 : i32
    %mul3A_5 = arith.constant 640 : i32
    %mul3A_6 = arith.muli %arg1, %mul3A_5 : i32
    "tpu.region"() ({
      %run_scoped3A = tpu.sem_alloc : memref<!tpu.dma_semaphore, #tpu.memory_space<semaphore_mem>>
      %dma_start3A_108 = arith.constant 0 : i32
      %dma_start3A_109 = tpu.memref_slice %arg7[%mul3A_6, %dma_start3A_108] : memref<10240x128xf32, #tpu.memory_space<vmem_shared>> -> memref<640x128xf32, #tpu.memory_space<vmem_shared>>
      %dma_start3A_110 = arith.constant 0 : i32
      %dma_start3A_111 = tpu.memref_slice %arg5[%mul3A_4, %dma_start3A_110] : memref<10240x128xf32, #tpu.memory_space<hbm>> -> memref<640x128xf32, #tpu.memory_space<hbm>>
      tpu.enqueue_dma source(%dma_start3A_111 : memref<640x128xf32, #tpu.memory_space<hbm>>) target(%dma_start3A_109 : memref<640x128xf32, #tpu.memory_space<vmem_shared>>) target_semaphore(%run_scoped3A : memref<!tpu.dma_semaphore, #tpu.memory_space<semaphore_mem>>)
      %dma_wait3A_112 = arith.constant 0 : i32
      %dma_wait3A_113 = tpu.memref_slice %arg7[%mul3A_6, %dma_wait3A_112] : memref<10240x128xf32, #tpu.memory_space<vmem_shared>> -> memref<640x128xf32, #tpu.memory_space<vmem_shared>>
      %dma_wait3A_114 = arith.constant 0 : i32
      %dma_wait3A_115 = tpu.memref_slice %arg5[%mul3A_4, %dma_wait3A_114] : memref<10240x128xf32, #tpu.memory_space<hbm>> -> memref<640x128xf32, #tpu.memory_space<hbm>>
      tpu.wait_dma2 semaphore(%run_scoped3A : memref<!tpu.dma_semaphore, #tpu.memory_space<semaphore_mem>>) src(%dma_wait3A_115 : memref<640x128xf32, #tpu.memory_space<hbm>>) dst(%dma_wait3A_113 : memref<640x128xf32, #tpu.memory_space<vmem_shared>>)
      tpu.yield
    }) : () -> ()
    %barrier3A = arith.constant 0 : index
    tpu.barrier barrier_id(%barrier3A)
    %add3A_7 = arith.constant 0 : i32
    %add3A_8 = arith.addi %mul3A_2, %add3A_7 : i32
    %dma_start3A = tpu.memref_slice %arg3[%add3A_8] : memref<320000xi32, #tpu.memory_space<hbm>> -> memref<80xi32, #tpu.memory_space<hbm>>
    %dma_start3A_9 = tpu.memref_slice %arg3[%add3A_8] : memref<320000xi32, #tpu.memory_space<hbm>> -> memref<80xi32, #tpu.memory_space<hbm>>
    tpu.enqueue_dma source(%dma_start3A_9 : memref<80xi32, #tpu.memory_space<hbm>>) target(%arg8 : memref<80xi32, #tpu.memory_space<vmem>>) target_semaphore(%arg20 : memref<!tpu.dma_semaphore, #tpu.memory_space<semaphore_mem>>)
    %add3A_10 = arith.constant 0 : i32
    %add3A_11 = arith.addi %mul3A_2, %add3A_10 : i32
    %dma_start3A_12 = tpu.memref_slice %arg4[%add3A_11] : memref<320000xi32, #tpu.memory_space<hbm>> -> memref<80xi32, #tpu.memory_space<hbm>>
    %dma_start3A_13 = tpu.memref_slice %arg4[%add3A_11] : memref<320000xi32, #tpu.memory_space<hbm>> -> memref<80xi32, #tpu.memory_space<hbm>>
    tpu.enqueue_dma source(%dma_start3A_13 : memref<80xi32, #tpu.memory_space<hbm>>) target(%arg12 : memref<80xi32, #tpu.memory_space<vmem>>) target_semaphore(%arg20 : memref<!tpu.dma_semaphore, #tpu.memory_space<semaphore_mem>>)
    %add3A_14 = arith.constant 80 : i32
    %add3A_15 = arith.addi %mul3A_2, %add3A_14 : i32
    %dma_start3A_16 = tpu.memref_slice %arg3[%add3A_15] : memref<320000xi32, #tpu.memory_space<hbm>> -> memref<80xi32, #tpu.memory_space<hbm>>
    %dma_start3A_17 = tpu.memref_slice %arg3[%add3A_15] : memref<320000xi32, #tpu.memory_space<hbm>> -> memref<80xi32, #tpu.memory_space<hbm>>
    tpu.enqueue_dma source(%dma_start3A_17 : memref<80xi32, #tpu.memory_space<hbm>>) target(%arg9 : memref<80xi32, #tpu.memory_space<vmem>>) target_semaphore(%arg21 : memref<!tpu.dma_semaphore, #tpu.memory_space<semaphore_mem>>)
    %add3A_18 = arith.constant 80 : i32
    %add3A_19 = arith.addi %mul3A_2, %add3A_18 : i32
    %dma_start3A_20 = tpu.memref_slice %arg4[%add3A_19] : memref<320000xi32, #tpu.memory_space<hbm>> -> memref<80xi32, #tpu.memory_space<hbm>>
    %dma_start3A_21 = tpu.memref_slice %arg4[%add3A_19] : memref<320000xi32, #tpu.memory_space<hbm>> -> memref<80xi32, #tpu.memory_space<hbm>>
    tpu.enqueue_dma source(%dma_start3A_21 : memref<80xi32, #tpu.memory_space<hbm>>) target(%arg13 : memref<80xi32, #tpu.memory_space<vmem>>) target_semaphore(%arg21 : memref<!tpu.dma_semaphore, #tpu.memory_space<semaphore_mem>>)
    %add3A_22 = arith.constant 160 : i32
    %add3A_23 = arith.addi %mul3A_2, %add3A_22 : i32
    %dma_start3A_24 = tpu.memref_slice %arg3[%add3A_23] : memref<320000xi32, #tpu.memory_space<hbm>> -> memref<80xi32, #tpu.memory_space<hbm>>
    %dma_start3A_25 = tpu.memref_slice %arg3[%add3A_23] : memref<320000xi32, #tpu.memory_space<hbm>> -> memref<80xi32, #tpu.memory_space<hbm>>
    tpu.enqueue_dma source(%dma_start3A_25 : memref<80xi32, #tpu.memory_space<hbm>>) target(%arg10 : memref<80xi32, #tpu.memory_space<vmem>>) target_semaphore(%arg22 : memref<!tpu.dma_semaphore, #tpu.memory_space<semaphore_mem>>)
    %add3A_26 = arith.constant 160 : i32
    %add3A_27 = arith.addi %mul3A_2, %add3A_26 : i32
    %dma_start3A_28 = tpu.memref_slice %arg4[%add3A_27] : memref<320000xi32, #tpu.memory_space<hbm>> -> memref<80xi32, #tpu.memory_space<hbm>>
    %dma_start3A_29 = tpu.memref_slice %arg4[%add3A_27] : memref<320000xi32, #tpu.memory_space<hbm>> -> memref<80xi32, #tpu.memory_space<hbm>>
    tpu.enqueue_dma source(%dma_start3A_29 : memref<80xi32, #tpu.memory_space<hbm>>) target(%arg14 : memref<80xi32, #tpu.memory_space<vmem>>) target_semaphore(%arg22 : memref<!tpu.dma_semaphore, #tpu.memory_space<semaphore_mem>>)
    %add3A_30 = arith.constant 240 : i32
    %add3A_31 = arith.addi %mul3A_2, %add3A_30 : i32
    %dma_start3A_32 = tpu.memref_slice %arg3[%add3A_31] : memref<320000xi32, #tpu.memory_space<hbm>> -> memref<80xi32, #tpu.memory_space<hbm>>
    %dma_start3A_33 = tpu.memref_slice %arg3[%add3A_31] : memref<320000xi32, #tpu.memory_space<hbm>> -> memref<80xi32, #tpu.memory_space<hbm>>
    tpu.enqueue_dma source(%dma_start3A_33 : memref<80xi32, #tpu.memory_space<hbm>>) target(%arg11 : memref<80xi32, #tpu.memory_space<vmem>>) target_semaphore(%arg23 : memref<!tpu.dma_semaphore, #tpu.memory_space<semaphore_mem>>)
    %add3A_34 = arith.constant 240 : i32
    %add3A_35 = arith.addi %mul3A_2, %add3A_34 : i32
    %dma_start3A_36 = tpu.memref_slice %arg4[%add3A_35] : memref<320000xi32, #tpu.memory_space<hbm>> -> memref<80xi32, #tpu.memory_space<hbm>>
    %dma_start3A_37 = tpu.memref_slice %arg4[%add3A_35] : memref<320000xi32, #tpu.memory_space<hbm>> -> memref<80xi32, #tpu.memory_space<hbm>>
    tpu.enqueue_dma source(%dma_start3A_37 : memref<80xi32, #tpu.memory_space<hbm>>) target(%arg15 : memref<80xi32, #tpu.memory_space<vmem>>) target_semaphore(%arg23 : memref<!tpu.dma_semaphore, #tpu.memory_space<semaphore_mem>>)
    %dma_wait3A = tpu.memref_slice %arg3[%mul3A_2] : memref<320000xi32, #tpu.memory_space<hbm>> -> memref<80xi32, #tpu.memory_space<hbm>>
    %dma_wait3A_38 = tpu.memref_slice %arg3[%mul3A_2] : memref<320000xi32, #tpu.memory_space<hbm>> -> memref<80xi32, #tpu.memory_space<hbm>>
    tpu.wait_dma2 semaphore(%arg20 : memref<!tpu.dma_semaphore, #tpu.memory_space<semaphore_mem>>) src(%dma_wait3A_38 : memref<80xi32, #tpu.memory_space<hbm>>) dst(%arg8 : memref<80xi32, #tpu.memory_space<vmem>>)
    %dma_wait3A_39 = tpu.memref_slice %arg4[%mul3A_2] : memref<320000xi32, #tpu.memory_space<hbm>> -> memref<80xi32, #tpu.memory_space<hbm>>
    %dma_wait3A_40 = tpu.memref_slice %arg4[%mul3A_2] : memref<320000xi32, #tpu.memory_space<hbm>> -> memref<80xi32, #tpu.memory_space<hbm>>
    tpu.wait_dma2 semaphore(%arg20 : memref<!tpu.dma_semaphore, #tpu.memory_space<semaphore_mem>>) src(%dma_wait3A_40 : memref<80xi32, #tpu.memory_space<hbm>>) dst(%arg12 : memref<80xi32, #tpu.memory_space<vmem>>)
    %dma_start3A_41 = arith.constant 0 : i32
    %dma_start3A_42 = arith.constant 0 : i32
    %dma_start3A_43 = tpu.memref_slice %arg2[%dma_start3A_41, %dma_start3A_42] : memref<10240x128xf32, #tpu.memory_space<hbm>> -> memref<10240x128xf32, #tpu.memory_space<hbm>>
    tpu.enqueue_indirect_dma source(%dma_start3A_43 : memref<10240x128xf32, #tpu.memory_space<hbm>>) target(%arg16 : memref<80x128xf32, #tpu.memory_space<vmem>>) offsets(%arg8 : memref<80xi32, #tpu.memory_space<vmem>>) semaphore(%arg24 : memref<!tpu.dma_semaphore, #tpu.memory_space<semaphore_mem>>)
    %dma_wait3A_44 = tpu.memref_slice %arg3[%mul3A_2] : memref<320000xi32, #tpu.memory_space<hbm>> -> memref<80xi32, #tpu.memory_space<hbm>>
    %dma_wait3A_45 = tpu.memref_slice %arg3[%mul3A_2] : memref<320000xi32, #tpu.memory_space<hbm>> -> memref<80xi32, #tpu.memory_space<hbm>>
    tpu.wait_dma2 semaphore(%arg21 : memref<!tpu.dma_semaphore, #tpu.memory_space<semaphore_mem>>) src(%dma_wait3A_45 : memref<80xi32, #tpu.memory_space<hbm>>) dst(%arg9 : memref<80xi32, #tpu.memory_space<vmem>>)
    %dma_wait3A_46 = tpu.memref_slice %arg4[%mul3A_2] : memref<320000xi32, #tpu.memory_space<hbm>> -> memref<80xi32, #tpu.memory_space<hbm>>
    %dma_wait3A_47 = tpu.memref_slice %arg4[%mul3A_2] : memref<320000xi32, #tpu.memory_space<hbm>> -> memref<80xi32, #tpu.memory_space<hbm>>
    tpu.wait_dma2 semaphore(%arg21 : memref<!tpu.dma_semaphore, #tpu.memory_space<semaphore_mem>>) src(%dma_wait3A_47 : memref<80xi32, #tpu.memory_space<hbm>>) dst(%arg13 : memref<80xi32, #tpu.memory_space<vmem>>)
    %dma_start3A_48 = arith.constant 0 : i32
    %dma_start3A_49 = arith.constant 0 : i32
    %dma_start3A_50 = tpu.memref_slice %arg2[%dma_start3A_48, %dma_start3A_49] : memref<10240x128xf32, #tpu.memory_space<hbm>> -> memref<10240x128xf32, #tpu.memory_space<hbm>>
    tpu.enqueue_indirect_dma source(%dma_start3A_50 : memref<10240x128xf32, #tpu.memory_space<hbm>>) target(%arg17 : memref<80x128xf32, #tpu.memory_space<vmem>>) offsets(%arg9 : memref<80xi32, #tpu.memory_space<vmem>>) semaphore(%arg25 : memref<!tpu.dma_semaphore, #tpu.memory_space<semaphore_mem>>)
    %dma_wait3A_51 = tpu.memref_slice %arg3[%mul3A_2] : memref<320000xi32, #tpu.memory_space<hbm>> -> memref<80xi32, #tpu.memory_space<hbm>>
    %dma_wait3A_52 = tpu.memref_slice %arg3[%mul3A_2] : memref<320000xi32, #tpu.memory_space<hbm>> -> memref<80xi32, #tpu.memory_space<hbm>>
    tpu.wait_dma2 semaphore(%arg22 : memref<!tpu.dma_semaphore, #tpu.memory_space<semaphore_mem>>) src(%dma_wait3A_52 : memref<80xi32, #tpu.memory_space<hbm>>) dst(%arg10 : memref<80xi32, #tpu.memory_space<vmem>>)
    %dma_wait3A_53 = tpu.memref_slice %arg4[%mul3A_2] : memref<320000xi32, #tpu.memory_space<hbm>> -> memref<80xi32, #tpu.memory_space<hbm>>
    %dma_wait3A_54 = tpu.memref_slice %arg4[%mul3A_2] : memref<320000xi32, #tpu.memory_space<hbm>> -> memref<80xi32, #tpu.memory_space<hbm>>
    tpu.wait_dma2 semaphore(%arg22 : memref<!tpu.dma_semaphore, #tpu.memory_space<semaphore_mem>>) src(%dma_wait3A_54 : memref<80xi32, #tpu.memory_space<hbm>>) dst(%arg14 : memref<80xi32, #tpu.memory_space<vmem>>)
    %dma_start3A_55 = arith.constant 0 : i32
    %dma_start3A_56 = arith.constant 0 : i32
    %dma_start3A_57 = tpu.memref_slice %arg2[%dma_start3A_55, %dma_start3A_56] : memref<10240x128xf32, #tpu.memory_space<hbm>> -> memref<10240x128xf32, #tpu.memory_space<hbm>>
    tpu.enqueue_indirect_dma source(%dma_start3A_57 : memref<10240x128xf32, #tpu.memory_space<hbm>>) target(%arg18 : memref<80x128xf32, #tpu.memory_space<vmem>>) offsets(%arg10 : memref<80xi32, #tpu.memory_space<vmem>>) semaphore(%arg26 : memref<!tpu.dma_semaphore, #tpu.memory_space<semaphore_mem>>)
    %scan3A = arith.constant 0 : i32
    %scan3A_58 = arith.constant 0 : i32
    %scan3A_59 = arith.constant 30 : i32
    %scan3A_60 = arith.addi %scan3A_58, %scan3A_59 : i32
    %scan3A_61 = arith.constant 1 : i32
    scf.for %scan3A_108 = %scan3A_58 to %scan3A_60 step %scan3A_61  : i32 {
      %mul3A_109 = arith.constant 4 : i32
      %mul3A_110 = arith.muli %mul3A_109, %scan3A_108 : i32
      %dma_wait3A_111 = arith.constant 0 : i32
      %dma_wait3A_112 = arith.constant 0 : i32
      %dma_wait3A_113 = tpu.memref_slice %arg2[%dma_wait3A_111, %dma_wait3A_112] : memref<10240x128xf32, #tpu.memory_space<hbm>> -> memref<10240x128xf32, #tpu.memory_space<hbm>>
      tpu.wait_indirect_dma semaphore(%arg24 : memref<!tpu.dma_semaphore, #tpu.memory_space<semaphore_mem>>) src(%dma_wait3A_113 : memref<10240x128xf32, #tpu.memory_space<hbm>>) dst(%arg16 : memref<80x128xf32, #tpu.memory_space<vmem>>)
      "tpu.region"() ({
        %run_scoped3A = tpu.sem_alloc : memref<!tpu.dma_semaphore, #tpu.memory_space<semaphore_mem>>
        %dma_start3A_213 = arith.constant 0 : i32
        %dma_start3A_214 = arith.constant 0 : i32
        %dma_start3A_215 = tpu.memref_slice %arg7[%dma_start3A_213, %dma_start3A_214] : memref<10240x128xf32, #tpu.memory_space<vmem_shared>> -> memref<10240x128xf32, #tpu.memory_space<vmem_shared>>
        tpu.enqueue_indirect_dma source(%arg16 : memref<80x128xf32, #tpu.memory_space<vmem>>) target(%dma_start3A_215 : memref<10240x128xf32, #tpu.memory_space<vmem_shared>>) offsets(%arg12 : memref<80xi32, #tpu.memory_space<vmem>>) semaphore(%run_scoped3A : memref<!tpu.dma_semaphore, #tpu.memory_space<semaphore_mem>>) {add = true}
        %dma_wait3A_216 = arith.constant 0 : i32
        %dma_wait3A_217 = arith.constant 0 : i32
        %dma_wait3A_218 = tpu.memref_slice %arg7[%dma_wait3A_216, %dma_wait3A_217] : memref<10240x128xf32, #tpu.memory_space<vmem_shared>> -> memref<10240x128xf32, #tpu.memory_space<vmem_shared>>
        tpu.wait_indirect_dma semaphore(%run_scoped3A : memref<!tpu.dma_semaphore, #tpu.memory_space<semaphore_mem>>) src(%arg16 : memref<80x128xf32, #tpu.memory_space<vmem>>) dst(%dma_wait3A_218 : memref<10240x128xf32, #tpu.memory_space<vmem_shared>>)
        tpu.yield
      }) : () -> ()
      %add3A_114 = arith.constant 4 : i32
      %add3A_115 = arith.addi %mul3A_110, %add3A_114 : i32
      %mul3A_116 = arith.constant 80 : i32
      %mul3A_117 = arith.muli %add3A_115, %mul3A_116 : i32
      %add3A_118 = arith.addi %mul3A_2, %mul3A_117 : i32
      %dma_start3A_119 = tpu.memref_slice %arg3[%add3A_118] : memref<320000xi32, #tpu.memory_space<hbm>> -> memref<80xi32, #tpu.memory_space<hbm>>
      %dma_start3A_120 = tpu.memref_slice %arg3[%add3A_118] : memref<320000xi32, #tpu.memory_space<hbm>> -> memref<80xi32, #tpu.memory_space<hbm>>
      tpu.enqueue_dma source(%dma_start3A_120 : memref<80xi32, #tpu.memory_space<hbm>>) target(%arg8 : memref<80xi32, #tpu.memory_space<vmem>>) target_semaphore(%arg20 : memref<!tpu.dma_semaphore, #tpu.memory_space<semaphore_mem>>)
      %mul3A_121 = arith.constant 80 : i32
      %mul3A_122 = arith.muli %add3A_115, %mul3A_121 : i32
      %add3A_123 = arith.addi %mul3A_2, %mul3A_122 : i32
      %dma_start3A_124 = tpu.memref_slice %arg4[%add3A_123] : memref<320000xi32, #tpu.memory_space<hbm>> -> memref<80xi32, #tpu.memory_space<hbm>>
      %dma_start3A_125 = tpu.memref_slice %arg4[%add3A_123] : memref<320000xi32, #tpu.memory_space<hbm>> -> memref<80xi32, #tpu.memory_space<hbm>>
      tpu.enqueue_dma source(%dma_start3A_125 : memref<80xi32, #tpu.memory_space<hbm>>) target(%arg12 : memref<80xi32, #tpu.memory_space<vmem>>) target_semaphore(%arg20 : memref<!tpu.dma_semaphore, #tpu.memory_space<semaphore_mem>>)
      %add3A_126 = arith.constant 3 : i32
      %add3A_127 = arith.addi %mul3A_110, %add3A_126 : i32
      %dma_wait3A_128 = tpu.memref_slice %arg3[%mul3A_2] : memref<320000xi32, #tpu.memory_space<hbm>> -> memref<80xi32, #tpu.memory_space<hbm>>
      %dma_wait3A_129 = tpu.memref_slice %arg3[%mul3A_2] : memref<320000xi32, #tpu.memory_space<hbm>> -> memref<80xi32, #tpu.memory_space<hbm>>
      tpu.wait_dma2 semaphore(%arg23 : memref<!tpu.dma_semaphore, #tpu.memory_space<semaphore_mem>>) src(%dma_wait3A_129 : memref<80xi32, #tpu.memory_space<hbm>>) dst(%arg11 : memref<80xi32, #tpu.memory_space<vmem>>)
      %dma_wait3A_130 = tpu.memref_slice %arg4[%mul3A_2] : memref<320000xi32, #tpu.memory_space<hbm>> -> memref<80xi32, #tpu.memory_space<hbm>>
      %dma_wait3A_131 = tpu.memref_slice %arg4[%mul3A_2] : memref<320000xi32, #tpu.memory_space<hbm>> -> memref<80xi32, #tpu.memory_space<hbm>>
      tpu.wait_dma2 semaphore(%arg23 : memref<!tpu.dma_semaphore, #tpu.memory_space<semaphore_mem>>) src(%dma_wait3A_131 : memref<80xi32, #tpu.memory_space<hbm>>) dst(%arg15 : memref<80xi32, #tpu.memory_space<vmem>>)
      %dma_start3A_132 = arith.constant 0 : i32
      %dma_start3A_133 = arith.constant 0 : i32
      %dma_start3A_134 = tpu.memref_slice %arg2[%dma_start3A_132, %dma_start3A_133] : memref<10240x128xf32, #tpu.memory_space<hbm>> -> memref<10240x128xf32, #tpu.memory_space<hbm>>
      tpu.enqueue_indirect_dma source(%dma_start3A_134 : memref<10240x128xf32, #tpu.memory_space<hbm>>) target(%arg19 : memref<80x128xf32, #tpu.memory_space<vmem>>) offsets(%arg11 : memref<80xi32, #tpu.memory_space<vmem>>) semaphore(%arg27 : memref<!tpu.dma_semaphore, #tpu.memory_space<semaphore_mem>>)
      %add3A_135 = arith.constant 1 : i32
      %add3A_136 = arith.addi %mul3A_110, %add3A_135 : i32
      %dma_wait3A_137 = arith.constant 0 : i32
      %dma_wait3A_138 = arith.constant 0 : i32
      %dma_wait3A_139 = tpu.memref_slice %arg2[%dma_wait3A_137, %dma_wait3A_138] : memref<10240x128xf32, #tpu.memory_space<hbm>> -> memref<10240x128xf32, #tpu.memory_space<hbm>>
      tpu.wait_indirect_dma semaphore(%arg25 : memref<!tpu.dma_semaphore, #tpu.memory_space<semaphore_mem>>) src(%dma_wait3A_139 : memref<10240x128xf32, #tpu.memory_space<hbm>>) dst(%arg17 : memref<80x128xf32, #tpu.memory_space<vmem>>)
      "tpu.region"() ({
        %run_scoped3A = tpu.sem_alloc : memref<!tpu.dma_semaphore, #tpu.memory_space<semaphore_mem>>
        %dma_start3A_213 = arith.constant 0 : i32
        %dma_start3A_214 = arith.constant 0 : i32
        %dma_start3A_215 = tpu.memref_slice %arg7[%dma_start3A_213, %dma_start3A_214] : memref<10240x128xf32, #tpu.memory_space<vmem_shared>> -> memref<10240x128xf32, #tpu.memory_space<vmem_shared>>
        tpu.enqueue_indirect_dma source(%arg17 : memref<80x128xf32, #tpu.memory_space<vmem>>) target(%dma_start3A_215 : memref<10240x128xf32, #tpu.memory_space<vmem_shared>>) offsets(%arg13 : memref<80xi32, #tpu.memory_space<vmem>>) semaphore(%run_scoped3A : memref<!tpu.dma_semaphore, #tpu.memory_space<semaphore_mem>>) {add = true}
        %dma_wait3A_216 = arith.constant 0 : i32
        %dma_wait3A_217 = arith.constant 0 : i32
        %dma_wait3A_218 = tpu.memref_slice %arg7[%dma_wait3A_216, %dma_wait3A_217] : memref<10240x128xf32, #tpu.memory_space<vmem_shared>> -> memref<10240x128xf32, #tpu.memory_space<vmem_shared>>
        tpu.wait_indirect_dma semaphore(%run_scoped3A : memref<!tpu.dma_semaphore, #tpu.memory_space<semaphore_mem>>) src(%arg17 : memref<80x128xf32, #tpu.memory_space<vmem>>) dst(%dma_wait3A_218 : memref<10240x128xf32, #tpu.memory_space<vmem_shared>>)
        tpu.yield
      }) : () -> ()
      %add3A_140 = arith.constant 5 : i32
      %add3A_141 = arith.addi %mul3A_110, %add3A_140 : i32
      %mul3A_142 = arith.constant 80 : i32
      %mul3A_143 = arith.muli %add3A_141, %mul3A_142 : i32
      %add3A_144 = arith.addi %mul3A_2, %mul3A_143 : i32
      %dma_start3A_145 = tpu.memref_slice %arg3[%add3A_144] : memref<320000xi32, #tpu.memory_space<hbm>> -> memref<80xi32, #tpu.memory_space<hbm>>
      %dma_start3A_146 = tpu.memref_slice %arg3[%add3A_144] : memref<320000xi32, #tpu.memory_space<hbm>> -> memref<80xi32, #tpu.memory_space<hbm>>
      tpu.enqueue_dma source(%dma_start3A_146 : memref<80xi32, #tpu.memory_space<hbm>>) target(%arg9 : memref<80xi32, #tpu.memory_space<vmem>>) target_semaphore(%arg21 : memref<!tpu.dma_semaphore, #tpu.memory_space<semaphore_mem>>)
      %mul3A_147 = arith.constant 80 : i32
      %mul3A_148 = arith.muli %add3A_141, %mul3A_147 : i32
      %add3A_149 = arith.addi %mul3A_2, %mul3A_148 : i32
      %dma_start3A_150 = tpu.memref_slice %arg4[%add3A_149] : memref<320000xi32, #tpu.memory_space<hbm>> -> memref<80xi32, #tpu.memory_space<hbm>>
      %dma_start3A_151 = tpu.memref_slice %arg4[%add3A_149] : memref<320000xi32, #tpu.memory_space<hbm>> -> memref<80xi32, #tpu.memory_space<hbm>>
      tpu.enqueue_dma source(%dma_start3A_151 : memref<80xi32, #tpu.memory_space<hbm>>) target(%arg13 : memref<80xi32, #tpu.memory_space<vmem>>) target_semaphore(%arg21 : memref<!tpu.dma_semaphore, #tpu.memory_space<semaphore_mem>>)
      %add3A_152 = arith.constant 4 : i32
      %add3A_153 = arith.addi %mul3A_110, %add3A_152 : i32
      %dma_wait3A_154 = tpu.memref_slice %arg3[%mul3A_2] : memref<320000xi32, #tpu.memory_space<hbm>> -> memref<80xi32, #tpu.memory_space<hbm>>
      %dma_wait3A_155 = tpu.memref_slice %arg3[%mul3A_2] : memref<320000xi32, #tpu.memory_space<hbm>> -> memref<80xi32, #tpu.memory_space<hbm>>
      tpu.wait_dma2 semaphore(%arg20 : memref<!tpu.dma_semaphore, #tpu.memory_space<semaphore_mem>>) src(%dma_wait3A_155 : memref<80xi32, #tpu.memory_space<hbm>>) dst(%arg8 : memref<80xi32, #tpu.memory_space<vmem>>)
      %dma_wait3A_156 = tpu.memref_slice %arg4[%mul3A_2] : memref<320000xi32, #tpu.memory_space<hbm>> -> memref<80xi32, #tpu.memory_space<hbm>>
      %dma_wait3A_157 = tpu.memref_slice %arg4[%mul3A_2] : memref<320000xi32, #tpu.memory_space<hbm>> -> memref<80xi32, #tpu.memory_space<hbm>>
      tpu.wait_dma2 semaphore(%arg20 : memref<!tpu.dma_semaphore, #tpu.memory_space<semaphore_mem>>) src(%dma_wait3A_157 : memref<80xi32, #tpu.memory_space<hbm>>) dst(%arg12 : memref<80xi32, #tpu.memory_space<vmem>>)
      %dma_start3A_158 = arith.constant 0 : i32
      %dma_start3A_159 = arith.constant 0 : i32
      %dma_start3A_160 = tpu.memref_slice %arg2[%dma_start3A_158, %dma_start3A_159] : memref<10240x128xf32, #tpu.memory_space<hbm>> -> memref<10240x128xf32, #tpu.memory_space<hbm>>
      tpu.enqueue_indirect_dma source(%dma_start3A_160 : memref<10240x128xf32, #tpu.memory_space<hbm>>) target(%arg16 : memref<80x128xf32, #tpu.memory_space<vmem>>) offsets(%arg8 : memref<80xi32, #tpu.memory_space<vmem>>) semaphore(%arg24 : memref<!tpu.dma_semaphore, #tpu.memory_space<semaphore_mem>>)
      %add3A_161 = arith.constant 2 : i32
      %add3A_162 = arith.addi %mul3A_110, %add3A_161 : i32
      %dma_wait3A_163 = arith.constant 0 : i32
      %dma_wait3A_164 = arith.constant 0 : i32
      %dma_wait3A_165 = tpu.memref_slice %arg2[%dma_wait3A_163, %dma_wait3A_164] : memref<10240x128xf32, #tpu.memory_space<hbm>> -> memref<10240x128xf32, #tpu.memory_space<hbm>>
      tpu.wait_indirect_dma semaphore(%arg26 : memref<!tpu.dma_semaphore, #tpu.memory_space<semaphore_mem>>) src(%dma_wait3A_165 : memref<10240x128xf32, #tpu.memory_space<hbm>>) dst(%arg18 : memref<80x128xf32, #tpu.memory_space<vmem>>)
      "tpu.region"() ({
        %run_scoped3A = tpu.sem_alloc : memref<!tpu.dma_semaphore, #tpu.memory_space<semaphore_mem>>
        %dma_start3A_213 = arith.constant 0 : i32
        %dma_start3A_214 = arith.constant 0 : i32
        %dma_start3A_215 = tpu.memref_slice %arg7[%dma_start3A_213, %dma_start3A_214] : memref<10240x128xf32, #tpu.memory_space<vmem_shared>> -> memref<10240x128xf32, #tpu.memory_space<vmem_shared>>
        tpu.enqueue_indirect_dma source(%arg18 : memref<80x128xf32, #tpu.memory_space<vmem>>) target(%dma_start3A_215 : memref<10240x128xf32, #tpu.memory_space<vmem_shared>>) offsets(%arg14 : memref<80xi32, #tpu.memory_space<vmem>>) semaphore(%run_scoped3A : memref<!tpu.dma_semaphore, #tpu.memory_space<semaphore_mem>>) {add = true}
        %dma_wait3A_216 = arith.constant 0 : i32
        %dma_wait3A_217 = arith.constant 0 : i32
        %dma_wait3A_218 = tpu.memref_slice %arg7[%dma_wait3A_216, %dma_wait3A_217] : memref<10240x128xf32, #tpu.memory_space<vmem_shared>> -> memref<10240x128xf32, #tpu.memory_space<vmem_shared>>
        tpu.wait_indirect_dma semaphore(%run_scoped3A : memref<!tpu.dma_semaphore, #tpu.memory_space<semaphore_mem>>) src(%arg18 : memref<80x128xf32, #tpu.memory_space<vmem>>) dst(%dma_wait3A_218 : memref<10240x128xf32, #tpu.memory_space<vmem_shared>>)
        tpu.yield
      }) : () -> ()
      %add3A_166 = arith.constant 6 : i32
      %add3A_167 = arith.addi %mul3A_110, %add3A_166 : i32
      %mul3A_168 = arith.constant 80 : i32
      %mul3A_169 = arith.muli %add3A_167, %mul3A_168 : i32
      %add3A_170 = arith.addi %mul3A_2, %mul3A_169 : i32
      %dma_start3A_171 = tpu.memref_slice %arg3[%add3A_170] : memref<320000xi32, #tpu.memory_space<hbm>> -> memref<80xi32, #tpu.memory_space<hbm>>
      %dma_start3A_172 = tpu.memref_slice %arg3[%add3A_170] : memref<320000xi32, #tpu.memory_space<hbm>> -> memref<80xi32, #tpu.memory_space<hbm>>
      tpu.enqueue_dma source(%dma_start3A_172 : memref<80xi32, #tpu.memory_space<hbm>>) target(%arg10 : memref<80xi32, #tpu.memory_space<vmem>>) target_semaphore(%arg22 : memref<!tpu.dma_semaphore, #tpu.memory_space<semaphore_mem>>)
      %mul3A_173 = arith.constant 80 : i32
      %mul3A_174 = arith.muli %add3A_167, %mul3A_173 : i32
      %add3A_175 = arith.addi %mul3A_2, %mul3A_174 : i32
      %dma_start3A_176 = tpu.memref_slice %arg4[%add3A_175] : memref<320000xi32, #tpu.memory_space<hbm>> -> memref<80xi32, #tpu.memory_space<hbm>>
      %dma_start3A_177 = tpu.memref_slice %arg4[%add3A_175] : memref<320000xi32, #tpu.memory_space<hbm>> -> memref<80xi32, #tpu.memory_space<hbm>>
      tpu.enqueue_dma source(%dma_start3A_177 : memref<80xi32, #tpu.memory_space<hbm>>) target(%arg14 : memref<80xi32, #tpu.memory_space<vmem>>) target_semaphore(%arg22 : memref<!tpu.dma_semaphore, #tpu.memory_space<semaphore_mem>>)
      %add3A_178 = arith.constant 5 : i32
      %add3A_179 = arith.addi %mul3A_110, %add3A_178 : i32
      %dma_wait3A_180 = tpu.memref_slice %arg3[%mul3A_2] : memref<320000xi32, #tpu.memory_space<hbm>> -> memref<80xi32, #tpu.memory_space<hbm>>
      %dma_wait3A_181 = tpu.memref_slice %arg3[%mul3A_2] : memref<320000xi32, #tpu.memory_space<hbm>> -> memref<80xi32, #tpu.memory_space<hbm>>
      tpu.wait_dma2 semaphore(%arg21 : memref<!tpu.dma_semaphore, #tpu.memory_space<semaphore_mem>>) src(%dma_wait3A_181 : memref<80xi32, #tpu.memory_space<hbm>>) dst(%arg9 : memref<80xi32, #tpu.memory_space<vmem>>)
      %dma_wait3A_182 = tpu.memref_slice %arg4[%mul3A_2] : memref<320000xi32, #tpu.memory_space<hbm>> -> memref<80xi32, #tpu.memory_space<hbm>>
      %dma_wait3A_183 = tpu.memref_slice %arg4[%mul3A_2] : memref<320000xi32, #tpu.memory_space<hbm>> -> memref<80xi32, #tpu.memory_space<hbm>>
      tpu.wait_dma2 semaphore(%arg21 : memref<!tpu.dma_semaphore, #tpu.memory_space<semaphore_mem>>) src(%dma_wait3A_183 : memref<80xi32, #tpu.memory_space<hbm>>) dst(%arg13 : memref<80xi32, #tpu.memory_space<vmem>>)
      %dma_start3A_184 = arith.constant 0 : i32
      %dma_start3A_185 = arith.constant 0 : i32
      %dma_start3A_186 = tpu.memref_slice %arg2[%dma_start3A_184, %dma_start3A_185] : memref<10240x128xf32, #tpu.memory_space<hbm>> -> memref<10240x128xf32, #tpu.memory_space<hbm>>
      tpu.enqueue_indirect_dma source(%dma_start3A_186 : memref<10240x128xf32, #tpu.memory_space<hbm>>) target(%arg17 : memref<80x128xf32, #tpu.memory_space<vmem>>) offsets(%arg9 : memref<80xi32, #tpu.memory_space<vmem>>) semaphore(%arg25 : memref<!tpu.dma_semaphore, #tpu.memory_space<semaphore_mem>>)
      %add3A_187 = arith.constant 3 : i32
      %add3A_188 = arith.addi %mul3A_110, %add3A_187 : i32
      %dma_wait3A_189 = arith.constant 0 : i32
      %dma_wait3A_190 = arith.constant 0 : i32
      %dma_wait3A_191 = tpu.memref_slice %arg2[%dma_wait3A_189, %dma_wait3A_190] : memref<10240x128xf32, #tpu.memory_space<hbm>> -> memref<10240x128xf32, #tpu.memory_space<hbm>>
      tpu.wait_indirect_dma semaphore(%arg27 : memref<!tpu.dma_semaphore, #tpu.memory_space<semaphore_mem>>) src(%dma_wait3A_191 : memref<10240x128xf32, #tpu.memory_space<hbm>>) dst(%arg19 : memref<80x128xf32, #tpu.memory_space<vmem>>)
      "tpu.region"() ({
        %run_scoped3A = tpu.sem_alloc : memref<!tpu.dma_semaphore, #tpu.memory_space<semaphore_mem>>
        %dma_start3A_213 = arith.constant 0 : i32
        %dma_start3A_214 = arith.constant 0 : i32
        %dma_start3A_215 = tpu.memref_slice %arg7[%dma_start3A_213, %dma_start3A_214] : memref<10240x128xf32, #tpu.memory_space<vmem_shared>> -> memref<10240x128xf32, #tpu.memory_space<vmem_shared>>
        tpu.enqueue_indirect_dma source(%arg19 : memref<80x128xf32, #tpu.memory_space<vmem>>) target(%dma_start3A_215 : memref<10240x128xf32, #tpu.memory_space<vmem_shared>>) offsets(%arg15 : memref<80xi32, #tpu.memory_space<vmem>>) semaphore(%run_scoped3A : memref<!tpu.dma_semaphore, #tpu.memory_space<semaphore_mem>>) {add = true}
        %dma_wait3A_216 = arith.constant 0 : i32
        %dma_wait3A_217 = arith.constant 0 : i32
        %dma_wait3A_218 = tpu.memref_slice %arg7[%dma_wait3A_216, %dma_wait3A_217] : memref<10240x128xf32, #tpu.memory_space<vmem_shared>> -> memref<10240x128xf32, #tpu.memory_space<vmem_shared>>
        tpu.wait_indirect_dma semaphore(%run_scoped3A : memref<!tpu.dma_semaphore, #tpu.memory_space<semaphore_mem>>) src(%arg19 : memref<80x128xf32, #tpu.memory_space<vmem>>) dst(%dma_wait3A_218 : memref<10240x128xf32, #tpu.memory_space<vmem_shared>>)
        tpu.yield
      }) : () -> ()
      %add3A_192 = arith.constant 7 : i32
      %add3A_193 = arith.addi %mul3A_110, %add3A_192 : i32
      %mul3A_194 = arith.constant 80 : i32
      %mul3A_195 = arith.muli %add3A_193, %mul3A_194 : i32
      %add3A_196 = arith.addi %mul3A_2, %mul3A_195 : i32
      %dma_start3A_197 = tpu.memref_slice %arg3[%add3A_196] : memref<320000xi32, #tpu.memory_space<hbm>> -> memref<80xi32, #tpu.memory_space<hbm>>
      %dma_start3A_198 = tpu.memref_slice %arg3[%add3A_196] : memref<320000xi32, #tpu.memory_space<hbm>> -> memref<80xi32, #tpu.memory_space<hbm>>
      tpu.enqueue_dma source(%dma_start3A_198 : memref<80xi32, #tpu.memory_space<hbm>>) target(%arg11 : memref<80xi32, #tpu.memory_space<vmem>>) target_semaphore(%arg23 : memref<!tpu.dma_semaphore, #tpu.memory_space<semaphore_mem>>)
      %mul3A_199 = arith.constant 80 : i32
      %mul3A_200 = arith.muli %add3A_193, %mul3A_199 : i32
      %add3A_201 = arith.addi %mul3A_2, %mul3A_200 : i32
      %dma_start3A_202 = tpu.memref_slice %arg4[%add3A_201] : memref<320000xi32, #tpu.memory_space<hbm>> -> memref<80xi32, #tpu.memory_space<hbm>>
      %dma_start3A_203 = tpu.memref_slice %arg4[%add3A_201] : memref<320000xi32, #tpu.memory_space<hbm>> -> memref<80xi32, #tpu.memory_space<hbm>>
      tpu.enqueue_dma source(%dma_start3A_203 : memref<80xi32, #tpu.memory_space<hbm>>) target(%arg15 : memref<80xi32, #tpu.memory_space<vmem>>) target_semaphore(%arg23 : memref<!tpu.dma_semaphore, #tpu.memory_space<semaphore_mem>>)
      %add3A_204 = arith.constant 6 : i32
      %add3A_205 = arith.addi %mul3A_110, %add3A_204 : i32
      %dma_wait3A_206 = tpu.memref_slice %arg3[%mul3A_2] : memref<320000xi32, #tpu.memory_space<hbm>> -> memref<80xi32, #tpu.memory_space<hbm>>
      %dma_wait3A_207 = tpu.memref_slice %arg3[%mul3A_2] : memref<320000xi32, #tpu.memory_space<hbm>> -> memref<80xi32, #tpu.memory_space<hbm>>
      tpu.wait_dma2 semaphore(%arg22 : memref<!tpu.dma_semaphore, #tpu.memory_space<semaphore_mem>>) src(%dma_wait3A_207 : memref<80xi32, #tpu.memory_space<hbm>>) dst(%arg10 : memref<80xi32, #tpu.memory_space<vmem>>)
      %dma_wait3A_208 = tpu.memref_slice %arg4[%mul3A_2] : memref<320000xi32, #tpu.memory_space<hbm>> -> memref<80xi32, #tpu.memory_space<hbm>>
      %dma_wait3A_209 = tpu.memref_slice %arg4[%mul3A_2] : memref<320000xi32, #tpu.memory_space<hbm>> -> memref<80xi32, #tpu.memory_space<hbm>>
      tpu.wait_dma2 semaphore(%arg22 : memref<!tpu.dma_semaphore, #tpu.memory_space<semaphore_mem>>) src(%dma_wait3A_209 : memref<80xi32, #tpu.memory_space<hbm>>) dst(%arg14 : memref<80xi32, #tpu.memory_space<vmem>>)
      %dma_start3A_210 = arith.constant 0 : i32
      %dma_start3A_211 = arith.constant 0 : i32
      %dma_start3A_212 = tpu.memref_slice %arg2[%dma_start3A_210, %dma_start3A_211] : memref<10240x128xf32, #tpu.memory_space<hbm>> -> memref<10240x128xf32, #tpu.memory_space<hbm>>
      tpu.enqueue_indirect_dma source(%dma_start3A_212 : memref<10240x128xf32, #tpu.memory_space<hbm>>) target(%arg18 : memref<80x128xf32, #tpu.memory_space<vmem>>) offsets(%arg10 : memref<80xi32, #tpu.memory_space<vmem>>) semaphore(%arg26 : memref<!tpu.dma_semaphore, #tpu.memory_space<semaphore_mem>>)
    }
    %scan3A_62 = arith.constant 30 : i32
    %dma_wait3A_63 = arith.constant 0 : i32
    %dma_wait3A_64 = arith.constant 0 : i32
    %dma_wait3A_65 = tpu.memref_slice %arg2[%dma_wait3A_63, %dma_wait3A_64] : memref<10240x128xf32, #tpu.memory_space<hbm>> -> memref<10240x128xf32, #tpu.memory_space<hbm>>
    tpu.wait_indirect_dma semaphore(%arg24 : memref<!tpu.dma_semaphore, #tpu.memory_space<semaphore_mem>>) src(%dma_wait3A_65 : memref<10240x128xf32, #tpu.memory_space<hbm>>) dst(%arg16 : memref<80x128xf32, #tpu.memory_space<vmem>>)
    "tpu.region"() ({
      %run_scoped3A = tpu.sem_alloc : memref<!tpu.dma_semaphore, #tpu.memory_space<semaphore_mem>>
      %dma_start3A_108 = arith.constant 0 : i32
      %dma_start3A_109 = arith.constant 0 : i32
      %dma_start3A_110 = tpu.memref_slice %arg7[%dma_start3A_108, %dma_start3A_109] : memref<10240x128xf32, #tpu.memory_space<vmem_shared>> -> memref<10240x128xf32, #tpu.memory_space<vmem_shared>>
      tpu.enqueue_indirect_dma source(%arg16 : memref<80x128xf32, #tpu.memory_space<vmem>>) target(%dma_start3A_110 : memref<10240x128xf32, #tpu.memory_space<vmem_shared>>) offsets(%arg12 : memref<80xi32, #tpu.memory_space<vmem>>) semaphore(%run_scoped3A : memref<!tpu.dma_semaphore, #tpu.memory_space<semaphore_mem>>) {add = true}
      %dma_wait3A_111 = arith.constant 0 : i32
      %dma_wait3A_112 = arith.constant 0 : i32
      %dma_wait3A_113 = tpu.memref_slice %arg7[%dma_wait3A_111, %dma_wait3A_112] : memref<10240x128xf32, #tpu.memory_space<vmem_shared>> -> memref<10240x128xf32, #tpu.memory_space<vmem_shared>>
      tpu.wait_indirect_dma semaphore(%run_scoped3A : memref<!tpu.dma_semaphore, #tpu.memory_space<semaphore_mem>>) src(%arg16 : memref<80x128xf32, #tpu.memory_space<vmem>>) dst(%dma_wait3A_113 : memref<10240x128xf32, #tpu.memory_space<vmem_shared>>)
      tpu.yield
    }) : () -> ()
    %add3A_66 = arith.constant 9920 : i32
    %add3A_67 = arith.addi %mul3A_2, %add3A_66 : i32
    %dma_start3A_68 = tpu.memref_slice %arg3[%add3A_67] : memref<320000xi32, #tpu.memory_space<hbm>> -> memref<80xi32, #tpu.memory_space<hbm>>
    %dma_start3A_69 = tpu.memref_slice %arg3[%add3A_67] : memref<320000xi32, #tpu.memory_space<hbm>> -> memref<80xi32, #tpu.memory_space<hbm>>
    tpu.enqueue_dma source(%dma_start3A_69 : memref<80xi32, #tpu.memory_space<hbm>>) target(%arg8 : memref<80xi32, #tpu.memory_space<vmem>>) target_semaphore(%arg20 : memref<!tpu.dma_semaphore, #tpu.memory_space<semaphore_mem>>)
    %add3A_70 = arith.constant 9920 : i32
    %add3A_71 = arith.addi %mul3A_2, %add3A_70 : i32
    %dma_start3A_72 = tpu.memref_slice %arg4[%add3A_71] : memref<320000xi32, #tpu.memory_space<hbm>> -> memref<80xi32, #tpu.memory_space<hbm>>
    %dma_start3A_73 = tpu.memref_slice %arg4[%add3A_71] : memref<320000xi32, #tpu.memory_space<hbm>> -> memref<80xi32, #tpu.memory_space<hbm>>
    tpu.enqueue_dma source(%dma_start3A_73 : memref<80xi32, #tpu.memory_space<hbm>>) target(%arg12 : memref<80xi32, #tpu.memory_space<vmem>>) target_semaphore(%arg20 : memref<!tpu.dma_semaphore, #tpu.memory_space<semaphore_mem>>)
    %dma_wait3A_74 = tpu.memref_slice %arg3[%mul3A_2] : memref<320000xi32, #tpu.memory_space<hbm>> -> memref<80xi32, #tpu.memory_space<hbm>>
    %dma_wait3A_75 = tpu.memref_slice %arg3[%mul3A_2] : memref<320000xi32, #tpu.memory_space<hbm>> -> memref<80xi32, #tpu.memory_space<hbm>>
    tpu.wait_dma2 semaphore(%arg23 : memref<!tpu.dma_semaphore, #tpu.memory_space<semaphore_mem>>) src(%dma_wait3A_75 : memref<80xi32, #tpu.memory_space<hbm>>) dst(%arg11 : memref<80xi32, #tpu.memory_space<vmem>>)
    %dma_wait3A_76 = tpu.memref_slice %arg4[%mul3A_2] : memref<320000xi32, #tpu.memory_space<hbm>> -> memref<80xi32, #tpu.memory_space<hbm>>
    %dma_wait3A_77 = tpu.memref_slice %arg4[%mul3A_2] : memref<320000xi32, #tpu.memory_space<hbm>> -> memref<80xi32, #tpu.memory_space<hbm>>
    tpu.wait_dma2 semaphore(%arg23 : memref<!tpu.dma_semaphore, #tpu.memory_space<semaphore_mem>>) src(%dma_wait3A_77 : memref<80xi32, #tpu.memory_space<hbm>>) dst(%arg15 : memref<80xi32, #tpu.memory_space<vmem>>)
    %dma_start3A_78 = arith.constant 0 : i32
    %dma_start3A_79 = arith.constant 0 : i32
    %dma_start3A_80 = tpu.memref_slice %arg2[%dma_start3A_78, %dma_start3A_79] : memref<10240x128xf32, #tpu.memory_space<hbm>> -> memref<10240x128xf32, #tpu.memory_space<hbm>>
    tpu.enqueue_indirect_dma source(%dma_start3A_80 : memref<10240x128xf32, #tpu.memory_space<hbm>>) target(%arg19 : memref<80x128xf32, #tpu.memory_space<vmem>>) offsets(%arg11 : memref<80xi32, #tpu.memory_space<vmem>>) semaphore(%arg27 : memref<!tpu.dma_semaphore, #tpu.memory_space<semaphore_mem>>)
    %dma_wait3A_81 = arith.constant 0 : i32
    %dma_wait3A_82 = arith.constant 0 : i32
    %dma_wait3A_83 = tpu.memref_slice %arg2[%dma_wait3A_81, %dma_wait3A_82] : memref<10240x128xf32, #tpu.memory_space<hbm>> -> memref<10240x128xf32, #tpu.memory_space<hbm>>
    tpu.wait_indirect_dma semaphore(%arg25 : memref<!tpu.dma_semaphore, #tpu.memory_space<semaphore_mem>>) src(%dma_wait3A_83 : memref<10240x128xf32, #tpu.memory_space<hbm>>) dst(%arg17 : memref<80x128xf32, #tpu.memory_space<vmem>>)
    "tpu.region"() ({
      %run_scoped3A = tpu.sem_alloc : memref<!tpu.dma_semaphore, #tpu.memory_space<semaphore_mem>>
      %dma_start3A_108 = arith.constant 0 : i32
      %dma_start3A_109 = arith.constant 0 : i32
      %dma_start3A_110 = tpu.memref_slice %arg7[%dma_start3A_108, %dma_start3A_109] : memref<10240x128xf32, #tpu.memory_space<vmem_shared>> -> memref<10240x128xf32, #tpu.memory_space<vmem_shared>>
      tpu.enqueue_indirect_dma source(%arg17 : memref<80x128xf32, #tpu.memory_space<vmem>>) target(%dma_start3A_110 : memref<10240x128xf32, #tpu.memory_space<vmem_shared>>) offsets(%arg13 : memref<80xi32, #tpu.memory_space<vmem>>) semaphore(%run_scoped3A : memref<!tpu.dma_semaphore, #tpu.memory_space<semaphore_mem>>) {add = true}
      %dma_wait3A_111 = arith.constant 0 : i32
      %dma_wait3A_112 = arith.constant 0 : i32
      %dma_wait3A_113 = tpu.memref_slice %arg7[%dma_wait3A_111, %dma_wait3A_112] : memref<10240x128xf32, #tpu.memory_space<vmem_shared>> -> memref<10240x128xf32, #tpu.memory_space<vmem_shared>>
      tpu.wait_indirect_dma semaphore(%run_scoped3A : memref<!tpu.dma_semaphore, #tpu.memory_space<semaphore_mem>>) src(%arg17 : memref<80x128xf32, #tpu.memory_space<vmem>>) dst(%dma_wait3A_113 : memref<10240x128xf32, #tpu.memory_space<vmem_shared>>)
      tpu.yield
    }) : () -> ()
    %dma_wait3A_84 = tpu.memref_slice %arg3[%mul3A_2] : memref<320000xi32, #tpu.memory_space<hbm>> -> memref<80xi32, #tpu.memory_space<hbm>>
    %dma_wait3A_85 = tpu.memref_slice %arg3[%mul3A_2] : memref<320000xi32, #tpu.memory_space<hbm>> -> memref<80xi32, #tpu.memory_space<hbm>>
    tpu.wait_dma2 semaphore(%arg20 : memref<!tpu.dma_semaphore, #tpu.memory_space<semaphore_mem>>) src(%dma_wait3A_85 : memref<80xi32, #tpu.memory_space<hbm>>) dst(%arg8 : memref<80xi32, #tpu.memory_space<vmem>>)
    %dma_wait3A_86 = tpu.memref_slice %arg4[%mul3A_2] : memref<320000xi32, #tpu.memory_space<hbm>> -> memref<80xi32, #tpu.memory_space<hbm>>
    %dma_wait3A_87 = tpu.memref_slice %arg4[%mul3A_2] : memref<320000xi32, #tpu.memory_space<hbm>> -> memref<80xi32, #tpu.memory_space<hbm>>
    tpu.wait_dma2 semaphore(%arg20 : memref<!tpu.dma_semaphore, #tpu.memory_space<semaphore_mem>>) src(%dma_wait3A_87 : memref<80xi32, #tpu.memory_space<hbm>>) dst(%arg12 : memref<80xi32, #tpu.memory_space<vmem>>)
    %dma_start3A_88 = arith.constant 0 : i32
    %dma_start3A_89 = arith.constant 0 : i32
    %dma_start3A_90 = tpu.memref_slice %arg2[%dma_start3A_88, %dma_start3A_89] : memref<10240x128xf32, #tpu.memory_space<hbm>> -> memref<10240x128xf32, #tpu.memory_space<hbm>>
    tpu.enqueue_indirect_dma source(%dma_start3A_90 : memref<10240x128xf32, #tpu.memory_space<hbm>>) target(%arg16 : memref<80x128xf32, #tpu.memory_space<vmem>>) offsets(%arg8 : memref<80xi32, #tpu.memory_space<vmem>>) semaphore(%arg24 : memref<!tpu.dma_semaphore, #tpu.memory_space<semaphore_mem>>)
    %dma_wait3A_91 = arith.constant 0 : i32
    %dma_wait3A_92 = arith.constant 0 : i32
    %dma_wait3A_93 = tpu.memref_slice %arg2[%dma_wait3A_91, %dma_wait3A_92] : memref<10240x128xf32, #tpu.memory_space<hbm>> -> memref<10240x128xf32, #tpu.memory_space<hbm>>
    tpu.wait_indirect_dma semaphore(%arg26 : memref<!tpu.dma_semaphore, #tpu.memory_space<semaphore_mem>>) src(%dma_wait3A_93 : memref<10240x128xf32, #tpu.memory_space<hbm>>) dst(%arg18 : memref<80x128xf32, #tpu.memory_space<vmem>>)
    "tpu.region"() ({
      %run_scoped3A = tpu.sem_alloc : memref<!tpu.dma_semaphore, #tpu.memory_space<semaphore_mem>>
      %dma_start3A_108 = arith.constant 0 : i32
      %dma_start3A_109 = arith.constant 0 : i32
      %dma_start3A_110 = tpu.memref_slice %arg7[%dma_start3A_108, %dma_start3A_109] : memref<10240x128xf32, #tpu.memory_space<vmem_shared>> -> memref<10240x128xf32, #tpu.memory_space<vmem_shared>>
      tpu.enqueue_indirect_dma source(%arg18 : memref<80x128xf32, #tpu.memory_space<vmem>>) target(%dma_start3A_110 : memref<10240x128xf32, #tpu.memory_space<vmem_shared>>) offsets(%arg14 : memref<80xi32, #tpu.memory_space<vmem>>) semaphore(%run_scoped3A : memref<!tpu.dma_semaphore, #tpu.memory_space<semaphore_mem>>) {add = true}
      %dma_wait3A_111 = arith.constant 0 : i32
      %dma_wait3A_112 = arith.constant 0 : i32
      %dma_wait3A_113 = tpu.memref_slice %arg7[%dma_wait3A_111, %dma_wait3A_112] : memref<10240x128xf32, #tpu.memory_space<vmem_shared>> -> memref<10240x128xf32, #tpu.memory_space<vmem_shared>>
      tpu.wait_indirect_dma semaphore(%run_scoped3A : memref<!tpu.dma_semaphore, #tpu.memory_space<semaphore_mem>>) src(%arg18 : memref<80x128xf32, #tpu.memory_space<vmem>>) dst(%dma_wait3A_113 : memref<10240x128xf32, #tpu.memory_space<vmem_shared>>)
      tpu.yield
    }) : () -> ()
    %dma_wait3A_94 = arith.constant 0 : i32
    %dma_wait3A_95 = arith.constant 0 : i32
    %dma_wait3A_96 = tpu.memref_slice %arg2[%dma_wait3A_94, %dma_wait3A_95] : memref<10240x128xf32, #tpu.memory_space<hbm>> -> memref<10240x128xf32, #tpu.memory_space<hbm>>
    tpu.wait_indirect_dma semaphore(%arg27 : memref<!tpu.dma_semaphore, #tpu.memory_space<semaphore_mem>>) src(%dma_wait3A_96 : memref<10240x128xf32, #tpu.memory_space<hbm>>) dst(%arg19 : memref<80x128xf32, #tpu.memory_space<vmem>>)
    "tpu.region"() ({
      %run_scoped3A = tpu.sem_alloc : memref<!tpu.dma_semaphore, #tpu.memory_space<semaphore_mem>>
      %dma_start3A_108 = arith.constant 0 : i32
      %dma_start3A_109 = arith.constant 0 : i32
      %dma_start3A_110 = tpu.memref_slice %arg7[%dma_start3A_108, %dma_start3A_109] : memref<10240x128xf32, #tpu.memory_space<vmem_shared>> -> memref<10240x128xf32, #tpu.memory_space<vmem_shared>>
      tpu.enqueue_indirect_dma source(%arg19 : memref<80x128xf32, #tpu.memory_space<vmem>>) target(%dma_start3A_110 : memref<10240x128xf32, #tpu.memory_space<vmem_shared>>) offsets(%arg15 : memref<80xi32, #tpu.memory_space<vmem>>) semaphore(%run_scoped3A : memref<!tpu.dma_semaphore, #tpu.memory_space<semaphore_mem>>) {add = true}
      %dma_wait3A_111 = arith.constant 0 : i32
      %dma_wait3A_112 = arith.constant 0 : i32
      %dma_wait3A_113 = tpu.memref_slice %arg7[%dma_wait3A_111, %dma_wait3A_112] : memref<10240x128xf32, #tpu.memory_space<vmem_shared>> -> memref<10240x128xf32, #tpu.memory_space<vmem_shared>>
      tpu.wait_indirect_dma semaphore(%run_scoped3A : memref<!tpu.dma_semaphore, #tpu.memory_space<semaphore_mem>>) src(%arg19 : memref<80x128xf32, #tpu.memory_space<vmem>>) dst(%dma_wait3A_113 : memref<10240x128xf32, #tpu.memory_space<vmem_shared>>)
      tpu.yield
    }) : () -> ()
    %dma_wait3A_97 = arith.constant 0 : i32
    %dma_wait3A_98 = arith.constant 0 : i32
    %dma_wait3A_99 = tpu.memref_slice %arg2[%dma_wait3A_97, %dma_wait3A_98] : memref<10240x128xf32, #tpu.memory_space<hbm>> -> memref<10240x128xf32, #tpu.memory_space<hbm>>
    tpu.wait_indirect_dma semaphore(%arg24 : memref<!tpu.dma_semaphore, #tpu.memory_space<semaphore_mem>>) src(%dma_wait3A_99 : memref<10240x128xf32, #tpu.memory_space<hbm>>) dst(%arg16 : memref<80x128xf32, #tpu.memory_space<vmem>>)
    "tpu.region"() ({
      %run_scoped3A = tpu.sem_alloc : memref<!tpu.dma_semaphore, #tpu.memory_space<semaphore_mem>>
      %dma_start3A_108 = arith.constant 0 : i32
      %dma_start3A_109 = arith.constant 0 : i32
      %dma_start3A_110 = tpu.memref_slice %arg7[%dma_start3A_108, %dma_start3A_109] : memref<10240x128xf32, #tpu.memory_space<vmem_shared>> -> memref<10240x128xf32, #tpu.memory_space<vmem_shared>>
      tpu.enqueue_indirect_dma source(%arg16 : memref<80x128xf32, #tpu.memory_space<vmem>>) target(%dma_start3A_110 : memref<10240x128xf32, #tpu.memory_space<vmem_shared>>) offsets(%arg12 : memref<80xi32, #tpu.memory_space<vmem>>) semaphore(%run_scoped3A : memref<!tpu.dma_semaphore, #tpu.memory_space<semaphore_mem>>) {add = true}
      %dma_wait3A_111 = arith.constant 0 : i32
      %dma_wait3A_112 = arith.constant 0 : i32
      %dma_wait3A_113 = tpu.memref_slice %arg7[%dma_wait3A_111, %dma_wait3A_112] : memref<10240x128xf32, #tpu.memory_space<vmem_shared>> -> memref<10240x128xf32, #tpu.memory_space<vmem_shared>>
      tpu.wait_indirect_dma semaphore(%run_scoped3A : memref<!tpu.dma_semaphore, #tpu.memory_space<semaphore_mem>>) src(%arg16 : memref<80x128xf32, #tpu.memory_space<vmem>>) dst(%dma_wait3A_113 : memref<10240x128xf32, #tpu.memory_space<vmem_shared>>)
      tpu.yield
    }) : () -> ()
    %barrier3A_100 = arith.constant 0 : index
    tpu.barrier barrier_id(%barrier3A_100)
    %mul3A_101 = arith.constant 640 : i32
    %mul3A_102 = arith.muli %arg1, %mul3A_101 : i32
    %mul3A_103 = arith.constant 10240 : i32
    %mul3A_104 = arith.muli %arg0, %mul3A_103 : i32
    %mul3A_105 = arith.constant 640 : i32
    %mul3A_106 = arith.muli %arg1, %mul3A_105 : i32
    %add3A_107 = arith.addi %mul3A_104, %mul3A_106 : i32
    "tpu.region"() ({
      %run_scoped3A = tpu.sem_alloc : memref<!tpu.dma_semaphore, #tpu.memory_space<semaphore_mem>>
      %dma_start3A_108 = arith.constant 0 : i32
      %dma_start3A_109 = tpu.memref_slice %arg6[%add3A_107, %dma_start3A_108] : memref<20480x128xf32, #tpu.memory_space<hbm>> -> memref<640x128xf32, #tpu.memory_space<hbm>>
      %dma_start3A_110 = arith.constant 0 : i32
      %dma_start3A_111 = tpu.memref_slice %arg7[%mul3A_102, %dma_start3A_110] : memref<10240x128xf32, #tpu.memory_space<vmem_shared>> -> memref<640x128xf32, #tpu.memory_space<vmem_shared>>
      tpu.enqueue_dma source(%dma_start3A_111 : memref<640x128xf32, #tpu.memory_space<vmem_shared>>) target(%dma_start3A_109 : memref<640x128xf32, #tpu.memory_space<hbm>>) target_semaphore(%run_scoped3A : memref<!tpu.dma_semaphore, #tpu.memory_space<semaphore_mem>>)
      %dma_wait3A_112 = arith.constant 0 : i32
      %dma_wait3A_113 = tpu.memref_slice %arg6[%add3A_107, %dma_wait3A_112] : memref<20480x128xf32, #tpu.memory_space<hbm>> -> memref<640x128xf32, #tpu.memory_space<hbm>>
      %dma_wait3A_114 = arith.constant 0 : i32
      %dma_wait3A_115 = tpu.memref_slice %arg7[%mul3A_102, %dma_wait3A_114] : memref<10240x128xf32, #tpu.memory_space<vmem_shared>> -> memref<640x128xf32, #tpu.memory_space<vmem_shared>>
      tpu.wait_dma2 semaphore(%run_scoped3A : memref<!tpu.dma_semaphore, #tpu.memory_space<semaphore_mem>>) src(%dma_wait3A_115 : memref<640x128xf32, #tpu.memory_space<vmem_shared>>) dst(%dma_wait3A_113 : memref<640x128xf32, #tpu.memory_space<hbm>>)
      tpu.yield
    }) : () -> ()
    return
  }
}

#map = affine_map<(d0, d1) -> (0, 0, 0)>
#map1 = affine_map<(d0, d1) -> (0, 0)>
module attributes {stable_mosaic.version = 14 : i64} {
  func.func @_sc_deg(%arg0: i32, %arg1: i32, %arg2: memref<32x125x80xi32, #tpu.memory_space<hbm>>, %arg3: memref<10240x128xf32, #tpu.memory_space<hbm>>, %arg4: memref<80x128xf32, #tpu.memory_space<hbm>>, %arg5: memref<20480x128xf32, #tpu.memory_space<hbm>>, %arg6: memref<10240x128xf32, #tpu.memory_space<vmem_shared>>, %arg7: memref<125x80xi32, #tpu.memory_space<vmem>>, %arg8: memref<80x128xf32, #tpu.memory_space<vmem>>, %arg9: memref<!tpu.dma_semaphore, #tpu.memory_space<semaphore_mem>>, %arg10: memref<!tpu.dma_semaphore, #tpu.memory_space<semaphore_mem>>) attributes {dimension_semantics = [#tpu.dimension_semantics<core_parallel>, #tpu.dimension_semantics<subcore_parallel>], iteration_bounds = array<i64: 2, 16>, scalar_prefetch = 0 : i64, scratch_operands = 5 : i64, tpu.core_type = #tpu.core_type<sc_vector_subcore>, window_params = [{transform_indices = #map}, {transform_indices = #map1}, {transform_indices = #map1}, {transform_indices = #map1}]} {
    %mul3A = arith.constant 2 : i32
    %mul3A_0 = arith.muli %arg1, %mul3A : i32
    %add3A = arith.addi %mul3A_0, %arg0 : i32
    %mul3A_1 = arith.constant 640 : i32
    %mul3A_2 = arith.muli %arg1, %mul3A_1 : i32
    %mul3A_3 = arith.constant 640 : i32
    %mul3A_4 = arith.muli %arg1, %mul3A_3 : i32
    "tpu.region"() ({
      %run_scoped3A = tpu.sem_alloc : memref<!tpu.dma_semaphore, #tpu.memory_space<semaphore_mem>>
      %dma_start3A_30 = arith.constant 0 : i32
      %dma_start3A_31 = tpu.memref_slice %arg6[%mul3A_4, %dma_start3A_30] : memref<10240x128xf32, #tpu.memory_space<vmem_shared>> -> memref<640x128xf32, #tpu.memory_space<vmem_shared>>
      %dma_start3A_32 = arith.constant 0 : i32
      %dma_start3A_33 = tpu.memref_slice %arg3[%mul3A_2, %dma_start3A_32] : memref<10240x128xf32, #tpu.memory_space<hbm>> -> memref<640x128xf32, #tpu.memory_space<hbm>>
      tpu.enqueue_dma source(%dma_start3A_33 : memref<640x128xf32, #tpu.memory_space<hbm>>) target(%dma_start3A_31 : memref<640x128xf32, #tpu.memory_space<vmem_shared>>) target_semaphore(%run_scoped3A : memref<!tpu.dma_semaphore, #tpu.memory_space<semaphore_mem>>)
      %dma_wait3A_34 = arith.constant 0 : i32
      %dma_wait3A_35 = tpu.memref_slice %arg6[%mul3A_4, %dma_wait3A_34] : memref<10240x128xf32, #tpu.memory_space<vmem_shared>> -> memref<640x128xf32, #tpu.memory_space<vmem_shared>>
      %dma_wait3A_36 = arith.constant 0 : i32
      %dma_wait3A_37 = tpu.memref_slice %arg3[%mul3A_2, %dma_wait3A_36] : memref<10240x128xf32, #tpu.memory_space<hbm>> -> memref<640x128xf32, #tpu.memory_space<hbm>>
      tpu.wait_dma2 semaphore(%run_scoped3A : memref<!tpu.dma_semaphore, #tpu.memory_space<semaphore_mem>>) src(%dma_wait3A_37 : memref<640x128xf32, #tpu.memory_space<hbm>>) dst(%dma_wait3A_35 : memref<640x128xf32, #tpu.memory_space<vmem_shared>>)
      tpu.yield
    }) : () -> ()
    "tpu.region"() ({
      %run_scoped3A = tpu.sem_alloc : memref<!tpu.dma_semaphore, #tpu.memory_space<semaphore_mem>>
      tpu.enqueue_dma source(%arg4 : memref<80x128xf32, #tpu.memory_space<hbm>>) target(%arg8 : memref<80x128xf32, #tpu.memory_space<vmem>>) target_semaphore(%run_scoped3A : memref<!tpu.dma_semaphore, #tpu.memory_space<semaphore_mem>>)
      tpu.wait_dma2 semaphore(%run_scoped3A : memref<!tpu.dma_semaphore, #tpu.memory_space<semaphore_mem>>) src(%arg4 : memref<80x128xf32, #tpu.memory_space<hbm>>) dst(%arg8 : memref<80x128xf32, #tpu.memory_space<vmem>>)
      tpu.yield
    }) : () -> ()
    "tpu.region"() ({
      %run_scoped3A = tpu.sem_alloc : memref<!tpu.dma_semaphore, #tpu.memory_space<semaphore_mem>>
      %dma_start3A_30 = arith.constant 0 : i32
      %dma_start3A_31 = arith.constant 0 : i32
      %dma_start3A_32 = tpu.memref_slice %arg2[%add3A, %dma_start3A_30, %dma_start3A_31] : memref<32x125x80xi32, #tpu.memory_space<hbm>> -> memref<1x125x80xi32, #tpu.memory_space<hbm>>
      %dma_start3A_33 = tpu.memref_squeeze %dma_start3A_32 : memref<1x125x80xi32, #tpu.memory_space<hbm>> -> memref<125x80xi32, #tpu.memory_space<hbm>>
      %dma_start3A_34 = arith.constant 0 : i32
      %dma_start3A_35 = arith.constant 0 : i32
      %dma_start3A_36 = tpu.memref_slice %arg2[%add3A, %dma_start3A_34, %dma_start3A_35] : memref<32x125x80xi32, #tpu.memory_space<hbm>> -> memref<1x125x80xi32, #tpu.memory_space<hbm>>
      %dma_start3A_37 = tpu.memref_squeeze %dma_start3A_36 : memref<1x125x80xi32, #tpu.memory_space<hbm>> -> memref<125x80xi32, #tpu.memory_space<hbm>>
      tpu.enqueue_dma source(%dma_start3A_37 : memref<125x80xi32, #tpu.memory_space<hbm>>) target(%arg7 : memref<125x80xi32, #tpu.memory_space<vmem>>) target_semaphore(%run_scoped3A : memref<!tpu.dma_semaphore, #tpu.memory_space<semaphore_mem>>)
      %dma_wait3A_38 = arith.constant 0 : i32
      %dma_wait3A_39 = arith.constant 0 : i32
      %dma_wait3A_40 = tpu.memref_slice %arg2[%add3A, %dma_wait3A_38, %dma_wait3A_39] : memref<32x125x80xi32, #tpu.memory_space<hbm>> -> memref<1x125x80xi32, #tpu.memory_space<hbm>>
      %dma_wait3A_41 = tpu.memref_squeeze %dma_wait3A_40 : memref<1x125x80xi32, #tpu.memory_space<hbm>> -> memref<125x80xi32, #tpu.memory_space<hbm>>
      %dma_wait3A_42 = arith.constant 0 : i32
      %dma_wait3A_43 = arith.constant 0 : i32
      %dma_wait3A_44 = tpu.memref_slice %arg2[%add3A, %dma_wait3A_42, %dma_wait3A_43] : memref<32x125x80xi32, #tpu.memory_space<hbm>> -> memref<1x125x80xi32, #tpu.memory_space<hbm>>
      %dma_wait3A_45 = tpu.memref_squeeze %dma_wait3A_44 : memref<1x125x80xi32, #tpu.memory_space<hbm>> -> memref<125x80xi32, #tpu.memory_space<hbm>>
      tpu.wait_dma2 semaphore(%run_scoped3A : memref<!tpu.dma_semaphore, #tpu.memory_space<semaphore_mem>>) src(%dma_wait3A_45 : memref<125x80xi32, #tpu.memory_space<hbm>>) dst(%arg7 : memref<125x80xi32, #tpu.memory_space<vmem>>)
      tpu.yield
    }) : () -> ()
    %barrier3A = arith.constant 0 : index
    tpu.barrier barrier_id(%barrier3A)
    %dma_start3A = arith.constant 0 : i32
    %dma_start3A_5 = arith.constant 0 : i32
    %dma_start3A_6 = tpu.memref_slice %arg7[%dma_start3A, %dma_start3A_5] : memref<125x80xi32, #tpu.memory_space<vmem>> -> memref<1x80xi32, #tpu.memory_space<vmem>>
    %dma_start3A_7 = tpu.memref_squeeze %dma_start3A_6 : memref<1x80xi32, #tpu.memory_space<vmem>> -> memref<80xi32, #tpu.memory_space<vmem>>
    %dma_start3A_8 = arith.constant 0 : i32
    %dma_start3A_9 = arith.constant 0 : i32
    %dma_start3A_10 = tpu.memref_slice %arg6[%dma_start3A_8, %dma_start3A_9] : memref<10240x128xf32, #tpu.memory_space<vmem_shared>> -> memref<10240x128xf32, #tpu.memory_space<vmem_shared>>
    tpu.enqueue_indirect_dma source(%arg8 : memref<80x128xf32, #tpu.memory_space<vmem>>) target(%dma_start3A_10 : memref<10240x128xf32, #tpu.memory_space<vmem_shared>>) offsets(%dma_start3A_7 : memref<80xi32, #tpu.memory_space<vmem>>) semaphore(%arg9 : memref<!tpu.dma_semaphore, #tpu.memory_space<semaphore_mem>>) {add = true}
    %scan3A = arith.constant 0 : i32
    %scan3A_11 = arith.constant 0 : i32
    %scan3A_12 = arith.constant 62 : i32
    %scan3A_13 = arith.addi %scan3A_11, %scan3A_12 : i32
    %scan3A_14 = arith.constant 1 : i32
    scf.for %scan3A_30 = %scan3A_11 to %scan3A_13 step %scan3A_14  : i32 {
      %mul3A_31 = arith.constant 2 : i32
      %mul3A_32 = arith.muli %mul3A_31, %scan3A_30 : i32
      %add3A_33 = arith.constant 1 : i32
      %add3A_34 = arith.addi %mul3A_32, %add3A_33 : i32
      %dma_start3A_35 = arith.constant 0 : i32
      %dma_start3A_36 = tpu.memref_slice %arg7[%add3A_34, %dma_start3A_35] : memref<125x80xi32, #tpu.memory_space<vmem>> -> memref<1x80xi32, #tpu.memory_space<vmem>>
      %dma_start3A_37 = tpu.memref_squeeze %dma_start3A_36 : memref<1x80xi32, #tpu.memory_space<vmem>> -> memref<80xi32, #tpu.memory_space<vmem>>
      %dma_start3A_38 = arith.constant 0 : i32
      %dma_start3A_39 = arith.constant 0 : i32
      %dma_start3A_40 = tpu.memref_slice %arg6[%dma_start3A_38, %dma_start3A_39] : memref<10240x128xf32, #tpu.memory_space<vmem_shared>> -> memref<10240x128xf32, #tpu.memory_space<vmem_shared>>
      tpu.enqueue_indirect_dma source(%arg8 : memref<80x128xf32, #tpu.memory_space<vmem>>) target(%dma_start3A_40 : memref<10240x128xf32, #tpu.memory_space<vmem_shared>>) offsets(%dma_start3A_37 : memref<80xi32, #tpu.memory_space<vmem>>) semaphore(%arg10 : memref<!tpu.dma_semaphore, #tpu.memory_space<semaphore_mem>>) {add = true}
      %dma_wait3A_41 = arith.constant 0 : i32
      %dma_wait3A_42 = tpu.memref_slice %arg7[%mul3A_32, %dma_wait3A_41] : memref<125x80xi32, #tpu.memory_space<vmem>> -> memref<1x80xi32, #tpu.memory_space<vmem>>
      %dma_wait3A_43 = tpu.memref_squeeze %dma_wait3A_42 : memref<1x80xi32, #tpu.memory_space<vmem>> -> memref<80xi32, #tpu.memory_space<vmem>>
      %dma_wait3A_44 = arith.constant 0 : i32
      %dma_wait3A_45 = arith.constant 0 : i32
      %dma_wait3A_46 = tpu.memref_slice %arg6[%dma_wait3A_44, %dma_wait3A_45] : memref<10240x128xf32, #tpu.memory_space<vmem_shared>> -> memref<10240x128xf32, #tpu.memory_space<vmem_shared>>
      tpu.wait_indirect_dma semaphore(%arg9 : memref<!tpu.dma_semaphore, #tpu.memory_space<semaphore_mem>>) src(%arg8 : memref<80x128xf32, #tpu.memory_space<vmem>>) dst(%dma_wait3A_46 : memref<10240x128xf32, #tpu.memory_space<vmem_shared>>)
      %add3A_47 = arith.constant 2 : i32
      %add3A_48 = arith.addi %mul3A_32, %add3A_47 : i32
      %lt3A = arith.constant 125 : i32
      %lt3A_49 = arith.cmpi slt, %add3A_48, %lt3A : i32
      %convert_element_type3A = arith.extui %lt3A_49 : i1 to i32
      %cond3A = arith.constant 0 : i32
      %cond3A_50 = arith.cmpi ne, %convert_element_type3A, %cond3A : i32
      scf.if %cond3A_50 {
        %add3A_59 = arith.constant 2 : i32
        %add3A_60 = arith.addi %mul3A_32, %add3A_59 : i32
        %dma_start3A_61 = arith.constant 0 : i32
        %dma_start3A_62 = tpu.memref_slice %arg7[%add3A_60, %dma_start3A_61] : memref<125x80xi32, #tpu.memory_space<vmem>> -> memref<1x80xi32, #tpu.memory_space<vmem>>
        %dma_start3A_63 = tpu.memref_squeeze %dma_start3A_62 : memref<1x80xi32, #tpu.memory_space<vmem>> -> memref<80xi32, #tpu.memory_space<vmem>>
        %dma_start3A_64 = arith.constant 0 : i32
        %dma_start3A_65 = arith.constant 0 : i32
        %dma_start3A_66 = tpu.memref_slice %arg6[%dma_start3A_64, %dma_start3A_65] : memref<10240x128xf32, #tpu.memory_space<vmem_shared>> -> memref<10240x128xf32, #tpu.memory_space<vmem_shared>>
        tpu.enqueue_indirect_dma source(%arg8 : memref<80x128xf32, #tpu.memory_space<vmem>>) target(%dma_start3A_66 : memref<10240x128xf32, #tpu.memory_space<vmem_shared>>) offsets(%dma_start3A_63 : memref<80xi32, #tpu.memory_space<vmem>>) semaphore(%arg9 : memref<!tpu.dma_semaphore, #tpu.memory_space<semaphore_mem>>) {add = true}
      } else {
      }
      %add3A_51 = arith.constant 1 : i32
      %add3A_52 = arith.addi %mul3A_32, %add3A_51 : i32
      %dma_wait3A_53 = arith.constant 0 : i32
      %dma_wait3A_54 = tpu.memref_slice %arg7[%add3A_52, %dma_wait3A_53] : memref<125x80xi32, #tpu.memory_space<vmem>> -> memref<1x80xi32, #tpu.memory_space<vmem>>
      %dma_wait3A_55 = tpu.memref_squeeze %dma_wait3A_54 : memref<1x80xi32, #tpu.memory_space<vmem>> -> memref<80xi32, #tpu.memory_space<vmem>>
      %dma_wait3A_56 = arith.constant 0 : i32
      %dma_wait3A_57 = arith.constant 0 : i32
      %dma_wait3A_58 = tpu.memref_slice %arg6[%dma_wait3A_56, %dma_wait3A_57] : memref<10240x128xf32, #tpu.memory_space<vmem_shared>> -> memref<10240x128xf32, #tpu.memory_space<vmem_shared>>
      tpu.wait_indirect_dma semaphore(%arg10 : memref<!tpu.dma_semaphore, #tpu.memory_space<semaphore_mem>>) src(%arg8 : memref<80x128xf32, #tpu.memory_space<vmem>>) dst(%dma_wait3A_58 : memref<10240x128xf32, #tpu.memory_space<vmem_shared>>)
    }
    %scan3A_15 = arith.constant 62 : i32
    %dma_wait3A = arith.constant 124 : i32
    %dma_wait3A_16 = arith.constant 0 : i32
    %dma_wait3A_17 = tpu.memref_slice %arg7[%dma_wait3A, %dma_wait3A_16] : memref<125x80xi32, #tpu.memory_space<vmem>> -> memref<1x80xi32, #tpu.memory_space<vmem>>
    %dma_wait3A_18 = tpu.memref_squeeze %dma_wait3A_17 : memref<1x80xi32, #tpu.memory_space<vmem>> -> memref<80xi32, #tpu.memory_space<vmem>>
    %dma_wait3A_19 = arith.constant 0 : i32
    %dma_wait3A_20 = arith.constant 0 : i32
    %dma_wait3A_21 = tpu.memref_slice %arg6[%dma_wait3A_19, %dma_wait3A_20] : memref<10240x128xf32, #tpu.memory_space<vmem_shared>> -> memref<10240x128xf32, #tpu.memory_space<vmem_shared>>
    tpu.wait_indirect_dma semaphore(%arg9 : memref<!tpu.dma_semaphore, #tpu.memory_space<semaphore_mem>>) src(%arg8 : memref<80x128xf32, #tpu.memory_space<vmem>>) dst(%dma_wait3A_21 : memref<10240x128xf32, #tpu.memory_space<vmem_shared>>)
    %barrier3A_22 = arith.constant 0 : index
    tpu.barrier barrier_id(%barrier3A_22)
    %mul3A_23 = arith.constant 640 : i32
    %mul3A_24 = arith.muli %arg1, %mul3A_23 : i32
    %mul3A_25 = arith.constant 10240 : i32
    %mul3A_26 = arith.muli %arg0, %mul3A_25 : i32
    %mul3A_27 = arith.constant 640 : i32
    %mul3A_28 = arith.muli %arg1, %mul3A_27 : i32
    %add3A_29 = arith.addi %mul3A_26, %mul3A_28 : i32
    "tpu.region"() ({
      %run_scoped3A = tpu.sem_alloc : memref<!tpu.dma_semaphore, #tpu.memory_space<semaphore_mem>>
      %dma_start3A_30 = arith.constant 0 : i32
      %dma_start3A_31 = tpu.memref_slice %arg5[%add3A_29, %dma_start3A_30] : memref<20480x128xf32, #tpu.memory_space<hbm>> -> memref<640x128xf32, #tpu.memory_space<hbm>>
      %dma_start3A_32 = arith.constant 0 : i32
      %dma_start3A_33 = tpu.memref_slice %arg6[%mul3A_24, %dma_start3A_32] : memref<10240x128xf32, #tpu.memory_space<vmem_shared>> -> memref<640x128xf32, #tpu.memory_space<vmem_shared>>
      tpu.enqueue_dma source(%dma_start3A_33 : memref<640x128xf32, #tpu.memory_space<vmem_shared>>) target(%dma_start3A_31 : memref<640x128xf32, #tpu.memory_space<hbm>>) target_semaphore(%run_scoped3A : memref<!tpu.dma_semaphore, #tpu.memory_space<semaphore_mem>>)
      %dma_wait3A_34 = arith.constant 0 : i32
      %dma_wait3A_35 = tpu.memref_slice %arg5[%add3A_29, %dma_wait3A_34] : memref<20480x128xf32, #tpu.memory_space<hbm>> -> memref<640x128xf32, #tpu.memory_space<hbm>>
      %dma_wait3A_36 = arith.constant 0 : i32
      %dma_wait3A_37 = tpu.memref_slice %arg6[%mul3A_24, %dma_wait3A_36] : memref<10240x128xf32, #tpu.memory_space<vmem_shared>> -> memref<640x128xf32, #tpu.memory_space<vmem_shared>>
      tpu.wait_dma2 semaphore(%run_scoped3A : memref<!tpu.dma_semaphore, #tpu.memory_space<semaphore_mem>>) src(%dma_wait3A_37 : memref<640x128xf32, #tpu.memory_space<vmem_shared>>) dst(%dma_wait3A_35 : memref<640x128xf32, #tpu.memory_space<hbm>>)
      tpu.yield
    }) : () -> ()
    return
  }
}

#map = affine_map<(d0, d1) -> (0, 0)>
#map1 = affine_map<(d0, d1) -> (0)>
module attributes {stable_mosaic.version = 14 : i64} {
  func.func @_sc_agg(%arg0: i32, %arg1: i32, %arg2: memref<10240x128xf32, #tpu.memory_space<hbm>>, %arg3: memref<320000xi32, #tpu.memory_space<hbm>>, %arg4: memref<320000xi32, #tpu.memory_space<hbm>>, %arg5: memref<10240x128xf32, #tpu.memory_space<hbm>>, %arg6: memref<20480x128xf32, #tpu.memory_space<hbm>>, %arg7: memref<10240x128xf32, #tpu.memory_space<vmem_shared>>, %arg8: memref<80xi32, #tpu.memory_space<vmem>>, %arg9: memref<80xi32, #tpu.memory_space<vmem>>, %arg10: memref<80xi32, #tpu.memory_space<vmem>>, %arg11: memref<80xi32, #tpu.memory_space<vmem>>, %arg12: memref<80xi32, #tpu.memory_space<vmem>>, %arg13: memref<80xi32, #tpu.memory_space<vmem>>, %arg14: memref<80xi32, #tpu.memory_space<vmem>>, %arg15: memref<80xi32, #tpu.memory_space<vmem>>, %arg16: memref<80x128xf32, #tpu.memory_space<vmem>>, %arg17: memref<80x128xf32, #tpu.memory_space<vmem>>, %arg18: memref<80x128xf32, #tpu.memory_space<vmem>>, %arg19: memref<80x128xf32, #tpu.memory_space<vmem>>, %arg20: memref<!tpu.dma_semaphore, #tpu.memory_space<semaphore_mem>>, %arg21: memref<!tpu.dma_semaphore, #tpu.memory_space<semaphore_mem>>, %arg22: memref<!tpu.dma_semaphore, #tpu.memory_space<semaphore_mem>>, %arg23: memref<!tpu.dma_semaphore, #tpu.memory_space<semaphore_mem>>, %arg24: memref<!tpu.dma_semaphore, #tpu.memory_space<semaphore_mem>>, %arg25: memref<!tpu.dma_semaphore, #tpu.memory_space<semaphore_mem>>, %arg26: memref<!tpu.dma_semaphore, #tpu.memory_space<semaphore_mem>>, %arg27: memref<!tpu.dma_semaphore, #tpu.memory_space<semaphore_mem>>) attributes {dimension_semantics = [#tpu.dimension_semantics<core_parallel>, #tpu.dimension_semantics<subcore_parallel>], iteration_bounds = array<i64: 2, 16>, scalar_prefetch = 0 : i64, scratch_operands = 21 : i64, tpu.core_type = #tpu.core_type<sc_vector_subcore>, window_params = [{transform_indices = #map}, {transform_indices = #map1}, {transform_indices = #map1}, {transform_indices = #map}, {transform_indices = #map}]} {
    %mul3A = arith.constant 2 : i32
    %mul3A_0 = arith.muli %arg1, %mul3A : i32
    %add3A = arith.addi %mul3A_0, %arg0 : i32
    %mul3A_1 = arith.constant 10000 : i32
    %mul3A_2 = arith.muli %add3A, %mul3A_1 : i32
    %mul3A_3 = arith.constant 640 : i32
    %mul3A_4 = arith.muli %arg1, %mul3A_3 : i32
    %mul3A_5 = arith.constant 640 : i32
    %mul3A_6 = arith.muli %arg1, %mul3A_5 : i32
    "tpu.region"() ({
      %run_scoped3A = tpu.sem_alloc : memref<!tpu.dma_semaphore, #tpu.memory_space<semaphore_mem>>
      %dma_start3A_108 = arith.constant 0 : i32
      %dma_start3A_109 = tpu.memref_slice %arg7[%mul3A_6, %dma_start3A_108] : memref<10240x128xf32, #tpu.memory_space<vmem_shared>> -> memref<640x128xf32, #tpu.memory_space<vmem_shared>>
      %dma_start3A_110 = arith.constant 0 : i32
      %dma_start3A_111 = tpu.memref_slice %arg5[%mul3A_4, %dma_start3A_110] : memref<10240x128xf32, #tpu.memory_space<hbm>> -> memref<640x128xf32, #tpu.memory_space<hbm>>
      tpu.enqueue_dma source(%dma_start3A_111 : memref<640x128xf32, #tpu.memory_space<hbm>>) target(%dma_start3A_109 : memref<640x128xf32, #tpu.memory_space<vmem_shared>>) target_semaphore(%run_scoped3A : memref<!tpu.dma_semaphore, #tpu.memory_space<semaphore_mem>>)
      %dma_wait3A_112 = arith.constant 0 : i32
      %dma_wait3A_113 = tpu.memref_slice %arg7[%mul3A_6, %dma_wait3A_112] : memref<10240x128xf32, #tpu.memory_space<vmem_shared>> -> memref<640x128xf32, #tpu.memory_space<vmem_shared>>
      %dma_wait3A_114 = arith.constant 0 : i32
      %dma_wait3A_115 = tpu.memref_slice %arg5[%mul3A_4, %dma_wait3A_114] : memref<10240x128xf32, #tpu.memory_space<hbm>> -> memref<640x128xf32, #tpu.memory_space<hbm>>
      tpu.wait_dma2 semaphore(%run_scoped3A : memref<!tpu.dma_semaphore, #tpu.memory_space<semaphore_mem>>) src(%dma_wait3A_115 : memref<640x128xf32, #tpu.memory_space<hbm>>) dst(%dma_wait3A_113 : memref<640x128xf32, #tpu.memory_space<vmem_shared>>)
      tpu.yield
    }) : () -> ()
    %barrier3A = arith.constant 0 : index
    tpu.barrier barrier_id(%barrier3A)
    %add3A_7 = arith.constant 0 : i32
    %add3A_8 = arith.addi %mul3A_2, %add3A_7 : i32
    %dma_start3A = tpu.memref_slice %arg3[%add3A_8] : memref<320000xi32, #tpu.memory_space<hbm>> -> memref<80xi32, #tpu.memory_space<hbm>>
    %dma_start3A_9 = tpu.memref_slice %arg3[%add3A_8] : memref<320000xi32, #tpu.memory_space<hbm>> -> memref<80xi32, #tpu.memory_space<hbm>>
    tpu.enqueue_dma source(%dma_start3A_9 : memref<80xi32, #tpu.memory_space<hbm>>) target(%arg8 : memref<80xi32, #tpu.memory_space<vmem>>) target_semaphore(%arg20 : memref<!tpu.dma_semaphore, #tpu.memory_space<semaphore_mem>>)
    %add3A_10 = arith.constant 0 : i32
    %add3A_11 = arith.addi %mul3A_2, %add3A_10 : i32
    %dma_start3A_12 = tpu.memref_slice %arg4[%add3A_11] : memref<320000xi32, #tpu.memory_space<hbm>> -> memref<80xi32, #tpu.memory_space<hbm>>
    %dma_start3A_13 = tpu.memref_slice %arg4[%add3A_11] : memref<320000xi32, #tpu.memory_space<hbm>> -> memref<80xi32, #tpu.memory_space<hbm>>
    tpu.enqueue_dma source(%dma_start3A_13 : memref<80xi32, #tpu.memory_space<hbm>>) target(%arg12 : memref<80xi32, #tpu.memory_space<vmem>>) target_semaphore(%arg20 : memref<!tpu.dma_semaphore, #tpu.memory_space<semaphore_mem>>)
    %add3A_14 = arith.constant 80 : i32
    %add3A_15 = arith.addi %mul3A_2, %add3A_14 : i32
    %dma_start3A_16 = tpu.memref_slice %arg3[%add3A_15] : memref<320000xi32, #tpu.memory_space<hbm>> -> memref<80xi32, #tpu.memory_space<hbm>>
    %dma_start3A_17 = tpu.memref_slice %arg3[%add3A_15] : memref<320000xi32, #tpu.memory_space<hbm>> -> memref<80xi32, #tpu.memory_space<hbm>>
    tpu.enqueue_dma source(%dma_start3A_17 : memref<80xi32, #tpu.memory_space<hbm>>) target(%arg9 : memref<80xi32, #tpu.memory_space<vmem>>) target_semaphore(%arg21 : memref<!tpu.dma_semaphore, #tpu.memory_space<semaphore_mem>>)
    %add3A_18 = arith.constant 80 : i32
    %add3A_19 = arith.addi %mul3A_2, %add3A_18 : i32
    %dma_start3A_20 = tpu.memref_slice %arg4[%add3A_19] : memref<320000xi32, #tpu.memory_space<hbm>> -> memref<80xi32, #tpu.memory_space<hbm>>
    %dma_start3A_21 = tpu.memref_slice %arg4[%add3A_19] : memref<320000xi32, #tpu.memory_space<hbm>> -> memref<80xi32, #tpu.memory_space<hbm>>
    tpu.enqueue_dma source(%dma_start3A_21 : memref<80xi32, #tpu.memory_space<hbm>>) target(%arg13 : memref<80xi32, #tpu.memory_space<vmem>>) target_semaphore(%arg21 : memref<!tpu.dma_semaphore, #tpu.memory_space<semaphore_mem>>)
    %add3A_22 = arith.constant 160 : i32
    %add3A_23 = arith.addi %mul3A_2, %add3A_22 : i32
    %dma_start3A_24 = tpu.memref_slice %arg3[%add3A_23] : memref<320000xi32, #tpu.memory_space<hbm>> -> memref<80xi32, #tpu.memory_space<hbm>>
    %dma_start3A_25 = tpu.memref_slice %arg3[%add3A_23] : memref<320000xi32, #tpu.memory_space<hbm>> -> memref<80xi32, #tpu.memory_space<hbm>>
    tpu.enqueue_dma source(%dma_start3A_25 : memref<80xi32, #tpu.memory_space<hbm>>) target(%arg10 : memref<80xi32, #tpu.memory_space<vmem>>) target_semaphore(%arg22 : memref<!tpu.dma_semaphore, #tpu.memory_space<semaphore_mem>>)
    %add3A_26 = arith.constant 160 : i32
    %add3A_27 = arith.addi %mul3A_2, %add3A_26 : i32
    %dma_start3A_28 = tpu.memref_slice %arg4[%add3A_27] : memref<320000xi32, #tpu.memory_space<hbm>> -> memref<80xi32, #tpu.memory_space<hbm>>
    %dma_start3A_29 = tpu.memref_slice %arg4[%add3A_27] : memref<320000xi32, #tpu.memory_space<hbm>> -> memref<80xi32, #tpu.memory_space<hbm>>
    tpu.enqueue_dma source(%dma_start3A_29 : memref<80xi32, #tpu.memory_space<hbm>>) target(%arg14 : memref<80xi32, #tpu.memory_space<vmem>>) target_semaphore(%arg22 : memref<!tpu.dma_semaphore, #tpu.memory_space<semaphore_mem>>)
    %add3A_30 = arith.constant 240 : i32
    %add3A_31 = arith.addi %mul3A_2, %add3A_30 : i32
    %dma_start3A_32 = tpu.memref_slice %arg3[%add3A_31] : memref<320000xi32, #tpu.memory_space<hbm>> -> memref<80xi32, #tpu.memory_space<hbm>>
    %dma_start3A_33 = tpu.memref_slice %arg3[%add3A_31] : memref<320000xi32, #tpu.memory_space<hbm>> -> memref<80xi32, #tpu.memory_space<hbm>>
    tpu.enqueue_dma source(%dma_start3A_33 : memref<80xi32, #tpu.memory_space<hbm>>) target(%arg11 : memref<80xi32, #tpu.memory_space<vmem>>) target_semaphore(%arg23 : memref<!tpu.dma_semaphore, #tpu.memory_space<semaphore_mem>>)
    %add3A_34 = arith.constant 240 : i32
    %add3A_35 = arith.addi %mul3A_2, %add3A_34 : i32
    %dma_start3A_36 = tpu.memref_slice %arg4[%add3A_35] : memref<320000xi32, #tpu.memory_space<hbm>> -> memref<80xi32, #tpu.memory_space<hbm>>
    %dma_start3A_37 = tpu.memref_slice %arg4[%add3A_35] : memref<320000xi32, #tpu.memory_space<hbm>> -> memref<80xi32, #tpu.memory_space<hbm>>
    tpu.enqueue_dma source(%dma_start3A_37 : memref<80xi32, #tpu.memory_space<hbm>>) target(%arg15 : memref<80xi32, #tpu.memory_space<vmem>>) target_semaphore(%arg23 : memref<!tpu.dma_semaphore, #tpu.memory_space<semaphore_mem>>)
    %dma_wait3A = tpu.memref_slice %arg3[%mul3A_2] : memref<320000xi32, #tpu.memory_space<hbm>> -> memref<80xi32, #tpu.memory_space<hbm>>
    %dma_wait3A_38 = tpu.memref_slice %arg3[%mul3A_2] : memref<320000xi32, #tpu.memory_space<hbm>> -> memref<80xi32, #tpu.memory_space<hbm>>
    tpu.wait_dma2 semaphore(%arg20 : memref<!tpu.dma_semaphore, #tpu.memory_space<semaphore_mem>>) src(%dma_wait3A_38 : memref<80xi32, #tpu.memory_space<hbm>>) dst(%arg8 : memref<80xi32, #tpu.memory_space<vmem>>)
    %dma_wait3A_39 = tpu.memref_slice %arg4[%mul3A_2] : memref<320000xi32, #tpu.memory_space<hbm>> -> memref<80xi32, #tpu.memory_space<hbm>>
    %dma_wait3A_40 = tpu.memref_slice %arg4[%mul3A_2] : memref<320000xi32, #tpu.memory_space<hbm>> -> memref<80xi32, #tpu.memory_space<hbm>>
    tpu.wait_dma2 semaphore(%arg20 : memref<!tpu.dma_semaphore, #tpu.memory_space<semaphore_mem>>) src(%dma_wait3A_40 : memref<80xi32, #tpu.memory_space<hbm>>) dst(%arg12 : memref<80xi32, #tpu.memory_space<vmem>>)
    %dma_start3A_41 = arith.constant 0 : i32
    %dma_start3A_42 = arith.constant 0 : i32
    %dma_start3A_43 = tpu.memref_slice %arg2[%dma_start3A_41, %dma_start3A_42] : memref<10240x128xf32, #tpu.memory_space<hbm>> -> memref<10240x128xf32, #tpu.memory_space<hbm>>
    tpu.enqueue_indirect_dma source(%dma_start3A_43 : memref<10240x128xf32, #tpu.memory_space<hbm>>) target(%arg16 : memref<80x128xf32, #tpu.memory_space<vmem>>) offsets(%arg8 : memref<80xi32, #tpu.memory_space<vmem>>) semaphore(%arg24 : memref<!tpu.dma_semaphore, #tpu.memory_space<semaphore_mem>>)
    %dma_wait3A_44 = tpu.memref_slice %arg3[%mul3A_2] : memref<320000xi32, #tpu.memory_space<hbm>> -> memref<80xi32, #tpu.memory_space<hbm>>
    %dma_wait3A_45 = tpu.memref_slice %arg3[%mul3A_2] : memref<320000xi32, #tpu.memory_space<hbm>> -> memref<80xi32, #tpu.memory_space<hbm>>
    tpu.wait_dma2 semaphore(%arg21 : memref<!tpu.dma_semaphore, #tpu.memory_space<semaphore_mem>>) src(%dma_wait3A_45 : memref<80xi32, #tpu.memory_space<hbm>>) dst(%arg9 : memref<80xi32, #tpu.memory_space<vmem>>)
    %dma_wait3A_46 = tpu.memref_slice %arg4[%mul3A_2] : memref<320000xi32, #tpu.memory_space<hbm>> -> memref<80xi32, #tpu.memory_space<hbm>>
    %dma_wait3A_47 = tpu.memref_slice %arg4[%mul3A_2] : memref<320000xi32, #tpu.memory_space<hbm>> -> memref<80xi32, #tpu.memory_space<hbm>>
    tpu.wait_dma2 semaphore(%arg21 : memref<!tpu.dma_semaphore, #tpu.memory_space<semaphore_mem>>) src(%dma_wait3A_47 : memref<80xi32, #tpu.memory_space<hbm>>) dst(%arg13 : memref<80xi32, #tpu.memory_space<vmem>>)
    %dma_start3A_48 = arith.constant 0 : i32
    %dma_start3A_49 = arith.constant 0 : i32
    %dma_start3A_50 = tpu.memref_slice %arg2[%dma_start3A_48, %dma_start3A_49] : memref<10240x128xf32, #tpu.memory_space<hbm>> -> memref<10240x128xf32, #tpu.memory_space<hbm>>
    tpu.enqueue_indirect_dma source(%dma_start3A_50 : memref<10240x128xf32, #tpu.memory_space<hbm>>) target(%arg17 : memref<80x128xf32, #tpu.memory_space<vmem>>) offsets(%arg9 : memref<80xi32, #tpu.memory_space<vmem>>) semaphore(%arg25 : memref<!tpu.dma_semaphore, #tpu.memory_space<semaphore_mem>>)
    %dma_wait3A_51 = tpu.memref_slice %arg3[%mul3A_2] : memref<320000xi32, #tpu.memory_space<hbm>> -> memref<80xi32, #tpu.memory_space<hbm>>
    %dma_wait3A_52 = tpu.memref_slice %arg3[%mul3A_2] : memref<320000xi32, #tpu.memory_space<hbm>> -> memref<80xi32, #tpu.memory_space<hbm>>
    tpu.wait_dma2 semaphore(%arg22 : memref<!tpu.dma_semaphore, #tpu.memory_space<semaphore_mem>>) src(%dma_wait3A_52 : memref<80xi32, #tpu.memory_space<hbm>>) dst(%arg10 : memref<80xi32, #tpu.memory_space<vmem>>)
    %dma_wait3A_53 = tpu.memref_slice %arg4[%mul3A_2] : memref<320000xi32, #tpu.memory_space<hbm>> -> memref<80xi32, #tpu.memory_space<hbm>>
    %dma_wait3A_54 = tpu.memref_slice %arg4[%mul3A_2] : memref<320000xi32, #tpu.memory_space<hbm>> -> memref<80xi32, #tpu.memory_space<hbm>>
    tpu.wait_dma2 semaphore(%arg22 : memref<!tpu.dma_semaphore, #tpu.memory_space<semaphore_mem>>) src(%dma_wait3A_54 : memref<80xi32, #tpu.memory_space<hbm>>) dst(%arg14 : memref<80xi32, #tpu.memory_space<vmem>>)
    %dma_start3A_55 = arith.constant 0 : i32
    %dma_start3A_56 = arith.constant 0 : i32
    %dma_start3A_57 = tpu.memref_slice %arg2[%dma_start3A_55, %dma_start3A_56] : memref<10240x128xf32, #tpu.memory_space<hbm>> -> memref<10240x128xf32, #tpu.memory_space<hbm>>
    tpu.enqueue_indirect_dma source(%dma_start3A_57 : memref<10240x128xf32, #tpu.memory_space<hbm>>) target(%arg18 : memref<80x128xf32, #tpu.memory_space<vmem>>) offsets(%arg10 : memref<80xi32, #tpu.memory_space<vmem>>) semaphore(%arg26 : memref<!tpu.dma_semaphore, #tpu.memory_space<semaphore_mem>>)
    %scan3A = arith.constant 0 : i32
    %scan3A_58 = arith.constant 0 : i32
    %scan3A_59 = arith.constant 30 : i32
    %scan3A_60 = arith.addi %scan3A_58, %scan3A_59 : i32
    %scan3A_61 = arith.constant 1 : i32
    scf.for %scan3A_108 = %scan3A_58 to %scan3A_60 step %scan3A_61  : i32 {
      %mul3A_109 = arith.constant 4 : i32
      %mul3A_110 = arith.muli %mul3A_109, %scan3A_108 : i32
      %dma_wait3A_111 = arith.constant 0 : i32
      %dma_wait3A_112 = arith.constant 0 : i32
      %dma_wait3A_113 = tpu.memref_slice %arg2[%dma_wait3A_111, %dma_wait3A_112] : memref<10240x128xf32, #tpu.memory_space<hbm>> -> memref<10240x128xf32, #tpu.memory_space<hbm>>
      tpu.wait_indirect_dma semaphore(%arg24 : memref<!tpu.dma_semaphore, #tpu.memory_space<semaphore_mem>>) src(%dma_wait3A_113 : memref<10240x128xf32, #tpu.memory_space<hbm>>) dst(%arg16 : memref<80x128xf32, #tpu.memory_space<vmem>>)
      "tpu.region"() ({
        %run_scoped3A = tpu.sem_alloc : memref<!tpu.dma_semaphore, #tpu.memory_space<semaphore_mem>>
        %dma_start3A_213 = arith.constant 0 : i32
        %dma_start3A_214 = arith.constant 0 : i32
        %dma_start3A_215 = tpu.memref_slice %arg7[%dma_start3A_213, %dma_start3A_214] : memref<10240x128xf32, #tpu.memory_space<vmem_shared>> -> memref<10240x128xf32, #tpu.memory_space<vmem_shared>>
        tpu.enqueue_indirect_dma source(%arg16 : memref<80x128xf32, #tpu.memory_space<vmem>>) target(%dma_start3A_215 : memref<10240x128xf32, #tpu.memory_space<vmem_shared>>) offsets(%arg12 : memref<80xi32, #tpu.memory_space<vmem>>) semaphore(%run_scoped3A : memref<!tpu.dma_semaphore, #tpu.memory_space<semaphore_mem>>) {add = true}
        %dma_wait3A_216 = arith.constant 0 : i32
        %dma_wait3A_217 = arith.constant 0 : i32
        %dma_wait3A_218 = tpu.memref_slice %arg7[%dma_wait3A_216, %dma_wait3A_217] : memref<10240x128xf32, #tpu.memory_space<vmem_shared>> -> memref<10240x128xf32, #tpu.memory_space<vmem_shared>>
        tpu.wait_indirect_dma semaphore(%run_scoped3A : memref<!tpu.dma_semaphore, #tpu.memory_space<semaphore_mem>>) src(%arg16 : memref<80x128xf32, #tpu.memory_space<vmem>>) dst(%dma_wait3A_218 : memref<10240x128xf32, #tpu.memory_space<vmem_shared>>)
        tpu.yield
      }) : () -> ()
      %add3A_114 = arith.constant 4 : i32
      %add3A_115 = arith.addi %mul3A_110, %add3A_114 : i32
      %mul3A_116 = arith.constant 80 : i32
      %mul3A_117 = arith.muli %add3A_115, %mul3A_116 : i32
      %add3A_118 = arith.addi %mul3A_2, %mul3A_117 : i32
      %dma_start3A_119 = tpu.memref_slice %arg3[%add3A_118] : memref<320000xi32, #tpu.memory_space<hbm>> -> memref<80xi32, #tpu.memory_space<hbm>>
      %dma_start3A_120 = tpu.memref_slice %arg3[%add3A_118] : memref<320000xi32, #tpu.memory_space<hbm>> -> memref<80xi32, #tpu.memory_space<hbm>>
      tpu.enqueue_dma source(%dma_start3A_120 : memref<80xi32, #tpu.memory_space<hbm>>) target(%arg8 : memref<80xi32, #tpu.memory_space<vmem>>) target_semaphore(%arg20 : memref<!tpu.dma_semaphore, #tpu.memory_space<semaphore_mem>>)
      %mul3A_121 = arith.constant 80 : i32
      %mul3A_122 = arith.muli %add3A_115, %mul3A_121 : i32
      %add3A_123 = arith.addi %mul3A_2, %mul3A_122 : i32
      %dma_start3A_124 = tpu.memref_slice %arg4[%add3A_123] : memref<320000xi32, #tpu.memory_space<hbm>> -> memref<80xi32, #tpu.memory_space<hbm>>
      %dma_start3A_125 = tpu.memref_slice %arg4[%add3A_123] : memref<320000xi32, #tpu.memory_space<hbm>> -> memref<80xi32, #tpu.memory_space<hbm>>
      tpu.enqueue_dma source(%dma_start3A_125 : memref<80xi32, #tpu.memory_space<hbm>>) target(%arg12 : memref<80xi32, #tpu.memory_space<vmem>>) target_semaphore(%arg20 : memref<!tpu.dma_semaphore, #tpu.memory_space<semaphore_mem>>)
      %add3A_126 = arith.constant 3 : i32
      %add3A_127 = arith.addi %mul3A_110, %add3A_126 : i32
      %dma_wait3A_128 = tpu.memref_slice %arg3[%mul3A_2] : memref<320000xi32, #tpu.memory_space<hbm>> -> memref<80xi32, #tpu.memory_space<hbm>>
      %dma_wait3A_129 = tpu.memref_slice %arg3[%mul3A_2] : memref<320000xi32, #tpu.memory_space<hbm>> -> memref<80xi32, #tpu.memory_space<hbm>>
      tpu.wait_dma2 semaphore(%arg23 : memref<!tpu.dma_semaphore, #tpu.memory_space<semaphore_mem>>) src(%dma_wait3A_129 : memref<80xi32, #tpu.memory_space<hbm>>) dst(%arg11 : memref<80xi32, #tpu.memory_space<vmem>>)
      %dma_wait3A_130 = tpu.memref_slice %arg4[%mul3A_2] : memref<320000xi32, #tpu.memory_space<hbm>> -> memref<80xi32, #tpu.memory_space<hbm>>
      %dma_wait3A_131 = tpu.memref_slice %arg4[%mul3A_2] : memref<320000xi32, #tpu.memory_space<hbm>> -> memref<80xi32, #tpu.memory_space<hbm>>
      tpu.wait_dma2 semaphore(%arg23 : memref<!tpu.dma_semaphore, #tpu.memory_space<semaphore_mem>>) src(%dma_wait3A_131 : memref<80xi32, #tpu.memory_space<hbm>>) dst(%arg15 : memref<80xi32, #tpu.memory_space<vmem>>)
      %dma_start3A_132 = arith.constant 0 : i32
      %dma_start3A_133 = arith.constant 0 : i32
      %dma_start3A_134 = tpu.memref_slice %arg2[%dma_start3A_132, %dma_start3A_133] : memref<10240x128xf32, #tpu.memory_space<hbm>> -> memref<10240x128xf32, #tpu.memory_space<hbm>>
      tpu.enqueue_indirect_dma source(%dma_start3A_134 : memref<10240x128xf32, #tpu.memory_space<hbm>>) target(%arg19 : memref<80x128xf32, #tpu.memory_space<vmem>>) offsets(%arg11 : memref<80xi32, #tpu.memory_space<vmem>>) semaphore(%arg27 : memref<!tpu.dma_semaphore, #tpu.memory_space<semaphore_mem>>)
      %add3A_135 = arith.constant 1 : i32
      %add3A_136 = arith.addi %mul3A_110, %add3A_135 : i32
      %dma_wait3A_137 = arith.constant 0 : i32
      %dma_wait3A_138 = arith.constant 0 : i32
      %dma_wait3A_139 = tpu.memref_slice %arg2[%dma_wait3A_137, %dma_wait3A_138] : memref<10240x128xf32, #tpu.memory_space<hbm>> -> memref<10240x128xf32, #tpu.memory_space<hbm>>
      tpu.wait_indirect_dma semaphore(%arg25 : memref<!tpu.dma_semaphore, #tpu.memory_space<semaphore_mem>>) src(%dma_wait3A_139 : memref<10240x128xf32, #tpu.memory_space<hbm>>) dst(%arg17 : memref<80x128xf32, #tpu.memory_space<vmem>>)
      "tpu.region"() ({
        %run_scoped3A = tpu.sem_alloc : memref<!tpu.dma_semaphore, #tpu.memory_space<semaphore_mem>>
        %dma_start3A_213 = arith.constant 0 : i32
        %dma_start3A_214 = arith.constant 0 : i32
        %dma_start3A_215 = tpu.memref_slice %arg7[%dma_start3A_213, %dma_start3A_214] : memref<10240x128xf32, #tpu.memory_space<vmem_shared>> -> memref<10240x128xf32, #tpu.memory_space<vmem_shared>>
        tpu.enqueue_indirect_dma source(%arg17 : memref<80x128xf32, #tpu.memory_space<vmem>>) target(%dma_start3A_215 : memref<10240x128xf32, #tpu.memory_space<vmem_shared>>) offsets(%arg13 : memref<80xi32, #tpu.memory_space<vmem>>) semaphore(%run_scoped3A : memref<!tpu.dma_semaphore, #tpu.memory_space<semaphore_mem>>) {add = true}
        %dma_wait3A_216 = arith.constant 0 : i32
        %dma_wait3A_217 = arith.constant 0 : i32
        %dma_wait3A_218 = tpu.memref_slice %arg7[%dma_wait3A_216, %dma_wait3A_217] : memref<10240x128xf32, #tpu.memory_space<vmem_shared>> -> memref<10240x128xf32, #tpu.memory_space<vmem_shared>>
        tpu.wait_indirect_dma semaphore(%run_scoped3A : memref<!tpu.dma_semaphore, #tpu.memory_space<semaphore_mem>>) src(%arg17 : memref<80x128xf32, #tpu.memory_space<vmem>>) dst(%dma_wait3A_218 : memref<10240x128xf32, #tpu.memory_space<vmem_shared>>)
        tpu.yield
      }) : () -> ()
      %add3A_140 = arith.constant 5 : i32
      %add3A_141 = arith.addi %mul3A_110, %add3A_140 : i32
      %mul3A_142 = arith.constant 80 : i32
      %mul3A_143 = arith.muli %add3A_141, %mul3A_142 : i32
      %add3A_144 = arith.addi %mul3A_2, %mul3A_143 : i32
      %dma_start3A_145 = tpu.memref_slice %arg3[%add3A_144] : memref<320000xi32, #tpu.memory_space<hbm>> -> memref<80xi32, #tpu.memory_space<hbm>>
      %dma_start3A_146 = tpu.memref_slice %arg3[%add3A_144] : memref<320000xi32, #tpu.memory_space<hbm>> -> memref<80xi32, #tpu.memory_space<hbm>>
      tpu.enqueue_dma source(%dma_start3A_146 : memref<80xi32, #tpu.memory_space<hbm>>) target(%arg9 : memref<80xi32, #tpu.memory_space<vmem>>) target_semaphore(%arg21 : memref<!tpu.dma_semaphore, #tpu.memory_space<semaphore_mem>>)
      %mul3A_147 = arith.constant 80 : i32
      %mul3A_148 = arith.muli %add3A_141, %mul3A_147 : i32
      %add3A_149 = arith.addi %mul3A_2, %mul3A_148 : i32
      %dma_start3A_150 = tpu.memref_slice %arg4[%add3A_149] : memref<320000xi32, #tpu.memory_space<hbm>> -> memref<80xi32, #tpu.memory_space<hbm>>
      %dma_start3A_151 = tpu.memref_slice %arg4[%add3A_149] : memref<320000xi32, #tpu.memory_space<hbm>> -> memref<80xi32, #tpu.memory_space<hbm>>
      tpu.enqueue_dma source(%dma_start3A_151 : memref<80xi32, #tpu.memory_space<hbm>>) target(%arg13 : memref<80xi32, #tpu.memory_space<vmem>>) target_semaphore(%arg21 : memref<!tpu.dma_semaphore, #tpu.memory_space<semaphore_mem>>)
      %add3A_152 = arith.constant 4 : i32
      %add3A_153 = arith.addi %mul3A_110, %add3A_152 : i32
      %dma_wait3A_154 = tpu.memref_slice %arg3[%mul3A_2] : memref<320000xi32, #tpu.memory_space<hbm>> -> memref<80xi32, #tpu.memory_space<hbm>>
      %dma_wait3A_155 = tpu.memref_slice %arg3[%mul3A_2] : memref<320000xi32, #tpu.memory_space<hbm>> -> memref<80xi32, #tpu.memory_space<hbm>>
      tpu.wait_dma2 semaphore(%arg20 : memref<!tpu.dma_semaphore, #tpu.memory_space<semaphore_mem>>) src(%dma_wait3A_155 : memref<80xi32, #tpu.memory_space<hbm>>) dst(%arg8 : memref<80xi32, #tpu.memory_space<vmem>>)
      %dma_wait3A_156 = tpu.memref_slice %arg4[%mul3A_2] : memref<320000xi32, #tpu.memory_space<hbm>> -> memref<80xi32, #tpu.memory_space<hbm>>
      %dma_wait3A_157 = tpu.memref_slice %arg4[%mul3A_2] : memref<320000xi32, #tpu.memory_space<hbm>> -> memref<80xi32, #tpu.memory_space<hbm>>
      tpu.wait_dma2 semaphore(%arg20 : memref<!tpu.dma_semaphore, #tpu.memory_space<semaphore_mem>>) src(%dma_wait3A_157 : memref<80xi32, #tpu.memory_space<hbm>>) dst(%arg12 : memref<80xi32, #tpu.memory_space<vmem>>)
      %dma_start3A_158 = arith.constant 0 : i32
      %dma_start3A_159 = arith.constant 0 : i32
      %dma_start3A_160 = tpu.memref_slice %arg2[%dma_start3A_158, %dma_start3A_159] : memref<10240x128xf32, #tpu.memory_space<hbm>> -> memref<10240x128xf32, #tpu.memory_space<hbm>>
      tpu.enqueue_indirect_dma source(%dma_start3A_160 : memref<10240x128xf32, #tpu.memory_space<hbm>>) target(%arg16 : memref<80x128xf32, #tpu.memory_space<vmem>>) offsets(%arg8 : memref<80xi32, #tpu.memory_space<vmem>>) semaphore(%arg24 : memref<!tpu.dma_semaphore, #tpu.memory_space<semaphore_mem>>)
      %add3A_161 = arith.constant 2 : i32
      %add3A_162 = arith.addi %mul3A_110, %add3A_161 : i32
      %dma_wait3A_163 = arith.constant 0 : i32
      %dma_wait3A_164 = arith.constant 0 : i32
      %dma_wait3A_165 = tpu.memref_slice %arg2[%dma_wait3A_163, %dma_wait3A_164] : memref<10240x128xf32, #tpu.memory_space<hbm>> -> memref<10240x128xf32, #tpu.memory_space<hbm>>
      tpu.wait_indirect_dma semaphore(%arg26 : memref<!tpu.dma_semaphore, #tpu.memory_space<semaphore_mem>>) src(%dma_wait3A_165 : memref<10240x128xf32, #tpu.memory_space<hbm>>) dst(%arg18 : memref<80x128xf32, #tpu.memory_space<vmem>>)
      "tpu.region"() ({
        %run_scoped3A = tpu.sem_alloc : memref<!tpu.dma_semaphore, #tpu.memory_space<semaphore_mem>>
        %dma_start3A_213 = arith.constant 0 : i32
        %dma_start3A_214 = arith.constant 0 : i32
        %dma_start3A_215 = tpu.memref_slice %arg7[%dma_start3A_213, %dma_start3A_214] : memref<10240x128xf32, #tpu.memory_space<vmem_shared>> -> memref<10240x128xf32, #tpu.memory_space<vmem_shared>>
        tpu.enqueue_indirect_dma source(%arg18 : memref<80x128xf32, #tpu.memory_space<vmem>>) target(%dma_start3A_215 : memref<10240x128xf32, #tpu.memory_space<vmem_shared>>) offsets(%arg14 : memref<80xi32, #tpu.memory_space<vmem>>) semaphore(%run_scoped3A : memref<!tpu.dma_semaphore, #tpu.memory_space<semaphore_mem>>) {add = true}
        %dma_wait3A_216 = arith.constant 0 : i32
        %dma_wait3A_217 = arith.constant 0 : i32
        %dma_wait3A_218 = tpu.memref_slice %arg7[%dma_wait3A_216, %dma_wait3A_217] : memref<10240x128xf32, #tpu.memory_space<vmem_shared>> -> memref<10240x128xf32, #tpu.memory_space<vmem_shared>>
        tpu.wait_indirect_dma semaphore(%run_scoped3A : memref<!tpu.dma_semaphore, #tpu.memory_space<semaphore_mem>>) src(%arg18 : memref<80x128xf32, #tpu.memory_space<vmem>>) dst(%dma_wait3A_218 : memref<10240x128xf32, #tpu.memory_space<vmem_shared>>)
        tpu.yield
      }) : () -> ()
      %add3A_166 = arith.constant 6 : i32
      %add3A_167 = arith.addi %mul3A_110, %add3A_166 : i32
      %mul3A_168 = arith.constant 80 : i32
      %mul3A_169 = arith.muli %add3A_167, %mul3A_168 : i32
      %add3A_170 = arith.addi %mul3A_2, %mul3A_169 : i32
      %dma_start3A_171 = tpu.memref_slice %arg3[%add3A_170] : memref<320000xi32, #tpu.memory_space<hbm>> -> memref<80xi32, #tpu.memory_space<hbm>>
      %dma_start3A_172 = tpu.memref_slice %arg3[%add3A_170] : memref<320000xi32, #tpu.memory_space<hbm>> -> memref<80xi32, #tpu.memory_space<hbm>>
      tpu.enqueue_dma source(%dma_start3A_172 : memref<80xi32, #tpu.memory_space<hbm>>) target(%arg10 : memref<80xi32, #tpu.memory_space<vmem>>) target_semaphore(%arg22 : memref<!tpu.dma_semaphore, #tpu.memory_space<semaphore_mem>>)
      %mul3A_173 = arith.constant 80 : i32
      %mul3A_174 = arith.muli %add3A_167, %mul3A_173 : i32
      %add3A_175 = arith.addi %mul3A_2, %mul3A_174 : i32
      %dma_start3A_176 = tpu.memref_slice %arg4[%add3A_175] : memref<320000xi32, #tpu.memory_space<hbm>> -> memref<80xi32, #tpu.memory_space<hbm>>
      %dma_start3A_177 = tpu.memref_slice %arg4[%add3A_175] : memref<320000xi32, #tpu.memory_space<hbm>> -> memref<80xi32, #tpu.memory_space<hbm>>
      tpu.enqueue_dma source(%dma_start3A_177 : memref<80xi32, #tpu.memory_space<hbm>>) target(%arg14 : memref<80xi32, #tpu.memory_space<vmem>>) target_semaphore(%arg22 : memref<!tpu.dma_semaphore, #tpu.memory_space<semaphore_mem>>)
      %add3A_178 = arith.constant 5 : i32
      %add3A_179 = arith.addi %mul3A_110, %add3A_178 : i32
      %dma_wait3A_180 = tpu.memref_slice %arg3[%mul3A_2] : memref<320000xi32, #tpu.memory_space<hbm>> -> memref<80xi32, #tpu.memory_space<hbm>>
      %dma_wait3A_181 = tpu.memref_slice %arg3[%mul3A_2] : memref<320000xi32, #tpu.memory_space<hbm>> -> memref<80xi32, #tpu.memory_space<hbm>>
      tpu.wait_dma2 semaphore(%arg21 : memref<!tpu.dma_semaphore, #tpu.memory_space<semaphore_mem>>) src(%dma_wait3A_181 : memref<80xi32, #tpu.memory_space<hbm>>) dst(%arg9 : memref<80xi32, #tpu.memory_space<vmem>>)
      %dma_wait3A_182 = tpu.memref_slice %arg4[%mul3A_2] : memref<320000xi32, #tpu.memory_space<hbm>> -> memref<80xi32, #tpu.memory_space<hbm>>
      %dma_wait3A_183 = tpu.memref_slice %arg4[%mul3A_2] : memref<320000xi32, #tpu.memory_space<hbm>> -> memref<80xi32, #tpu.memory_space<hbm>>
      tpu.wait_dma2 semaphore(%arg21 : memref<!tpu.dma_semaphore, #tpu.memory_space<semaphore_mem>>) src(%dma_wait3A_183 : memref<80xi32, #tpu.memory_space<hbm>>) dst(%arg13 : memref<80xi32, #tpu.memory_space<vmem>>)
      %dma_start3A_184 = arith.constant 0 : i32
      %dma_start3A_185 = arith.constant 0 : i32
      %dma_start3A_186 = tpu.memref_slice %arg2[%dma_start3A_184, %dma_start3A_185] : memref<10240x128xf32, #tpu.memory_space<hbm>> -> memref<10240x128xf32, #tpu.memory_space<hbm>>
      tpu.enqueue_indirect_dma source(%dma_start3A_186 : memref<10240x128xf32, #tpu.memory_space<hbm>>) target(%arg17 : memref<80x128xf32, #tpu.memory_space<vmem>>) offsets(%arg9 : memref<80xi32, #tpu.memory_space<vmem>>) semaphore(%arg25 : memref<!tpu.dma_semaphore, #tpu.memory_space<semaphore_mem>>)
      %add3A_187 = arith.constant 3 : i32
      %add3A_188 = arith.addi %mul3A_110, %add3A_187 : i32
      %dma_wait3A_189 = arith.constant 0 : i32
      %dma_wait3A_190 = arith.constant 0 : i32
      %dma_wait3A_191 = tpu.memref_slice %arg2[%dma_wait3A_189, %dma_wait3A_190] : memref<10240x128xf32, #tpu.memory_space<hbm>> -> memref<10240x128xf32, #tpu.memory_space<hbm>>
      tpu.wait_indirect_dma semaphore(%arg27 : memref<!tpu.dma_semaphore, #tpu.memory_space<semaphore_mem>>) src(%dma_wait3A_191 : memref<10240x128xf32, #tpu.memory_space<hbm>>) dst(%arg19 : memref<80x128xf32, #tpu.memory_space<vmem>>)
      "tpu.region"() ({
        %run_scoped3A = tpu.sem_alloc : memref<!tpu.dma_semaphore, #tpu.memory_space<semaphore_mem>>
        %dma_start3A_213 = arith.constant 0 : i32
        %dma_start3A_214 = arith.constant 0 : i32
        %dma_start3A_215 = tpu.memref_slice %arg7[%dma_start3A_213, %dma_start3A_214] : memref<10240x128xf32, #tpu.memory_space<vmem_shared>> -> memref<10240x128xf32, #tpu.memory_space<vmem_shared>>
        tpu.enqueue_indirect_dma source(%arg19 : memref<80x128xf32, #tpu.memory_space<vmem>>) target(%dma_start3A_215 : memref<10240x128xf32, #tpu.memory_space<vmem_shared>>) offsets(%arg15 : memref<80xi32, #tpu.memory_space<vmem>>) semaphore(%run_scoped3A : memref<!tpu.dma_semaphore, #tpu.memory_space<semaphore_mem>>) {add = true}
        %dma_wait3A_216 = arith.constant 0 : i32
        %dma_wait3A_217 = arith.constant 0 : i32
        %dma_wait3A_218 = tpu.memref_slice %arg7[%dma_wait3A_216, %dma_wait3A_217] : memref<10240x128xf32, #tpu.memory_space<vmem_shared>> -> memref<10240x128xf32, #tpu.memory_space<vmem_shared>>
        tpu.wait_indirect_dma semaphore(%run_scoped3A : memref<!tpu.dma_semaphore, #tpu.memory_space<semaphore_mem>>) src(%arg19 : memref<80x128xf32, #tpu.memory_space<vmem>>) dst(%dma_wait3A_218 : memref<10240x128xf32, #tpu.memory_space<vmem_shared>>)
        tpu.yield
      }) : () -> ()
      %add3A_192 = arith.constant 7 : i32
      %add3A_193 = arith.addi %mul3A_110, %add3A_192 : i32
      %mul3A_194 = arith.constant 80 : i32
      %mul3A_195 = arith.muli %add3A_193, %mul3A_194 : i32
      %add3A_196 = arith.addi %mul3A_2, %mul3A_195 : i32
      %dma_start3A_197 = tpu.memref_slice %arg3[%add3A_196] : memref<320000xi32, #tpu.memory_space<hbm>> -> memref<80xi32, #tpu.memory_space<hbm>>
      %dma_start3A_198 = tpu.memref_slice %arg3[%add3A_196] : memref<320000xi32, #tpu.memory_space<hbm>> -> memref<80xi32, #tpu.memory_space<hbm>>
      tpu.enqueue_dma source(%dma_start3A_198 : memref<80xi32, #tpu.memory_space<hbm>>) target(%arg11 : memref<80xi32, #tpu.memory_space<vmem>>) target_semaphore(%arg23 : memref<!tpu.dma_semaphore, #tpu.memory_space<semaphore_mem>>)
      %mul3A_199 = arith.constant 80 : i32
      %mul3A_200 = arith.muli %add3A_193, %mul3A_199 : i32
      %add3A_201 = arith.addi %mul3A_2, %mul3A_200 : i32
      %dma_start3A_202 = tpu.memref_slice %arg4[%add3A_201] : memref<320000xi32, #tpu.memory_space<hbm>> -> memref<80xi32, #tpu.memory_space<hbm>>
      %dma_start3A_203 = tpu.memref_slice %arg4[%add3A_201] : memref<320000xi32, #tpu.memory_space<hbm>> -> memref<80xi32, #tpu.memory_space<hbm>>
      tpu.enqueue_dma source(%dma_start3A_203 : memref<80xi32, #tpu.memory_space<hbm>>) target(%arg15 : memref<80xi32, #tpu.memory_space<vmem>>) target_semaphore(%arg23 : memref<!tpu.dma_semaphore, #tpu.memory_space<semaphore_mem>>)
      %add3A_204 = arith.constant 6 : i32
      %add3A_205 = arith.addi %mul3A_110, %add3A_204 : i32
      %dma_wait3A_206 = tpu.memref_slice %arg3[%mul3A_2] : memref<320000xi32, #tpu.memory_space<hbm>> -> memref<80xi32, #tpu.memory_space<hbm>>
      %dma_wait3A_207 = tpu.memref_slice %arg3[%mul3A_2] : memref<320000xi32, #tpu.memory_space<hbm>> -> memref<80xi32, #tpu.memory_space<hbm>>
      tpu.wait_dma2 semaphore(%arg22 : memref<!tpu.dma_semaphore, #tpu.memory_space<semaphore_mem>>) src(%dma_wait3A_207 : memref<80xi32, #tpu.memory_space<hbm>>) dst(%arg10 : memref<80xi32, #tpu.memory_space<vmem>>)
      %dma_wait3A_208 = tpu.memref_slice %arg4[%mul3A_2] : memref<320000xi32, #tpu.memory_space<hbm>> -> memref<80xi32, #tpu.memory_space<hbm>>
      %dma_wait3A_209 = tpu.memref_slice %arg4[%mul3A_2] : memref<320000xi32, #tpu.memory_space<hbm>> -> memref<80xi32, #tpu.memory_space<hbm>>
      tpu.wait_dma2 semaphore(%arg22 : memref<!tpu.dma_semaphore, #tpu.memory_space<semaphore_mem>>) src(%dma_wait3A_209 : memref<80xi32, #tpu.memory_space<hbm>>) dst(%arg14 : memref<80xi32, #tpu.memory_space<vmem>>)
      %dma_start3A_210 = arith.constant 0 : i32
      %dma_start3A_211 = arith.constant 0 : i32
      %dma_start3A_212 = tpu.memref_slice %arg2[%dma_start3A_210, %dma_start3A_211] : memref<10240x128xf32, #tpu.memory_space<hbm>> -> memref<10240x128xf32, #tpu.memory_space<hbm>>
      tpu.enqueue_indirect_dma source(%dma_start3A_212 : memref<10240x128xf32, #tpu.memory_space<hbm>>) target(%arg18 : memref<80x128xf32, #tpu.memory_space<vmem>>) offsets(%arg10 : memref<80xi32, #tpu.memory_space<vmem>>) semaphore(%arg26 : memref<!tpu.dma_semaphore, #tpu.memory_space<semaphore_mem>>)
    }
    %scan3A_62 = arith.constant 30 : i32
    %dma_wait3A_63 = arith.constant 0 : i32
    %dma_wait3A_64 = arith.constant 0 : i32
    %dma_wait3A_65 = tpu.memref_slice %arg2[%dma_wait3A_63, %dma_wait3A_64] : memref<10240x128xf32, #tpu.memory_space<hbm>> -> memref<10240x128xf32, #tpu.memory_space<hbm>>
    tpu.wait_indirect_dma semaphore(%arg24 : memref<!tpu.dma_semaphore, #tpu.memory_space<semaphore_mem>>) src(%dma_wait3A_65 : memref<10240x128xf32, #tpu.memory_space<hbm>>) dst(%arg16 : memref<80x128xf32, #tpu.memory_space<vmem>>)
    "tpu.region"() ({
      %run_scoped3A = tpu.sem_alloc : memref<!tpu.dma_semaphore, #tpu.memory_space<semaphore_mem>>
      %dma_start3A_108 = arith.constant 0 : i32
      %dma_start3A_109 = arith.constant 0 : i32
      %dma_start3A_110 = tpu.memref_slice %arg7[%dma_start3A_108, %dma_start3A_109] : memref<10240x128xf32, #tpu.memory_space<vmem_shared>> -> memref<10240x128xf32, #tpu.memory_space<vmem_shared>>
      tpu.enqueue_indirect_dma source(%arg16 : memref<80x128xf32, #tpu.memory_space<vmem>>) target(%dma_start3A_110 : memref<10240x128xf32, #tpu.memory_space<vmem_shared>>) offsets(%arg12 : memref<80xi32, #tpu.memory_space<vmem>>) semaphore(%run_scoped3A : memref<!tpu.dma_semaphore, #tpu.memory_space<semaphore_mem>>) {add = true}
      %dma_wait3A_111 = arith.constant 0 : i32
      %dma_wait3A_112 = arith.constant 0 : i32
      %dma_wait3A_113 = tpu.memref_slice %arg7[%dma_wait3A_111, %dma_wait3A_112] : memref<10240x128xf32, #tpu.memory_space<vmem_shared>> -> memref<10240x128xf32, #tpu.memory_space<vmem_shared>>
      tpu.wait_indirect_dma semaphore(%run_scoped3A : memref<!tpu.dma_semaphore, #tpu.memory_space<semaphore_mem>>) src(%arg16 : memref<80x128xf32, #tpu.memory_space<vmem>>) dst(%dma_wait3A_113 : memref<10240x128xf32, #tpu.memory_space<vmem_shared>>)
      tpu.yield
    }) : () -> ()
    %add3A_66 = arith.constant 9920 : i32
    %add3A_67 = arith.addi %mul3A_2, %add3A_66 : i32
    %dma_start3A_68 = tpu.memref_slice %arg3[%add3A_67] : memref<320000xi32, #tpu.memory_space<hbm>> -> memref<80xi32, #tpu.memory_space<hbm>>
    %dma_start3A_69 = tpu.memref_slice %arg3[%add3A_67] : memref<320000xi32, #tpu.memory_space<hbm>> -> memref<80xi32, #tpu.memory_space<hbm>>
    tpu.enqueue_dma source(%dma_start3A_69 : memref<80xi32, #tpu.memory_space<hbm>>) target(%arg8 : memref<80xi32, #tpu.memory_space<vmem>>) target_semaphore(%arg20 : memref<!tpu.dma_semaphore, #tpu.memory_space<semaphore_mem>>)
    %add3A_70 = arith.constant 9920 : i32
    %add3A_71 = arith.addi %mul3A_2, %add3A_70 : i32
    %dma_start3A_72 = tpu.memref_slice %arg4[%add3A_71] : memref<320000xi32, #tpu.memory_space<hbm>> -> memref<80xi32, #tpu.memory_space<hbm>>
    %dma_start3A_73 = tpu.memref_slice %arg4[%add3A_71] : memref<320000xi32, #tpu.memory_space<hbm>> -> memref<80xi32, #tpu.memory_space<hbm>>
    tpu.enqueue_dma source(%dma_start3A_73 : memref<80xi32, #tpu.memory_space<hbm>>) target(%arg12 : memref<80xi32, #tpu.memory_space<vmem>>) target_semaphore(%arg20 : memref<!tpu.dma_semaphore, #tpu.memory_space<semaphore_mem>>)
    %dma_wait3A_74 = tpu.memref_slice %arg3[%mul3A_2] : memref<320000xi32, #tpu.memory_space<hbm>> -> memref<80xi32, #tpu.memory_space<hbm>>
    %dma_wait3A_75 = tpu.memref_slice %arg3[%mul3A_2] : memref<320000xi32, #tpu.memory_space<hbm>> -> memref<80xi32, #tpu.memory_space<hbm>>
    tpu.wait_dma2 semaphore(%arg23 : memref<!tpu.dma_semaphore, #tpu.memory_space<semaphore_mem>>) src(%dma_wait3A_75 : memref<80xi32, #tpu.memory_space<hbm>>) dst(%arg11 : memref<80xi32, #tpu.memory_space<vmem>>)
    %dma_wait3A_76 = tpu.memref_slice %arg4[%mul3A_2] : memref<320000xi32, #tpu.memory_space<hbm>> -> memref<80xi32, #tpu.memory_space<hbm>>
    %dma_wait3A_77 = tpu.memref_slice %arg4[%mul3A_2] : memref<320000xi32, #tpu.memory_space<hbm>> -> memref<80xi32, #tpu.memory_space<hbm>>
    tpu.wait_dma2 semaphore(%arg23 : memref<!tpu.dma_semaphore, #tpu.memory_space<semaphore_mem>>) src(%dma_wait3A_77 : memref<80xi32, #tpu.memory_space<hbm>>) dst(%arg15 : memref<80xi32, #tpu.memory_space<vmem>>)
    %dma_start3A_78 = arith.constant 0 : i32
    %dma_start3A_79 = arith.constant 0 : i32
    %dma_start3A_80 = tpu.memref_slice %arg2[%dma_start3A_78, %dma_start3A_79] : memref<10240x128xf32, #tpu.memory_space<hbm>> -> memref<10240x128xf32, #tpu.memory_space<hbm>>
    tpu.enqueue_indirect_dma source(%dma_start3A_80 : memref<10240x128xf32, #tpu.memory_space<hbm>>) target(%arg19 : memref<80x128xf32, #tpu.memory_space<vmem>>) offsets(%arg11 : memref<80xi32, #tpu.memory_space<vmem>>) semaphore(%arg27 : memref<!tpu.dma_semaphore, #tpu.memory_space<semaphore_mem>>)
    %dma_wait3A_81 = arith.constant 0 : i32
    %dma_wait3A_82 = arith.constant 0 : i32
    %dma_wait3A_83 = tpu.memref_slice %arg2[%dma_wait3A_81, %dma_wait3A_82] : memref<10240x128xf32, #tpu.memory_space<hbm>> -> memref<10240x128xf32, #tpu.memory_space<hbm>>
    tpu.wait_indirect_dma semaphore(%arg25 : memref<!tpu.dma_semaphore, #tpu.memory_space<semaphore_mem>>) src(%dma_wait3A_83 : memref<10240x128xf32, #tpu.memory_space<hbm>>) dst(%arg17 : memref<80x128xf32, #tpu.memory_space<vmem>>)
    "tpu.region"() ({
      %run_scoped3A = tpu.sem_alloc : memref<!tpu.dma_semaphore, #tpu.memory_space<semaphore_mem>>
      %dma_start3A_108 = arith.constant 0 : i32
      %dma_start3A_109 = arith.constant 0 : i32
      %dma_start3A_110 = tpu.memref_slice %arg7[%dma_start3A_108, %dma_start3A_109] : memref<10240x128xf32, #tpu.memory_space<vmem_shared>> -> memref<10240x128xf32, #tpu.memory_space<vmem_shared>>
      tpu.enqueue_indirect_dma source(%arg17 : memref<80x128xf32, #tpu.memory_space<vmem>>) target(%dma_start3A_110 : memref<10240x128xf32, #tpu.memory_space<vmem_shared>>) offsets(%arg13 : memref<80xi32, #tpu.memory_space<vmem>>) semaphore(%run_scoped3A : memref<!tpu.dma_semaphore, #tpu.memory_space<semaphore_mem>>) {add = true}
      %dma_wait3A_111 = arith.constant 0 : i32
      %dma_wait3A_112 = arith.constant 0 : i32
      %dma_wait3A_113 = tpu.memref_slice %arg7[%dma_wait3A_111, %dma_wait3A_112] : memref<10240x128xf32, #tpu.memory_space<vmem_shared>> -> memref<10240x128xf32, #tpu.memory_space<vmem_shared>>
      tpu.wait_indirect_dma semaphore(%run_scoped3A : memref<!tpu.dma_semaphore, #tpu.memory_space<semaphore_mem>>) src(%arg17 : memref<80x128xf32, #tpu.memory_space<vmem>>) dst(%dma_wait3A_113 : memref<10240x128xf32, #tpu.memory_space<vmem_shared>>)
      tpu.yield
    }) : () -> ()
    %dma_wait3A_84 = tpu.memref_slice %arg3[%mul3A_2] : memref<320000xi32, #tpu.memory_space<hbm>> -> memref<80xi32, #tpu.memory_space<hbm>>
    %dma_wait3A_85 = tpu.memref_slice %arg3[%mul3A_2] : memref<320000xi32, #tpu.memory_space<hbm>> -> memref<80xi32, #tpu.memory_space<hbm>>
    tpu.wait_dma2 semaphore(%arg20 : memref<!tpu.dma_semaphore, #tpu.memory_space<semaphore_mem>>) src(%dma_wait3A_85 : memref<80xi32, #tpu.memory_space<hbm>>) dst(%arg8 : memref<80xi32, #tpu.memory_space<vmem>>)
    %dma_wait3A_86 = tpu.memref_slice %arg4[%mul3A_2] : memref<320000xi32, #tpu.memory_space<hbm>> -> memref<80xi32, #tpu.memory_space<hbm>>
    %dma_wait3A_87 = tpu.memref_slice %arg4[%mul3A_2] : memref<320000xi32, #tpu.memory_space<hbm>> -> memref<80xi32, #tpu.memory_space<hbm>>
    tpu.wait_dma2 semaphore(%arg20 : memref<!tpu.dma_semaphore, #tpu.memory_space<semaphore_mem>>) src(%dma_wait3A_87 : memref<80xi32, #tpu.memory_space<hbm>>) dst(%arg12 : memref<80xi32, #tpu.memory_space<vmem>>)
    %dma_start3A_88 = arith.constant 0 : i32
    %dma_start3A_89 = arith.constant 0 : i32
    %dma_start3A_90 = tpu.memref_slice %arg2[%dma_start3A_88, %dma_start3A_89] : memref<10240x128xf32, #tpu.memory_space<hbm>> -> memref<10240x128xf32, #tpu.memory_space<hbm>>
    tpu.enqueue_indirect_dma source(%dma_start3A_90 : memref<10240x128xf32, #tpu.memory_space<hbm>>) target(%arg16 : memref<80x128xf32, #tpu.memory_space<vmem>>) offsets(%arg8 : memref<80xi32, #tpu.memory_space<vmem>>) semaphore(%arg24 : memref<!tpu.dma_semaphore, #tpu.memory_space<semaphore_mem>>)
    %dma_wait3A_91 = arith.constant 0 : i32
    %dma_wait3A_92 = arith.constant 0 : i32
    %dma_wait3A_93 = tpu.memref_slice %arg2[%dma_wait3A_91, %dma_wait3A_92] : memref<10240x128xf32, #tpu.memory_space<hbm>> -> memref<10240x128xf32, #tpu.memory_space<hbm>>
    tpu.wait_indirect_dma semaphore(%arg26 : memref<!tpu.dma_semaphore, #tpu.memory_space<semaphore_mem>>) src(%dma_wait3A_93 : memref<10240x128xf32, #tpu.memory_space<hbm>>) dst(%arg18 : memref<80x128xf32, #tpu.memory_space<vmem>>)
    "tpu.region"() ({
      %run_scoped3A = tpu.sem_alloc : memref<!tpu.dma_semaphore, #tpu.memory_space<semaphore_mem>>
      %dma_start3A_108 = arith.constant 0 : i32
      %dma_start3A_109 = arith.constant 0 : i32
      %dma_start3A_110 = tpu.memref_slice %arg7[%dma_start3A_108, %dma_start3A_109] : memref<10240x128xf32, #tpu.memory_space<vmem_shared>> -> memref<10240x128xf32, #tpu.memory_space<vmem_shared>>
      tpu.enqueue_indirect_dma source(%arg18 : memref<80x128xf32, #tpu.memory_space<vmem>>) target(%dma_start3A_110 : memref<10240x128xf32, #tpu.memory_space<vmem_shared>>) offsets(%arg14 : memref<80xi32, #tpu.memory_space<vmem>>) semaphore(%run_scoped3A : memref<!tpu.dma_semaphore, #tpu.memory_space<semaphore_mem>>) {add = true}
      %dma_wait3A_111 = arith.constant 0 : i32
      %dma_wait3A_112 = arith.constant 0 : i32
      %dma_wait3A_113 = tpu.memref_slice %arg7[%dma_wait3A_111, %dma_wait3A_112] : memref<10240x128xf32, #tpu.memory_space<vmem_shared>> -> memref<10240x128xf32, #tpu.memory_space<vmem_shared>>
      tpu.wait_indirect_dma semaphore(%run_scoped3A : memref<!tpu.dma_semaphore, #tpu.memory_space<semaphore_mem>>) src(%arg18 : memref<80x128xf32, #tpu.memory_space<vmem>>) dst(%dma_wait3A_113 : memref<10240x128xf32, #tpu.memory_space<vmem_shared>>)
      tpu.yield
    }) : () -> ()
    %dma_wait3A_94 = arith.constant 0 : i32
    %dma_wait3A_95 = arith.constant 0 : i32
    %dma_wait3A_96 = tpu.memref_slice %arg2[%dma_wait3A_94, %dma_wait3A_95] : memref<10240x128xf32, #tpu.memory_space<hbm>> -> memref<10240x128xf32, #tpu.memory_space<hbm>>
    tpu.wait_indirect_dma semaphore(%arg27 : memref<!tpu.dma_semaphore, #tpu.memory_space<semaphore_mem>>) src(%dma_wait3A_96 : memref<10240x128xf32, #tpu.memory_space<hbm>>) dst(%arg19 : memref<80x128xf32, #tpu.memory_space<vmem>>)
    "tpu.region"() ({
      %run_scoped3A = tpu.sem_alloc : memref<!tpu.dma_semaphore, #tpu.memory_space<semaphore_mem>>
      %dma_start3A_108 = arith.constant 0 : i32
      %dma_start3A_109 = arith.constant 0 : i32
      %dma_start3A_110 = tpu.memref_slice %arg7[%dma_start3A_108, %dma_start3A_109] : memref<10240x128xf32, #tpu.memory_space<vmem_shared>> -> memref<10240x128xf32, #tpu.memory_space<vmem_shared>>
      tpu.enqueue_indirect_dma source(%arg19 : memref<80x128xf32, #tpu.memory_space<vmem>>) target(%dma_start3A_110 : memref<10240x128xf32, #tpu.memory_space<vmem_shared>>) offsets(%arg15 : memref<80xi32, #tpu.memory_space<vmem>>) semaphore(%run_scoped3A : memref<!tpu.dma_semaphore, #tpu.memory_space<semaphore_mem>>) {add = true}
      %dma_wait3A_111 = arith.constant 0 : i32
      %dma_wait3A_112 = arith.constant 0 : i32
      %dma_wait3A_113 = tpu.memref_slice %arg7[%dma_wait3A_111, %dma_wait3A_112] : memref<10240x128xf32, #tpu.memory_space<vmem_shared>> -> memref<10240x128xf32, #tpu.memory_space<vmem_shared>>
      tpu.wait_indirect_dma semaphore(%run_scoped3A : memref<!tpu.dma_semaphore, #tpu.memory_space<semaphore_mem>>) src(%arg19 : memref<80x128xf32, #tpu.memory_space<vmem>>) dst(%dma_wait3A_113 : memref<10240x128xf32, #tpu.memory_space<vmem_shared>>)
      tpu.yield
    }) : () -> ()
    %dma_wait3A_97 = arith.constant 0 : i32
    %dma_wait3A_98 = arith.constant 0 : i32
    %dma_wait3A_99 = tpu.memref_slice %arg2[%dma_wait3A_97, %dma_wait3A_98] : memref<10240x128xf32, #tpu.memory_space<hbm>> -> memref<10240x128xf32, #tpu.memory_space<hbm>>
    tpu.wait_indirect_dma semaphore(%arg24 : memref<!tpu.dma_semaphore, #tpu.memory_space<semaphore_mem>>) src(%dma_wait3A_99 : memref<10240x128xf32, #tpu.memory_space<hbm>>) dst(%arg16 : memref<80x128xf32, #tpu.memory_space<vmem>>)
    "tpu.region"() ({
      %run_scoped3A = tpu.sem_alloc : memref<!tpu.dma_semaphore, #tpu.memory_space<semaphore_mem>>
      %dma_start3A_108 = arith.constant 0 : i32
      %dma_start3A_109 = arith.constant 0 : i32
      %dma_start3A_110 = tpu.memref_slice %arg7[%dma_start3A_108, %dma_start3A_109] : memref<10240x128xf32, #tpu.memory_space<vmem_shared>> -> memref<10240x128xf32, #tpu.memory_space<vmem_shared>>
      tpu.enqueue_indirect_dma source(%arg16 : memref<80x128xf32, #tpu.memory_space<vmem>>) target(%dma_start3A_110 : memref<10240x128xf32, #tpu.memory_space<vmem_shared>>) offsets(%arg12 : memref<80xi32, #tpu.memory_space<vmem>>) semaphore(%run_scoped3A : memref<!tpu.dma_semaphore, #tpu.memory_space<semaphore_mem>>) {add = true}
      %dma_wait3A_111 = arith.constant 0 : i32
      %dma_wait3A_112 = arith.constant 0 : i32
      %dma_wait3A_113 = tpu.memref_slice %arg7[%dma_wait3A_111, %dma_wait3A_112] : memref<10240x128xf32, #tpu.memory_space<vmem_shared>> -> memref<10240x128xf32, #tpu.memory_space<vmem_shared>>
      tpu.wait_indirect_dma semaphore(%run_scoped3A : memref<!tpu.dma_semaphore, #tpu.memory_space<semaphore_mem>>) src(%arg16 : memref<80x128xf32, #tpu.memory_space<vmem>>) dst(%dma_wait3A_113 : memref<10240x128xf32, #tpu.memory_space<vmem_shared>>)
      tpu.yield
    }) : () -> ()
    %barrier3A_100 = arith.constant 0 : index
    tpu.barrier barrier_id(%barrier3A_100)
    %mul3A_101 = arith.constant 640 : i32
    %mul3A_102 = arith.muli %arg1, %mul3A_101 : i32
    %mul3A_103 = arith.constant 10240 : i32
    %mul3A_104 = arith.muli %arg0, %mul3A_103 : i32
    %mul3A_105 = arith.constant 640 : i32
    %mul3A_106 = arith.muli %arg1, %mul3A_105 : i32
    %add3A_107 = arith.addi %mul3A_104, %mul3A_106 : i32
    "tpu.region"() ({
      %run_scoped3A = tpu.sem_alloc : memref<!tpu.dma_semaphore, #tpu.memory_space<semaphore_mem>>
      %dma_start3A_108 = arith.constant 0 : i32
      %dma_start3A_109 = tpu.memref_slice %arg6[%add3A_107, %dma_start3A_108] : memref<20480x128xf32, #tpu.memory_space<hbm>> -> memref<640x128xf32, #tpu.memory_space<hbm>>
      %dma_start3A_110 = arith.constant 0 : i32
      %dma_start3A_111 = tpu.memref_slice %arg7[%mul3A_102, %dma_start3A_110] : memref<10240x128xf32, #tpu.memory_space<vmem_shared>> -> memref<640x128xf32, #tpu.memory_space<vmem_shared>>
      tpu.enqueue_dma source(%dma_start3A_111 : memref<640x128xf32, #tpu.memory_space<vmem_shared>>) target(%dma_start3A_109 : memref<640x128xf32, #tpu.memory_space<hbm>>) target_semaphore(%run_scoped3A : memref<!tpu.dma_semaphore, #tpu.memory_space<semaphore_mem>>)
      %dma_wait3A_112 = arith.constant 0 : i32
      %dma_wait3A_113 = tpu.memref_slice %arg6[%add3A_107, %dma_wait3A_112] : memref<20480x128xf32, #tpu.memory_space<hbm>> -> memref<640x128xf32, #tpu.memory_space<hbm>>
      %dma_wait3A_114 = arith.constant 0 : i32
      %dma_wait3A_115 = tpu.memref_slice %arg7[%mul3A_102, %dma_wait3A_114] : memref<10240x128xf32, #tpu.memory_space<vmem_shared>> -> memref<640x128xf32, #tpu.memory_space<vmem_shared>>
      tpu.wait_dma2 semaphore(%run_scoped3A : memref<!tpu.dma_semaphore, #tpu.memory_space<semaphore_mem>>) src(%dma_wait3A_115 : memref<640x128xf32, #tpu.memory_space<vmem_shared>>) dst(%dma_wait3A_113 : memref<640x128xf32, #tpu.memory_space<hbm>>)
      tpu.yield
    }) : () -> ()
    return
  }
}

#map = affine_map<(d0, d1) -> (0, 0)>
#map1 = affine_map<(d0, d1) -> (0)>
module attributes {stable_mosaic.version = 14 : i64} {
  func.func @_sc_agg(%arg0: i32, %arg1: i32, %arg2: memref<10240x128xf32, #tpu.memory_space<hbm>>, %arg3: memref<320000xi32, #tpu.memory_space<hbm>>, %arg4: memref<320000xi32, #tpu.memory_space<hbm>>, %arg5: memref<10240x128xf32, #tpu.memory_space<hbm>>, %arg6: memref<20480x128xf32, #tpu.memory_space<hbm>>, %arg7: memref<10240x128xf32, #tpu.memory_space<vmem_shared>>, %arg8: memref<80xi32, #tpu.memory_space<vmem>>, %arg9: memref<80xi32, #tpu.memory_space<vmem>>, %arg10: memref<80xi32, #tpu.memory_space<vmem>>, %arg11: memref<80xi32, #tpu.memory_space<vmem>>, %arg12: memref<80xi32, #tpu.memory_space<vmem>>, %arg13: memref<80xi32, #tpu.memory_space<vmem>>, %arg14: memref<80xi32, #tpu.memory_space<vmem>>, %arg15: memref<80xi32, #tpu.memory_space<vmem>>, %arg16: memref<80x128xf32, #tpu.memory_space<vmem>>, %arg17: memref<80x128xf32, #tpu.memory_space<vmem>>, %arg18: memref<80x128xf32, #tpu.memory_space<vmem>>, %arg19: memref<80x128xf32, #tpu.memory_space<vmem>>, %arg20: memref<!tpu.dma_semaphore, #tpu.memory_space<semaphore_mem>>, %arg21: memref<!tpu.dma_semaphore, #tpu.memory_space<semaphore_mem>>, %arg22: memref<!tpu.dma_semaphore, #tpu.memory_space<semaphore_mem>>, %arg23: memref<!tpu.dma_semaphore, #tpu.memory_space<semaphore_mem>>, %arg24: memref<!tpu.dma_semaphore, #tpu.memory_space<semaphore_mem>>, %arg25: memref<!tpu.dma_semaphore, #tpu.memory_space<semaphore_mem>>, %arg26: memref<!tpu.dma_semaphore, #tpu.memory_space<semaphore_mem>>, %arg27: memref<!tpu.dma_semaphore, #tpu.memory_space<semaphore_mem>>) attributes {dimension_semantics = [#tpu.dimension_semantics<core_parallel>, #tpu.dimension_semantics<subcore_parallel>], iteration_bounds = array<i64: 2, 16>, scalar_prefetch = 0 : i64, scratch_operands = 21 : i64, tpu.core_type = #tpu.core_type<sc_vector_subcore>, window_params = [{transform_indices = #map}, {transform_indices = #map1}, {transform_indices = #map1}, {transform_indices = #map}, {transform_indices = #map}]} {
    %mul3A = arith.constant 2 : i32
    %mul3A_0 = arith.muli %arg1, %mul3A : i32
    %add3A = arith.addi %mul3A_0, %arg0 : i32
    %mul3A_1 = arith.constant 10000 : i32
    %mul3A_2 = arith.muli %add3A, %mul3A_1 : i32
    %mul3A_3 = arith.constant 640 : i32
    %mul3A_4 = arith.muli %arg1, %mul3A_3 : i32
    %mul3A_5 = arith.constant 640 : i32
    %mul3A_6 = arith.muli %arg1, %mul3A_5 : i32
    "tpu.region"() ({
      %run_scoped3A = tpu.sem_alloc : memref<!tpu.dma_semaphore, #tpu.memory_space<semaphore_mem>>
      %dma_start3A_108 = arith.constant 0 : i32
      %dma_start3A_109 = tpu.memref_slice %arg7[%mul3A_6, %dma_start3A_108] : memref<10240x128xf32, #tpu.memory_space<vmem_shared>> -> memref<640x128xf32, #tpu.memory_space<vmem_shared>>
      %dma_start3A_110 = arith.constant 0 : i32
      %dma_start3A_111 = tpu.memref_slice %arg5[%mul3A_4, %dma_start3A_110] : memref<10240x128xf32, #tpu.memory_space<hbm>> -> memref<640x128xf32, #tpu.memory_space<hbm>>
      tpu.enqueue_dma source(%dma_start3A_111 : memref<640x128xf32, #tpu.memory_space<hbm>>) target(%dma_start3A_109 : memref<640x128xf32, #tpu.memory_space<vmem_shared>>) target_semaphore(%run_scoped3A : memref<!tpu.dma_semaphore, #tpu.memory_space<semaphore_mem>>)
      %dma_wait3A_112 = arith.constant 0 : i32
      %dma_wait3A_113 = tpu.memref_slice %arg7[%mul3A_6, %dma_wait3A_112] : memref<10240x128xf32, #tpu.memory_space<vmem_shared>> -> memref<640x128xf32, #tpu.memory_space<vmem_shared>>
      %dma_wait3A_114 = arith.constant 0 : i32
      %dma_wait3A_115 = tpu.memref_slice %arg5[%mul3A_4, %dma_wait3A_114] : memref<10240x128xf32, #tpu.memory_space<hbm>> -> memref<640x128xf32, #tpu.memory_space<hbm>>
      tpu.wait_dma2 semaphore(%run_scoped3A : memref<!tpu.dma_semaphore, #tpu.memory_space<semaphore_mem>>) src(%dma_wait3A_115 : memref<640x128xf32, #tpu.memory_space<hbm>>) dst(%dma_wait3A_113 : memref<640x128xf32, #tpu.memory_space<vmem_shared>>)
      tpu.yield
    }) : () -> ()
    %barrier3A = arith.constant 0 : index
    tpu.barrier barrier_id(%barrier3A)
    %add3A_7 = arith.constant 0 : i32
    %add3A_8 = arith.addi %mul3A_2, %add3A_7 : i32
    %dma_start3A = tpu.memref_slice %arg3[%add3A_8] : memref<320000xi32, #tpu.memory_space<hbm>> -> memref<80xi32, #tpu.memory_space<hbm>>
    %dma_start3A_9 = tpu.memref_slice %arg3[%add3A_8] : memref<320000xi32, #tpu.memory_space<hbm>> -> memref<80xi32, #tpu.memory_space<hbm>>
    tpu.enqueue_dma source(%dma_start3A_9 : memref<80xi32, #tpu.memory_space<hbm>>) target(%arg8 : memref<80xi32, #tpu.memory_space<vmem>>) target_semaphore(%arg20 : memref<!tpu.dma_semaphore, #tpu.memory_space<semaphore_mem>>)
    %add3A_10 = arith.constant 0 : i32
    %add3A_11 = arith.addi %mul3A_2, %add3A_10 : i32
    %dma_start3A_12 = tpu.memref_slice %arg4[%add3A_11] : memref<320000xi32, #tpu.memory_space<hbm>> -> memref<80xi32, #tpu.memory_space<hbm>>
    %dma_start3A_13 = tpu.memref_slice %arg4[%add3A_11] : memref<320000xi32, #tpu.memory_space<hbm>> -> memref<80xi32, #tpu.memory_space<hbm>>
    tpu.enqueue_dma source(%dma_start3A_13 : memref<80xi32, #tpu.memory_space<hbm>>) target(%arg12 : memref<80xi32, #tpu.memory_space<vmem>>) target_semaphore(%arg20 : memref<!tpu.dma_semaphore, #tpu.memory_space<semaphore_mem>>)
    %add3A_14 = arith.constant 80 : i32
    %add3A_15 = arith.addi %mul3A_2, %add3A_14 : i32
    %dma_start3A_16 = tpu.memref_slice %arg3[%add3A_15] : memref<320000xi32, #tpu.memory_space<hbm>> -> memref<80xi32, #tpu.memory_space<hbm>>
    %dma_start3A_17 = tpu.memref_slice %arg3[%add3A_15] : memref<320000xi32, #tpu.memory_space<hbm>> -> memref<80xi32, #tpu.memory_space<hbm>>
    tpu.enqueue_dma source(%dma_start3A_17 : memref<80xi32, #tpu.memory_space<hbm>>) target(%arg9 : memref<80xi32, #tpu.memory_space<vmem>>) target_semaphore(%arg21 : memref<!tpu.dma_semaphore, #tpu.memory_space<semaphore_mem>>)
    %add3A_18 = arith.constant 80 : i32
    %add3A_19 = arith.addi %mul3A_2, %add3A_18 : i32
    %dma_start3A_20 = tpu.memref_slice %arg4[%add3A_19] : memref<320000xi32, #tpu.memory_space<hbm>> -> memref<80xi32, #tpu.memory_space<hbm>>
    %dma_start3A_21 = tpu.memref_slice %arg4[%add3A_19] : memref<320000xi32, #tpu.memory_space<hbm>> -> memref<80xi32, #tpu.memory_space<hbm>>
    tpu.enqueue_dma source(%dma_start3A_21 : memref<80xi32, #tpu.memory_space<hbm>>) target(%arg13 : memref<80xi32, #tpu.memory_space<vmem>>) target_semaphore(%arg21 : memref<!tpu.dma_semaphore, #tpu.memory_space<semaphore_mem>>)
    %add3A_22 = arith.constant 160 : i32
    %add3A_23 = arith.addi %mul3A_2, %add3A_22 : i32
    %dma_start3A_24 = tpu.memref_slice %arg3[%add3A_23] : memref<320000xi32, #tpu.memory_space<hbm>> -> memref<80xi32, #tpu.memory_space<hbm>>
    %dma_start3A_25 = tpu.memref_slice %arg3[%add3A_23] : memref<320000xi32, #tpu.memory_space<hbm>> -> memref<80xi32, #tpu.memory_space<hbm>>
    tpu.enqueue_dma source(%dma_start3A_25 : memref<80xi32, #tpu.memory_space<hbm>>) target(%arg10 : memref<80xi32, #tpu.memory_space<vmem>>) target_semaphore(%arg22 : memref<!tpu.dma_semaphore, #tpu.memory_space<semaphore_mem>>)
    %add3A_26 = arith.constant 160 : i32
    %add3A_27 = arith.addi %mul3A_2, %add3A_26 : i32
    %dma_start3A_28 = tpu.memref_slice %arg4[%add3A_27] : memref<320000xi32, #tpu.memory_space<hbm>> -> memref<80xi32, #tpu.memory_space<hbm>>
    %dma_start3A_29 = tpu.memref_slice %arg4[%add3A_27] : memref<320000xi32, #tpu.memory_space<hbm>> -> memref<80xi32, #tpu.memory_space<hbm>>
    tpu.enqueue_dma source(%dma_start3A_29 : memref<80xi32, #tpu.memory_space<hbm>>) target(%arg14 : memref<80xi32, #tpu.memory_space<vmem>>) target_semaphore(%arg22 : memref<!tpu.dma_semaphore, #tpu.memory_space<semaphore_mem>>)
    %add3A_30 = arith.constant 240 : i32
    %add3A_31 = arith.addi %mul3A_2, %add3A_30 : i32
    %dma_start3A_32 = tpu.memref_slice %arg3[%add3A_31] : memref<320000xi32, #tpu.memory_space<hbm>> -> memref<80xi32, #tpu.memory_space<hbm>>
    %dma_start3A_33 = tpu.memref_slice %arg3[%add3A_31] : memref<320000xi32, #tpu.memory_space<hbm>> -> memref<80xi32, #tpu.memory_space<hbm>>
    tpu.enqueue_dma source(%dma_start3A_33 : memref<80xi32, #tpu.memory_space<hbm>>) target(%arg11 : memref<80xi32, #tpu.memory_space<vmem>>) target_semaphore(%arg23 : memref<!tpu.dma_semaphore, #tpu.memory_space<semaphore_mem>>)
    %add3A_34 = arith.constant 240 : i32
    %add3A_35 = arith.addi %mul3A_2, %add3A_34 : i32
    %dma_start3A_36 = tpu.memref_slice %arg4[%add3A_35] : memref<320000xi32, #tpu.memory_space<hbm>> -> memref<80xi32, #tpu.memory_space<hbm>>
    %dma_start3A_37 = tpu.memref_slice %arg4[%add3A_35] : memref<320000xi32, #tpu.memory_space<hbm>> -> memref<80xi32, #tpu.memory_space<hbm>>
    tpu.enqueue_dma source(%dma_start3A_37 : memref<80xi32, #tpu.memory_space<hbm>>) target(%arg15 : memref<80xi32, #tpu.memory_space<vmem>>) target_semaphore(%arg23 : memref<!tpu.dma_semaphore, #tpu.memory_space<semaphore_mem>>)
    %dma_wait3A = tpu.memref_slice %arg3[%mul3A_2] : memref<320000xi32, #tpu.memory_space<hbm>> -> memref<80xi32, #tpu.memory_space<hbm>>
    %dma_wait3A_38 = tpu.memref_slice %arg3[%mul3A_2] : memref<320000xi32, #tpu.memory_space<hbm>> -> memref<80xi32, #tpu.memory_space<hbm>>
    tpu.wait_dma2 semaphore(%arg20 : memref<!tpu.dma_semaphore, #tpu.memory_space<semaphore_mem>>) src(%dma_wait3A_38 : memref<80xi32, #tpu.memory_space<hbm>>) dst(%arg8 : memref<80xi32, #tpu.memory_space<vmem>>)
    %dma_wait3A_39 = tpu.memref_slice %arg4[%mul3A_2] : memref<320000xi32, #tpu.memory_space<hbm>> -> memref<80xi32, #tpu.memory_space<hbm>>
    %dma_wait3A_40 = tpu.memref_slice %arg4[%mul3A_2] : memref<320000xi32, #tpu.memory_space<hbm>> -> memref<80xi32, #tpu.memory_space<hbm>>
    tpu.wait_dma2 semaphore(%arg20 : memref<!tpu.dma_semaphore, #tpu.memory_space<semaphore_mem>>) src(%dma_wait3A_40 : memref<80xi32, #tpu.memory_space<hbm>>) dst(%arg12 : memref<80xi32, #tpu.memory_space<vmem>>)
    %dma_start3A_41 = arith.constant 0 : i32
    %dma_start3A_42 = arith.constant 0 : i32
    %dma_start3A_43 = tpu.memref_slice %arg2[%dma_start3A_41, %dma_start3A_42] : memref<10240x128xf32, #tpu.memory_space<hbm>> -> memref<10240x128xf32, #tpu.memory_space<hbm>>
    tpu.enqueue_indirect_dma source(%dma_start3A_43 : memref<10240x128xf32, #tpu.memory_space<hbm>>) target(%arg16 : memref<80x128xf32, #tpu.memory_space<vmem>>) offsets(%arg8 : memref<80xi32, #tpu.memory_space<vmem>>) semaphore(%arg24 : memref<!tpu.dma_semaphore, #tpu.memory_space<semaphore_mem>>)
    %dma_wait3A_44 = tpu.memref_slice %arg3[%mul3A_2] : memref<320000xi32, #tpu.memory_space<hbm>> -> memref<80xi32, #tpu.memory_space<hbm>>
    %dma_wait3A_45 = tpu.memref_slice %arg3[%mul3A_2] : memref<320000xi32, #tpu.memory_space<hbm>> -> memref<80xi32, #tpu.memory_space<hbm>>
    tpu.wait_dma2 semaphore(%arg21 : memref<!tpu.dma_semaphore, #tpu.memory_space<semaphore_mem>>) src(%dma_wait3A_45 : memref<80xi32, #tpu.memory_space<hbm>>) dst(%arg9 : memref<80xi32, #tpu.memory_space<vmem>>)
    %dma_wait3A_46 = tpu.memref_slice %arg4[%mul3A_2] : memref<320000xi32, #tpu.memory_space<hbm>> -> memref<80xi32, #tpu.memory_space<hbm>>
    %dma_wait3A_47 = tpu.memref_slice %arg4[%mul3A_2] : memref<320000xi32, #tpu.memory_space<hbm>> -> memref<80xi32, #tpu.memory_space<hbm>>
    tpu.wait_dma2 semaphore(%arg21 : memref<!tpu.dma_semaphore, #tpu.memory_space<semaphore_mem>>) src(%dma_wait3A_47 : memref<80xi32, #tpu.memory_space<hbm>>) dst(%arg13 : memref<80xi32, #tpu.memory_space<vmem>>)
    %dma_start3A_48 = arith.constant 0 : i32
    %dma_start3A_49 = arith.constant 0 : i32
    %dma_start3A_50 = tpu.memref_slice %arg2[%dma_start3A_48, %dma_start3A_49] : memref<10240x128xf32, #tpu.memory_space<hbm>> -> memref<10240x128xf32, #tpu.memory_space<hbm>>
    tpu.enqueue_indirect_dma source(%dma_start3A_50 : memref<10240x128xf32, #tpu.memory_space<hbm>>) target(%arg17 : memref<80x128xf32, #tpu.memory_space<vmem>>) offsets(%arg9 : memref<80xi32, #tpu.memory_space<vmem>>) semaphore(%arg25 : memref<!tpu.dma_semaphore, #tpu.memory_space<semaphore_mem>>)
    %dma_wait3A_51 = tpu.memref_slice %arg3[%mul3A_2] : memref<320000xi32, #tpu.memory_space<hbm>> -> memref<80xi32, #tpu.memory_space<hbm>>
    %dma_wait3A_52 = tpu.memref_slice %arg3[%mul3A_2] : memref<320000xi32, #tpu.memory_space<hbm>> -> memref<80xi32, #tpu.memory_space<hbm>>
    tpu.wait_dma2 semaphore(%arg22 : memref<!tpu.dma_semaphore, #tpu.memory_space<semaphore_mem>>) src(%dma_wait3A_52 : memref<80xi32, #tpu.memory_space<hbm>>) dst(%arg10 : memref<80xi32, #tpu.memory_space<vmem>>)
    %dma_wait3A_53 = tpu.memref_slice %arg4[%mul3A_2] : memref<320000xi32, #tpu.memory_space<hbm>> -> memref<80xi32, #tpu.memory_space<hbm>>
    %dma_wait3A_54 = tpu.memref_slice %arg4[%mul3A_2] : memref<320000xi32, #tpu.memory_space<hbm>> -> memref<80xi32, #tpu.memory_space<hbm>>
    tpu.wait_dma2 semaphore(%arg22 : memref<!tpu.dma_semaphore, #tpu.memory_space<semaphore_mem>>) src(%dma_wait3A_54 : memref<80xi32, #tpu.memory_space<hbm>>) dst(%arg14 : memref<80xi32, #tpu.memory_space<vmem>>)
    %dma_start3A_55 = arith.constant 0 : i32
    %dma_start3A_56 = arith.constant 0 : i32
    %dma_start3A_57 = tpu.memref_slice %arg2[%dma_start3A_55, %dma_start3A_56] : memref<10240x128xf32, #tpu.memory_space<hbm>> -> memref<10240x128xf32, #tpu.memory_space<hbm>>
    tpu.enqueue_indirect_dma source(%dma_start3A_57 : memref<10240x128xf32, #tpu.memory_space<hbm>>) target(%arg18 : memref<80x128xf32, #tpu.memory_space<vmem>>) offsets(%arg10 : memref<80xi32, #tpu.memory_space<vmem>>) semaphore(%arg26 : memref<!tpu.dma_semaphore, #tpu.memory_space<semaphore_mem>>)
    %scan3A = arith.constant 0 : i32
    %scan3A_58 = arith.constant 0 : i32
    %scan3A_59 = arith.constant 30 : i32
    %scan3A_60 = arith.addi %scan3A_58, %scan3A_59 : i32
    %scan3A_61 = arith.constant 1 : i32
    scf.for %scan3A_108 = %scan3A_58 to %scan3A_60 step %scan3A_61  : i32 {
      %mul3A_109 = arith.constant 4 : i32
      %mul3A_110 = arith.muli %mul3A_109, %scan3A_108 : i32
      %dma_wait3A_111 = arith.constant 0 : i32
      %dma_wait3A_112 = arith.constant 0 : i32
      %dma_wait3A_113 = tpu.memref_slice %arg2[%dma_wait3A_111, %dma_wait3A_112] : memref<10240x128xf32, #tpu.memory_space<hbm>> -> memref<10240x128xf32, #tpu.memory_space<hbm>>
      tpu.wait_indirect_dma semaphore(%arg24 : memref<!tpu.dma_semaphore, #tpu.memory_space<semaphore_mem>>) src(%dma_wait3A_113 : memref<10240x128xf32, #tpu.memory_space<hbm>>) dst(%arg16 : memref<80x128xf32, #tpu.memory_space<vmem>>)
      "tpu.region"() ({
        %run_scoped3A = tpu.sem_alloc : memref<!tpu.dma_semaphore, #tpu.memory_space<semaphore_mem>>
        %dma_start3A_213 = arith.constant 0 : i32
        %dma_start3A_214 = arith.constant 0 : i32
        %dma_start3A_215 = tpu.memref_slice %arg7[%dma_start3A_213, %dma_start3A_214] : memref<10240x128xf32, #tpu.memory_space<vmem_shared>> -> memref<10240x128xf32, #tpu.memory_space<vmem_shared>>
        tpu.enqueue_indirect_dma source(%arg16 : memref<80x128xf32, #tpu.memory_space<vmem>>) target(%dma_start3A_215 : memref<10240x128xf32, #tpu.memory_space<vmem_shared>>) offsets(%arg12 : memref<80xi32, #tpu.memory_space<vmem>>) semaphore(%run_scoped3A : memref<!tpu.dma_semaphore, #tpu.memory_space<semaphore_mem>>) {add = true}
        %dma_wait3A_216 = arith.constant 0 : i32
        %dma_wait3A_217 = arith.constant 0 : i32
        %dma_wait3A_218 = tpu.memref_slice %arg7[%dma_wait3A_216, %dma_wait3A_217] : memref<10240x128xf32, #tpu.memory_space<vmem_shared>> -> memref<10240x128xf32, #tpu.memory_space<vmem_shared>>
        tpu.wait_indirect_dma semaphore(%run_scoped3A : memref<!tpu.dma_semaphore, #tpu.memory_space<semaphore_mem>>) src(%arg16 : memref<80x128xf32, #tpu.memory_space<vmem>>) dst(%dma_wait3A_218 : memref<10240x128xf32, #tpu.memory_space<vmem_shared>>)
        tpu.yield
      }) : () -> ()
      %add3A_114 = arith.constant 4 : i32
      %add3A_115 = arith.addi %mul3A_110, %add3A_114 : i32
      %mul3A_116 = arith.constant 80 : i32
      %mul3A_117 = arith.muli %add3A_115, %mul3A_116 : i32
      %add3A_118 = arith.addi %mul3A_2, %mul3A_117 : i32
      %dma_start3A_119 = tpu.memref_slice %arg3[%add3A_118] : memref<320000xi32, #tpu.memory_space<hbm>> -> memref<80xi32, #tpu.memory_space<hbm>>
      %dma_start3A_120 = tpu.memref_slice %arg3[%add3A_118] : memref<320000xi32, #tpu.memory_space<hbm>> -> memref<80xi32, #tpu.memory_space<hbm>>
      tpu.enqueue_dma source(%dma_start3A_120 : memref<80xi32, #tpu.memory_space<hbm>>) target(%arg8 : memref<80xi32, #tpu.memory_space<vmem>>) target_semaphore(%arg20 : memref<!tpu.dma_semaphore, #tpu.memory_space<semaphore_mem>>)
      %mul3A_121 = arith.constant 80 : i32
      %mul3A_122 = arith.muli %add3A_115, %mul3A_121 : i32
      %add3A_123 = arith.addi %mul3A_2, %mul3A_122 : i32
      %dma_start3A_124 = tpu.memref_slice %arg4[%add3A_123] : memref<320000xi32, #tpu.memory_space<hbm>> -> memref<80xi32, #tpu.memory_space<hbm>>
      %dma_start3A_125 = tpu.memref_slice %arg4[%add3A_123] : memref<320000xi32, #tpu.memory_space<hbm>> -> memref<80xi32, #tpu.memory_space<hbm>>
      tpu.enqueue_dma source(%dma_start3A_125 : memref<80xi32, #tpu.memory_space<hbm>>) target(%arg12 : memref<80xi32, #tpu.memory_space<vmem>>) target_semaphore(%arg20 : memref<!tpu.dma_semaphore, #tpu.memory_space<semaphore_mem>>)
      %add3A_126 = arith.constant 3 : i32
      %add3A_127 = arith.addi %mul3A_110, %add3A_126 : i32
      %dma_wait3A_128 = tpu.memref_slice %arg3[%mul3A_2] : memref<320000xi32, #tpu.memory_space<hbm>> -> memref<80xi32, #tpu.memory_space<hbm>>
      %dma_wait3A_129 = tpu.memref_slice %arg3[%mul3A_2] : memref<320000xi32, #tpu.memory_space<hbm>> -> memref<80xi32, #tpu.memory_space<hbm>>
      tpu.wait_dma2 semaphore(%arg23 : memref<!tpu.dma_semaphore, #tpu.memory_space<semaphore_mem>>) src(%dma_wait3A_129 : memref<80xi32, #tpu.memory_space<hbm>>) dst(%arg11 : memref<80xi32, #tpu.memory_space<vmem>>)
      %dma_wait3A_130 = tpu.memref_slice %arg4[%mul3A_2] : memref<320000xi32, #tpu.memory_space<hbm>> -> memref<80xi32, #tpu.memory_space<hbm>>
      %dma_wait3A_131 = tpu.memref_slice %arg4[%mul3A_2] : memref<320000xi32, #tpu.memory_space<hbm>> -> memref<80xi32, #tpu.memory_space<hbm>>
      tpu.wait_dma2 semaphore(%arg23 : memref<!tpu.dma_semaphore, #tpu.memory_space<semaphore_mem>>) src(%dma_wait3A_131 : memref<80xi32, #tpu.memory_space<hbm>>) dst(%arg15 : memref<80xi32, #tpu.memory_space<vmem>>)
      %dma_start3A_132 = arith.constant 0 : i32
      %dma_start3A_133 = arith.constant 0 : i32
      %dma_start3A_134 = tpu.memref_slice %arg2[%dma_start3A_132, %dma_start3A_133] : memref<10240x128xf32, #tpu.memory_space<hbm>> -> memref<10240x128xf32, #tpu.memory_space<hbm>>
      tpu.enqueue_indirect_dma source(%dma_start3A_134 : memref<10240x128xf32, #tpu.memory_space<hbm>>) target(%arg19 : memref<80x128xf32, #tpu.memory_space<vmem>>) offsets(%arg11 : memref<80xi32, #tpu.memory_space<vmem>>) semaphore(%arg27 : memref<!tpu.dma_semaphore, #tpu.memory_space<semaphore_mem>>)
      %add3A_135 = arith.constant 1 : i32
      %add3A_136 = arith.addi %mul3A_110, %add3A_135 : i32
      %dma_wait3A_137 = arith.constant 0 : i32
      %dma_wait3A_138 = arith.constant 0 : i32
      %dma_wait3A_139 = tpu.memref_slice %arg2[%dma_wait3A_137, %dma_wait3A_138] : memref<10240x128xf32, #tpu.memory_space<hbm>> -> memref<10240x128xf32, #tpu.memory_space<hbm>>
      tpu.wait_indirect_dma semaphore(%arg25 : memref<!tpu.dma_semaphore, #tpu.memory_space<semaphore_mem>>) src(%dma_wait3A_139 : memref<10240x128xf32, #tpu.memory_space<hbm>>) dst(%arg17 : memref<80x128xf32, #tpu.memory_space<vmem>>)
      "tpu.region"() ({
        %run_scoped3A = tpu.sem_alloc : memref<!tpu.dma_semaphore, #tpu.memory_space<semaphore_mem>>
        %dma_start3A_213 = arith.constant 0 : i32
        %dma_start3A_214 = arith.constant 0 : i32
        %dma_start3A_215 = tpu.memref_slice %arg7[%dma_start3A_213, %dma_start3A_214] : memref<10240x128xf32, #tpu.memory_space<vmem_shared>> -> memref<10240x128xf32, #tpu.memory_space<vmem_shared>>
        tpu.enqueue_indirect_dma source(%arg17 : memref<80x128xf32, #tpu.memory_space<vmem>>) target(%dma_start3A_215 : memref<10240x128xf32, #tpu.memory_space<vmem_shared>>) offsets(%arg13 : memref<80xi32, #tpu.memory_space<vmem>>) semaphore(%run_scoped3A : memref<!tpu.dma_semaphore, #tpu.memory_space<semaphore_mem>>) {add = true}
        %dma_wait3A_216 = arith.constant 0 : i32
        %dma_wait3A_217 = arith.constant 0 : i32
        %dma_wait3A_218 = tpu.memref_slice %arg7[%dma_wait3A_216, %dma_wait3A_217] : memref<10240x128xf32, #tpu.memory_space<vmem_shared>> -> memref<10240x128xf32, #tpu.memory_space<vmem_shared>>
        tpu.wait_indirect_dma semaphore(%run_scoped3A : memref<!tpu.dma_semaphore, #tpu.memory_space<semaphore_mem>>) src(%arg17 : memref<80x128xf32, #tpu.memory_space<vmem>>) dst(%dma_wait3A_218 : memref<10240x128xf32, #tpu.memory_space<vmem_shared>>)
        tpu.yield
      }) : () -> ()
      %add3A_140 = arith.constant 5 : i32
      %add3A_141 = arith.addi %mul3A_110, %add3A_140 : i32
      %mul3A_142 = arith.constant 80 : i32
      %mul3A_143 = arith.muli %add3A_141, %mul3A_142 : i32
      %add3A_144 = arith.addi %mul3A_2, %mul3A_143 : i32
      %dma_start3A_145 = tpu.memref_slice %arg3[%add3A_144] : memref<320000xi32, #tpu.memory_space<hbm>> -> memref<80xi32, #tpu.memory_space<hbm>>
      %dma_start3A_146 = tpu.memref_slice %arg3[%add3A_144] : memref<320000xi32, #tpu.memory_space<hbm>> -> memref<80xi32, #tpu.memory_space<hbm>>
      tpu.enqueue_dma source(%dma_start3A_146 : memref<80xi32, #tpu.memory_space<hbm>>) target(%arg9 : memref<80xi32, #tpu.memory_space<vmem>>) target_semaphore(%arg21 : memref<!tpu.dma_semaphore, #tpu.memory_space<semaphore_mem>>)
      %mul3A_147 = arith.constant 80 : i32
      %mul3A_148 = arith.muli %add3A_141, %mul3A_147 : i32
      %add3A_149 = arith.addi %mul3A_2, %mul3A_148 : i32
      %dma_start3A_150 = tpu.memref_slice %arg4[%add3A_149] : memref<320000xi32, #tpu.memory_space<hbm>> -> memref<80xi32, #tpu.memory_space<hbm>>
      %dma_start3A_151 = tpu.memref_slice %arg4[%add3A_149] : memref<320000xi32, #tpu.memory_space<hbm>> -> memref<80xi32, #tpu.memory_space<hbm>>
      tpu.enqueue_dma source(%dma_start3A_151 : memref<80xi32, #tpu.memory_space<hbm>>) target(%arg13 : memref<80xi32, #tpu.memory_space<vmem>>) target_semaphore(%arg21 : memref<!tpu.dma_semaphore, #tpu.memory_space<semaphore_mem>>)
      %add3A_152 = arith.constant 4 : i32
      %add3A_153 = arith.addi %mul3A_110, %add3A_152 : i32
      %dma_wait3A_154 = tpu.memref_slice %arg3[%mul3A_2] : memref<320000xi32, #tpu.memory_space<hbm>> -> memref<80xi32, #tpu.memory_space<hbm>>
      %dma_wait3A_155 = tpu.memref_slice %arg3[%mul3A_2] : memref<320000xi32, #tpu.memory_space<hbm>> -> memref<80xi32, #tpu.memory_space<hbm>>
      tpu.wait_dma2 semaphore(%arg20 : memref<!tpu.dma_semaphore, #tpu.memory_space<semaphore_mem>>) src(%dma_wait3A_155 : memref<80xi32, #tpu.memory_space<hbm>>) dst(%arg8 : memref<80xi32, #tpu.memory_space<vmem>>)
      %dma_wait3A_156 = tpu.memref_slice %arg4[%mul3A_2] : memref<320000xi32, #tpu.memory_space<hbm>> -> memref<80xi32, #tpu.memory_space<hbm>>
      %dma_wait3A_157 = tpu.memref_slice %arg4[%mul3A_2] : memref<320000xi32, #tpu.memory_space<hbm>> -> memref<80xi32, #tpu.memory_space<hbm>>
      tpu.wait_dma2 semaphore(%arg20 : memref<!tpu.dma_semaphore, #tpu.memory_space<semaphore_mem>>) src(%dma_wait3A_157 : memref<80xi32, #tpu.memory_space<hbm>>) dst(%arg12 : memref<80xi32, #tpu.memory_space<vmem>>)
      %dma_start3A_158 = arith.constant 0 : i32
      %dma_start3A_159 = arith.constant 0 : i32
      %dma_start3A_160 = tpu.memref_slice %arg2[%dma_start3A_158, %dma_start3A_159] : memref<10240x128xf32, #tpu.memory_space<hbm>> -> memref<10240x128xf32, #tpu.memory_space<hbm>>
      tpu.enqueue_indirect_dma source(%dma_start3A_160 : memref<10240x128xf32, #tpu.memory_space<hbm>>) target(%arg16 : memref<80x128xf32, #tpu.memory_space<vmem>>) offsets(%arg8 : memref<80xi32, #tpu.memory_space<vmem>>) semaphore(%arg24 : memref<!tpu.dma_semaphore, #tpu.memory_space<semaphore_mem>>)
      %add3A_161 = arith.constant 2 : i32
      %add3A_162 = arith.addi %mul3A_110, %add3A_161 : i32
      %dma_wait3A_163 = arith.constant 0 : i32
      %dma_wait3A_164 = arith.constant 0 : i32
      %dma_wait3A_165 = tpu.memref_slice %arg2[%dma_wait3A_163, %dma_wait3A_164] : memref<10240x128xf32, #tpu.memory_space<hbm>> -> memref<10240x128xf32, #tpu.memory_space<hbm>>
      tpu.wait_indirect_dma semaphore(%arg26 : memref<!tpu.dma_semaphore, #tpu.memory_space<semaphore_mem>>) src(%dma_wait3A_165 : memref<10240x128xf32, #tpu.memory_space<hbm>>) dst(%arg18 : memref<80x128xf32, #tpu.memory_space<vmem>>)
      "tpu.region"() ({
        %run_scoped3A = tpu.sem_alloc : memref<!tpu.dma_semaphore, #tpu.memory_space<semaphore_mem>>
        %dma_start3A_213 = arith.constant 0 : i32
        %dma_start3A_214 = arith.constant 0 : i32
        %dma_start3A_215 = tpu.memref_slice %arg7[%dma_start3A_213, %dma_start3A_214] : memref<10240x128xf32, #tpu.memory_space<vmem_shared>> -> memref<10240x128xf32, #tpu.memory_space<vmem_shared>>
        tpu.enqueue_indirect_dma source(%arg18 : memref<80x128xf32, #tpu.memory_space<vmem>>) target(%dma_start3A_215 : memref<10240x128xf32, #tpu.memory_space<vmem_shared>>) offsets(%arg14 : memref<80xi32, #tpu.memory_space<vmem>>) semaphore(%run_scoped3A : memref<!tpu.dma_semaphore, #tpu.memory_space<semaphore_mem>>) {add = true}
        %dma_wait3A_216 = arith.constant 0 : i32
        %dma_wait3A_217 = arith.constant 0 : i32
        %dma_wait3A_218 = tpu.memref_slice %arg7[%dma_wait3A_216, %dma_wait3A_217] : memref<10240x128xf32, #tpu.memory_space<vmem_shared>> -> memref<10240x128xf32, #tpu.memory_space<vmem_shared>>
        tpu.wait_indirect_dma semaphore(%run_scoped3A : memref<!tpu.dma_semaphore, #tpu.memory_space<semaphore_mem>>) src(%arg18 : memref<80x128xf32, #tpu.memory_space<vmem>>) dst(%dma_wait3A_218 : memref<10240x128xf32, #tpu.memory_space<vmem_shared>>)
        tpu.yield
      }) : () -> ()
      %add3A_166 = arith.constant 6 : i32
      %add3A_167 = arith.addi %mul3A_110, %add3A_166 : i32
      %mul3A_168 = arith.constant 80 : i32
      %mul3A_169 = arith.muli %add3A_167, %mul3A_168 : i32
      %add3A_170 = arith.addi %mul3A_2, %mul3A_169 : i32
      %dma_start3A_171 = tpu.memref_slice %arg3[%add3A_170] : memref<320000xi32, #tpu.memory_space<hbm>> -> memref<80xi32, #tpu.memory_space<hbm>>
      %dma_start3A_172 = tpu.memref_slice %arg3[%add3A_170] : memref<320000xi32, #tpu.memory_space<hbm>> -> memref<80xi32, #tpu.memory_space<hbm>>
      tpu.enqueue_dma source(%dma_start3A_172 : memref<80xi32, #tpu.memory_space<hbm>>) target(%arg10 : memref<80xi32, #tpu.memory_space<vmem>>) target_semaphore(%arg22 : memref<!tpu.dma_semaphore, #tpu.memory_space<semaphore_mem>>)
      %mul3A_173 = arith.constant 80 : i32
      %mul3A_174 = arith.muli %add3A_167, %mul3A_173 : i32
      %add3A_175 = arith.addi %mul3A_2, %mul3A_174 : i32
      %dma_start3A_176 = tpu.memref_slice %arg4[%add3A_175] : memref<320000xi32, #tpu.memory_space<hbm>> -> memref<80xi32, #tpu.memory_space<hbm>>
      %dma_start3A_177 = tpu.memref_slice %arg4[%add3A_175] : memref<320000xi32, #tpu.memory_space<hbm>> -> memref<80xi32, #tpu.memory_space<hbm>>
      tpu.enqueue_dma source(%dma_start3A_177 : memref<80xi32, #tpu.memory_space<hbm>>) target(%arg14 : memref<80xi32, #tpu.memory_space<vmem>>) target_semaphore(%arg22 : memref<!tpu.dma_semaphore, #tpu.memory_space<semaphore_mem>>)
      %add3A_178 = arith.constant 5 : i32
      %add3A_179 = arith.addi %mul3A_110, %add3A_178 : i32
      %dma_wait3A_180 = tpu.memref_slice %arg3[%mul3A_2] : memref<320000xi32, #tpu.memory_space<hbm>> -> memref<80xi32, #tpu.memory_space<hbm>>
      %dma_wait3A_181 = tpu.memref_slice %arg3[%mul3A_2] : memref<320000xi32, #tpu.memory_space<hbm>> -> memref<80xi32, #tpu.memory_space<hbm>>
      tpu.wait_dma2 semaphore(%arg21 : memref<!tpu.dma_semaphore, #tpu.memory_space<semaphore_mem>>) src(%dma_wait3A_181 : memref<80xi32, #tpu.memory_space<hbm>>) dst(%arg9 : memref<80xi32, #tpu.memory_space<vmem>>)
      %dma_wait3A_182 = tpu.memref_slice %arg4[%mul3A_2] : memref<320000xi32, #tpu.memory_space<hbm>> -> memref<80xi32, #tpu.memory_space<hbm>>
      %dma_wait3A_183 = tpu.memref_slice %arg4[%mul3A_2] : memref<320000xi32, #tpu.memory_space<hbm>> -> memref<80xi32, #tpu.memory_space<hbm>>
      tpu.wait_dma2 semaphore(%arg21 : memref<!tpu.dma_semaphore, #tpu.memory_space<semaphore_mem>>) src(%dma_wait3A_183 : memref<80xi32, #tpu.memory_space<hbm>>) dst(%arg13 : memref<80xi32, #tpu.memory_space<vmem>>)
      %dma_start3A_184 = arith.constant 0 : i32
      %dma_start3A_185 = arith.constant 0 : i32
      %dma_start3A_186 = tpu.memref_slice %arg2[%dma_start3A_184, %dma_start3A_185] : memref<10240x128xf32, #tpu.memory_space<hbm>> -> memref<10240x128xf32, #tpu.memory_space<hbm>>
      tpu.enqueue_indirect_dma source(%dma_start3A_186 : memref<10240x128xf32, #tpu.memory_space<hbm>>) target(%arg17 : memref<80x128xf32, #tpu.memory_space<vmem>>) offsets(%arg9 : memref<80xi32, #tpu.memory_space<vmem>>) semaphore(%arg25 : memref<!tpu.dma_semaphore, #tpu.memory_space<semaphore_mem>>)
      %add3A_187 = arith.constant 3 : i32
      %add3A_188 = arith.addi %mul3A_110, %add3A_187 : i32
      %dma_wait3A_189 = arith.constant 0 : i32
      %dma_wait3A_190 = arith.constant 0 : i32
      %dma_wait3A_191 = tpu.memref_slice %arg2[%dma_wait3A_189, %dma_wait3A_190] : memref<10240x128xf32, #tpu.memory_space<hbm>> -> memref<10240x128xf32, #tpu.memory_space<hbm>>
      tpu.wait_indirect_dma semaphore(%arg27 : memref<!tpu.dma_semaphore, #tpu.memory_space<semaphore_mem>>) src(%dma_wait3A_191 : memref<10240x128xf32, #tpu.memory_space<hbm>>) dst(%arg19 : memref<80x128xf32, #tpu.memory_space<vmem>>)
      "tpu.region"() ({
        %run_scoped3A = tpu.sem_alloc : memref<!tpu.dma_semaphore, #tpu.memory_space<semaphore_mem>>
        %dma_start3A_213 = arith.constant 0 : i32
        %dma_start3A_214 = arith.constant 0 : i32
        %dma_start3A_215 = tpu.memref_slice %arg7[%dma_start3A_213, %dma_start3A_214] : memref<10240x128xf32, #tpu.memory_space<vmem_shared>> -> memref<10240x128xf32, #tpu.memory_space<vmem_shared>>
        tpu.enqueue_indirect_dma source(%arg19 : memref<80x128xf32, #tpu.memory_space<vmem>>) target(%dma_start3A_215 : memref<10240x128xf32, #tpu.memory_space<vmem_shared>>) offsets(%arg15 : memref<80xi32, #tpu.memory_space<vmem>>) semaphore(%run_scoped3A : memref<!tpu.dma_semaphore, #tpu.memory_space<semaphore_mem>>) {add = true}
        %dma_wait3A_216 = arith.constant 0 : i32
        %dma_wait3A_217 = arith.constant 0 : i32
        %dma_wait3A_218 = tpu.memref_slice %arg7[%dma_wait3A_216, %dma_wait3A_217] : memref<10240x128xf32, #tpu.memory_space<vmem_shared>> -> memref<10240x128xf32, #tpu.memory_space<vmem_shared>>
        tpu.wait_indirect_dma semaphore(%run_scoped3A : memref<!tpu.dma_semaphore, #tpu.memory_space<semaphore_mem>>) src(%arg19 : memref<80x128xf32, #tpu.memory_space<vmem>>) dst(%dma_wait3A_218 : memref<10240x128xf32, #tpu.memory_space<vmem_shared>>)
        tpu.yield
      }) : () -> ()
      %add3A_192 = arith.constant 7 : i32
      %add3A_193 = arith.addi %mul3A_110, %add3A_192 : i32
      %mul3A_194 = arith.constant 80 : i32
      %mul3A_195 = arith.muli %add3A_193, %mul3A_194 : i32
      %add3A_196 = arith.addi %mul3A_2, %mul3A_195 : i32
      %dma_start3A_197 = tpu.memref_slice %arg3[%add3A_196] : memref<320000xi32, #tpu.memory_space<hbm>> -> memref<80xi32, #tpu.memory_space<hbm>>
      %dma_start3A_198 = tpu.memref_slice %arg3[%add3A_196] : memref<320000xi32, #tpu.memory_space<hbm>> -> memref<80xi32, #tpu.memory_space<hbm>>
      tpu.enqueue_dma source(%dma_start3A_198 : memref<80xi32, #tpu.memory_space<hbm>>) target(%arg11 : memref<80xi32, #tpu.memory_space<vmem>>) target_semaphore(%arg23 : memref<!tpu.dma_semaphore, #tpu.memory_space<semaphore_mem>>)
      %mul3A_199 = arith.constant 80 : i32
      %mul3A_200 = arith.muli %add3A_193, %mul3A_199 : i32
      %add3A_201 = arith.addi %mul3A_2, %mul3A_200 : i32
      %dma_start3A_202 = tpu.memref_slice %arg4[%add3A_201] : memref<320000xi32, #tpu.memory_space<hbm>> -> memref<80xi32, #tpu.memory_space<hbm>>
      %dma_start3A_203 = tpu.memref_slice %arg4[%add3A_201] : memref<320000xi32, #tpu.memory_space<hbm>> -> memref<80xi32, #tpu.memory_space<hbm>>
      tpu.enqueue_dma source(%dma_start3A_203 : memref<80xi32, #tpu.memory_space<hbm>>) target(%arg15 : memref<80xi32, #tpu.memory_space<vmem>>) target_semaphore(%arg23 : memref<!tpu.dma_semaphore, #tpu.memory_space<semaphore_mem>>)
      %add3A_204 = arith.constant 6 : i32
      %add3A_205 = arith.addi %mul3A_110, %add3A_204 : i32
      %dma_wait3A_206 = tpu.memref_slice %arg3[%mul3A_2] : memref<320000xi32, #tpu.memory_space<hbm>> -> memref<80xi32, #tpu.memory_space<hbm>>
      %dma_wait3A_207 = tpu.memref_slice %arg3[%mul3A_2] : memref<320000xi32, #tpu.memory_space<hbm>> -> memref<80xi32, #tpu.memory_space<hbm>>
      tpu.wait_dma2 semaphore(%arg22 : memref<!tpu.dma_semaphore, #tpu.memory_space<semaphore_mem>>) src(%dma_wait3A_207 : memref<80xi32, #tpu.memory_space<hbm>>) dst(%arg10 : memref<80xi32, #tpu.memory_space<vmem>>)
      %dma_wait3A_208 = tpu.memref_slice %arg4[%mul3A_2] : memref<320000xi32, #tpu.memory_space<hbm>> -> memref<80xi32, #tpu.memory_space<hbm>>
      %dma_wait3A_209 = tpu.memref_slice %arg4[%mul3A_2] : memref<320000xi32, #tpu.memory_space<hbm>> -> memref<80xi32, #tpu.memory_space<hbm>>
      tpu.wait_dma2 semaphore(%arg22 : memref<!tpu.dma_semaphore, #tpu.memory_space<semaphore_mem>>) src(%dma_wait3A_209 : memref<80xi32, #tpu.memory_space<hbm>>) dst(%arg14 : memref<80xi32, #tpu.memory_space<vmem>>)
      %dma_start3A_210 = arith.constant 0 : i32
      %dma_start3A_211 = arith.constant 0 : i32
      %dma_start3A_212 = tpu.memref_slice %arg2[%dma_start3A_210, %dma_start3A_211] : memref<10240x128xf32, #tpu.memory_space<hbm>> -> memref<10240x128xf32, #tpu.memory_space<hbm>>
      tpu.enqueue_indirect_dma source(%dma_start3A_212 : memref<10240x128xf32, #tpu.memory_space<hbm>>) target(%arg18 : memref<80x128xf32, #tpu.memory_space<vmem>>) offsets(%arg10 : memref<80xi32, #tpu.memory_space<vmem>>) semaphore(%arg26 : memref<!tpu.dma_semaphore, #tpu.memory_space<semaphore_mem>>)
    }
    %scan3A_62 = arith.constant 30 : i32
    %dma_wait3A_63 = arith.constant 0 : i32
    %dma_wait3A_64 = arith.constant 0 : i32
    %dma_wait3A_65 = tpu.memref_slice %arg2[%dma_wait3A_63, %dma_wait3A_64] : memref<10240x128xf32, #tpu.memory_space<hbm>> -> memref<10240x128xf32, #tpu.memory_space<hbm>>
    tpu.wait_indirect_dma semaphore(%arg24 : memref<!tpu.dma_semaphore, #tpu.memory_space<semaphore_mem>>) src(%dma_wait3A_65 : memref<10240x128xf32, #tpu.memory_space<hbm>>) dst(%arg16 : memref<80x128xf32, #tpu.memory_space<vmem>>)
    "tpu.region"() ({
      %run_scoped3A = tpu.sem_alloc : memref<!tpu.dma_semaphore, #tpu.memory_space<semaphore_mem>>
      %dma_start3A_108 = arith.constant 0 : i32
      %dma_start3A_109 = arith.constant 0 : i32
      %dma_start3A_110 = tpu.memref_slice %arg7[%dma_start3A_108, %dma_start3A_109] : memref<10240x128xf32, #tpu.memory_space<vmem_shared>> -> memref<10240x128xf32, #tpu.memory_space<vmem_shared>>
      tpu.enqueue_indirect_dma source(%arg16 : memref<80x128xf32, #tpu.memory_space<vmem>>) target(%dma_start3A_110 : memref<10240x128xf32, #tpu.memory_space<vmem_shared>>) offsets(%arg12 : memref<80xi32, #tpu.memory_space<vmem>>) semaphore(%run_scoped3A : memref<!tpu.dma_semaphore, #tpu.memory_space<semaphore_mem>>) {add = true}
      %dma_wait3A_111 = arith.constant 0 : i32
      %dma_wait3A_112 = arith.constant 0 : i32
      %dma_wait3A_113 = tpu.memref_slice %arg7[%dma_wait3A_111, %dma_wait3A_112] : memref<10240x128xf32, #tpu.memory_space<vmem_shared>> -> memref<10240x128xf32, #tpu.memory_space<vmem_shared>>
      tpu.wait_indirect_dma semaphore(%run_scoped3A : memref<!tpu.dma_semaphore, #tpu.memory_space<semaphore_mem>>) src(%arg16 : memref<80x128xf32, #tpu.memory_space<vmem>>) dst(%dma_wait3A_113 : memref<10240x128xf32, #tpu.memory_space<vmem_shared>>)
      tpu.yield
    }) : () -> ()
    %add3A_66 = arith.constant 9920 : i32
    %add3A_67 = arith.addi %mul3A_2, %add3A_66 : i32
    %dma_start3A_68 = tpu.memref_slice %arg3[%add3A_67] : memref<320000xi32, #tpu.memory_space<hbm>> -> memref<80xi32, #tpu.memory_space<hbm>>
    %dma_start3A_69 = tpu.memref_slice %arg3[%add3A_67] : memref<320000xi32, #tpu.memory_space<hbm>> -> memref<80xi32, #tpu.memory_space<hbm>>
    tpu.enqueue_dma source(%dma_start3A_69 : memref<80xi32, #tpu.memory_space<hbm>>) target(%arg8 : memref<80xi32, #tpu.memory_space<vmem>>) target_semaphore(%arg20 : memref<!tpu.dma_semaphore, #tpu.memory_space<semaphore_mem>>)
    %add3A_70 = arith.constant 9920 : i32
    %add3A_71 = arith.addi %mul3A_2, %add3A_70 : i32
    %dma_start3A_72 = tpu.memref_slice %arg4[%add3A_71] : memref<320000xi32, #tpu.memory_space<hbm>> -> memref<80xi32, #tpu.memory_space<hbm>>
    %dma_start3A_73 = tpu.memref_slice %arg4[%add3A_71] : memref<320000xi32, #tpu.memory_space<hbm>> -> memref<80xi32, #tpu.memory_space<hbm>>
    tpu.enqueue_dma source(%dma_start3A_73 : memref<80xi32, #tpu.memory_space<hbm>>) target(%arg12 : memref<80xi32, #tpu.memory_space<vmem>>) target_semaphore(%arg20 : memref<!tpu.dma_semaphore, #tpu.memory_space<semaphore_mem>>)
    %dma_wait3A_74 = tpu.memref_slice %arg3[%mul3A_2] : memref<320000xi32, #tpu.memory_space<hbm>> -> memref<80xi32, #tpu.memory_space<hbm>>
    %dma_wait3A_75 = tpu.memref_slice %arg3[%mul3A_2] : memref<320000xi32, #tpu.memory_space<hbm>> -> memref<80xi32, #tpu.memory_space<hbm>>
    tpu.wait_dma2 semaphore(%arg23 : memref<!tpu.dma_semaphore, #tpu.memory_space<semaphore_mem>>) src(%dma_wait3A_75 : memref<80xi32, #tpu.memory_space<hbm>>) dst(%arg11 : memref<80xi32, #tpu.memory_space<vmem>>)
    %dma_wait3A_76 = tpu.memref_slice %arg4[%mul3A_2] : memref<320000xi32, #tpu.memory_space<hbm>> -> memref<80xi32, #tpu.memory_space<hbm>>
    %dma_wait3A_77 = tpu.memref_slice %arg4[%mul3A_2] : memref<320000xi32, #tpu.memory_space<hbm>> -> memref<80xi32, #tpu.memory_space<hbm>>
    tpu.wait_dma2 semaphore(%arg23 : memref<!tpu.dma_semaphore, #tpu.memory_space<semaphore_mem>>) src(%dma_wait3A_77 : memref<80xi32, #tpu.memory_space<hbm>>) dst(%arg15 : memref<80xi32, #tpu.memory_space<vmem>>)
    %dma_start3A_78 = arith.constant 0 : i32
    %dma_start3A_79 = arith.constant 0 : i32
    %dma_start3A_80 = tpu.memref_slice %arg2[%dma_start3A_78, %dma_start3A_79] : memref<10240x128xf32, #tpu.memory_space<hbm>> -> memref<10240x128xf32, #tpu.memory_space<hbm>>
    tpu.enqueue_indirect_dma source(%dma_start3A_80 : memref<10240x128xf32, #tpu.memory_space<hbm>>) target(%arg19 : memref<80x128xf32, #tpu.memory_space<vmem>>) offsets(%arg11 : memref<80xi32, #tpu.memory_space<vmem>>) semaphore(%arg27 : memref<!tpu.dma_semaphore, #tpu.memory_space<semaphore_mem>>)
    %dma_wait3A_81 = arith.constant 0 : i32
    %dma_wait3A_82 = arith.constant 0 : i32
    %dma_wait3A_83 = tpu.memref_slice %arg2[%dma_wait3A_81, %dma_wait3A_82] : memref<10240x128xf32, #tpu.memory_space<hbm>> -> memref<10240x128xf32, #tpu.memory_space<hbm>>
    tpu.wait_indirect_dma semaphore(%arg25 : memref<!tpu.dma_semaphore, #tpu.memory_space<semaphore_mem>>) src(%dma_wait3A_83 : memref<10240x128xf32, #tpu.memory_space<hbm>>) dst(%arg17 : memref<80x128xf32, #tpu.memory_space<vmem>>)
    "tpu.region"() ({
      %run_scoped3A = tpu.sem_alloc : memref<!tpu.dma_semaphore, #tpu.memory_space<semaphore_mem>>
      %dma_start3A_108 = arith.constant 0 : i32
      %dma_start3A_109 = arith.constant 0 : i32
      %dma_start3A_110 = tpu.memref_slice %arg7[%dma_start3A_108, %dma_start3A_109] : memref<10240x128xf32, #tpu.memory_space<vmem_shared>> -> memref<10240x128xf32, #tpu.memory_space<vmem_shared>>
      tpu.enqueue_indirect_dma source(%arg17 : memref<80x128xf32, #tpu.memory_space<vmem>>) target(%dma_start3A_110 : memref<10240x128xf32, #tpu.memory_space<vmem_shared>>) offsets(%arg13 : memref<80xi32, #tpu.memory_space<vmem>>) semaphore(%run_scoped3A : memref<!tpu.dma_semaphore, #tpu.memory_space<semaphore_mem>>) {add = true}
      %dma_wait3A_111 = arith.constant 0 : i32
      %dma_wait3A_112 = arith.constant 0 : i32
      %dma_wait3A_113 = tpu.memref_slice %arg7[%dma_wait3A_111, %dma_wait3A_112] : memref<10240x128xf32, #tpu.memory_space<vmem_shared>> -> memref<10240x128xf32, #tpu.memory_space<vmem_shared>>
      tpu.wait_indirect_dma semaphore(%run_scoped3A : memref<!tpu.dma_semaphore, #tpu.memory_space<semaphore_mem>>) src(%arg17 : memref<80x128xf32, #tpu.memory_space<vmem>>) dst(%dma_wait3A_113 : memref<10240x128xf32, #tpu.memory_space<vmem_shared>>)
      tpu.yield
    }) : () -> ()
    %dma_wait3A_84 = tpu.memref_slice %arg3[%mul3A_2] : memref<320000xi32, #tpu.memory_space<hbm>> -> memref<80xi32, #tpu.memory_space<hbm>>
    %dma_wait3A_85 = tpu.memref_slice %arg3[%mul3A_2] : memref<320000xi32, #tpu.memory_space<hbm>> -> memref<80xi32, #tpu.memory_space<hbm>>
    tpu.wait_dma2 semaphore(%arg20 : memref<!tpu.dma_semaphore, #tpu.memory_space<semaphore_mem>>) src(%dma_wait3A_85 : memref<80xi32, #tpu.memory_space<hbm>>) dst(%arg8 : memref<80xi32, #tpu.memory_space<vmem>>)
    %dma_wait3A_86 = tpu.memref_slice %arg4[%mul3A_2] : memref<320000xi32, #tpu.memory_space<hbm>> -> memref<80xi32, #tpu.memory_space<hbm>>
    %dma_wait3A_87 = tpu.memref_slice %arg4[%mul3A_2] : memref<320000xi32, #tpu.memory_space<hbm>> -> memref<80xi32, #tpu.memory_space<hbm>>
    tpu.wait_dma2 semaphore(%arg20 : memref<!tpu.dma_semaphore, #tpu.memory_space<semaphore_mem>>) src(%dma_wait3A_87 : memref<80xi32, #tpu.memory_space<hbm>>) dst(%arg12 : memref<80xi32, #tpu.memory_space<vmem>>)
    %dma_start3A_88 = arith.constant 0 : i32
    %dma_start3A_89 = arith.constant 0 : i32
    %dma_start3A_90 = tpu.memref_slice %arg2[%dma_start3A_88, %dma_start3A_89] : memref<10240x128xf32, #tpu.memory_space<hbm>> -> memref<10240x128xf32, #tpu.memory_space<hbm>>
    tpu.enqueue_indirect_dma source(%dma_start3A_90 : memref<10240x128xf32, #tpu.memory_space<hbm>>) target(%arg16 : memref<80x128xf32, #tpu.memory_space<vmem>>) offsets(%arg8 : memref<80xi32, #tpu.memory_space<vmem>>) semaphore(%arg24 : memref<!tpu.dma_semaphore, #tpu.memory_space<semaphore_mem>>)
    %dma_wait3A_91 = arith.constant 0 : i32
    %dma_wait3A_92 = arith.constant 0 : i32
    %dma_wait3A_93 = tpu.memref_slice %arg2[%dma_wait3A_91, %dma_wait3A_92] : memref<10240x128xf32, #tpu.memory_space<hbm>> -> memref<10240x128xf32, #tpu.memory_space<hbm>>
    tpu.wait_indirect_dma semaphore(%arg26 : memref<!tpu.dma_semaphore, #tpu.memory_space<semaphore_mem>>) src(%dma_wait3A_93 : memref<10240x128xf32, #tpu.memory_space<hbm>>) dst(%arg18 : memref<80x128xf32, #tpu.memory_space<vmem>>)
    "tpu.region"() ({
      %run_scoped3A = tpu.sem_alloc : memref<!tpu.dma_semaphore, #tpu.memory_space<semaphore_mem>>
      %dma_start3A_108 = arith.constant 0 : i32
      %dma_start3A_109 = arith.constant 0 : i32
      %dma_start3A_110 = tpu.memref_slice %arg7[%dma_start3A_108, %dma_start3A_109] : memref<10240x128xf32, #tpu.memory_space<vmem_shared>> -> memref<10240x128xf32, #tpu.memory_space<vmem_shared>>
      tpu.enqueue_indirect_dma source(%arg18 : memref<80x128xf32, #tpu.memory_space<vmem>>) target(%dma_start3A_110 : memref<10240x128xf32, #tpu.memory_space<vmem_shared>>) offsets(%arg14 : memref<80xi32, #tpu.memory_space<vmem>>) semaphore(%run_scoped3A : memref<!tpu.dma_semaphore, #tpu.memory_space<semaphore_mem>>) {add = true}
      %dma_wait3A_111 = arith.constant 0 : i32
      %dma_wait3A_112 = arith.constant 0 : i32
      %dma_wait3A_113 = tpu.memref_slice %arg7[%dma_wait3A_111, %dma_wait3A_112] : memref<10240x128xf32, #tpu.memory_space<vmem_shared>> -> memref<10240x128xf32, #tpu.memory_space<vmem_shared>>
      tpu.wait_indirect_dma semaphore(%run_scoped3A : memref<!tpu.dma_semaphore, #tpu.memory_space<semaphore_mem>>) src(%arg18 : memref<80x128xf32, #tpu.memory_space<vmem>>) dst(%dma_wait3A_113 : memref<10240x128xf32, #tpu.memory_space<vmem_shared>>)
      tpu.yield
    }) : () -> ()
    %dma_wait3A_94 = arith.constant 0 : i32
    %dma_wait3A_95 = arith.constant 0 : i32
    %dma_wait3A_96 = tpu.memref_slice %arg2[%dma_wait3A_94, %dma_wait3A_95] : memref<10240x128xf32, #tpu.memory_space<hbm>> -> memref<10240x128xf32, #tpu.memory_space<hbm>>
    tpu.wait_indirect_dma semaphore(%arg27 : memref<!tpu.dma_semaphore, #tpu.memory_space<semaphore_mem>>) src(%dma_wait3A_96 : memref<10240x128xf32, #tpu.memory_space<hbm>>) dst(%arg19 : memref<80x128xf32, #tpu.memory_space<vmem>>)
    "tpu.region"() ({
      %run_scoped3A = tpu.sem_alloc : memref<!tpu.dma_semaphore, #tpu.memory_space<semaphore_mem>>
      %dma_start3A_108 = arith.constant 0 : i32
      %dma_start3A_109 = arith.constant 0 : i32
      %dma_start3A_110 = tpu.memref_slice %arg7[%dma_start3A_108, %dma_start3A_109] : memref<10240x128xf32, #tpu.memory_space<vmem_shared>> -> memref<10240x128xf32, #tpu.memory_space<vmem_shared>>
      tpu.enqueue_indirect_dma source(%arg19 : memref<80x128xf32, #tpu.memory_space<vmem>>) target(%dma_start3A_110 : memref<10240x128xf32, #tpu.memory_space<vmem_shared>>) offsets(%arg15 : memref<80xi32, #tpu.memory_space<vmem>>) semaphore(%run_scoped3A : memref<!tpu.dma_semaphore, #tpu.memory_space<semaphore_mem>>) {add = true}
      %dma_wait3A_111 = arith.constant 0 : i32
      %dma_wait3A_112 = arith.constant 0 : i32
      %dma_wait3A_113 = tpu.memref_slice %arg7[%dma_wait3A_111, %dma_wait3A_112] : memref<10240x128xf32, #tpu.memory_space<vmem_shared>> -> memref<10240x128xf32, #tpu.memory_space<vmem_shared>>
      tpu.wait_indirect_dma semaphore(%run_scoped3A : memref<!tpu.dma_semaphore, #tpu.memory_space<semaphore_mem>>) src(%arg19 : memref<80x128xf32, #tpu.memory_space<vmem>>) dst(%dma_wait3A_113 : memref<10240x128xf32, #tpu.memory_space<vmem_shared>>)
      tpu.yield
    }) : () -> ()
    %dma_wait3A_97 = arith.constant 0 : i32
    %dma_wait3A_98 = arith.constant 0 : i32
    %dma_wait3A_99 = tpu.memref_slice %arg2[%dma_wait3A_97, %dma_wait3A_98] : memref<10240x128xf32, #tpu.memory_space<hbm>> -> memref<10240x128xf32, #tpu.memory_space<hbm>>
    tpu.wait_indirect_dma semaphore(%arg24 : memref<!tpu.dma_semaphore, #tpu.memory_space<semaphore_mem>>) src(%dma_wait3A_99 : memref<10240x128xf32, #tpu.memory_space<hbm>>) dst(%arg16 : memref<80x128xf32, #tpu.memory_space<vmem>>)
    "tpu.region"() ({
      %run_scoped3A = tpu.sem_alloc : memref<!tpu.dma_semaphore, #tpu.memory_space<semaphore_mem>>
      %dma_start3A_108 = arith.constant 0 : i32
      %dma_start3A_109 = arith.constant 0 : i32
      %dma_start3A_110 = tpu.memref_slice %arg7[%dma_start3A_108, %dma_start3A_109] : memref<10240x128xf32, #tpu.memory_space<vmem_shared>> -> memref<10240x128xf32, #tpu.memory_space<vmem_shared>>
      tpu.enqueue_indirect_dma source(%arg16 : memref<80x128xf32, #tpu.memory_space<vmem>>) target(%dma_start3A_110 : memref<10240x128xf32, #tpu.memory_space<vmem_shared>>) offsets(%arg12 : memref<80xi32, #tpu.memory_space<vmem>>) semaphore(%run_scoped3A : memref<!tpu.dma_semaphore, #tpu.memory_space<semaphore_mem>>) {add = true}
      %dma_wait3A_111 = arith.constant 0 : i32
      %dma_wait3A_112 = arith.constant 0 : i32
      %dma_wait3A_113 = tpu.memref_slice %arg7[%dma_wait3A_111, %dma_wait3A_112] : memref<10240x128xf32, #tpu.memory_space<vmem_shared>> -> memref<10240x128xf32, #tpu.memory_space<vmem_shared>>
      tpu.wait_indirect_dma semaphore(%run_scoped3A : memref<!tpu.dma_semaphore, #tpu.memory_space<semaphore_mem>>) src(%arg16 : memref<80x128xf32, #tpu.memory_space<vmem>>) dst(%dma_wait3A_113 : memref<10240x128xf32, #tpu.memory_space<vmem_shared>>)
      tpu.yield
    }) : () -> ()
    %barrier3A_100 = arith.constant 0 : index
    tpu.barrier barrier_id(%barrier3A_100)
    %mul3A_101 = arith.constant 640 : i32
    %mul3A_102 = arith.muli %arg1, %mul3A_101 : i32
    %mul3A_103 = arith.constant 10240 : i32
    %mul3A_104 = arith.muli %arg0, %mul3A_103 : i32
    %mul3A_105 = arith.constant 640 : i32
    %mul3A_106 = arith.muli %arg1, %mul3A_105 : i32
    %add3A_107 = arith.addi %mul3A_104, %mul3A_106 : i32
    "tpu.region"() ({
      %run_scoped3A = tpu.sem_alloc : memref<!tpu.dma_semaphore, #tpu.memory_space<semaphore_mem>>
      %dma_start3A_108 = arith.constant 0 : i32
      %dma_start3A_109 = tpu.memref_slice %arg6[%add3A_107, %dma_start3A_108] : memref<20480x128xf32, #tpu.memory_space<hbm>> -> memref<640x128xf32, #tpu.memory_space<hbm>>
      %dma_start3A_110 = arith.constant 0 : i32
      %dma_start3A_111 = tpu.memref_slice %arg7[%mul3A_102, %dma_start3A_110] : memref<10240x128xf32, #tpu.memory_space<vmem_shared>> -> memref<640x128xf32, #tpu.memory_space<vmem_shared>>
      tpu.enqueue_dma source(%dma_start3A_111 : memref<640x128xf32, #tpu.memory_space<vmem_shared>>) target(%dma_start3A_109 : memref<640x128xf32, #tpu.memory_space<hbm>>) target_semaphore(%run_scoped3A : memref<!tpu.dma_semaphore, #tpu.memory_space<semaphore_mem>>)
      %dma_wait3A_112 = arith.constant 0 : i32
      %dma_wait3A_113 = tpu.memref_slice %arg6[%add3A_107, %dma_wait3A_112] : memref<20480x128xf32, #tpu.memory_space<hbm>> -> memref<640x128xf32, #tpu.memory_space<hbm>>
      %dma_wait3A_114 = arith.constant 0 : i32
      %dma_wait3A_115 = tpu.memref_slice %arg7[%mul3A_102, %dma_wait3A_114] : memref<10240x128xf32, #tpu.memory_space<vmem_shared>> -> memref<640x128xf32, #tpu.memory_space<vmem_shared>>
      tpu.wait_dma2 semaphore(%run_scoped3A : memref<!tpu.dma_semaphore, #tpu.memory_space<semaphore_mem>>) src(%dma_wait3A_115 : memref<640x128xf32, #tpu.memory_space<vmem_shared>>) dst(%dma_wait3A_113 : memref<640x128xf32, #tpu.memory_space<hbm>>)
      tpu.yield
    }) : () -> ()
    return
  }
}

module attributes {stable_mosaic.version = 14 : i64} {
  func.func @_tc_first_body(%arg0: i32, %arg1: memref<1024x128xf32, #tpu.memory_space<vmem>>, %arg2: memref<1024x128xf32, #tpu.memory_space<vmem>>, %arg3: memref<1024x128xf32, #tpu.memory_space<vmem>>, %arg4: memref<128x128xf32, #tpu.memory_space<vmem>>, %arg5: memref<1024x128xf32, #tpu.memory_space<vmem>>, %arg6: memref<1024x128xf32, #tpu.memory_space<vmem>>) attributes {dimension_semantics = [#tpu.dimension_semantics<arbitrary>], iteration_bounds = array<i64: 10>, scalar_prefetch = 0 : i64, scratch_operands = 0 : i64, tpu.core_type = #tpu.core_type<tc>, window_params = [{transform_indices = @transform_0, window_bounds = array<i64: 1024, 128>}, {transform_indices = @transform_1, window_bounds = array<i64: 1024, 128>}, {transform_indices = @transform_2, window_bounds = array<i64: 1024, 128>}, {pipeline_mode = #tpu.pipeline_mode<synchronous>, transform_indices = @transform_3, window_bounds = array<i64: 128, 128>}, {transform_indices = @transform_4, window_bounds = array<i64: 1024, 128>}, {transform_indices = @transform_5, window_bounds = array<i64: 1024, 128>}]} {
    %get3A = arith.constant 0 : index
    %get3A_0 = arith.constant 0 : index
    %get3A_1 = vector.load %arg1[%get3A, %get3A_0] : memref<1024x128xf32, #tpu.memory_space<vmem>>, vector<1024x1xf32>
    %get3A_2 = arith.constant 0 : index
    %get3A_3 = arith.constant 0 : index
    %get3A_4 = vector.load %arg2[%get3A_2, %get3A_3] : memref<1024x128xf32, #tpu.memory_space<vmem>>, vector<1024x1xf32>
    %add3A = arith.constant 1.000000e+00 : f32
    %add3A_5 = vector.broadcast %add3A : f32 to vector<1024x1xf32>
    %add3A_6 = arith.addf %add3A_5, %get3A_1 : vector<1024x1xf32>
    %add3A_7 = arith.addf %add3A_6, %get3A_4 : vector<1024x1xf32>
    %rsqrt3A = math.rsqrt %add3A_7 : vector<1024x1xf32>
    %broadcast_in_dim3A = vector.shape_cast %rsqrt3A : vector<1024x1xf32> to vector<1024x1xf32>
    %broadcast_in_dim3A_8 = vector.broadcast %broadcast_in_dim3A : vector<1024x1xf32> to vector<1024x128xf32>
    %get3A_9 = arith.constant 0 : index
    %get3A_10 = arith.constant 0 : index
    %get3A_11 = vector.load %arg3[%get3A_9, %get3A_10] : memref<1024x128xf32, #tpu.memory_space<vmem>>, vector<1024x128xf32>
    %get3A_12 = arith.constant 0 : index
    %get3A_13 = arith.constant 0 : index
    %get3A_14 = vector.load %arg4[%get3A_12, %get3A_13] : memref<128x128xf32, #tpu.memory_space<vmem>>, vector<128x128xf32>
    %dot_general3A = arith.constant dense<0.000000e+00> : vector<1024x128xf32>
    %dot_general3A_15 = tpu.matmul %get3A_11, %get3A_14, %dot_general3A {dimension_numbers = #tpu.dot_dimension_numbers<[1], [0], [0], [1], [0, 0, 1, 1], [], []>, transpose_lhs_hint = false} : vector<1024x128xf32>, vector<128x128xf32>, vector<1024x128xf32> -> vector<1024x128xf32>
    %swap3A = arith.constant 0 : index
    %swap3A_16 = arith.constant 0 : index
    %swap3A_17 = vector.load %arg5[%swap3A, %swap3A_16] : memref<1024x128xf32, #tpu.memory_space<vmem>>, vector<1024x128xf32>
    tpu.vector_store %arg5[%swap3A, %swap3A_16], %broadcast_in_dim3A_8 {strides = array<i32>} : memref<1024x128xf32, #tpu.memory_space<vmem>>, vector<1024x128xf32>,
    %mul3A = arith.mulf %dot_general3A_15, %broadcast_in_dim3A_8 : vector<1024x128xf32>
    %swap3A_18 = arith.constant 0 : index
    %swap3A_19 = arith.constant 0 : index
    %swap3A_20 = vector.load %arg6[%swap3A_18, %swap3A_19] : memref<1024x128xf32, #tpu.memory_space<vmem>>, vector<1024x128xf32>
    tpu.vector_store %arg6[%swap3A_18, %swap3A_19], %mul3A {strides = array<i32>} : memref<1024x128xf32, #tpu.memory_space<vmem>>, vector<1024x128xf32>,
    return
  }
  func.func @transform_0(%arg0: i32) -> (i32, i32) {
    %c0_i32 = arith.constant 0 : i32
    %c0_i32_0 = arith.constant 0 : i32
    return %arg0, %c0_i32 : i32, i32
  }
  func.func @transform_1(%arg0: i32) -> (i32, i32) {
    %add3A = arith.constant 10 : i32
    %add3A_0 = arith.addi %arg0, %add3A : i32
    %c0_i32 = arith.constant 0 : i32
    %c0_i32_1 = arith.constant 0 : i32
    return %add3A_0, %c0_i32 : i32, i32
  }
  func.func @transform_2(%arg0: i32) -> (i32, i32) {
    %c0_i32 = arith.constant 0 : i32
    %c0_i32_0 = arith.constant 0 : i32
    return %arg0, %c0_i32 : i32, i32
  }
  func.func @transform_3(%arg0: i32) -> (i32, i32) {
    %c0_i32 = arith.constant 0 : i32
    %c0_i32_0 = arith.constant 0 : i32
    %c0_i32_1 = arith.constant 0 : i32
    return %c0_i32, %c0_i32_0 : i32, i32
  }
  func.func @transform_4(%arg0: i32) -> (i32, i32) {
    %c0_i32 = arith.constant 0 : i32
    %c0_i32_0 = arith.constant 0 : i32
    return %arg0, %c0_i32 : i32, i32
  }
  func.func @transform_5(%arg0: i32) -> (i32, i32) {
    %c0_i32 = arith.constant 0 : i32
    %c0_i32_0 = arith.constant 0 : i32
    return %arg0, %c0_i32 : i32, i32
  }
}

module attributes {stable_mosaic.version = 14 : i64} {
  func.func @_tc_mid_body(%arg0: i32, %arg1: memref<1024x128xf32, #tpu.memory_space<vmem>>, %arg2: memref<1024x128xf32, #tpu.memory_space<vmem>>, %arg3: memref<1024x128xf32, #tpu.memory_space<vmem>>, %arg4: memref<1024x128xf32, #tpu.memory_space<vmem>>, %arg5: memref<1x128xf32, #tpu.memory_space<vmem>>, %arg6: memref<128x128xf32, #tpu.memory_space<vmem>>, %arg7: memref<1024x128xf32, #tpu.memory_space<vmem>>) attributes {dimension_semantics = [#tpu.dimension_semantics<arbitrary>], iteration_bounds = array<i64: 10>, scalar_prefetch = 0 : i64, scratch_operands = 0 : i64, tpu.core_type = #tpu.core_type<tc>, window_params = [{transform_indices = @transform_0, window_bounds = array<i64: 1024, 128>}, {transform_indices = @transform_1, window_bounds = array<i64: 1024, 128>}, {transform_indices = @transform_2, window_bounds = array<i64: 1024, 128>}, {transform_indices = @transform_3, window_bounds = array<i64: 1024, 128>}, {pipeline_mode = #tpu.pipeline_mode<synchronous>, transform_indices = @transform_4, window_bounds = array<i64: 1, 128>}, {pipeline_mode = #tpu.pipeline_mode<synchronous>, transform_indices = @transform_5, window_bounds = array<i64: 128, 128>}, {transform_indices = @transform_6, window_bounds = array<i64: 1024, 128>}]} {
    %get3A = arith.constant 0 : index
    %get3A_0 = arith.constant 0 : index
    %get3A_1 = vector.load %arg4[%get3A, %get3A_0] : memref<1024x128xf32, #tpu.memory_space<vmem>>, vector<1024x128xf32>
    %get3A_2 = arith.constant 0 : index
    %get3A_3 = arith.constant 0 : index
    %get3A_4 = vector.load %arg1[%get3A_2, %get3A_3] : memref<1024x128xf32, #tpu.memory_space<vmem>>, vector<1024x128xf32>
    %get3A_5 = arith.constant 0 : index
    %get3A_6 = arith.constant 0 : index
    %get3A_7 = vector.load %arg2[%get3A_5, %get3A_6] : memref<1024x128xf32, #tpu.memory_space<vmem>>, vector<1024x128xf32>
    %add3A = arith.addf %get3A_4, %get3A_7 : vector<1024x128xf32>
    %get3A_8 = arith.constant 0 : index
    %get3A_9 = arith.constant 0 : index
    %get3A_10 = vector.load %arg3[%get3A_8, %get3A_9] : memref<1024x128xf32, #tpu.memory_space<vmem>>, vector<1024x128xf32>
    %add3A_11 = arith.addf %add3A, %get3A_10 : vector<1024x128xf32>
    %mul3A = arith.mulf %get3A_1, %add3A_11 : vector<1024x128xf32>
    %get3A_12 = arith.constant 0 : index
    %get3A_13 = arith.constant 0 : index
    %get3A_14 = vector.load %arg5[%get3A_12, %get3A_13] : memref<1x128xf32, #tpu.memory_space<vmem>>, vector<1x128xf32>
    %add3A_15 = vector.broadcast %get3A_14 : vector<1x128xf32> to vector<1024x128xf32>
    %add3A_16 = arith.addf %mul3A, %add3A_15 : vector<1024x128xf32>
    %max3A = arith.constant 0.000000e+00 : f32
    %max3A_17 = vector.broadcast %max3A : f32 to vector<1024x128xf32>
    %max3A_18 = arith.maximumf %add3A_16, %max3A_17 : vector<1024x128xf32>
    %get3A_19 = arith.constant 0 : index
    %get3A_20 = arith.constant 0 : index
    %get3A_21 = vector.load %arg6[%get3A_19, %get3A_20] : memref<128x128xf32, #tpu.memory_space<vmem>>, vector<128x128xf32>
    %dot_general3A = arith.constant dense<0.000000e+00> : vector<1024x128xf32>
    %dot_general3A_22 = tpu.matmul %max3A_18, %get3A_21, %dot_general3A {dimension_numbers = #tpu.dot_dimension_numbers<[1], [0], [0], [1], [0, 0, 1, 1], [], []>, transpose_lhs_hint = false} : vector<1024x128xf32>, vector<128x128xf32>, vector<1024x128xf32> -> vector<1024x128xf32>
    %get3A_23 = arith.constant 0 : index
    %get3A_24 = arith.constant 0 : index
    %get3A_25 = vector.load %arg4[%get3A_23, %get3A_24] : memref<1024x128xf32, #tpu.memory_space<vmem>>, vector<1024x128xf32>
    %mul3A_26 = arith.mulf %dot_general3A_22, %get3A_25 : vector<1024x128xf32>
    %swap3A = arith.constant 0 : index
    %swap3A_27 = arith.constant 0 : index
    %swap3A_28 = vector.load %arg7[%swap3A, %swap3A_27] : memref<1024x128xf32, #tpu.memory_space<vmem>>, vector<1024x128xf32>
    tpu.vector_store %arg7[%swap3A, %swap3A_27], %mul3A_26 {strides = array<i32>} : memref<1024x128xf32, #tpu.memory_space<vmem>>, vector<1024x128xf32>,
    return
  }
  func.func @transform_0(%arg0: i32) -> (i32, i32) {
    %c0_i32 = arith.constant 0 : i32
    %c0_i32_0 = arith.constant 0 : i32
    return %arg0, %c0_i32 : i32, i32
  }
  func.func @transform_1(%arg0: i32) -> (i32, i32) {
    %add3A = arith.constant 10 : i32
    %add3A_0 = arith.addi %arg0, %add3A : i32
    %c0_i32 = arith.constant 0 : i32
    %c0_i32_1 = arith.constant 0 : i32
    return %add3A_0, %c0_i32 : i32, i32
  }
  func.func @transform_2(%arg0: i32) -> (i32, i32) {
    %c0_i32 = arith.constant 0 : i32
    %c0_i32_0 = arith.constant 0 : i32
    return %arg0, %c0_i32 : i32, i32
  }
  func.func @transform_3(%arg0: i32) -> (i32, i32) {
    %c0_i32 = arith.constant 0 : i32
    %c0_i32_0 = arith.constant 0 : i32
    return %arg0, %c0_i32 : i32, i32
  }
  func.func @transform_4(%arg0: i32) -> (i32, i32) {
    %c0_i32 = arith.constant 0 : i32
    %c0_i32_0 = arith.constant 0 : i32
    %c0_i32_1 = arith.constant 0 : i32
    return %c0_i32, %c0_i32_0 : i32, i32
  }
  func.func @transform_5(%arg0: i32) -> (i32, i32) {
    %c0_i32 = arith.constant 0 : i32
    %c0_i32_0 = arith.constant 0 : i32
    %c0_i32_1 = arith.constant 0 : i32
    return %c0_i32, %c0_i32_0 : i32, i32
  }
  func.func @transform_6(%arg0: i32) -> (i32, i32) {
    %c0_i32 = arith.constant 0 : i32
    %c0_i32_0 = arith.constant 0 : i32
    return %arg0, %c0_i32 : i32, i32
  }
}

module attributes {stable_mosaic.version = 14 : i64} {
  func.func @_tc_last_body(%arg0: i32, %arg1: memref<1024x128xf32, #tpu.memory_space<vmem>>, %arg2: memref<1024x128xf32, #tpu.memory_space<vmem>>, %arg3: memref<1024x128xf32, #tpu.memory_space<vmem>>, %arg4: memref<1024x128xf32, #tpu.memory_space<vmem>>, %arg5: memref<1x128xf32, #tpu.memory_space<vmem>>, %arg6: memref<128x1xf32, #tpu.memory_space<vmem>>, %arg7: memref<1x1xf32, #tpu.memory_space<vmem>>, %arg8: memref<1024x1xf32, #tpu.memory_space<vmem>>) attributes {dimension_semantics = [#tpu.dimension_semantics<arbitrary>], iteration_bounds = array<i64: 10>, scalar_prefetch = 0 : i64, scratch_operands = 0 : i64, tpu.core_type = #tpu.core_type<tc>, window_params = [{transform_indices = @transform_0, window_bounds = array<i64: 1024, 128>}, {transform_indices = @transform_1, window_bounds = array<i64: 1024, 128>}, {transform_indices = @transform_2, window_bounds = array<i64: 1024, 128>}, {transform_indices = @transform_3, window_bounds = array<i64: 1024, 128>}, {pipeline_mode = #tpu.pipeline_mode<synchronous>, transform_indices = @transform_4, window_bounds = array<i64: 1, 128>}, {pipeline_mode = #tpu.pipeline_mode<synchronous>, transform_indices = @transform_5, window_bounds = array<i64: 128, 1>}, {pipeline_mode = #tpu.pipeline_mode<synchronous>, transform_indices = @transform_6, window_bounds = array<i64: 1, 1>}, {transform_indices = @transform_7, window_bounds = array<i64: 1024, 1>}]} {
    %get3A = arith.constant 0 : index
    %get3A_0 = arith.constant 0 : index
    %get3A_1 = vector.load %arg4[%get3A, %get3A_0] : memref<1024x128xf32, #tpu.memory_space<vmem>>, vector<1024x128xf32>
    %get3A_2 = arith.constant 0 : index
    %get3A_3 = arith.constant 0 : index
    %get3A_4 = vector.load %arg1[%get3A_2, %get3A_3] : memref<1024x128xf32, #tpu.memory_space<vmem>>, vector<1024x128xf32>
    %get3A_5 = arith.constant 0 : index
    %get3A_6 = arith.constant 0 : index
    %get3A_7 = vector.load %arg2[%get3A_5, %get3A_6] : memref<1024x128xf32, #tpu.memory_space<vmem>>, vector<1024x128xf32>
    %add3A = arith.addf %get3A_4, %get3A_7 : vector<1024x128xf32>
    %get3A_8 = arith.constant 0 : index
    %get3A_9 = arith.constant 0 : index
    %get3A_10 = vector.load %arg3[%get3A_8, %get3A_9] : memref<1024x128xf32, #tpu.memory_space<vmem>>, vector<1024x128xf32>
    %add3A_11 = arith.addf %add3A, %get3A_10 : vector<1024x128xf32>
    %mul3A = arith.mulf %get3A_1, %add3A_11 : vector<1024x128xf32>
    %get3A_12 = arith.constant 0 : index
    %get3A_13 = arith.constant 0 : index
    %get3A_14 = vector.load %arg5[%get3A_12, %get3A_13] : memref<1x128xf32, #tpu.memory_space<vmem>>, vector<1x128xf32>
    %add3A_15 = vector.broadcast %get3A_14 : vector<1x128xf32> to vector<1024x128xf32>
    %add3A_16 = arith.addf %mul3A, %add3A_15 : vector<1024x128xf32>
    %max3A = arith.constant 0.000000e+00 : f32
    %max3A_17 = vector.broadcast %max3A : f32 to vector<1024x128xf32>
    %max3A_18 = arith.maximumf %add3A_16, %max3A_17 : vector<1024x128xf32>
    %get3A_19 = arith.constant 0 : index
    %get3A_20 = arith.constant 0 : index
    %get3A_21 = vector.load %arg6[%get3A_19, %get3A_20] : memref<128x1xf32, #tpu.memory_space<vmem>>, vector<128x1xf32>
    %dot_general3A = arith.constant dense<0.000000e+00> : vector<1024x1xf32>
    %dot_general3A_22 = tpu.matmul %max3A_18, %get3A_21, %dot_general3A {dimension_numbers = #tpu.dot_dimension_numbers<[1], [0], [0], [1], [0, 0, 1, 1], [], []>, transpose_lhs_hint = false} : vector<1024x128xf32>, vector<128x1xf32>, vector<1024x1xf32> -> vector<1024x1xf32>
    %get3A_23 = arith.constant 0 : index
    %get3A_24 = arith.constant 0 : index
    %get3A_25 = vector.load %arg7[%get3A_23, %get3A_24] : memref<1x1xf32, #tpu.memory_space<vmem>>, vector<1x1xf32>
    %add3A_26 = vector.broadcast %get3A_25 : vector<1x1xf32> to vector<1024x1xf32>
    %add3A_27 = arith.addf %dot_general3A_22, %add3A_26 : vector<1024x1xf32>
    %logistic3A = arith.negf %add3A_27 : vector<1024x1xf32>
    %logistic3A_28 = math.exp %logistic3A : vector<1024x1xf32>
    %logistic3A_29 = arith.constant 1.000000e+00 : f32
    %logistic3A_30 = vector.broadcast %logistic3A_29 : f32 to vector<1024x1xf32>
    %logistic3A_31 = arith.addf %logistic3A_30, %logistic3A_28 : vector<1024x1xf32>
    %logistic3A_32 = arith.divf %logistic3A_30, %logistic3A_31 : vector<1024x1xf32>
    %swap3A = arith.constant 0 : index
    %swap3A_33 = arith.constant 0 : index
    %swap3A_34 = vector.load %arg8[%swap3A, %swap3A_33] : memref<1024x1xf32, #tpu.memory_space<vmem>>, vector<1024x1xf32>
    tpu.vector_store %arg8[%swap3A, %swap3A_33], %logistic3A_32 {strides = array<i32>} : memref<1024x1xf32, #tpu.memory_space<vmem>>, vector<1024x1xf32>,
    return
  }
  func.func @transform_0(%arg0: i32) -> (i32, i32) {
    %c0_i32 = arith.constant 0 : i32
    %c0_i32_0 = arith.constant 0 : i32
    return %arg0, %c0_i32 : i32, i32
  }
  func.func @transform_1(%arg0: i32) -> (i32, i32) {
    %add3A = arith.constant 10 : i32
    %add3A_0 = arith.addi %arg0, %add3A : i32
    %c0_i32 = arith.constant 0 : i32
    %c0_i32_1 = arith.constant 0 : i32
    return %add3A_0, %c0_i32 : i32, i32
  }
  func.func @transform_2(%arg0: i32) -> (i32, i32) {
    %c0_i32 = arith.constant 0 : i32
    %c0_i32_0 = arith.constant 0 : i32
    return %arg0, %c0_i32 : i32, i32
  }
  func.func @transform_3(%arg0: i32) -> (i32, i32) {
    %c0_i32 = arith.constant 0 : i32
    %c0_i32_0 = arith.constant 0 : i32
    return %arg0, %c0_i32 : i32, i32
  }
  func.func @transform_4(%arg0: i32) -> (i32, i32) {
    %c0_i32 = arith.constant 0 : i32
    %c0_i32_0 = arith.constant 0 : i32
    %c0_i32_1 = arith.constant 0 : i32
    return %c0_i32, %c0_i32_0 : i32, i32
  }
  func.func @transform_5(%arg0: i32) -> (i32, i32) {
    %c0_i32 = arith.constant 0 : i32
    %c0_i32_0 = arith.constant 0 : i32
    %c0_i32_1 = arith.constant 0 : i32
    return %c0_i32, %c0_i32_0 : i32, i32
  }
  func.func @transform_6(%arg0: i32) -> (i32, i32) {
    %c0_i32 = arith.constant 0 : i32
    %c0_i32_0 = arith.constant 0 : i32
    %c0_i32_1 = arith.constant 0 : i32
    return %c0_i32, %c0_i32_0 : i32, i32
  }
  func.func @transform_7(%arg0: i32) -> (i32, i32) {
    %c0_i32 = arith.constant 0 : i32
    %c0_i32_0 = arith.constant 0 : i32
    return %arg0, %c0_i32 : i32, i32
  }
}

</mosaic_0001>

<sc_bundles>
// kernel: kernel.10.cloned.1.call-start
scs
__scs_entry_jumppad:
0x0: {  	(pc) =	sbr.rel $0x88, $3  }
0x1: {  	(tag) =	ssettag $0x0;
	lr =	simm.s32 $0x1  }
0x2: {  	[smem:$0x3F97] =	sst lr;
	_ =	strace $0xD0000000  }
0x3: {  	_ = 	snop  }
0x4: {  	_ = 	snop  }
0x5: {  	_ = 	snop  }
0x6: {  	_ = 	snop  }
0x7: {  	_ = 	snop  }
__scs_overlays_trampoline_lowered:
0x8: {  	[smem:$0x3FA6] =	sst s0  }
0x9: {  	[smem:$0x3FA7] =	sst s1  }
0xa: {  	[smem:$0x3FA8] =	sst s2  }
0xb: {  	[smem:$0x3FA9] =	sst s3  }
0xc: {  	[smem:$0x3FAA] =	sst s4  }
0xd: {  	[smem:$0x3FAB] =	sst s5  }
0xe: {  	[smem:$0x3FAC] =	sst s6  }
0xf: {  	[smem:$0x3FAD] =	sst s7  }
0x10: {  	[smem:$0x3FAE] =	sst s8  }
0x11: {  	[smem:$0x3FAF] =	sst s9;
	s0 =	simm.s32 @!p0 $0x0  }
0x12: {  	s1 =	sld [smem:$0x3F95];
	s0 =	simm.s32 @p0 $0x1  }
0x13: {  	[smem:$0x3FB0] =	sst s0;
	s0 =	simm.s32 @!p1 $0x0  }
0x14: {  	s2 =	sld [smem:$0x3F94];
	s0 =	simm.s32 @p1 $0x1  }
0x15: {  	[smem:$0x3FB1] =	sst s0;
	s0 =	simm.s32 @!p2 $0x0  }
0x16: {  	s3 =	sld [smem:$0x3FDB];
	s0 =	simm.s32 @p2 $0x1  }
0x17: {  	s4 =	simm.s32 $0x1BF5;
	[smem:$0x3FB3] =	sst s0  }
0x18: {  	s0 =	sld [smem:$0x3F96];
	_ =	swait.ge [sflag:s4], $0x0  }
0x19: {  	s7 =	sld [smem:$0x3F97]  }
0x1a: {  	s8 =	sadd.s32 $0xFFFFE003, lr  }
0x1b: {  	s9 =	sadd.s32 $0xFFFFFEF7, lr;
	s5 =	simm.s32 $0xFFFFFFFF;
	p2 =	slt.u32 s8, $0xFFFFF086  }
0x1c: {  	p1 =	slt.u32 s9, $0xF7A;
	s5 =	simm.s32 @!p2 $0x0  }
0x1d: {  	s5 =	simm.s32 @p1 $0x1;
	p0 =	seq.s32 s7, s2  }
0x1e: {  	s7 =	smul.u32 @!p0 $0xF7A, s2;
	p2 =	seq.s32 @!p0 s5, $0x0  }
0x1f: {  	s9 =	smul.u32 $0xF7A, s1;
	s8 =	simm.s32 @!p0 $0x1BF5;
	p2 =	por !p2, p0  }
0x20: {  	[sflag:s8] =	ssyncset.s32 @!p0 $0xFFFFF086;
	s6 =	sadd.s32 @!p0 s3, s7;
	s7 =	simm.s32 @!p0 $0x108  }
0x21: {  	s3 =	sadd.s32 s3, s9;
	s6 =	sadd.s32 @!p0 $0x88, s6;
	s7 =	simm.s32 @p2 $0x1082  }
0x22: {  	[simem:s7], [sflag:s8] =	dma.local @!p0 [hbm:s6], $0xF7A  }
0x23: {  	s9 =	sor.u32 $0xD0000000, s2;
	s6 =	simm.s32 $0x108;
	_ =	swait.ge @!p0 [sflag:s8], $0x0  }
0x24: {  	s3 =	sadd.s32 $0x88, s3;
	s6 =	simm.s32 @!p1 $0x1082;
	[sflag:s4] =	ssyncset.s32 $0xFFFFF086  }
0x25: {  	[simem:s6], [sflag:s4] =	dma.local [hbm:s3], $0xF7A  }
0x26: {  	[smem:$0x3F97] =	sst s1;
	(tag) =	ssettag s2;
	_ =	strace s9  }
0x27: {  	s1 =	sld [smem:$0x3FA7]  }
0x28: {  	s2 =	sld [smem:$0x3FA8]  }
0x29: {  	s4 =	sld [smem:$0x3FAA]  }
0x2a: {  	p0 =	seq.s32 s5, $0x0;
	s5 =	sld [smem:$0x3FAB]  }
0x2b: {  	s6 =	sld [smem:$0x3FAC]  }
0x2c: {  	s7 =	sld [smem:$0x3FAD]  }
0x2d: {  	s3 =	simm.s32 $0x108;
	s8 =	sld [smem:$0x3FAE]  }
0x2e: {  	s3 =	simm.s32 @!p0 $0x1082;
	s9 =	sld [smem:$0x3FAF]  }
0x2f: {  	lr =	sadd.s32 s0, s3;
	s0 =	sld [smem:$0x3FA6]  }
0x30: {  	s3 =	sld [smem:$0x3FA9]  }
0x31: {  	[smem:$0x3FB2] =	sst s10  }
0x32: {  	s10 =	sld [smem:$0x3FB0];
	_ =	sdelay $0x3  }
0x33: {  	p0 =	seq.s32 s10, $0x1;
	s10 =	sld [smem:$0x3FB2];
	_ =	sdelay $0x3  }
0x34: {  	[smem:$0x3FB2] =	sst s10  }
0x35: {  	s10 =	sld [smem:$0x3FB1];
	_ =	sdelay $0x3  }
0x36: {  	p1 =	seq.s32 s10, $0x1;
	s10 =	sld [smem:$0x3FB2];
	_ =	sdelay $0x3  }
0x37: {  	[smem:$0x3FB2] =	sst s10  }
0x38: {  	s10 =	sld [smem:$0x3FB3]  }
0x39: {  	_ = 	snop;
	(pc) =	sbr.ind lr, $3  }
0x3a: {  	_ = 	snop  }
0x3b: {  	_ = 	snop  }
0x3c: {  	p2 =	seq.s32 s10, $0x1;
	s10 =	sld [smem:$0x3FB2]  }
0x3d: {  	_ =	shalt  }
0x3e: {  	_ =	shalt  }
0x3f: {  	_ =	shalt  }
0x40: {  	_ =	shalt  }
0x41: {  	_ =	shalt  }
0x42: {  	_ =	shalt  }
0x43: {  	_ =	shalt  }
0x44: {  	_ =	shalt  }
0x45: {  	_ =	shalt  }
0x46: {  	_ =	shalt  }
0x47: {  	_ =	shalt  }
0x48: {  	_ =	shalt  }
0x49: {  	_ =	shalt  }
0x4a: {  	_ =	shalt  }
0x4b: {  	_ =	shalt  }
0x4c: {  	_ =	shalt  }
0x4d: {  	_ =	shalt  }
0x4e: {  	_ =	shalt  }
0x4f: {  	_ =	shalt  }
0x50: {  	_ =	shalt  }
0x51: {  	_ =	shalt  }
0x52: {  	_ =	shalt  }
0x53: {  	_ =	shalt  }
0x54: {  	_ =	shalt  }
0x55: {  	_ =	shalt  }
0x56: {  	_ =	shalt  }
0x57: {  	_ =	shalt  }
0x58: {  	_ =	shalt  }
0x59: {  	_ =	shalt  }
0x5a: {  	_ =	shalt  }
0x5b: {  	_ =	shalt  }
0x5c: {  	_ =	shalt  }
0x5d: {  	_ =	shalt  }
0x5e: {  	_ =	shalt  }
0x5f: {  	_ =	shalt  }
0x60: {  	_ =	shalt  }
0x61: {  	_ =	shalt  }
0x62: {  	_ =	shalt  }
0x63: {  	_ =	shalt  }
0x64: {  	_ =	shalt  }
0x65: {  	_ =	shalt  }
0x66: {  	_ =	shalt  }
0x67: {  	_ =	shalt  }
0x68: {  	_ =	shalt  }
0x69: {  	_ =	shalt  }
0x6a: {  	_ =	shalt  }
0x6b: {  	_ =	shalt  }
0x6c: {  	_ =	shalt  }
0x6d: {  	_ =	shalt  }
0x6e: {  	_ =	shalt  }
0x6f: {  	_ =	shalt  }
0x70: {  	_ =	shalt  }
0x71: {  	_ =	shalt  }
0x72: {  	_ =	shalt  }
0x73: {  	_ =	shalt  }
0x74: {  	_ =	shalt  }
0x75: {  	_ =	shalt  }
0x76: {  	_ =	shalt  }
0x77: {  	_ =	shalt  }
0x78: {  	_ =	shalt  }
0x79: {  	_ =	shalt  }
0x7a: {  	_ =	shalt  }
0x7b: {  	_ =	shalt  }
0x7c: {  	_ =	shalt  }
0x7d: {  	_ =	shalt  }
0x7e: {  	_ =	shalt  }
0x7f: {  	_ =	shalt  }
0x80: {  	_ =	shalt  }
0x81: {  	_ =	shalt  }
0x82: {  	_ =	shalt  }
0x83: {  	_ =	shalt  }
0x84: {  	_ =	shalt  }
0x85: {  	_ =	shalt  }
0x86: {  	_ =	shalt  }
0x87: {  	_ =	shalt  }
.Lfunc_end0:
.L_simem_size_0:
called_computation_lowered:
.L_overlay_start_0:
0x88: {  	s2 =	sld [smem:$0x3FD9]  }
0x89: {  	s3 =	sld [smem:$0x3FFE];
	_ =	sdelay $0x1  }
0x8a: {  	s1 =	srdreg.scid  }
0x8b: {  	s0 =	sand.u32 $0x1, s1  }
0x8c: {  	s16 =	sshll.u32 s0, $0xA;
	s2 =	sadd.s32 s3, s2  }
0x8d: {  	s2 =	sadd.s32 s2, s16  }
0x8e: {  	[smem:$0x3FBE] =	sst s2  }
0x8f: {  	_ = 	snop  }
0x90: {  	(tm) =	ssettm $0x1  }
0x91: {  	s17 =	sld [smem:$0x3FFB];
	_ =	sdelay $0x3  }
0x92: {  	_ =	strace s17  }
0x93: {  	s2 =	sld [smem:$0x3FFC];
	_ =	sdelay $0x3  }
0x94: {  	_ =	strace s2  }
0x95: {  	s2 =	sld [smem:$0x3FFD];
	_ =	sdelay $0x3  }
0x96: {  	_ =	strace s2  }
0x97: {  	_ =	strace $0x8FFFFFFF  }
0x98: {  	s18 =	sld [smem:$0x3FDB];
	_ =	sdelay $0x1  }
0x99: {  	s19 =	simm.s32 $_scs_section_size  }
0x9a: {  	s4 =	simm.s32 $_size__tile_overlayer_lowered;
	s5 =	simm.s32 $_tile_overlayer_lowered  }
0x9b: {  	s22 =	simm.s32 $0x1BFF;
	s21 =	sshll.u32 s5, $0x1;
	s2 =	sadd.s32 s19, s18  }
0x9c: {  	s6 =	simm.s32 $0x0;
	s20 =	sshll.u32 s4, $0x1;
	s4 =	sadd.s32 s21, s2  }
0x9d: {  	[timem:s6], [sflag:s22] =	dma.local [hbm:s4], s20  }
0x9e: {  	_ =	swait.ge [sflag:s22], s20  }
0x9f: {  	s3 =	ssub.s32 $0x0, s20;
	[sflag:s22] =	ssyncset.done $0x0  }
0xa0: {  	[sflag:s22] =	ssyncadd.s32 s3;
	_ =	sdelay $0x1  }
0xa1: {  	s23 =	simm.s32 $0x1B8B  }
0xa2: {  	_ =	swait.ge [sflag:s23], $0x1  }
0xa3: {  	[sflag:s23] =	ssyncset.done $0x0  }
0xa4: {  	s25 =	simm.s32 $0x1B8E;
	s24 =	sld [smem:$0x3FFE];
	[sflag:s23] =	ssyncadd.s32 $0xFFFFFFFF  }
0xa5: {  	s26 =	simm.s32 $execute0_lowered;
	[smem:$0x3FD2] =	sst s25  }
0xa6: {  	s4 =	sshll.u32 s26, $0x1;
	_ =	strace $0x80000046;
	[dreg:$0x1] =	wrdreg $0xFFFFFFFF  }
0xa7: {  	s28 =	simm.s32 $_size_execute0_lowered;
	s2 =	sadd.s32 s2, s4;
	[dreg:$0x0] =	wrdreg $0x0  }
0xa8: {  	s4 =	sshll.u32 s28, $0x1;
	[dreg:$0x2] =	wrdreg s2  }
0xa9: {  	[dreg:$0x3] =	wrdreg s4  }
0xaa: {  	[dreg:$0x4] =	wrdreg $0xC0  }
0xab: {  	_ =	task [dreg:s6], $0x5FFFF  }
0xac: {  	[dreg:$0x1] =	wrdreg $0xFFFFFFFF  }
0xad: {  	[dreg:$0x0] =	wrdreg $0x60  }
0xae: {  	[dreg:$0x2] =	wrdreg s24  }
0xaf: {  	[dreg:$0x3] =	wrdreg $0x0  }
0xb0: {  	[dreg:$0x4] =	wrdreg $0x9  }
0xb1: {  	_ =	task.clear_ibuf [dreg:s6], $0x5FFFF;
	_ =	strace $0x90000046  }
0xb2: {  	s29 =	simm.s32 $0x9;
	_ =	strace $0x80000048  }
0xb3: {  	_ =	swait.ge [sflag:s29], $0x1  }
0xb4: {  	[sflag:s29] =	ssyncadd.s32 $0xFFFFFFFF  }
0xb5: {  	_ =	strace $0x90000048  }
0xb6: {  	_ =	sfence  }
0xb7: {  	s30 =	sld [smem:$0x0];
	_ =	sdelay $0x2  }
0xb8: {  	s31 =	sshll.u32 s1, $0xD;
	s1 =	sshrl.u32 s1, $0x2  }
0xb9: {  	s3 =	sand.u32 $0x4000, s31;
	s1 =	sadd.s32 s1, s30  }
0xba: {  	s0 =	sor.u32 s3, s0;
	s1 =	sshll.u32 s1, $0x11  }
0xbb: {  	s0 =	sor.u32 s1, s0  }
0xbc: {  	s0 =	sadd.s32 $0x8F2B, s0  }
0xbd: {  	[sflag:s0] =	ssyncadd.remote.s32 $0x1  }
0xbe: {  	_ =	sfence.sel $0xFFFF  }
0xbf: {  	[dreg:$0x0] =	wrdreg $0xFFFFFFFF;
	(pc) =	sbr.abs _section_cstart, $3  }
0xc0: {  	[dreg:$0x1] =	wrdreg $0xFFFFFFFF  }
0xc1: {  	_ =	task.clear_ibuf [dreg:s6], $0x2FFFF;
	_ =	strace $0x9FFFFFFF  }
0xc2: {  	(tm) =	ssettm $0x7FFFFFFF  }
0xc3: {  	_ =	shalt  }
tec
execute0_lowered:
.L_overlay_start_1:
0x0: {  	(tag) =	ssettag $0x1  }
0x1: {  	s5 =	rddreg [dreg:$0x0]  }
0x2: {  	s2 =	rddreg [dreg:$0x1]  }
0x3: {  	s0 =	rddreg [dreg:$0x2]  }
0x4: {  	s3 =	simm.s32 $0x0;
	s4 =	srdreg.scid;
	s1 =	stileid.u32  }
0x5: {  	s13 =	simm.s32 $0x14000;
	s14 =	simm.s32 $0x50;
	s15 =	simm.s32 $0x1  }
0x6: {  	s16 =	simm.s32 $0x2;
	s17 =	simm.s32 $0x0;
	s7 =	smul.u32 $0x2800, s1  }
0x7: {  	[smem:$0x7FF] =	sst s3;
	s6 =	sand.u32 $0x1, s4;
	s11 =	smul.u32 $0x50000, s1  }
0x8: {  	s30 =	sshll.u32 s1, $0xC;
	s31 =	sshll.u32 s1, $0x6;
	_ =	strace $0x80000047  }
0x9: {  	s4 =	sshll.u32 s6, $0xB;
	s8 =	smul.u32 $0x28000, s6;
	s6 =	ssub.s32 $0x2, s6  }
0xa: {  	s9 =	sadd.s32 s4, s5;
	s10 =	sadd.s32 s7, s5;
	s4 =	sadd.s32 $0x4EA00, s5  }
0xb: {  	s26 =	sshrl.u32 s6, $0x1;
	s28 =	sshrl.u32 s11, $0x2;
	s11 =	simm.s32 $0x3  }
0xc: {  	s7 =	sadd.s32 s7, s8;
	s29 =	ssub.s32 s6, s26;
	s12 =	sadd.s32 s28, s2  }
0xd: {  	s9 =	sadd.s32 s30, s9;
	s6 =	sor.u32 $0x1C03, s31;
	s8 =	sadd.s32 s7, s5  }
0xe: {  	s5 =	sadd.s32 $0x26A00, s10;
	s7 =	sadd.s32 $0x16A00, s9;
	s9 =	smax.u32 s29, $0x1  }
0xf: {  	s10 =	sshrl.u32 s12, $0x3;
	s12 =	simm.s32 $0x18000;
	s8 =	sadd.s32 $0x4F000, s8  }
.LBB2_1:
0x10: {  	[spmem:s10], [sflag:s6] =	dma.local [hbm:s5], $0x2800  }
0x11: {  	_ =	swait.ge [sflag:s11], $0x2800  }
0x12: {  	[sflag:s11] =	ssyncset.done $0x0  }
0x13: {  	[sflag:s11] =	ssyncadd.s32 $0xFFFFD800  }
0x14: {  	[tilespmem:s12], [sflag:$0x3] =	stream.linear.gather [hbm4b:s4+s3], $0x2800, $0x38;
	[tilespmem:$0x1A800] =	vst v63  }
0x15: {  	_ =	swait.ge [sflag:s11], $0x2800  }
0x16: {  	[sflag:s11] =	ssyncset.done $0x0  }
0x17: {  	[sflag:s11] =	ssyncadd.s32 $0xFFFFD800  }
0x18: {  	[tilespmem:s13], [sflag:$0x3] =	stream.linear.gather [hbm4b:s7+s3], $0x3E80, $0x38;
	[tilespmem:$0x1A800] =	vst v63  }
0x19: {  	_ =	swait.ge [sflag:s11], $0x3E80  }
0x1a: {  	[sflag:s11] =	ssyncset.done $0x0  }
0x1b: {  	[sflag:s11] =	ssyncadd.s32 $0xFFFFC180  }
0x1c: {  	[bflag:$0x0] =	sbarrier.arrive $0xFFFF  }
0x1d: {  	[spmem:s2] =	stream.indirect.scatter.add.f32 [tilespmem:s12], [sflag:$0x1], $0x80, s13, s14, $0xb8;
	[tilespmem:$0x1A800] =	vst v63  }
0x1e: {  	s18 =	simm.s32 $0x14080  }
0x1f: {  	[spmem:s2] =	stream.indirect.scatter.add.f32 [tilespmem:s12], [sflag:$0x2], $0x80, s18, s14, $0xb8;
	[tilespmem:$0x1A800] =	vst v63  }
0x20: {  	_ =	swait.ge [sflag:s15], $0x2800  }
0x21: {  	[sflag:s15] =	ssyncset.done $0x0  }
0x22: {  	s31 =	simm.s32 $0x14100;
	[sflag:s15] =	ssyncadd.s32 $0xFFFFD800  }
0x23: {  	[spmem:s2] =	stream.indirect.scatter.add.f32 [tilespmem:s12], [sflag:$0x1], $0x80, s31, s14, $0xb8;
	[tilespmem:$0x1A800] =	vst v63  }
0x24: {  	_ =	swait.ge [sflag:s16], $0x2800  }
0x25: {  	s19 =	simm.s32 $0xFFFF1000;
	s18 =	simm.s32 $0xFFFFC300;
	[sflag:s16] =	ssyncset.done $0x0  }
.LBB2_2:
0x26: {  	s20 =	sadd.s32 $0x17E80, s18  }
0x27: {  	[sflag:s16] =	ssyncadd.s32 $0xFFFFD800;
	s21 =	smov.u32 s19;
	s22 =	sadd.s32 $0x400, s19  }
0x28: {  	[spmem:s2] =	stream.indirect.scatter.add.f32 [tilespmem:s12], [sflag:$0x2], $0x80, s20, s14, $0xb8;
	[tilespmem:$0x1A800] =	vst v63  }
0x29: {  	p0 =	sne.s32 s19, $0xFFFFFC00;
	_ =	swait.ge [sflag:s15], $0x2800  }
.Ltmp0:
0x2a: {  	[sflag:s15] =	ssyncset.done $0x0;
	(pc) =	sbr.rel @p0 .LBB2_2-.Ltmp0, $4  }
0x2b: {  	s18 =	sadd.s32 $0x17F00, s18;
	[sflag:s15] =	ssyncadd.s32 $0xFFFFD800  }
0x2c: {  	[spmem:s2] =	stream.indirect.scatter.add.f32 [tilespmem:s12], [sflag:$0x1], $0x80, s18, s14, $0xb8;
	[tilespmem:$0x1A800] =	vst v63  }
0x2d: {  	_ =	swait.ge [sflag:s16], $0x2800  }
0x2e: {  	s19 =	smov.u32 s22;
	s18 =	sshra.s32 s21, $0x2;
	[sflag:s16] =	ssyncset.done $0x0  }
0x2f: {  	s19 =	sadd.s32 $0x17E80, s18;
	[sflag:s16] =	ssyncadd.s32 $0xFFFFD800  }
0x30: {  	[spmem:s2] =	stream.indirect.scatter.add.f32 [tilespmem:s12], [sflag:$0x2], $0x80, s19, s14, $0xb8;
	[tilespmem:$0x1A800] =	vst v63  }
0x31: {  	_ =	swait.ge [sflag:s15], $0x2800  }
0x32: {  	[sflag:s15] =	ssyncset.done $0x0  }
0x33: {  	s31 =	sadd.s32 $0x17F00, s18;
	[sflag:s15] =	ssyncadd.s32 $0xFFFFD800  }
0x34: {  	[spmem:s2] =	stream.indirect.scatter.add.f32 [tilespmem:s12], [sflag:$0x1], $0x80, s31, s14, $0xb8;
	[tilespmem:$0x1A800] =	vst v63  }
0x35: {  	_ =	swait.ge [sflag:s16], $0x2800  }
0x36: {  	[sflag:s16] =	ssyncset.done $0x0  }
0x37: {  	[sflag:s16] =	ssyncadd.s32 $0xFFFFD800  }
0x38: {  	_ =	swait.ge [sflag:s15], $0x2800  }
0x39: {  	s17 =	sadd.s32 $0x1, s17;
	[sflag:s15] =	ssyncset.done $0x0  }
0x3a: {  	p0 =	sne.s32 s17, s9;
	[sflag:s15] =	ssyncadd.s32 $0xFFFFD800  }
.Ltmp1:
0x3b: {  	[bflag:$0x0] =	sbarrier.arrive $0xFFFF;
	(pc) =	sbr.rel @p0 .LBB2_1-.Ltmp1, $4  }
0x3c: {  	[hbm:s8], [sflag:s6] =	dma.local [spmem:s10], $0x2800  }
0x3d: {  	_ =	swait.ge [sflag:s11], $0x2800  }
0x3e: {  	[sflag:s11] =	ssyncset.done $0x0  }
0x3f: {  	[sflag:s11] =	ssyncadd.s32 $0xFFFFD800  }
0x40: {  	_ =	sfence.sel $0x180000  }
0x41: {  	[bflag:$0x0] =	sbarrier.arrive $0xFFFF  }
0x42: {  	p0 =	sne.s32 s1, $0x0;
	_ =	strace $0x90000047  }
0x43: {  	s0 =	sadd.s32 @!p0 $0x100000, s0;
	[bflag:$0x2] =	sbarrier.arrive $0xFFFF  }
0x44: {  	[sflag:s0] =	ssyncadd.tile.s32 @!p0 $0x1;
	_ =	shalt  }
.Lfunc_end2:
_tile_overlayer_lowered:
.L_overlay_start_2:
0x45: {  	(tag) =	ssettag $0x2  }
0x46: {  	s0 =	rddreg [dreg:$0x0];
	s2 =	stileid.u32  }
0x47: {  	s1 =	rddreg [dreg:$0x1];
	p0 =	sne.s32 s2, $0x0  }
0x48: {  	s3 =	rddreg [dreg:$0x2];
	[bflag:$0x3] =	sbarrier.arrive $0xFFFF;
	s2 =	simm.s32 @!p0 $0x1C03  }
0x49: {  	[timem:s3], [sflag:s2] =	dma.local @!p0 [hbm:s0], s1  }
0x4a: {  	s0 =	simm.s32 @!p0 $0x3  }
0x4b: {  	_ =	swait.ge @!p0 [sflag:s0], s1  }
0x4c: {  	s1 =	ssub.s32 @!p0 $0x0, s1;
	[sflag:s0] =	ssyncset.done @!p0 $0x0  }
0x4d: {  	[sflag:s0] =	ssyncadd.s32 @!p0 s1  }
0x4e: {  	[bflag:$0x3] =	sbarrier.arrive $0xFFFF  }
0x4f: {  	_ =	shalt  }

// kernel: kernel.13.cloned.1.call-start
scs
__scs_entry_jumppad:
0x0: {  	(pc) =	sbr.rel $0x88, $3  }
0x1: {  	(tag) =	ssettag $0x0;
	lr =	simm.s32 $0x1  }
0x2: {  	[smem:$0x3F97] =	sst lr;
	_ =	strace $0xD0000000  }
0x3: {  	_ = 	snop  }
0x4: {  	_ = 	snop  }
0x5: {  	_ = 	snop  }
0x6: {  	_ = 	snop  }
0x7: {  	_ = 	snop  }
__scs_overlays_trampoline_lowered:
0x8: {  	[smem:$0x3FA6] =	sst s0  }
0x9: {  	[smem:$0x3FA7] =	sst s1  }
0xa: {  	[smem:$0x3FA8] =	sst s2  }
0xb: {  	[smem:$0x3FA9] =	sst s3  }
0xc: {  	[smem:$0x3FAA] =	sst s4  }
0xd: {  	[smem:$0x3FAB] =	sst s5  }
0xe: {  	[smem:$0x3FAC] =	sst s6  }
0xf: {  	[smem:$0x3FAD] =	sst s7  }
0x10: {  	[smem:$0x3FAE] =	sst s8  }
0x11: {  	[smem:$0x3FAF] =	sst s9;
	s0 =	simm.s32 @!p0 $0x0  }
0x12: {  	s1 =	sld [smem:$0x3F95];
	s0 =	simm.s32 @p0 $0x1  }
0x13: {  	[smem:$0x3FB0] =	sst s0;
	s0 =	simm.s32 @!p1 $0x0  }
0x14: {  	s2 =	sld [smem:$0x3F94];
	s0 =	simm.s32 @p1 $0x1  }
0x15: {  	[smem:$0x3FB1] =	sst s0;
	s0 =	simm.s32 @!p2 $0x0  }
0x16: {  	s3 =	sld [smem:$0x3FDB];
	s0 =	simm.s32 @p2 $0x1  }
0x17: {  	s4 =	simm.s32 $0x1BF5;
	[smem:$0x3FB3] =	sst s0  }
0x18: {  	s0 =	sld [smem:$0x3F96];
	_ =	swait.ge [sflag:s4], $0x0  }
0x19: {  	s7 =	sld [smem:$0x3F97]  }
0x1a: {  	s8 =	sadd.s32 $0xFFFFE003, lr  }
0x1b: {  	s9 =	sadd.s32 $0xFFFFFEF7, lr;
	s5 =	simm.s32 $0xFFFFFFFF;
	p2 =	slt.u32 s8, $0xFFFFF086  }
0x1c: {  	p1 =	slt.u32 s9, $0xF7A;
	s5 =	simm.s32 @!p2 $0x0  }
0x1d: {  	s5 =	simm.s32 @p1 $0x1;
	p0 =	seq.s32 s7, s2  }
0x1e: {  	s7 =	smul.u32 @!p0 $0xF7A, s2;
	p2 =	seq.s32 @!p0 s5, $0x0  }
0x1f: {  	s9 =	smul.u32 $0xF7A, s1;
	s8 =	simm.s32 @!p0 $0x1BF5;
	p2 =	por !p2, p0  }
0x20: {  	[sflag:s8] =	ssyncset.s32 @!p0 $0xFFFFF086;
	s6 =	sadd.s32 @!p0 s3, s7;
	s7 =	simm.s32 @!p0 $0x108  }
0x21: {  	s3 =	sadd.s32 s3, s9;
	s6 =	sadd.s32 @!p0 $0x88, s6;
	s7 =	simm.s32 @p2 $0x1082  }
0x22: {  	[simem:s7], [sflag:s8] =	dma.local @!p0 [hbm:s6], $0xF7A  }
0x23: {  	s9 =	sor.u32 $0xD0000000, s2;
	s6 =	simm.s32 $0x108;
	_ =	swait.ge @!p0 [sflag:s8], $0x0  }
0x24: {  	s3 =	sadd.s32 $0x88, s3;
	s6 =	simm.s32 @!p1 $0x1082;
	[sflag:s4] =	ssyncset.s32 $0xFFFFF086  }
0x25: {  	[simem:s6], [sflag:s4] =	dma.local [hbm:s3], $0xF7A  }
0x26: {  	[smem:$0x3F97] =	sst s1;
	(tag) =	ssettag s2;
	_ =	strace s9  }
0x27: {  	s1 =	sld [smem:$0x3FA7]  }
0x28: {  	s2 =	sld [smem:$0x3FA8]  }
0x29: {  	s4 =	sld [smem:$0x3FAA]  }
0x2a: {  	p0 =	seq.s32 s5, $0x0;
	s5 =	sld [smem:$0x3FAB]  }
0x2b: {  	s6 =	sld [smem:$0x3FAC]  }
0x2c: {  	s7 =	sld [smem:$0x3FAD]  }
0x2d: {  	s3 =	simm.s32 $0x108;
	s8 =	sld [smem:$0x3FAE]  }
0x2e: {  	s3 =	simm.s32 @!p0 $0x1082;
	s9 =	sld [smem:$0x3FAF]  }
0x2f: {  	lr =	sadd.s32 s0, s3;
	s0 =	sld [smem:$0x3FA6]  }
0x30: {  	s3 =	sld [smem:$0x3FA9]  }
0x31: {  	[smem:$0x3FB2] =	sst s10  }
0x32: {  	s10 =	sld [smem:$0x3FB0];
	_ =	sdelay $0x3  }
0x33: {  	p0 =	seq.s32 s10, $0x1;
	s10 =	sld [smem:$0x3FB2];
	_ =	sdelay $0x3  }
0x34: {  	[smem:$0x3FB2] =	sst s10  }
0x35: {  	s10 =	sld [smem:$0x3FB1];
	_ =	sdelay $0x3  }
0x36: {  	p1 =	seq.s32 s10, $0x1;
	s10 =	sld [smem:$0x3FB2];
	_ =	sdelay $0x3  }
0x37: {  	[smem:$0x3FB2] =	sst s10  }
0x38: {  	s10 =	sld [smem:$0x3FB3]  }
0x39: {  	_ = 	snop;
	(pc) =	sbr.ind lr, $3  }
0x3a: {  	_ = 	snop  }
0x3b: {  	_ = 	snop  }
0x3c: {  	p2 =	seq.s32 s10, $0x1;
	s10 =	sld [smem:$0x3FB2]  }
0x3d: {  	_ =	shalt  }
0x3e: {  	_ =	shalt  }
0x3f: {  	_ =	shalt  }
0x40: {  	_ =	shalt  }
0x41: {  	_ =	shalt  }
0x42: {  	_ =	shalt  }
0x43: {  	_ =	shalt  }
0x44: {  	_ =	shalt  }
0x45: {  	_ =	shalt  }
0x46: {  	_ =	shalt  }
0x47: {  	_ =	shalt  }
0x48: {  	_ =	shalt  }
0x49: {  	_ =	shalt  }
0x4a: {  	_ =	shalt  }
0x4b: {  	_ =	shalt  }
0x4c: {  	_ =	shalt  }
0x4d: {  	_ =	shalt  }
0x4e: {  	_ =	shalt  }
0x4f: {  	_ =	shalt  }
0x50: {  	_ =	shalt  }
0x51: {  	_ =	shalt  }
0x52: {  	_ =	shalt  }
0x53: {  	_ =	shalt  }
0x54: {  	_ =	shalt  }
0x55: {  	_ =	shalt  }
0x56: {  	_ =	shalt  }
0x57: {  	_ =	shalt  }
0x58: {  	_ =	shalt  }
0x59: {  	_ =	shalt  }
0x5a: {  	_ =	shalt  }
0x5b: {  	_ =	shalt  }
0x5c: {  	_ =	shalt  }
0x5d: {  	_ =	shalt  }
0x5e: {  	_ =	shalt  }
0x5f: {  	_ =	shalt  }
0x60: {  	_ =	shalt  }
0x61: {  	_ =	shalt  }
0x62: {  	_ =	shalt  }
0x63: {  	_ =	shalt  }
0x64: {  	_ =	shalt  }
0x65: {  	_ =	shalt  }
0x66: {  	_ =	shalt  }
0x67: {  	_ =	shalt  }
0x68: {  	_ =	shalt  }
0x69: {  	_ =	shalt  }
0x6a: {  	_ =	shalt  }
0x6b: {  	_ =	shalt  }
0x6c: {  	_ =	shalt  }
0x6d: {  	_ =	shalt  }
0x6e: {  	_ =	shalt  }
0x6f: {  	_ =	shalt  }
0x70: {  	_ =	shalt  }
0x71: {  	_ =	shalt  }
0x72: {  	_ =	shalt  }
0x73: {  	_ =	shalt  }
0x74: {  	_ =	shalt  }
0x75: {  	_ =	shalt  }
0x76: {  	_ =	shalt  }
0x77: {  	_ =	shalt  }
0x78: {  	_ =	shalt  }
0x79: {  	_ =	shalt  }
0x7a: {  	_ =	shalt  }
0x7b: {  	_ =	shalt  }
0x7c: {  	_ =	shalt  }
0x7d: {  	_ =	shalt  }
0x7e: {  	_ =	shalt  }
0x7f: {  	_ =	shalt  }
0x80: {  	_ =	shalt  }
0x81: {  	_ =	shalt  }
0x82: {  	_ =	shalt  }
0x83: {  	_ =	shalt  }
0x84: {  	_ =	shalt  }
0x85: {  	_ =	shalt  }
0x86: {  	_ =	shalt  }
0x87: {  	_ =	shalt  }
.Lfunc_end0:
.L_simem_size_0:
called_computation.1_lowered:
.L_overlay_start_0:
0x88: {  	s2 =	sld [smem:$0x3FD9]  }
0x89: {  	s3 =	sld [smem:$0x3FFE];
	_ =	sdelay $0x1  }
0x8a: {  	s1 =	srdreg.scid  }
0x8b: {  	s0 =	sand.u32 $0x1, s1  }
0x8c: {  	s16 =	sshll.u32 s0, $0xA;
	s2 =	sadd.s32 s3, s2  }
0x8d: {  	s2 =	sadd.s32 s2, s16  }
0x8e: {  	[smem:$0x3FBE] =	sst s2  }
0x8f: {  	_ = 	snop  }
0x90: {  	(tm) =	ssettm $0x1  }
0x91: {  	s17 =	sld [smem:$0x3FFB];
	_ =	sdelay $0x3  }
0x92: {  	_ =	strace s17  }
0x93: {  	s2 =	sld [smem:$0x3FFC];
	_ =	sdelay $0x3  }
0x94: {  	_ =	strace s2  }
0x95: {  	s2 =	sld [smem:$0x3FFD];
	_ =	sdelay $0x3  }
0x96: {  	_ =	strace s2  }
0x97: {  	_ =	strace $0x8FFFFFFF  }
0x98: {  	s18 =	sld [smem:$0x3FDB];
	_ =	sdelay $0x1  }
0x99: {  	s19 =	simm.s32 $_scs_section_size  }
0x9a: {  	s4 =	simm.s32 $_size__tile_overlayer_lowered;
	s5 =	simm.s32 $_tile_overlayer_lowered  }
0x9b: {  	s22 =	simm.s32 $0x1BFF;
	s21 =	sshll.u32 s5, $0x1;
	s2 =	sadd.s32 s19, s18  }
0x9c: {  	s6 =	simm.s32 $0x0;
	s20 =	sshll.u32 s4, $0x1;
	s4 =	sadd.s32 s21, s2  }
0x9d: {  	[timem:s6], [sflag:s22] =	dma.local [hbm:s4], s20  }
0x9e: {  	_ =	swait.ge [sflag:s22], s20  }
0x9f: {  	s3 =	ssub.s32 $0x0, s20;
	[sflag:s22] =	ssyncset.done $0x0  }
0xa0: {  	[sflag:s22] =	ssyncadd.s32 s3;
	_ =	sdelay $0x1  }
0xa1: {  	s23 =	simm.s32 $0x1B8B  }
0xa2: {  	_ =	swait.ge [sflag:s23], $0x1  }
0xa3: {  	[sflag:s23] =	ssyncset.done $0x0  }
0xa4: {  	s25 =	simm.s32 $0x1B8E;
	s24 =	sld [smem:$0x3FFE];
	[sflag:s23] =	ssyncadd.s32 $0xFFFFFFFF  }
0xa5: {  	s26 =	simm.s32 $execute0_lowered;
	[smem:$0x3FD2] =	sst s25  }
0xa6: {  	s4 =	sshll.u32 s26, $0x1;
	_ =	strace $0x80000049;
	[dreg:$0x1] =	wrdreg $0xFFFFFFFF  }
0xa7: {  	s28 =	simm.s32 $_size_execute0_lowered;
	s2 =	sadd.s32 s2, s4;
	[dreg:$0x0] =	wrdreg $0x0  }
0xa8: {  	s4 =	sshll.u32 s28, $0x1;
	[dreg:$0x2] =	wrdreg s2  }
0xa9: {  	[dreg:$0x3] =	wrdreg s4  }
0xaa: {  	[dreg:$0x4] =	wrdreg $0xC0  }
0xab: {  	_ =	task [dreg:s6], $0x5FFFF  }
0xac: {  	[dreg:$0x1] =	wrdreg $0xFFFFFFFF  }
0xad: {  	[dreg:$0x0] =	wrdreg $0x60  }
0xae: {  	[dreg:$0x2] =	wrdreg s24  }
0xaf: {  	[dreg:$0x3] =	wrdreg $0x0  }
0xb0: {  	[dreg:$0x4] =	wrdreg $0x9  }
0xb1: {  	_ =	task.clear_ibuf [dreg:s6], $0x5FFFF;
	_ =	strace $0x90000049  }
0xb2: {  	s29 =	simm.s32 $0x9;
	_ =	strace $0x8000004B  }
0xb3: {  	_ =	swait.ge [sflag:s29], $0x1  }
0xb4: {  	[sflag:s29] =	ssyncadd.s32 $0xFFFFFFFF  }
0xb5: {  	_ =	strace $0x9000004B  }
0xb6: {  	_ =	sfence  }
0xb7: {  	s30 =	sld [smem:$0x0];
	_ =	sdelay $0x2  }
0xb8: {  	s31 =	sshll.u32 s1, $0xD;
	s1 =	sshrl.u32 s1, $0x2  }
0xb9: {  	s3 =	sand.u32 $0x4000, s31;
	s1 =	sadd.s32 s1, s30  }
0xba: {  	s0 =	sor.u32 s3, s0;
	s1 =	sshll.u32 s1, $0x11  }
0xbb: {  	s0 =	sor.u32 s1, s0  }
0xbc: {  	s0 =	sadd.s32 $0x8F2B, s0  }
0xbd: {  	[sflag:s0] =	ssyncadd.remote.s32 $0x1  }
0xbe: {  	_ =	sfence.sel $0xFFFF  }
0xbf: {  	[dreg:$0x0] =	wrdreg $0xFFFFFFFF;
	(pc) =	sbr.abs _section_cstart, $3  }
0xc0: {  	[dreg:$0x1] =	wrdreg $0xFFFFFFFF  }
0xc1: {  	_ =	task.clear_ibuf [dreg:s6], $0x2FFFF;
	_ =	strace $0x9FFFFFFF  }
0xc2: {  	(tm) =	ssettm $0x7FFFFFFF  }
0xc3: {  	_ =	shalt  }
tec
execute0_lowered:
.L_overlay_start_1:
0x0: {  	(tag) =	ssettag $0x1  }
0x1: {  	s0 =	rddreg [dreg:$0x0]  }
0x2: {  	s2 =	rddreg [dreg:$0x1]  }
0x3: {  	s5 =	stileid.u32;
	s1 =	srdreg.scid  }
0x4: {  	s3 =	simm.s32 $0x0;
	s28 =	simm.s32 $0x14280;
	s29 =	simm.s32 $0x14100  }
0x5: {  	s30 =	simm.s32 $0x14300;
	s31 =	simm.s32 $0x14180;
	s7 =	smul.u32 $0x2800, s5  }
0x6: {  	s1 =	sand.u32 $0x1, s1;
	[smem:$0x7FF] =	sst s3;
	s4 =	sadd.s32 $0x4EA00, s0  }
0x7: {  	s6 =	sadd.s32 $0x2E00, s0;
	s24 =	sadd.s32 $0xCC00, s0;
	s11 =	smul.u32 $0x50000, s5  }
0x8: {  	s10 =	sshll.u32 s5, $0x1;
	s13 =	sshll.u32 s5, $0x6;
	s14 =	smul.u32 $0x4E20, s5  }
0x9: {  	s8 =	smul.u32 $0x28000, s1;
	_ =	strace $0x8000004A;
	s23 =	ssub.s32 $0x2, s1  }
0xa: {  	s10 =	sor.u32 s1, s10;
	s20 =	sor.u32 $0x1C09, s13;
	s5 =	smov.u32 s6  }
0xb: {  	s1 =	smul.u32 $0x2710, s1;
	s9 =	sadd.s32 s7, s0;
	s25 =	sshrl.u32 s23, $0x1  }
0xc: {  	s26 =	smul.u32 $0x2710, s10;
	s12 =	sshrl.u32 s11, $0x2;
	[dreg:$0xb] =	wrdreg s20  }
0xd: {  	s7 =	sadd.s32 s7, s8;
	s10 =	sadd.s32 s12, s2;
	s9 =	sadd.s32 $0x26A00, s9  }
0xe: {  	s1 =	sadd.s32 s1, s14;
	s0 =	sadd.s32 s7, s0;
	[dreg:$0x9] =	wrdreg s10  }
0xf: {  	s7 =	ssub.s32 s23, s25;
	[dreg:$0xa] =	wrdreg s9;
	s8 =	sshrl.u32 s26, $0x3  }
0x10: {  	s25 =	sadd.s32 $0x230, s1;
	s13 =	sadd.s32 $0x1E0, s1;
	s6 =	sadd.s32 s6, s8  }
0x11: {  	s15 =	sadd.s32 $0xA, s8;
	s16 =	sadd.s32 s24, s8;
	[dreg:$0xc] =	wrdreg s6  }
0x12: {  	s18 =	sadd.s32 $0x14, s8;
	s0 =	sadd.s32 $0x76A00, s0;
	[dreg:$0xd] =	wrdreg s16  }
0x13: {  	s12 =	sshrl.u32 s25, $0x3;
	s25 =	smax.u32 s7, $0x1;
	[dreg:$0x16] =	wrdreg s0  }
0x14: {  	s23 =	sadd.s32 $0x1E, s8;
	s17 =	sadd.s32 s5, s15;
	[dreg:$0x17] =	wrdreg s25  }
0x15: {  	s8 =	sadd.s32 $0x4D8, s8;
	s19 =	sadd.s32 s24, s15;
	[dreg:$0xe] =	wrdreg s17  }
0x16: {  	s14 =	sshrl.u32 s13, $0x3;
	s21 =	sadd.s32 s5, s18;
	[dreg:$0xf] =	wrdreg s19  }
0x17: {  	s7 =	simm.s32 $0x50;
	s22 =	sadd.s32 s24, s18;
	[dreg:$0x10] =	wrdreg s21  }
0x18: {  	s13 =	simm.s32 $0x19400;
	s26 =	sadd.s32 s5, s23;
	[dreg:$0x11] =	wrdreg s22  }
0x19: {  	s11 =	sadd.s32 s24, s23;
	s10 =	sadd.s32 s12, s24;
	[dreg:$0x12] =	wrdreg s26  }
0x1a: {  	s9 =	sadd.s32 s12, s5;
	s15 =	sadd.s32 s14, s24;
	[dreg:$0x13] =	wrdreg s11  }
0x1b: {  	s16 =	sadd.s32 $0x190, s1;
	s0 =	simm.s32 $0x14380;
	[dreg:$0x3] =	wrdreg s10  }
0x1c: {  	s12 =	simm.s32 $0x3;
	s25 =	simm.s32 $0x14000;
	[dreg:$0x4] =	wrdreg s9  }
0x1d: {  	[dreg:$0x5] =	wrdreg s15;
	s17 =	sadd.s32 s14, s5;
	s18 =	sshrl.u32 s16, $0x3  }
0x1e: {  	s19 =	sadd.s32 s5, s8;
	s22 =	sadd.s32 s24, s8;
	s26 =	sadd.s32 $0x140, s1  }
0x1f: {  	s1 =	simm.s32 $0x1;
	s8 =	simm.s32 $0x14400;
	s10 =	simm.s32 $0x2  }
0x20: {  	s11 =	simm.s32 $0x16C00;
	s14 =	simm.s32 $0x5;
	[dreg:$0x14] =	wrdreg s19  }
0x21: {  	s15 =	simm.s32 $0x4;
	s16 =	simm.s32 $0x1BC00;
	[dreg:$0x6] =	wrdreg s17  }
0x22: {  	s9 =	simm.s32 $0x0;
	s21 =	sadd.s32 s18, s24;
	[dreg:$0x15] =	wrdreg s22  }
0x23: {  	s23 =	sadd.s32 s18, s5;
	[dreg:$0x18] =	wrdreg s26;
	s26 =	simm.s32 $0x14080  }
0x24: {  	s17 =	simm.s32 $0x6;
	s18 =	simm.s32 $0x7;
	[dreg:$0x7] =	wrdreg s21  }
0x25: {  	s19 =	simm.s32 $0x8;
	[dreg:$0x8] =	wrdreg s23;
	s23 =	simm.s32 $0x9  }
.LBB2_1:
0x26: {  	[dreg:$0x19] =	wrdreg s9  }
0x27: {  	s6 =	rddreg [dreg:$0x9]  }
0x28: {  	s21 =	rddreg [dreg:$0xa];
	s6 =	sshrl.u32 s6, $0x3  }
0x29: {  	[dreg:$0x1a] =	wrdreg s6  }
0x2a: {  	[spmem:s6], [sflag:s20] =	dma.local [hbm:s21], $0x2800  }
0x2b: {  	_ =	swait.ge [sflag:s23], $0x2800  }
0x2c: {  	[sflag:s23] =	ssyncset.done $0x0  }
0x2d: {  	[sflag:s23] =	ssyncadd.s32 $0xFFFFD800  }
0x2e: {  	[bflag:$0x0] =	sbarrier.arrive $0xFFFF  }
0x2f: {  	s20 =	simm.s32 $0x14000;
	s22 =	rddreg [dreg:$0xc]  }
0x30: {  	[tilespmem:s20], [sflag:$0x1] =	stream.linear.gather [hbm4b:s22+s3], $0x50, $0x38;
	[tilespmem:$0x1E400] =	vst v63  }
0x31: {  	s9 =	rddreg [dreg:$0xd];
	s22 =	simm.s32 $0x14200  }
0x32: {  	[tilespmem:s22], [sflag:$0x1] =	stream.linear.gather [hbm4b:s9+s3], $0x50, $0x38;
	[tilespmem:$0x1E400] =	vst v63  }
0x33: {  	s21 =	rddreg [dreg:$0xe]  }
0x34: {  	[tilespmem:s26], [sflag:$0x2] =	stream.linear.gather [hbm4b:s21+s3], $0x50, $0x38;
	[tilespmem:$0x1E400] =	vst v63  }
0x35: {  	s9 =	rddreg [dreg:$0xf]  }
0x36: {  	[tilespmem:s28], [sflag:$0x2] =	stream.linear.gather [hbm4b:s9+s3], $0x50, $0x38;
	[tilespmem:$0x1E400] =	vst v63  }
0x37: {  	s21 =	rddreg [dreg:$0x10]  }
0x38: {  	[tilespmem:s29], [sflag:$0x3] =	stream.linear.gather [hbm4b:s21+s3], $0x50, $0x38;
	[tilespmem:$0x1E400] =	vst v63  }
0x39: {  	s9 =	rddreg [dreg:$0x11]  }
0x3a: {  	[tilespmem:s30], [sflag:$0x3] =	stream.linear.gather [hbm4b:s9+s3], $0x50, $0x38;
	[tilespmem:$0x1E400] =	vst v63  }
0x3b: {  	s21 =	rddreg [dreg:$0x12]  }
0x3c: {  	[tilespmem:s31], [sflag:$0x4] =	stream.linear.gather [hbm4b:s21+s3], $0x50, $0x38;
	[tilespmem:$0x1E400] =	vst v63  }
0x3d: {  	s9 =	rddreg [dreg:$0x13]  }
0x3e: {  	[tilespmem:s0], [sflag:$0x4] =	stream.linear.gather [hbm4b:s9+s3], $0x50, $0x38;
	[tilespmem:$0x1E400] =	vst v63  }
0x3f: {  	_ =	swait.ge [sflag:s1], $0x50  }
0x40: {  	[sflag:s1] =	ssyncset.done $0x0  }
0x41: {  	[sflag:s1] =	ssyncadd.s32 $0xFFFFFFB0  }
0x42: {  	_ =	swait.ge [sflag:s1], $0x50  }
0x43: {  	[sflag:s1] =	ssyncset.done $0x0  }
0x44: {  	[sflag:s1] =	ssyncadd.s32 $0xFFFFFFB0  }
0x45: {  	[tilespmem:s8], [sflag:$0x5] =	stream.indirect.gather [hbm4b:s4+s7], $0x80, s20, s7, $0xb8;
	[tilespmem:$0x1E400] =	vst v63  }
0x46: {  	_ =	swait.ge [sflag:s10], $0x50  }
0x47: {  	[sflag:s10] =	ssyncset.done $0x0  }
0x48: {  	[sflag:s10] =	ssyncadd.s32 $0xFFFFFFB0  }
0x49: {  	_ =	swait.ge [sflag:s10], $0x50  }
0x4a: {  	[sflag:s10] =	ssyncset.done $0x0  }
0x4b: {  	[sflag:s10] =	ssyncadd.s32 $0xFFFFFFB0  }
0x4c: {  	[tilespmem:s11], [sflag:$0x6] =	stream.indirect.gather [hbm4b:s4+s7], $0x80, s26, s7, $0xb8;
	[tilespmem:$0x1E400] =	vst v63  }
0x4d: {  	_ =	swait.ge [sflag:s12], $0x50  }
0x4e: {  	[sflag:s12] =	ssyncset.done $0x0  }
0x4f: {  	[sflag:s12] =	ssyncadd.s32 $0xFFFFFFB0  }
0x50: {  	_ =	swait.ge [sflag:s12], $0x50  }
0x51: {  	[sflag:s12] =	ssyncset.done $0x0  }
0x52: {  	[sflag:s12] =	ssyncadd.s32 $0xFFFFFFB0  }
0x53: {  	[tilespmem:s13], [sflag:$0x7] =	stream.indirect.gather [hbm4b:s4+s7], $0x80, s29, s7, $0xb8;
	[tilespmem:$0x1E400] =	vst v63  }
0x54: {  	_ =	swait.ge [sflag:s14], $0x2800  }
0x55: {  	[sflag:s14] =	ssyncset.done $0x0  }
0x56: {  	[sflag:s14] =	ssyncadd.s32 $0xFFFFD800  }
0x57: {  	[spmem:s2] =	stream.indirect.scatter.add.f32 [tilespmem:s8], [sflag:$0x9], $0x80, s22, s7, $0xb8;
	[tilespmem:$0x1E400] =	vst v63  }
0x58: {  	_ =	swait.ge [sflag:s23], $0x2800  }
0x59: {  	s6 =	rddreg [dreg:$0x18]  }
0x5a: {  	[sflag:s23] =	ssyncset.done $0x0;
	s9 =	sshrl.u32 s6, $0x3  }
0x5b: {  	[sflag:s23] =	ssyncadd.s32 $0xFFFFD800;
	s21 =	sadd.s32 s5, s9  }
0x5c: {  	[tilespmem:s20], [sflag:$0x1] =	stream.linear.gather [hbm4b:s21+s3], $0x50, $0x38;
	[tilespmem:$0x1E400] =	vst v63  }
0x5d: {  	s9 =	sadd.s32 s24, s9  }
0x5e: {  	[tilespmem:s22], [sflag:$0x1] =	stream.linear.gather [hbm4b:s9+s3], $0x50, $0x38;
	[tilespmem:$0x1E400] =	vst v63  }
0x5f: {  	_ =	swait.ge [sflag:s15], $0x50  }
0x60: {  	[sflag:s15] =	ssyncset.done $0x0  }
0x61: {  	[sflag:s15] =	ssyncadd.s32 $0xFFFFFFB0  }
0x62: {  	_ =	swait.ge [sflag:s15], $0x50  }
0x63: {  	[sflag:s15] =	ssyncset.done $0x0  }
0x64: {  	[sflag:s15] =	ssyncadd.s32 $0xFFFFFFB0  }
0x65: {  	[tilespmem:s16], [sflag:$0x8] =	stream.indirect.gather [hbm4b:s4+s7], $0x80, s31, s7, $0xb8;
	[tilespmem:$0x1E400] =	vst v63  }
0x66: {  	_ =	swait.ge [sflag:s17], $0x2800  }
0x67: {  	[sflag:s17] =	ssyncset.done $0x0  }
0x68: {  	[sflag:s17] =	ssyncadd.s32 $0xFFFFD800  }
0x69: {  	[spmem:s2] =	stream.indirect.scatter.add.f32 [tilespmem:s11], [sflag:$0x9], $0x80, s28, s7, $0xb8;
	[tilespmem:$0x1E400] =	vst v63  }
0x6a: {  	_ =	swait.ge [sflag:s23], $0x2800  }
0x6b: {  	s21 =	rddreg [dreg:$0x8];
	[sflag:s23] =	ssyncset.done $0x0  }
0x6c: {  	s22 =	rddreg [dreg:$0x7];
	[sflag:s23] =	ssyncadd.s32 $0xFFFFD800;
	s9 =	sadd.s32 $0x0, s21  }
0x6d: {  	[tilespmem:s26], [sflag:$0x2] =	stream.linear.gather [hbm4b:s9+s3], $0x50, $0x38;
	[tilespmem:$0x1E400] =	vst v63  }
0x6e: {  	s22 =	sadd.s32 $0x0, s22  }
0x6f: {  	[tilespmem:s28], [sflag:$0x2] =	stream.linear.gather [hbm4b:s22+s3], $0x50, $0x38;
	[tilespmem:$0x1E400] =	vst v63  }
0x70: {  	_ =	swait.ge [sflag:s1], $0x50  }
0x71: {  	[sflag:s1] =	ssyncset.done $0x0  }
0x72: {  	[sflag:s1] =	ssyncadd.s32 $0xFFFFFFB0  }
0x73: {  	_ =	swait.ge [sflag:s1], $0x50  }
0x74: {  	[sflag:s1] =	ssyncset.done $0x0  }
0x75: {  	[sflag:s1] =	ssyncadd.s32 $0xFFFFFFB0  }
0x76: {  	[tilespmem:s8], [sflag:$0x5] =	stream.indirect.gather [hbm4b:s4+s7], $0x80, s20, s7, $0xb8;
	[tilespmem:$0x1E400] =	vst v63  }
0x77: {  	_ =	swait.ge [sflag:s18], $0x2800  }
0x78: {  	[sflag:s18] =	ssyncset.done $0x0  }
0x79: {  	[sflag:s18] =	ssyncadd.s32 $0xFFFFD800  }
0x7a: {  	[spmem:s2] =	stream.indirect.scatter.add.f32 [tilespmem:s13], [sflag:$0x9], $0x80, s30, s7, $0xb8;
	[tilespmem:$0x1E400] =	vst v63  }
0x7b: {  	_ =	swait.ge [sflag:s23], $0x2800  }
0x7c: {  	s21 =	rddreg [dreg:$0x6];
	[sflag:s23] =	ssyncset.done $0x0  }
0x7d: {  	s22 =	rddreg [dreg:$0x5];
	[sflag:s23] =	ssyncadd.s32 $0xFFFFD800;
	s9 =	sadd.s32 $0x0, s21  }
0x7e: {  	[tilespmem:s29], [sflag:$0x3] =	stream.linear.gather [hbm4b:s9+s3], $0x50, $0x38;
	[tilespmem:$0x1E400] =	vst v63  }
0x7f: {  	s20 =	sadd.s32 $0x0, s22  }
0x80: {  	[tilespmem:s30], [sflag:$0x3] =	stream.linear.gather [hbm4b:s20+s3], $0x50, $0x38;
	[tilespmem:$0x1E400] =	vst v63  }
0x81: {  	_ =	swait.ge [sflag:s10], $0x50  }
0x82: {  	[sflag:s10] =	ssyncset.done $0x0  }
0x83: {  	[sflag:s10] =	ssyncadd.s32 $0xFFFFFFB0  }
0x84: {  	_ =	swait.ge [sflag:s10], $0x50  }
0x85: {  	[sflag:s10] =	ssyncset.done $0x0  }
0x86: {  	[sflag:s10] =	ssyncadd.s32 $0xFFFFFFB0  }
0x87: {  	[tilespmem:s11], [sflag:$0x6] =	stream.indirect.gather [hbm4b:s4+s7], $0x80, s26, s7, $0xb8;
	[tilespmem:$0x1E400] =	vst v63  }
0x88: {  	_ =	swait.ge [sflag:s19], $0x2800  }
0x89: {  	[sflag:s19] =	ssyncset.done $0x0  }
0x8a: {  	[sflag:s19] =	ssyncadd.s32 $0xFFFFD800  }
0x8b: {  	[spmem:s2] =	stream.indirect.scatter.add.f32 [tilespmem:s16], [sflag:$0x9], $0x80, s0, s7, $0xb8;
	[tilespmem:$0x1E400] =	vst v63  }
0x8c: {  	_ =	swait.ge [sflag:s23], $0x2800  }
0x8d: {  	s21 =	rddreg [dreg:$0x4];
	[sflag:s23] =	ssyncset.done $0x0  }
0x8e: {  	s22 =	rddreg [dreg:$0x3];
	[sflag:s23] =	ssyncadd.s32 $0xFFFFD800;
	s9 =	sadd.s32 $0x0, s21  }
0x8f: {  	[tilespmem:s31], [sflag:$0x4] =	stream.linear.gather [hbm4b:s9+s3], $0x50, $0x38;
	[tilespmem:$0x1E400] =	vst v63  }
0x90: {  	s26 =	sadd.s32 $0x0, s22  }
0x91: {  	[tilespmem:s0], [sflag:$0x4] =	stream.linear.gather [hbm4b:s26+s3], $0x50, $0x38;
	[tilespmem:$0x1E400] =	vst v63  }
0x92: {  	_ =	swait.ge [sflag:s12], $0x50  }
0x93: {  	[sflag:s12] =	ssyncset.done $0x0  }
0x94: {  	[sflag:s12] =	ssyncadd.s32 $0xFFFFFFB0  }
0x95: {  	_ =	swait.ge [sflag:s12], $0x50  }
0x96: {  	[sflag:s12] =	ssyncset.done $0x0  }
0x97: {  	s22 =	sadd.s32 $0x140, s6;
	s9 =	simm.s32 $0x28;
	[sflag:s12] =	ssyncadd.s32 $0xFFFFFFB0  }
.LBB2_2:
0x98: {  	[tilespmem:s13], [sflag:$0x7] =	stream.indirect.gather [hbm4b:s4+s7], $0x80, s29, s7, $0xb8;
	[tilespmem:$0x1E400] =	vst v63  }
0x99: {  	_ =	swait.ge [sflag:s14], $0x2800  }
0x9a: {  	[sflag:s14] =	ssyncset.done $0x0  }
0x9b: {  	s26 =	simm.s32 $0x14200;
	[sflag:s14] =	ssyncadd.s32 $0xFFFFD800  }
0x9c: {  	[spmem:s2] =	stream.indirect.scatter.add.f32 [tilespmem:s8], [sflag:$0x9], $0x80, s26, s7, $0xb8;
	[tilespmem:$0x1E400] =	vst v63  }
0x9d: {  	_ =	swait.ge [sflag:s23], $0x2800  }
0x9e: {  	s20 =	sshrl.u32 s22, $0x3;
	[sflag:s23] =	ssyncset.done $0x0  }
0x9f: {  	s6 =	smov.u32 s5;
	s5 =	sadd.s32 s5, s20;
	[sflag:s23] =	ssyncadd.s32 $0xFFFFD800  }
0xa0: {  	[tilespmem:s25], [sflag:$0x1] =	stream.linear.gather [hbm4b:s5+s3], $0x50, $0x38;
	[tilespmem:$0x1E400] =	vst v63  }
0xa1: {  	s20 =	sadd.s32 s24, s20  }
0xa2: {  	[tilespmem:s26], [sflag:$0x1] =	stream.linear.gather [hbm4b:s20+s3], $0x50, $0x38;
	[tilespmem:$0x1E400] =	vst v63  }
0xa3: {  	_ =	swait.ge [sflag:s15], $0x50  }
0xa4: {  	[sflag:s15] =	ssyncset.done $0x0  }
0xa5: {  	[sflag:s15] =	ssyncadd.s32 $0xFFFFFFB0  }
0xa6: {  	_ =	swait.ge [sflag:s15], $0x50  }
0xa7: {  	[sflag:s15] =	ssyncset.done $0x0  }
0xa8: {  	[sflag:s15] =	ssyncadd.s32 $0xFFFFFFB0  }
0xa9: {  	[tilespmem:s16], [sflag:$0x8] =	stream.indirect.gather [hbm4b:s4+s7], $0x80, s31, s7, $0xb8;
	[tilespmem:$0x1E400] =	vst v63  }
0xaa: {  	_ =	swait.ge [sflag:s17], $0x2800  }
0xab: {  	[sflag:s17] =	ssyncset.done $0x0  }
0xac: {  	[sflag:s17] =	ssyncadd.s32 $0xFFFFD800  }
0xad: {  	[spmem:s2] =	stream.indirect.scatter.add.f32 [tilespmem:s11], [sflag:$0x9], $0x80, s28, s7, $0xb8;
	[tilespmem:$0x1E400] =	vst v63  }
0xae: {  	s21 =	smov.u32 s9;
	_ =	swait.ge [sflag:s23], $0x2800  }
0xaf: {  	s26 =	simm.s32 $0x14080;
	s5 =	rddreg [dreg:$0x8];
	[sflag:s23] =	ssyncset.done $0x0  }
0xb0: {  	s20 =	rddreg [dreg:$0x7];
	[sflag:s23] =	ssyncadd.s32 $0xFFFFD800;
	s5 =	sadd.s32 s21, s5  }
0xb1: {  	[tilespmem:s26], [sflag:$0x2] =	stream.linear.gather [hbm4b:s5+s3], $0x50, $0x38;
	[tilespmem:$0x1E400] =	vst v63  }
0xb2: {  	s20 =	sadd.s32 s21, s20  }
0xb3: {  	[tilespmem:s28], [sflag:$0x2] =	stream.linear.gather [hbm4b:s20+s3], $0x50, $0x38;
	[tilespmem:$0x1E400] =	vst v63  }
0xb4: {  	_ =	swait.ge [sflag:s1], $0x50  }
0xb5: {  	[sflag:s1] =	ssyncset.done $0x0  }
0xb6: {  	[sflag:s1] =	ssyncadd.s32 $0xFFFFFFB0  }
0xb7: {  	_ =	swait.ge [sflag:s1], $0x50  }
0xb8: {  	[sflag:s1] =	ssyncset.done $0x0  }
0xb9: {  	[sflag:s1] =	ssyncadd.s32 $0xFFFFFFB0  }
0xba: {  	[tilespmem:s8], [sflag:$0x5] =	stream.indirect.gather [hbm4b:s4+s7], $0x80, s25, s7, $0xb8;
	[tilespmem:$0x1E400] =	vst v63  }
0xbb: {  	_ =	swait.ge [sflag:s18], $0x2800  }
0xbc: {  	[sflag:s18] =	ssyncset.done $0x0  }
0xbd: {  	[sflag:s18] =	ssyncadd.s32 $0xFFFFD800  }
0xbe: {  	[spmem:s2] =	stream.indirect.scatter.add.f32 [tilespmem:s13], [sflag:$0x9], $0x80, s30, s7, $0xb8;
	[tilespmem:$0x1E400] =	vst v63  }
0xbf: {  	_ =	swait.ge [sflag:s23], $0x2800  }
0xc0: {  	s5 =	rddreg [dreg:$0x6];
	[sflag:s23] =	ssyncset.done $0x0  }
0xc1: {  	s20 =	rddreg [dreg:$0x5];
	[sflag:s23] =	ssyncadd.s32 $0xFFFFD800;
	s5 =	sadd.s32 s21, s5  }
0xc2: {  	[tilespmem:s29], [sflag:$0x3] =	stream.linear.gather [hbm4b:s5+s3], $0x50, $0x38;
	[tilespmem:$0x1E400] =	vst v63  }
0xc3: {  	s20 =	sadd.s32 s21, s20  }
0xc4: {  	[tilespmem:s30], [sflag:$0x3] =	stream.linear.gather [hbm4b:s20+s3], $0x50, $0x38;
	[tilespmem:$0x1E400] =	vst v63  }
0xc5: {  	_ =	swait.ge [sflag:s10], $0x50  }
0xc6: {  	[sflag:s10] =	ssyncset.done $0x0  }
0xc7: {  	[sflag:s10] =	ssyncadd.s32 $0xFFFFFFB0  }
0xc8: {  	_ =	swait.ge [sflag:s10], $0x50  }
0xc9: {  	[sflag:s10] =	ssyncset.done $0x0  }
0xca: {  	[sflag:s10] =	ssyncadd.s32 $0xFFFFFFB0  }
0xcb: {  	[tilespmem:s11], [sflag:$0x6] =	stream.indirect.gather [hbm4b:s4+s7], $0x80, s26, s7, $0xb8;
	[tilespmem:$0x1E400] =	vst v63  }
0xcc: {  	_ =	swait.ge [sflag:s19], $0x2800  }
0xcd: {  	[sflag:s19] =	ssyncset.done $0x0  }
0xce: {  	[sflag:s19] =	ssyncadd.s32 $0xFFFFD800  }
0xcf: {  	[spmem:s2] =	stream.indirect.scatter.add.f32 [tilespmem:s16], [sflag:$0x9], $0x80, s0, s7, $0xb8;
	[tilespmem:$0x1E400] =	vst v63  }
0xd0: {  	_ =	swait.ge [sflag:s23], $0x2800  }
0xd1: {  	s5 =	rddreg [dreg:$0x4];
	[sflag:s23] =	ssyncset.done $0x0  }
0xd2: {  	s20 =	rddreg [dreg:$0x3];
	[sflag:s23] =	ssyncadd.s32 $0xFFFFD800;
	s5 =	sadd.s32 s21, s5  }
0xd3: {  	[tilespmem:s31], [sflag:$0x4] =	stream.linear.gather [hbm4b:s5+s3], $0x50, $0x38;
	[tilespmem:$0x1E400] =	vst v63  }
0xd4: {  	s21 =	sadd.s32 s21, s20  }
0xd5: {  	[tilespmem:s0], [sflag:$0x4] =	stream.linear.gather [hbm4b:s21+s3], $0x50, $0x38;
	[tilespmem:$0x1E400] =	vst v63  }
0xd6: {  	p0 =	sne.s32 s9, $0x488;
	_ =	swait.ge [sflag:s12], $0x50  }
.Ltmp0:
0xd7: {  	[sflag:s12] =	ssyncset.done $0x0;
	(pc) =	sbr.rel @p0 .LBB2_2-.Ltmp0, $4  }
0xd8: {  	[sflag:s12] =	ssyncadd.s32 $0xFFFFFFB0  }
0xd9: {  	_ =	swait.ge [sflag:s12], $0x50  }
0xda: {  	s9 =	sadd.s32 $0x28, s9;
	[sflag:s12] =	ssyncset.done $0x0  }
0xdb: {  	s22 =	sadd.s32 $0x140, s22;
	s5 =	smov.u32 s6;
	[sflag:s12] =	ssyncadd.s32 $0xFFFFFFB0  }
0xdc: {  	[tilespmem:s13], [sflag:$0x7] =	stream.indirect.gather [hbm4b:s4+s7], $0x80, s29, s7, $0xb8;
	[tilespmem:$0x1E400] =	vst v63  }
0xdd: {  	_ =	swait.ge [sflag:s14], $0x2800  }
0xde: {  	[sflag:s14] =	ssyncset.done $0x0  }
0xdf: {  	s20 =	simm.s32 $0x14200;
	[sflag:s14] =	ssyncadd.s32 $0xFFFFD800  }
0xe0: {  	[spmem:s2] =	stream.indirect.scatter.add.f32 [tilespmem:s8], [sflag:$0x9], $0x80, s20, s7, $0xb8;
	[tilespmem:$0x1E400] =	vst v63  }
0xe1: {  	_ =	swait.ge [sflag:s23], $0x2800  }
0xe2: {  	[sflag:s23] =	ssyncset.done $0x0  }
0xe3: {  	s9 =	simm.s32 $0x14000;
	s6 =	rddreg [dreg:$0x14];
	[sflag:s23] =	ssyncadd.s32 $0xFFFFD800  }
0xe4: {  	[tilespmem:s9], [sflag:$0x1] =	stream.linear.gather [hbm4b:s6+s3], $0x50, $0x38;
	[tilespmem:$0x1E400] =	vst v63  }
0xe5: {  	s22 =	rddreg [dreg:$0x15]  }
0xe6: {  	[tilespmem:s20], [sflag:$0x1] =	stream.linear.gather [hbm4b:s22+s3], $0x50, $0x38;
	[tilespmem:$0x1E400] =	vst v63  }
0xe7: {  	_ =	swait.ge [sflag:s15], $0x50  }
0xe8: {  	[sflag:s15] =	ssyncset.done $0x0  }
0xe9: {  	[sflag:s15] =	ssyncadd.s32 $0xFFFFFFB0  }
0xea: {  	_ =	swait.ge [sflag:s15], $0x50  }
0xeb: {  	[sflag:s15] =	ssyncset.done $0x0  }
0xec: {  	[sflag:s15] =	ssyncadd.s32 $0xFFFFFFB0  }
0xed: {  	[tilespmem:s16], [sflag:$0x8] =	stream.indirect.gather [hbm4b:s4+s7], $0x80, s31, s7, $0xb8;
	[tilespmem:$0x1E400] =	vst v63  }
0xee: {  	_ =	swait.ge [sflag:s17], $0x2800  }
0xef: {  	[sflag:s17] =	ssyncset.done $0x0  }
0xf0: {  	[sflag:s17] =	ssyncadd.s32 $0xFFFFD800  }
0xf1: {  	[spmem:s2] =	stream.indirect.scatter.add.f32 [tilespmem:s11], [sflag:$0x9], $0x80, s28, s7, $0xb8;
	[tilespmem:$0x1E400] =	vst v63  }
0xf2: {  	_ =	swait.ge [sflag:s23], $0x2800  }
0xf3: {  	[sflag:s23] =	ssyncset.done $0x0  }
0xf4: {  	[sflag:s23] =	ssyncadd.s32 $0xFFFFD800  }
0xf5: {  	_ =	swait.ge [sflag:s1], $0x50  }
0xf6: {  	[sflag:s1] =	ssyncset.done $0x0  }
0xf7: {  	[sflag:s1] =	ssyncadd.s32 $0xFFFFFFB0  }
0xf8: {  	_ =	swait.ge [sflag:s1], $0x50  }
0xf9: {  	[sflag:s1] =	ssyncset.done $0x0  }
0xfa: {  	[sflag:s1] =	ssyncadd.s32 $0xFFFFFFB0  }
0xfb: {  	[tilespmem:s8], [sflag:$0x5] =	stream.indirect.gather [hbm4b:s4+s7], $0x80, s9, s7, $0xb8;
	[tilespmem:$0x1E400] =	vst v63  }
0xfc: {  	_ =	swait.ge [sflag:s18], $0x2800  }
0xfd: {  	[sflag:s18] =	ssyncset.done $0x0  }
0xfe: {  	[sflag:s18] =	ssyncadd.s32 $0xFFFFD800  }
0xff: {  	[spmem:s2] =	stream.indirect.scatter.add.f32 [tilespmem:s13], [sflag:$0x9], $0x80, s30, s7, $0xb8;
	[tilespmem:$0x1E400] =	vst v63  }
0x100: {  	_ =	swait.ge [sflag:s23], $0x2800  }
0x101: {  	[sflag:s23] =	ssyncset.done $0x0  }
0x102: {  	[sflag:s23] =	ssyncadd.s32 $0xFFFFD800  }
0x103: {  	_ =	swait.ge [sflag:s19], $0x2800  }
0x104: {  	[sflag:s19] =	ssyncset.done $0x0  }
0x105: {  	[sflag:s19] =	ssyncadd.s32 $0xFFFFD800  }
0x106: {  	[spmem:s2] =	stream.indirect.scatter.add.f32 [tilespmem:s16], [sflag:$0x9], $0x80, s0, s7, $0xb8;
	[tilespmem:$0x1E400] =	vst v63  }
0x107: {  	_ =	swait.ge [sflag:s23], $0x2800  }
0x108: {  	[sflag:s23] =	ssyncset.done $0x0  }
0x109: {  	[sflag:s23] =	ssyncadd.s32 $0xFFFFD800  }
0x10a: {  	_ =	swait.ge [sflag:s14], $0x2800  }
0x10b: {  	[sflag:s14] =	ssyncset.done $0x0  }
0x10c: {  	[sflag:s14] =	ssyncadd.s32 $0xFFFFD800  }
0x10d: {  	[spmem:s2] =	stream.indirect.scatter.add.f32 [tilespmem:s8], [sflag:$0x9], $0x80, s20, s7, $0xb8;
	[tilespmem:$0x1E400] =	vst v63  }
0x10e: {  	_ =	swait.ge [sflag:s23], $0x2800  }
0x10f: {  	[sflag:s23] =	ssyncset.done $0x0  }
0x110: {  	[sflag:s23] =	ssyncadd.s32 $0xFFFFD800  }
0x111: {  	[bflag:$0x0] =	sbarrier.arrive $0xFFFF  }
0x112: {  	s20 =	rddreg [dreg:$0xb]  }
0x113: {  	s21 =	rddreg [dreg:$0x16]  }
0x114: {  	s22 =	rddreg [dreg:$0x1a]  }
0x115: {  	[hbm:s21], [sflag:s20] =	dma.local [spmem:s22], $0x2800  }
0x116: {  	_ =	swait.ge [sflag:s23], $0x2800  }
0x117: {  	s21 =	rddreg [dreg:$0x19]  }
0x118: {  	s22 =	rddreg [dreg:$0x17];
	s9 =	sadd.s32 $0x1, s21  }
0x119: {  	p0 =	sne.s32 s9, s22  }
.Ltmp1:
0x11a: {  	_ = 	snop;
	(pc) =	sbr.rel @p0 .LBB2_1-.Ltmp1, $3  }
0x11b: {  	_ =	sdelay $0x1  }
0x11c: {  	[sflag:s23] =	ssyncset.done $0x0  }
0x11d: {  	[sflag:s23] =	ssyncadd.s32 $0xFFFFD800  }
0x11e: {  	_ =	sfence.sel $0x180000  }
0x11f: {  	[bflag:$0x0] =	sbarrier.arrive $0xFFFF  }
0x120: {  	_ =	strace $0x9000004A  }
0x121: {  	s0 =	stileid.u32;
	[bflag:$0x2] =	sbarrier.arrive $0xFFFF  }
0x122: {  	p0 =	sne.s32 s0, $0x0;
	s0 =	rddreg [dreg:$0x2]  }
0x123: {  	s0 =	sadd.s32 @!p0 $0x100000, s0  }
0x124: {  	[sflag:s0] =	ssyncadd.tile.s32 @!p0 $0x1;
	_ =	shalt  }
.Lfunc_end2:
_tile_overlayer_lowered:
.L_overlay_start_2:
0x125: {  	(tag) =	ssettag $0x2  }
0x126: {  	s0 =	rddreg [dreg:$0x0];
	s2 =	stileid.u32  }
0x127: {  	s1 =	rddreg [dreg:$0x1];
	p0 =	sne.s32 s2, $0x0  }
0x128: {  	s3 =	rddreg [dreg:$0x2];
	[bflag:$0x3] =	sbarrier.arrive $0xFFFF;
	s2 =	simm.s32 @!p0 $0x1C09  }
0x129: {  	[timem:s3], [sflag:s2] =	dma.local @!p0 [hbm:s0], s1  }
0x12a: {  	s0 =	simm.s32 @!p0 $0x9  }
0x12b: {  	_ =	swait.ge @!p0 [sflag:s0], s1  }
0x12c: {  	s1 =	ssub.s32 @!p0 $0x0, s1;
	[sflag:s0] =	ssyncset.done @!p0 $0x0  }
0x12d: {  	[sflag:s0] =	ssyncadd.s32 @!p0 s1  }
0x12e: {  	[bflag:$0x3] =	sbarrier.arrive $0xFFFF  }
0x12f: {  	_ =	shalt  }

// kernel: kernel.16.cloned.1.call-start
scs
__scs_entry_jumppad:
0x0: {  	(pc) =	sbr.rel $0x88, $3  }
0x1: {  	(tag) =	ssettag $0x0;
	lr =	simm.s32 $0x1  }
0x2: {  	[smem:$0x3F97] =	sst lr;
	_ =	strace $0xD0000000  }
0x3: {  	_ = 	snop  }
0x4: {  	_ = 	snop  }
0x5: {  	_ = 	snop  }
0x6: {  	_ = 	snop  }
0x7: {  	_ = 	snop  }
__scs_overlays_trampoline_lowered:
0x8: {  	[smem:$0x3FA6] =	sst s0  }
0x9: {  	[smem:$0x3FA7] =	sst s1  }
0xa: {  	[smem:$0x3FA8] =	sst s2  }
0xb: {  	[smem:$0x3FA9] =	sst s3  }
0xc: {  	[smem:$0x3FAA] =	sst s4  }
0xd: {  	[smem:$0x3FAB] =	sst s5  }
0xe: {  	[smem:$0x3FAC] =	sst s6  }
0xf: {  	[smem:$0x3FAD] =	sst s7  }
0x10: {  	[smem:$0x3FAE] =	sst s8  }
0x11: {  	[smem:$0x3FAF] =	sst s9;
	s0 =	simm.s32 @!p0 $0x0  }
0x12: {  	s1 =	sld [smem:$0x3F95];
	s0 =	simm.s32 @p0 $0x1  }
0x13: {  	[smem:$0x3FB0] =	sst s0;
	s0 =	simm.s32 @!p1 $0x0  }
0x14: {  	s2 =	sld [smem:$0x3F94];
	s0 =	simm.s32 @p1 $0x1  }
0x15: {  	[smem:$0x3FB1] =	sst s0;
	s0 =	simm.s32 @!p2 $0x0  }
0x16: {  	s3 =	sld [smem:$0x3FDB];
	s0 =	simm.s32 @p2 $0x1  }
0x17: {  	s4 =	simm.s32 $0x1BF5;
	[smem:$0x3FB3] =	sst s0  }
0x18: {  	s0 =	sld [smem:$0x3F96];
	_ =	swait.ge [sflag:s4], $0x0  }
0x19: {  	s7 =	sld [smem:$0x3F97]  }
0x1a: {  	s8 =	sadd.s32 $0xFFFFE003, lr  }
0x1b: {  	s9 =	sadd.s32 $0xFFFFFEF7, lr;
	s5 =	simm.s32 $0xFFFFFFFF;
	p2 =	slt.u32 s8, $0xFFFFF086  }
0x1c: {  	p1 =	slt.u32 s9, $0xF7A;
	s5 =	simm.s32 @!p2 $0x0  }
0x1d: {  	s5 =	simm.s32 @p1 $0x1;
	p0 =	seq.s32 s7, s2  }
0x1e: {  	s7 =	smul.u32 @!p0 $0xF7A, s2;
	p2 =	seq.s32 @!p0 s5, $0x0  }
0x1f: {  	s9 =	smul.u32 $0xF7A, s1;
	s8 =	simm.s32 @!p0 $0x1BF5;
	p2 =	por !p2, p0  }
0x20: {  	[sflag:s8] =	ssyncset.s32 @!p0 $0xFFFFF086;
	s6 =	sadd.s32 @!p0 s3, s7;
	s7 =	simm.s32 @!p0 $0x108  }
0x21: {  	s3 =	sadd.s32 s3, s9;
	s6 =	sadd.s32 @!p0 $0x88, s6;
	s7 =	simm.s32 @p2 $0x1082  }
0x22: {  	[simem:s7], [sflag:s8] =	dma.local @!p0 [hbm:s6], $0xF7A  }
0x23: {  	s9 =	sor.u32 $0xD0000000, s2;
	s6 =	simm.s32 $0x108;
	_ =	swait.ge @!p0 [sflag:s8], $0x0  }
0x24: {  	s3 =	sadd.s32 $0x88, s3;
	s6 =	simm.s32 @!p1 $0x1082;
	[sflag:s4] =	ssyncset.s32 $0xFFFFF086  }
0x25: {  	[simem:s6], [sflag:s4] =	dma.local [hbm:s3], $0xF7A  }
0x26: {  	[smem:$0x3F97] =	sst s1;
	(tag) =	ssettag s2;
	_ =	strace s9  }
0x27: {  	s1 =	sld [smem:$0x3FA7]  }
0x28: {  	s2 =	sld [smem:$0x3FA8]  }
0x29: {  	s4 =	sld [smem:$0x3FAA]  }
0x2a: {  	p0 =	seq.s32 s5, $0x0;
	s5 =	sld [smem:$0x3FAB]  }
0x2b: {  	s6 =	sld [smem:$0x3FAC]  }
0x2c: {  	s7 =	sld [smem:$0x3FAD]  }
0x2d: {  	s3 =	simm.s32 $0x108;
	s8 =	sld [smem:$0x3FAE]  }
0x2e: {  	s3 =	simm.s32 @!p0 $0x1082;
	s9 =	sld [smem:$0x3FAF]  }
0x2f: {  	lr =	sadd.s32 s0, s3;
	s0 =	sld [smem:$0x3FA6]  }
0x30: {  	s3 =	sld [smem:$0x3FA9]  }
0x31: {  	[smem:$0x3FB2] =	sst s10  }
0x32: {  	s10 =	sld [smem:$0x3FB0];
	_ =	sdelay $0x3  }
0x33: {  	p0 =	seq.s32 s10, $0x1;
	s10 =	sld [smem:$0x3FB2];
	_ =	sdelay $0x3  }
0x34: {  	[smem:$0x3FB2] =	sst s10  }
0x35: {  	s10 =	sld [smem:$0x3FB1];
	_ =	sdelay $0x3  }
0x36: {  	p1 =	seq.s32 s10, $0x1;
	s10 =	sld [smem:$0x3FB2];
	_ =	sdelay $0x3  }
0x37: {  	[smem:$0x3FB2] =	sst s10  }
0x38: {  	s10 =	sld [smem:$0x3FB3]  }
0x39: {  	_ = 	snop;
	(pc) =	sbr.ind lr, $3  }
0x3a: {  	_ = 	snop  }
0x3b: {  	_ = 	snop  }
0x3c: {  	p2 =	seq.s32 s10, $0x1;
	s10 =	sld [smem:$0x3FB2]  }
0x3d: {  	_ =	shalt  }
0x3e: {  	_ =	shalt  }
0x3f: {  	_ =	shalt  }
0x40: {  	_ =	shalt  }
0x41: {  	_ =	shalt  }
0x42: {  	_ =	shalt  }
0x43: {  	_ =	shalt  }
0x44: {  	_ =	shalt  }
0x45: {  	_ =	shalt  }
0x46: {  	_ =	shalt  }
0x47: {  	_ =	shalt  }
0x48: {  	_ =	shalt  }
0x49: {  	_ =	shalt  }
0x4a: {  	_ =	shalt  }
0x4b: {  	_ =	shalt  }
0x4c: {  	_ =	shalt  }
0x4d: {  	_ =	shalt  }
0x4e: {  	_ =	shalt  }
0x4f: {  	_ =	shalt  }
0x50: {  	_ =	shalt  }
0x51: {  	_ =	shalt  }
0x52: {  	_ =	shalt  }
0x53: {  	_ =	shalt  }
0x54: {  	_ =	shalt  }
0x55: {  	_ =	shalt  }
0x56: {  	_ =	shalt  }
0x57: {  	_ =	shalt  }
0x58: {  	_ =	shalt  }
0x59: {  	_ =	shalt  }
0x5a: {  	_ =	shalt  }
0x5b: {  	_ =	shalt  }
0x5c: {  	_ =	shalt  }
0x5d: {  	_ =	shalt  }
0x5e: {  	_ =	shalt  }
0x5f: {  	_ =	shalt  }
0x60: {  	_ =	shalt  }
0x61: {  	_ =	shalt  }
0x62: {  	_ =	shalt  }
0x63: {  	_ =	shalt  }
0x64: {  	_ =	shalt  }
0x65: {  	_ =	shalt  }
0x66: {  	_ =	shalt  }
0x67: {  	_ =	shalt  }
0x68: {  	_ =	shalt  }
0x69: {  	_ =	shalt  }
0x6a: {  	_ =	shalt  }
0x6b: {  	_ =	shalt  }
0x6c: {  	_ =	shalt  }
0x6d: {  	_ =	shalt  }
0x6e: {  	_ =	shalt  }
0x6f: {  	_ =	shalt  }
0x70: {  	_ =	shalt  }
0x71: {  	_ =	shalt  }
0x72: {  	_ =	shalt  }
0x73: {  	_ =	shalt  }
0x74: {  	_ =	shalt  }
0x75: {  	_ =	shalt  }
0x76: {  	_ =	shalt  }
0x77: {  	_ =	shalt  }
0x78: {  	_ =	shalt  }
0x79: {  	_ =	shalt  }
0x7a: {  	_ =	shalt  }
0x7b: {  	_ =	shalt  }
0x7c: {  	_ =	shalt  }
0x7d: {  	_ =	shalt  }
0x7e: {  	_ =	shalt  }
0x7f: {  	_ =	shalt  }
0x80: {  	_ =	shalt  }
0x81: {  	_ =	shalt  }
0x82: {  	_ =	shalt  }
0x83: {  	_ =	shalt  }
0x84: {  	_ =	shalt  }
0x85: {  	_ =	shalt  }
0x86: {  	_ =	shalt  }
0x87: {  	_ =	shalt  }
.Lfunc_end0:
.L_simem_size_0:
called_computation.2_lowered:
.L_overlay_start_0:
0x88: {  	s2 =	sld [smem:$0x3FD9]  }
0x89: {  	s3 =	sld [smem:$0x3FFE];
	_ =	sdelay $0x1  }
0x8a: {  	s1 =	srdreg.scid  }
0x8b: {  	s0 =	sand.u32 $0x1, s1  }
0x8c: {  	s16 =	sshll.u32 s0, $0xA;
	s2 =	sadd.s32 s3, s2  }
0x8d: {  	s2 =	sadd.s32 s2, s16  }
0x8e: {  	[smem:$0x3FBE] =	sst s2  }
0x8f: {  	_ = 	snop  }
0x90: {  	(tm) =	ssettm $0x1  }
0x91: {  	s17 =	sld [smem:$0x3FFB];
	_ =	sdelay $0x3  }
0x92: {  	_ =	strace s17  }
0x93: {  	s2 =	sld [smem:$0x3FFC];
	_ =	sdelay $0x3  }
0x94: {  	_ =	strace s2  }
0x95: {  	s2 =	sld [smem:$0x3FFD];
	_ =	sdelay $0x3  }
0x96: {  	_ =	strace s2  }
0x97: {  	_ =	strace $0x8FFFFFFF  }
0x98: {  	s18 =	sld [smem:$0x3FDB];
	_ =	sdelay $0x1  }
0x99: {  	s19 =	simm.s32 $_scs_section_size  }
0x9a: {  	s4 =	simm.s32 $_size__tile_overlayer_lowered;
	s5 =	simm.s32 $_tile_overlayer_lowered  }
0x9b: {  	s22 =	simm.s32 $0x1BFF;
	s21 =	sshll.u32 s5, $0x1;
	s2 =	sadd.s32 s19, s18  }
0x9c: {  	s6 =	simm.s32 $0x0;
	s20 =	sshll.u32 s4, $0x1;
	s4 =	sadd.s32 s21, s2  }
0x9d: {  	[timem:s6], [sflag:s22] =	dma.local [hbm:s4], s20  }
0x9e: {  	_ =	swait.ge [sflag:s22], s20  }
0x9f: {  	s3 =	ssub.s32 $0x0, s20;
	[sflag:s22] =	ssyncset.done $0x0  }
0xa0: {  	[sflag:s22] =	ssyncadd.s32 s3;
	_ =	sdelay $0x1  }
0xa1: {  	s23 =	simm.s32 $0x1B8B  }
0xa2: {  	_ =	swait.ge [sflag:s23], $0x1  }
0xa3: {  	[sflag:s23] =	ssyncset.done $0x0  }
0xa4: {  	s25 =	simm.s32 $0x1B8E;
	s24 =	sld [smem:$0x3FFE];
	[sflag:s23] =	ssyncadd.s32 $0xFFFFFFFF  }
0xa5: {  	s26 =	simm.s32 $execute0_lowered;
	[smem:$0x3FD2] =	sst s25  }
0xa6: {  	s4 =	sshll.u32 s26, $0x1;
	_ =	strace $0x8000004C;
	[dreg:$0x1] =	wrdreg $0xFFFFFFFF  }
0xa7: {  	s28 =	simm.s32 $_size_execute0_lowered;
	s2 =	sadd.s32 s2, s4;
	[dreg:$0x0] =	wrdreg $0x0  }
0xa8: {  	s4 =	sshll.u32 s28, $0x1;
	[dreg:$0x2] =	wrdreg s2  }
0xa9: {  	[dreg:$0x3] =	wrdreg s4  }
0xaa: {  	[dreg:$0x4] =	wrdreg $0xC0  }
0xab: {  	_ =	task [dreg:s6], $0x5FFFF  }
0xac: {  	[dreg:$0x1] =	wrdreg $0xFFFFFFFF  }
0xad: {  	[dreg:$0x0] =	wrdreg $0x60  }
0xae: {  	[dreg:$0x2] =	wrdreg s24  }
0xaf: {  	[dreg:$0x3] =	wrdreg $0x0  }
0xb0: {  	[dreg:$0x4] =	wrdreg $0x9  }
0xb1: {  	_ =	task.clear_ibuf [dreg:s6], $0x5FFFF;
	_ =	strace $0x9000004C  }
0xb2: {  	s29 =	simm.s32 $0x9;
	_ =	strace $0x8000004E  }
0xb3: {  	_ =	swait.ge [sflag:s29], $0x1  }
0xb4: {  	[sflag:s29] =	ssyncadd.s32 $0xFFFFFFFF  }
0xb5: {  	_ =	strace $0x9000004E  }
0xb6: {  	_ =	sfence  }
0xb7: {  	s30 =	sld [smem:$0x0];
	_ =	sdelay $0x2  }
0xb8: {  	s31 =	sshll.u32 s1, $0xD;
	s1 =	sshrl.u32 s1, $0x2  }
0xb9: {  	s3 =	sand.u32 $0x4000, s31;
	s1 =	sadd.s32 s1, s30  }
0xba: {  	s0 =	sor.u32 s3, s0;
	s1 =	sshll.u32 s1, $0x11  }
0xbb: {  	s0 =	sor.u32 s1, s0  }
0xbc: {  	s0 =	sadd.s32 $0x8F2B, s0  }
0xbd: {  	[sflag:s0] =	ssyncadd.remote.s32 $0x1  }
0xbe: {  	_ =	sfence.sel $0xFFFF  }
0xbf: {  	[dreg:$0x0] =	wrdreg $0xFFFFFFFF;
	(pc) =	sbr.abs _section_cstart, $3  }
0xc0: {  	[dreg:$0x1] =	wrdreg $0xFFFFFFFF  }
0xc1: {  	_ =	task.clear_ibuf [dreg:s6], $0x2FFFF;
	_ =	strace $0x9FFFFFFF  }
0xc2: {  	(tm) =	ssettm $0x7FFFFFFF  }
0xc3: {  	_ =	shalt  }
tec
execute0_lowered:
.L_overlay_start_1:
0x0: {  	(tag) =	ssettag $0x1  }
0x1: {  	s0 =	rddreg [dreg:$0x0]  }
0x2: {  	s2 =	rddreg [dreg:$0x1]  }
0x3: {  	s5 =	stileid.u32;
	s1 =	srdreg.scid  }
0x4: {  	s3 =	simm.s32 $0x0;
	s28 =	simm.s32 $0x14280;
	s29 =	simm.s32 $0x14100  }
0x5: {  	s30 =	simm.s32 $0x14300;
	s31 =	simm.s32 $0x14180;
	s7 =	smul.u32 $0x2800, s5  }
0x6: {  	s1 =	sand.u32 $0x1, s1;
	[smem:$0x7FF] =	sst s3;
	s4 =	sadd.s32 $0x4EA00, s0  }
0x7: {  	s6 =	sadd.s32 $0x2E00, s0;
	s24 =	sadd.s32 $0xCC00, s0;
	s11 =	smul.u32 $0x50000, s5  }
0x8: {  	s10 =	sshll.u32 s5, $0x1;
	s13 =	sshll.u32 s5, $0x6;
	s14 =	smul.u32 $0x4E20, s5  }
0x9: {  	s8 =	smul.u32 $0x28000, s1;
	_ =	strace $0x8000004D;
	s23 =	ssub.s32 $0x2, s1  }
0xa: {  	s10 =	sor.u32 s1, s10;
	s20 =	sor.u32 $0x1C09, s13;
	s5 =	smov.u32 s6  }
0xb: {  	s1 =	smul.u32 $0x2710, s1;
	s9 =	sadd.s32 s7, s0;
	s25 =	sshrl.u32 s23, $0x1  }
0xc: {  	s26 =	smul.u32 $0x2710, s10;
	s12 =	sshrl.u32 s11, $0x2;
	[dreg:$0xb] =	wrdreg s20  }
0xd: {  	s7 =	sadd.s32 s7, s8;
	s10 =	sadd.s32 s12, s2;
	s9 =	sadd.s32 $0x26A00, s9  }
0xe: {  	s1 =	sadd.s32 s1, s14;
	s0 =	sadd.s32 s7, s0;
	[dreg:$0x9] =	wrdreg s10  }
0xf: {  	s7 =	ssub.s32 s23, s25;
	[dreg:$0xa] =	wrdreg s9;
	s8 =	sshrl.u32 s26, $0x3  }
0x10: {  	s25 =	sadd.s32 $0x230, s1;
	s13 =	sadd.s32 $0x1E0, s1;
	s6 =	sadd.s32 s6, s8  }
0x11: {  	s15 =	sadd.s32 $0xA, s8;
	s16 =	sadd.s32 s24, s8;
	[dreg:$0xc] =	wrdreg s6  }
0x12: {  	s18 =	sadd.s32 $0x14, s8;
	s0 =	sadd.s32 $0x76A00, s0;
	[dreg:$0xd] =	wrdreg s16  }
0x13: {  	s12 =	sshrl.u32 s25, $0x3;
	s25 =	smax.u32 s7, $0x1;
	[dreg:$0x16] =	wrdreg s0  }
0x14: {  	s23 =	sadd.s32 $0x1E, s8;
	s17 =	sadd.s32 s5, s15;
	[dreg:$0x17] =	wrdreg s25  }
0x15: {  	s8 =	sadd.s32 $0x4D8, s8;
	s19 =	sadd.s32 s24, s15;
	[dreg:$0xe] =	wrdreg s17  }
0x16: {  	s14 =	sshrl.u32 s13, $0x3;
	s21 =	sadd.s32 s5, s18;
	[dreg:$0xf] =	wrdreg s19  }
0x17: {  	s7 =	simm.s32 $0x50;
	s22 =	sadd.s32 s24, s18;
	[dreg:$0x10] =	wrdreg s21  }
0x18: {  	s13 =	simm.s32 $0x19400;
	s26 =	sadd.s32 s5, s23;
	[dreg:$0x11] =	wrdreg s22  }
0x19: {  	s11 =	sadd.s32 s24, s23;
	s10 =	sadd.s32 s12, s24;
	[dreg:$0x12] =	wrdreg s26  }
0x1a: {  	s9 =	sadd.s32 s12, s5;
	s15 =	sadd.s32 s14, s24;
	[dreg:$0x13] =	wrdreg s11  }
0x1b: {  	s16 =	sadd.s32 $0x190, s1;
	s0 =	simm.s32 $0x14380;
	[dreg:$0x3] =	wrdreg s10  }
0x1c: {  	s12 =	simm.s32 $0x3;
	s25 =	simm.s32 $0x14000;
	[dreg:$0x4] =	wrdreg s9  }
0x1d: {  	[dreg:$0x5] =	wrdreg s15;
	s17 =	sadd.s32 s14, s5;
	s18 =	sshrl.u32 s16, $0x3  }
0x1e: {  	s19 =	sadd.s32 s5, s8;
	s22 =	sadd.s32 s24, s8;
	s26 =	sadd.s32 $0x140, s1  }
0x1f: {  	s1 =	simm.s32 $0x1;
	s8 =	simm.s32 $0x14400;
	s10 =	simm.s32 $0x2  }
0x20: {  	s11 =	simm.s32 $0x16C00;
	s14 =	simm.s32 $0x5;
	[dreg:$0x14] =	wrdreg s19  }
0x21: {  	s15 =	simm.s32 $0x4;
	s16 =	simm.s32 $0x1BC00;
	[dreg:$0x6] =	wrdreg s17  }
0x22: {  	s9 =	simm.s32 $0x0;
	s21 =	sadd.s32 s18, s24;
	[dreg:$0x15] =	wrdreg s22  }
0x23: {  	s23 =	sadd.s32 s18, s5;
	[dreg:$0x18] =	wrdreg s26;
	s26 =	simm.s32 $0x14080  }
0x24: {  	s17 =	simm.s32 $0x6;
	s18 =	simm.s32 $0x7;
	[dreg:$0x7] =	wrdreg s21  }
0x25: {  	s19 =	simm.s32 $0x8;
	[dreg:$0x8] =	wrdreg s23;
	s23 =	simm.s32 $0x9  }
.LBB2_1:
0x26: {  	[dreg:$0x19] =	wrdreg s9  }
0x27: {  	s6 =	rddreg [dreg:$0x9]  }
0x28: {  	s21 =	rddreg [dreg:$0xa];
	s6 =	sshrl.u32 s6, $0x3  }
0x29: {  	[dreg:$0x1a] =	wrdreg s6  }
0x2a: {  	[spmem:s6], [sflag:s20] =	dma.local [hbm:s21], $0x2800  }
0x2b: {  	_ =	swait.ge [sflag:s23], $0x2800  }
0x2c: {  	[sflag:s23] =	ssyncset.done $0x0  }
0x2d: {  	[sflag:s23] =	ssyncadd.s32 $0xFFFFD800  }
0x2e: {  	[bflag:$0x0] =	sbarrier.arrive $0xFFFF  }
0x2f: {  	s20 =	simm.s32 $0x14000;
	s22 =	rddreg [dreg:$0xc]  }
0x30: {  	[tilespmem:s20], [sflag:$0x1] =	stream.linear.gather [hbm4b:s22+s3], $0x50, $0x38;
	[tilespmem:$0x1E400] =	vst v63  }
0x31: {  	s9 =	rddreg [dreg:$0xd];
	s22 =	simm.s32 $0x14200  }
0x32: {  	[tilespmem:s22], [sflag:$0x1] =	stream.linear.gather [hbm4b:s9+s3], $0x50, $0x38;
	[tilespmem:$0x1E400] =	vst v63  }
0x33: {  	s21 =	rddreg [dreg:$0xe]  }
0x34: {  	[tilespmem:s26], [sflag:$0x2] =	stream.linear.gather [hbm4b:s21+s3], $0x50, $0x38;
	[tilespmem:$0x1E400] =	vst v63  }
0x35: {  	s9 =	rddreg [dreg:$0xf]  }
0x36: {  	[tilespmem:s28], [sflag:$0x2] =	stream.linear.gather [hbm4b:s9+s3], $0x50, $0x38;
	[tilespmem:$0x1E400] =	vst v63  }
0x37: {  	s21 =	rddreg [dreg:$0x10]  }
0x38: {  	[tilespmem:s29], [sflag:$0x3] =	stream.linear.gather [hbm4b:s21+s3], $0x50, $0x38;
	[tilespmem:$0x1E400] =	vst v63  }
0x39: {  	s9 =	rddreg [dreg:$0x11]  }
0x3a: {  	[tilespmem:s30], [sflag:$0x3] =	stream.linear.gather [hbm4b:s9+s3], $0x50, $0x38;
	[tilespmem:$0x1E400] =	vst v63  }
0x3b: {  	s21 =	rddreg [dreg:$0x12]  }
0x3c: {  	[tilespmem:s31], [sflag:$0x4] =	stream.linear.gather [hbm4b:s21+s3], $0x50, $0x38;
	[tilespmem:$0x1E400] =	vst v63  }
0x3d: {  	s9 =	rddreg [dreg:$0x13]  }
0x3e: {  	[tilespmem:s0], [sflag:$0x4] =	stream.linear.gather [hbm4b:s9+s3], $0x50, $0x38;
	[tilespmem:$0x1E400] =	vst v63  }
0x3f: {  	_ =	swait.ge [sflag:s1], $0x50  }
0x40: {  	[sflag:s1] =	ssyncset.done $0x0  }
0x41: {  	[sflag:s1] =	ssyncadd.s32 $0xFFFFFFB0  }
0x42: {  	_ =	swait.ge [sflag:s1], $0x50  }
0x43: {  	[sflag:s1] =	ssyncset.done $0x0  }
0x44: {  	[sflag:s1] =	ssyncadd.s32 $0xFFFFFFB0  }
0x45: {  	[tilespmem:s8], [sflag:$0x5] =	stream.indirect.gather [hbm4b:s4+s7], $0x80, s20, s7, $0xb8;
	[tilespmem:$0x1E400] =	vst v63  }
0x46: {  	_ =	swait.ge [sflag:s10], $0x50  }
0x47: {  	[sflag:s10] =	ssyncset.done $0x0  }
0x48: {  	[sflag:s10] =	ssyncadd.s32 $0xFFFFFFB0  }
0x49: {  	_ =	swait.ge [sflag:s10], $0x50  }
0x4a: {  	[sflag:s10] =	ssyncset.done $0x0  }
0x4b: {  	[sflag:s10] =	ssyncadd.s32 $0xFFFFFFB0  }
0x4c: {  	[tilespmem:s11], [sflag:$0x6] =	stream.indirect.gather [hbm4b:s4+s7], $0x80, s26, s7, $0xb8;
	[tilespmem:$0x1E400] =	vst v63  }
0x4d: {  	_ =	swait.ge [sflag:s12], $0x50  }
0x4e: {  	[sflag:s12] =	ssyncset.done $0x0  }
0x4f: {  	[sflag:s12] =	ssyncadd.s32 $0xFFFFFFB0  }
0x50: {  	_ =	swait.ge [sflag:s12], $0x50  }
0x51: {  	[sflag:s12] =	ssyncset.done $0x0  }
0x52: {  	[sflag:s12] =	ssyncadd.s32 $0xFFFFFFB0  }
0x53: {  	[tilespmem:s13], [sflag:$0x7] =	stream.indirect.gather [hbm4b:s4+s7], $0x80, s29, s7, $0xb8;
	[tilespmem:$0x1E400] =	vst v63  }
0x54: {  	_ =	swait.ge [sflag:s14], $0x2800  }
0x55: {  	[sflag:s14] =	ssyncset.done $0x0  }
0x56: {  	[sflag:s14] =	ssyncadd.s32 $0xFFFFD800  }
0x57: {  	[spmem:s2] =	stream.indirect.scatter.add.f32 [tilespmem:s8], [sflag:$0x9], $0x80, s22, s7, $0xb8;
	[tilespmem:$0x1E400] =	vst v63  }
0x58: {  	_ =	swait.ge [sflag:s23], $0x2800  }
0x59: {  	s6 =	rddreg [dreg:$0x18]  }
0x5a: {  	[sflag:s23] =	ssyncset.done $0x0;
	s9 =	sshrl.u32 s6, $0x3  }
0x5b: {  	[sflag:s23] =	ssyncadd.s32 $0xFFFFD800;
	s21 =	sadd.s32 s5, s9  }
0x5c: {  	[tilespmem:s20], [sflag:$0x1] =	stream.linear.gather [hbm4b:s21+s3], $0x50, $0x38;
	[tilespmem:$0x1E400] =	vst v63  }
0x5d: {  	s9 =	sadd.s32 s24, s9  }
0x5e: {  	[tilespmem:s22], [sflag:$0x1] =	stream.linear.gather [hbm4b:s9+s3], $0x50, $0x38;
	[tilespmem:$0x1E400] =	vst v63  }
0x5f: {  	_ =	swait.ge [sflag:s15], $0x50  }
0x60: {  	[sflag:s15] =	ssyncset.done $0x0  }
0x61: {  	[sflag:s15] =	ssyncadd.s32 $0xFFFFFFB0  }
0x62: {  	_ =	swait.ge [sflag:s15], $0x50  }
0x63: {  	[sflag:s15] =	ssyncset.done $0x0  }
0x64: {  	[sflag:s15] =	ssyncadd.s32 $0xFFFFFFB0  }
0x65: {  	[tilespmem:s16], [sflag:$0x8] =	stream.indirect.gather [hbm4b:s4+s7], $0x80, s31, s7, $0xb8;
	[tilespmem:$0x1E400] =	vst v63  }
0x66: {  	_ =	swait.ge [sflag:s17], $0x2800  }
0x67: {  	[sflag:s17] =	ssyncset.done $0x0  }
0x68: {  	[sflag:s17] =	ssyncadd.s32 $0xFFFFD800  }
0x69: {  	[spmem:s2] =	stream.indirect.scatter.add.f32 [tilespmem:s11], [sflag:$0x9], $0x80, s28, s7, $0xb8;
	[tilespmem:$0x1E400] =	vst v63  }
0x6a: {  	_ =	swait.ge [sflag:s23], $0x2800  }
0x6b: {  	s21 =	rddreg [dreg:$0x8];
	[sflag:s23] =	ssyncset.done $0x0  }
0x6c: {  	s22 =	rddreg [dreg:$0x7];
	[sflag:s23] =	ssyncadd.s32 $0xFFFFD800;
	s9 =	sadd.s32 $0x0, s21  }
0x6d: {  	[tilespmem:s26], [sflag:$0x2] =	stream.linear.gather [hbm4b:s9+s3], $0x50, $0x38;
	[tilespmem:$0x1E400] =	vst v63  }
0x6e: {  	s22 =	sadd.s32 $0x0, s22  }
0x6f: {  	[tilespmem:s28], [sflag:$0x2] =	stream.linear.gather [hbm4b:s22+s3], $0x50, $0x38;
	[tilespmem:$0x1E400] =	vst v63  }
0x70: {  	_ =	swait.ge [sflag:s1], $0x50  }
0x71: {  	[sflag:s1] =	ssyncset.done $0x0  }
0x72: {  	[sflag:s1] =	ssyncadd.s32 $0xFFFFFFB0  }
0x73: {  	_ =	swait.ge [sflag:s1], $0x50  }
0x74: {  	[sflag:s1] =	ssyncset.done $0x0  }
0x75: {  	[sflag:s1] =	ssyncadd.s32 $0xFFFFFFB0  }
0x76: {  	[tilespmem:s8], [sflag:$0x5] =	stream.indirect.gather [hbm4b:s4+s7], $0x80, s20, s7, $0xb8;
	[tilespmem:$0x1E400] =	vst v63  }
0x77: {  	_ =	swait.ge [sflag:s18], $0x2800  }
0x78: {  	[sflag:s18] =	ssyncset.done $0x0  }
0x79: {  	[sflag:s18] =	ssyncadd.s32 $0xFFFFD800  }
0x7a: {  	[spmem:s2] =	stream.indirect.scatter.add.f32 [tilespmem:s13], [sflag:$0x9], $0x80, s30, s7, $0xb8;
	[tilespmem:$0x1E400] =	vst v63  }
0x7b: {  	_ =	swait.ge [sflag:s23], $0x2800  }
0x7c: {  	s21 =	rddreg [dreg:$0x6];
	[sflag:s23] =	ssyncset.done $0x0  }
0x7d: {  	s22 =	rddreg [dreg:$0x5];
	[sflag:s23] =	ssyncadd.s32 $0xFFFFD800;
	s9 =	sadd.s32 $0x0, s21  }
0x7e: {  	[tilespmem:s29], [sflag:$0x3] =	stream.linear.gather [hbm4b:s9+s3], $0x50, $0x38;
	[tilespmem:$0x1E400] =	vst v63  }
0x7f: {  	s20 =	sadd.s32 $0x0, s22  }
0x80: {  	[tilespmem:s30], [sflag:$0x3] =	stream.linear.gather [hbm4b:s20+s3], $0x50, $0x38;
	[tilespmem:$0x1E400] =	vst v63  }
0x81: {  	_ =	swait.ge [sflag:s10], $0x50  }
0x82: {  	[sflag:s10] =	ssyncset.done $0x0  }
0x83: {  	[sflag:s10] =	ssyncadd.s32 $0xFFFFFFB0  }
0x84: {  	_ =	swait.ge [sflag:s10], $0x50  }
0x85: {  	[sflag:s10] =	ssyncset.done $0x0  }
0x86: {  	[sflag:s10] =	ssyncadd.s32 $0xFFFFFFB0  }
0x87: {  	[tilespmem:s11], [sflag:$0x6] =	stream.indirect.gather [hbm4b:s4+s7], $0x80, s26, s7, $0xb8;
	[tilespmem:$0x1E400] =	vst v63  }
0x88: {  	_ =	swait.ge [sflag:s19], $0x2800  }
0x89: {  	[sflag:s19] =	ssyncset.done $0x0  }
0x8a: {  	[sflag:s19] =	ssyncadd.s32 $0xFFFFD800  }
0x8b: {  	[spmem:s2] =	stream.indirect.scatter.add.f32 [tilespmem:s16], [sflag:$0x9], $0x80, s0, s7, $0xb8;
	[tilespmem:$0x1E400] =	vst v63  }
0x8c: {  	_ =	swait.ge [sflag:s23], $0x2800  }
0x8d: {  	s21 =	rddreg [dreg:$0x4];
	[sflag:s23] =	ssyncset.done $0x0  }
0x8e: {  	s22 =	rddreg [dreg:$0x3];
	[sflag:s23] =	ssyncadd.s32 $0xFFFFD800;
	s9 =	sadd.s32 $0x0, s21  }
0x8f: {  	[tilespmem:s31], [sflag:$0x4] =	stream.linear.gather [hbm4b:s9+s3], $0x50, $0x38;
	[tilespmem:$0x1E400] =	vst v63  }
0x90: {  	s26 =	sadd.s32 $0x0, s22  }
0x91: {  	[tilespmem:s0], [sflag:$0x4] =	stream.linear.gather [hbm4b:s26+s3], $0x50, $0x38;
	[tilespmem:$0x1E400] =	vst v63  }
0x92: {  	_ =	swait.ge [sflag:s12], $0x50  }
0x93: {  	[sflag:s12] =	ssyncset.done $0x0  }
0x94: {  	[sflag:s12] =	ssyncadd.s32 $0xFFFFFFB0  }
0x95: {  	_ =	swait.ge [sflag:s12], $0x50  }
0x96: {  	[sflag:s12] =	ssyncset.done $0x0  }
0x97: {  	s22 =	sadd.s32 $0x140, s6;
	s9 =	simm.s32 $0x28;
	[sflag:s12] =	ssyncadd.s32 $0xFFFFFFB0  }
.LBB2_2:
0x98: {  	[tilespmem:s13], [sflag:$0x7] =	stream.indirect.gather [hbm4b:s4+s7], $0x80, s29, s7, $0xb8;
	[tilespmem:$0x1E400] =	vst v63  }
0x99: {  	_ =	swait.ge [sflag:s14], $0x2800  }
0x9a: {  	[sflag:s14] =	ssyncset.done $0x0  }
0x9b: {  	s26 =	simm.s32 $0x14200;
	[sflag:s14] =	ssyncadd.s32 $0xFFFFD800  }
0x9c: {  	[spmem:s2] =	stream.indirect.scatter.add.f32 [tilespmem:s8], [sflag:$0x9], $0x80, s26, s7, $0xb8;
	[tilespmem:$0x1E400] =	vst v63  }
0x9d: {  	_ =	swait.ge [sflag:s23], $0x2800  }
0x9e: {  	s20 =	sshrl.u32 s22, $0x3;
	[sflag:s23] =	ssyncset.done $0x0  }
0x9f: {  	s6 =	smov.u32 s5;
	s5 =	sadd.s32 s5, s20;
	[sflag:s23] =	ssyncadd.s32 $0xFFFFD800  }
0xa0: {  	[tilespmem:s25], [sflag:$0x1] =	stream.linear.gather [hbm4b:s5+s3], $0x50, $0x38;
	[tilespmem:$0x1E400] =	vst v63  }
0xa1: {  	s20 =	sadd.s32 s24, s20  }
0xa2: {  	[tilespmem:s26], [sflag:$0x1] =	stream.linear.gather [hbm4b:s20+s3], $0x50, $0x38;
	[tilespmem:$0x1E400] =	vst v63  }
0xa3: {  	_ =	swait.ge [sflag:s15], $0x50  }
0xa4: {  	[sflag:s15] =	ssyncset.done $0x0  }
0xa5: {  	[sflag:s15] =	ssyncadd.s32 $0xFFFFFFB0  }
0xa6: {  	_ =	swait.ge [sflag:s15], $0x50  }
0xa7: {  	[sflag:s15] =	ssyncset.done $0x0  }
0xa8: {  	[sflag:s15] =	ssyncadd.s32 $0xFFFFFFB0  }
0xa9: {  	[tilespmem:s16], [sflag:$0x8] =	stream.indirect.gather [hbm4b:s4+s7], $0x80, s31, s7, $0xb8;
	[tilespmem:$0x1E400] =	vst v63  }
0xaa: {  	_ =	swait.ge [sflag:s17], $0x2800  }
0xab: {  	[sflag:s17] =	ssyncset.done $0x0  }
0xac: {  	[sflag:s17] =	ssyncadd.s32 $0xFFFFD800  }
0xad: {  	[spmem:s2] =	stream.indirect.scatter.add.f32 [tilespmem:s11], [sflag:$0x9], $0x80, s28, s7, $0xb8;
	[tilespmem:$0x1E400] =	vst v63  }
0xae: {  	s21 =	smov.u32 s9;
	_ =	swait.ge [sflag:s23], $0x2800  }
0xaf: {  	s26 =	simm.s32 $0x14080;
	s5 =	rddreg [dreg:$0x8];
	[sflag:s23] =	ssyncset.done $0x0  }
0xb0: {  	s20 =	rddreg [dreg:$0x7];
	[sflag:s23] =	ssyncadd.s32 $0xFFFFD800;
	s5 =	sadd.s32 s21, s5  }
0xb1: {  	[tilespmem:s26], [sflag:$0x2] =	stream.linear.gather [hbm4b:s5+s3], $0x50, $0x38;
	[tilespmem:$0x1E400] =	vst v63  }
0xb2: {  	s20 =	sadd.s32 s21, s20  }
0xb3: {  	[tilespmem:s28], [sflag:$0x2] =	stream.linear.gather [hbm4b:s20+s3], $0x50, $0x38;
	[tilespmem:$0x1E400] =	vst v63  }
0xb4: {  	_ =	swait.ge [sflag:s1], $0x50  }
0xb5: {  	[sflag:s1] =	ssyncset.done $0x0  }
0xb6: {  	[sflag:s1] =	ssyncadd.s32 $0xFFFFFFB0  }
0xb7: {  	_ =	swait.ge [sflag:s1], $0x50  }
0xb8: {  	[sflag:s1] =	ssyncset.done $0x0  }
0xb9: {  	[sflag:s1] =	ssyncadd.s32 $0xFFFFFFB0  }
0xba: {  	[tilespmem:s8], [sflag:$0x5] =	stream.indirect.gather [hbm4b:s4+s7], $0x80, s25, s7, $0xb8;
	[tilespmem:$0x1E400] =	vst v63  }
0xbb: {  	_ =	swait.ge [sflag:s18], $0x2800  }
0xbc: {  	[sflag:s18] =	ssyncset.done $0x0  }
0xbd: {  	[sflag:s18] =	ssyncadd.s32 $0xFFFFD800  }
0xbe: {  	[spmem:s2] =	stream.indirect.scatter.add.f32 [tilespmem:s13], [sflag:$0x9], $0x80, s30, s7, $0xb8;
	[tilespmem:$0x1E400] =	vst v63  }
0xbf: {  	_ =	swait.ge [sflag:s23], $0x2800  }
0xc0: {  	s5 =	rddreg [dreg:$0x6];
	[sflag:s23] =	ssyncset.done $0x0  }
0xc1: {  	s20 =	rddreg [dreg:$0x5];
	[sflag:s23] =	ssyncadd.s32 $0xFFFFD800;
	s5 =	sadd.s32 s21, s5  }
0xc2: {  	[tilespmem:s29], [sflag:$0x3] =	stream.linear.gather [hbm4b:s5+s3], $0x50, $0x38;
	[tilespmem:$0x1E400] =	vst v63  }
0xc3: {  	s20 =	sadd.s32 s21, s20  }
0xc4: {  	[tilespmem:s30], [sflag:$0x3] =	stream.linear.gather [hbm4b:s20+s3], $0x50, $0x38;
	[tilespmem:$0x1E400] =	vst v63  }
0xc5: {  	_ =	swait.ge [sflag:s10], $0x50  }
0xc6: {  	[sflag:s10] =	ssyncset.done $0x0  }
0xc7: {  	[sflag:s10] =	ssyncadd.s32 $0xFFFFFFB0  }
0xc8: {  	_ =	swait.ge [sflag:s10], $0x50  }
0xc9: {  	[sflag:s10] =	ssyncset.done $0x0  }
0xca: {  	[sflag:s10] =	ssyncadd.s32 $0xFFFFFFB0  }
0xcb: {  	[tilespmem:s11], [sflag:$0x6] =	stream.indirect.gather [hbm4b:s4+s7], $0x80, s26, s7, $0xb8;
	[tilespmem:$0x1E400] =	vst v63  }
0xcc: {  	_ =	swait.ge [sflag:s19], $0x2800  }
0xcd: {  	[sflag:s19] =	ssyncset.done $0x0  }
0xce: {  	[sflag:s19] =	ssyncadd.s32 $0xFFFFD800  }
0xcf: {  	[spmem:s2] =	stream.indirect.scatter.add.f32 [tilespmem:s16], [sflag:$0x9], $0x80, s0, s7, $0xb8;
	[tilespmem:$0x1E400] =	vst v63  }
0xd0: {  	_ =	swait.ge [sflag:s23], $0x2800  }
0xd1: {  	s5 =	rddreg [dreg:$0x4];
	[sflag:s23] =	ssyncset.done $0x0  }
0xd2: {  	s20 =	rddreg [dreg:$0x3];
	[sflag:s23] =	ssyncadd.s32 $0xFFFFD800;
	s5 =	sadd.s32 s21, s5  }
0xd3: {  	[tilespmem:s31], [sflag:$0x4] =	stream.linear.gather [hbm4b:s5+s3], $0x50, $0x38;
	[tilespmem:$0x1E400] =	vst v63  }
0xd4: {  	s21 =	sadd.s32 s21, s20  }
0xd5: {  	[tilespmem:s0], [sflag:$0x4] =	stream.linear.gather [hbm4b:s21+s3], $0x50, $0x38;
	[tilespmem:$0x1E400] =	vst v63  }
0xd6: {  	p0 =	sne.s32 s9, $0x488;
	_ =	swait.ge [sflag:s12], $0x50  }
.Ltmp0:
0xd7: {  	[sflag:s12] =	ssyncset.done $0x0;
	(pc) =	sbr.rel @p0 .LBB2_2-.Ltmp0, $4  }
0xd8: {  	[sflag:s12] =	ssyncadd.s32 $0xFFFFFFB0  }
0xd9: {  	_ =	swait.ge [sflag:s12], $0x50  }
0xda: {  	s9 =	sadd.s32 $0x28, s9;
	[sflag:s12] =	ssyncset.done $0x0  }
0xdb: {  	s22 =	sadd.s32 $0x140, s22;
	s5 =	smov.u32 s6;
	[sflag:s12] =	ssyncadd.s32 $0xFFFFFFB0  }
0xdc: {  	[tilespmem:s13], [sflag:$0x7] =	stream.indirect.gather [hbm4b:s4+s7], $0x80, s29, s7, $0xb8;
	[tilespmem:$0x1E400] =	vst v63  }
0xdd: {  	_ =	swait.ge [sflag:s14], $0x2800  }
0xde: {  	[sflag:s14] =	ssyncset.done $0x0  }
0xdf: {  	s20 =	simm.s32 $0x14200;
	[sflag:s14] =	ssyncadd.s32 $0xFFFFD800  }
0xe0: {  	[spmem:s2] =	stream.indirect.scatter.add.f32 [tilespmem:s8], [sflag:$0x9], $0x80, s20, s7, $0xb8;
	[tilespmem:$0x1E400] =	vst v63  }
0xe1: {  	_ =	swait.ge [sflag:s23], $0x2800  }
0xe2: {  	[sflag:s23] =	ssyncset.done $0x0  }
0xe3: {  	s9 =	simm.s32 $0x14000;
	s6 =	rddreg [dreg:$0x14];
	[sflag:s23] =	ssyncadd.s32 $0xFFFFD800  }
0xe4: {  	[tilespmem:s9], [sflag:$0x1] =	stream.linear.gather [hbm4b:s6+s3], $0x50, $0x38;
	[tilespmem:$0x1E400] =	vst v63  }
0xe5: {  	s22 =	rddreg [dreg:$0x15]  }
0xe6: {  	[tilespmem:s20], [sflag:$0x1] =	stream.linear.gather [hbm4b:s22+s3], $0x50, $0x38;
	[tilespmem:$0x1E400] =	vst v63  }
0xe7: {  	_ =	swait.ge [sflag:s15], $0x50  }
0xe8: {  	[sflag:s15] =	ssyncset.done $0x0  }
0xe9: {  	[sflag:s15] =	ssyncadd.s32 $0xFFFFFFB0  }
0xea: {  	_ =	swait.ge [sflag:s15], $0x50  }
0xeb: {  	[sflag:s15] =	ssyncset.done $0x0  }
0xec: {  	[sflag:s15] =	ssyncadd.s32 $0xFFFFFFB0  }
0xed: {  	[tilespmem:s16], [sflag:$0x8] =	stream.indirect.gather [hbm4b:s4+s7], $0x80, s31, s7, $0xb8;
	[tilespmem:$0x1E400] =	vst v63  }
0xee: {  	_ =	swait.ge [sflag:s17], $0x2800  }
0xef: {  	[sflag:s17] =	ssyncset.done $0x0  }
0xf0: {  	[sflag:s17] =	ssyncadd.s32 $0xFFFFD800  }
0xf1: {  	[spmem:s2] =	stream.indirect.scatter.add.f32 [tilespmem:s11], [sflag:$0x9], $0x80, s28, s7, $0xb8;
	[tilespmem:$0x1E400] =	vst v63  }
0xf2: {  	_ =	swait.ge [sflag:s23], $0x2800  }
0xf3: {  	[sflag:s23] =	ssyncset.done $0x0  }
0xf4: {  	[sflag:s23] =	ssyncadd.s32 $0xFFFFD800  }
0xf5: {  	_ =	swait.ge [sflag:s1], $0x50  }
0xf6: {  	[sflag:s1] =	ssyncset.done $0x0  }
0xf7: {  	[sflag:s1] =	ssyncadd.s32 $0xFFFFFFB0  }
0xf8: {  	_ =	swait.ge [sflag:s1], $0x50  }
0xf9: {  	[sflag:s1] =	ssyncset.done $0x0  }
0xfa: {  	[sflag:s1] =	ssyncadd.s32 $0xFFFFFFB0  }
0xfb: {  	[tilespmem:s8], [sflag:$0x5] =	stream.indirect.gather [hbm4b:s4+s7], $0x80, s9, s7, $0xb8;
	[tilespmem:$0x1E400] =	vst v63  }
0xfc: {  	_ =	swait.ge [sflag:s18], $0x2800  }
0xfd: {  	[sflag:s18] =	ssyncset.done $0x0  }
0xfe: {  	[sflag:s18] =	ssyncadd.s32 $0xFFFFD800  }
0xff: {  	[spmem:s2] =	stream.indirect.scatter.add.f32 [tilespmem:s13], [sflag:$0x9], $0x80, s30, s7, $0xb8;
	[tilespmem:$0x1E400] =	vst v63  }
0x100: {  	_ =	swait.ge [sflag:s23], $0x2800  }
0x101: {  	[sflag:s23] =	ssyncset.done $0x0  }
0x102: {  	[sflag:s23] =	ssyncadd.s32 $0xFFFFD800  }
0x103: {  	_ =	swait.ge [sflag:s19], $0x2800  }
0x104: {  	[sflag:s19] =	ssyncset.done $0x0  }
0x105: {  	[sflag:s19] =	ssyncadd.s32 $0xFFFFD800  }
0x106: {  	[spmem:s2] =	stream.indirect.scatter.add.f32 [tilespmem:s16], [sflag:$0x9], $0x80, s0, s7, $0xb8;
	[tilespmem:$0x1E400] =	vst v63  }
0x107: {  	_ =	swait.ge [sflag:s23], $0x2800  }
0x108: {  	[sflag:s23] =	ssyncset.done $0x0  }
0x109: {  	[sflag:s23] =	ssyncadd.s32 $0xFFFFD800  }
0x10a: {  	_ =	swait.ge [sflag:s14], $0x2800  }
0x10b: {  	[sflag:s14] =	ssyncset.done $0x0  }
0x10c: {  	[sflag:s14] =	ssyncadd.s32 $0xFFFFD800  }
0x10d: {  	[spmem:s2] =	stream.indirect.scatter.add.f32 [tilespmem:s8], [sflag:$0x9], $0x80, s20, s7, $0xb8;
	[tilespmem:$0x1E400] =	vst v63  }
0x10e: {  	_ =	swait.ge [sflag:s23], $0x2800  }
0x10f: {  	[sflag:s23] =	ssyncset.done $0x0  }
0x110: {  	[sflag:s23] =	ssyncadd.s32 $0xFFFFD800  }
0x111: {  	[bflag:$0x0] =	sbarrier.arrive $0xFFFF  }
0x112: {  	s20 =	rddreg [dreg:$0xb]  }
0x113: {  	s21 =	rddreg [dreg:$0x16]  }
0x114: {  	s22 =	rddreg [dreg:$0x1a]  }
0x115: {  	[hbm:s21], [sflag:s20] =	dma.local [spmem:s22], $0x2800  }
0x116: {  	_ =	swait.ge [sflag:s23], $0x2800  }
0x117: {  	s21 =	rddreg [dreg:$0x19]  }
0x118: {  	s22 =	rddreg [dreg:$0x17];
	s9 =	sadd.s32 $0x1, s21  }
0x119: {  	p0 =	sne.s32 s9, s22  }
.Ltmp1:
0x11a: {  	_ = 	snop;
	(pc) =	sbr.rel @p0 .LBB2_1-.Ltmp1, $3  }
0x11b: {  	_ =	sdelay $0x1  }
0x11c: {  	[sflag:s23] =	ssyncset.done $0x0  }
0x11d: {  	[sflag:s23] =	ssyncadd.s32 $0xFFFFD800  }
0x11e: {  	_ =	sfence.sel $0x180000  }
0x11f: {  	[bflag:$0x0] =	sbarrier.arrive $0xFFFF  }
0x120: {  	_ =	strace $0x9000004D  }
0x121: {  	s0 =	stileid.u32;
	[bflag:$0x2] =	sbarrier.arrive $0xFFFF  }
0x122: {  	p0 =	sne.s32 s0, $0x0;
	s0 =	rddreg [dreg:$0x2]  }
0x123: {  	s0 =	sadd.s32 @!p0 $0x100000, s0  }
0x124: {  	[sflag:s0] =	ssyncadd.tile.s32 @!p0 $0x1;
	_ =	shalt  }
.Lfunc_end2:
_tile_overlayer_lowered:
.L_overlay_start_2:
0x125: {  	(tag) =	ssettag $0x2  }
0x126: {  	s0 =	rddreg [dreg:$0x0];
	s2 =	stileid.u32  }
0x127: {  	s1 =	rddreg [dreg:$0x1];
	p0 =	sne.s32 s2, $0x0  }
0x128: {  	s3 =	rddreg [dreg:$0x2];
	[bflag:$0x3] =	sbarrier.arrive $0xFFFF;
	s2 =	simm.s32 @!p0 $0x1C09  }
0x129: {  	[timem:s3], [sflag:s2] =	dma.local @!p0 [hbm:s0], s1  }
0x12a: {  	s0 =	simm.s32 @!p0 $0x9  }
0x12b: {  	_ =	swait.ge @!p0 [sflag:s0], s1  }
0x12c: {  	s1 =	ssub.s32 @!p0 $0x0, s1;
	[sflag:s0] =	ssyncset.done @!p0 $0x0  }
0x12d: {  	[sflag:s0] =	ssyncadd.s32 @!p0 s1  }
0x12e: {  	[bflag:$0x3] =	sbarrier.arrive $0xFFFF  }
0x12f: {  	_ =	shalt  }

// kernel: kernel.19.cloned.1.call-start
scs
__scs_entry_jumppad:
0x0: {  	(pc) =	sbr.rel $0x88, $3  }
0x1: {  	(tag) =	ssettag $0x0;
	lr =	simm.s32 $0x1  }
0x2: {  	[smem:$0x3F97] =	sst lr;
	_ =	strace $0xD0000000  }
0x3: {  	_ = 	snop  }
0x4: {  	_ = 	snop  }
0x5: {  	_ = 	snop  }
0x6: {  	_ = 	snop  }
0x7: {  	_ = 	snop  }
__scs_overlays_trampoline_lowered:
0x8: {  	[smem:$0x3FA6] =	sst s0  }
0x9: {  	[smem:$0x3FA7] =	sst s1  }
0xa: {  	[smem:$0x3FA8] =	sst s2  }
0xb: {  	[smem:$0x3FA9] =	sst s3  }
0xc: {  	[smem:$0x3FAA] =	sst s4  }
0xd: {  	[smem:$0x3FAB] =	sst s5  }
0xe: {  	[smem:$0x3FAC] =	sst s6  }
0xf: {  	[smem:$0x3FAD] =	sst s7  }
0x10: {  	[smem:$0x3FAE] =	sst s8  }
0x11: {  	[smem:$0x3FAF] =	sst s9;
	s0 =	simm.s32 @!p0 $0x0  }
0x12: {  	s1 =	sld [smem:$0x3F95];
	s0 =	simm.s32 @p0 $0x1  }
0x13: {  	[smem:$0x3FB0] =	sst s0;
	s0 =	simm.s32 @!p1 $0x0  }
0x14: {  	s2 =	sld [smem:$0x3F94];
	s0 =	simm.s32 @p1 $0x1  }
0x15: {  	[smem:$0x3FB1] =	sst s0;
	s0 =	simm.s32 @!p2 $0x0  }
0x16: {  	s3 =	sld [smem:$0x3FDB];
	s0 =	simm.s32 @p2 $0x1  }
0x17: {  	s4 =	simm.s32 $0x1BF5;
	[smem:$0x3FB3] =	sst s0  }
0x18: {  	s0 =	sld [smem:$0x3F96];
	_ =	swait.ge [sflag:s4], $0x0  }
0x19: {  	s7 =	sld [smem:$0x3F97]  }
0x1a: {  	s8 =	sadd.s32 $0xFFFFE003, lr  }
0x1b: {  	s9 =	sadd.s32 $0xFFFFFEF7, lr;
	s5 =	simm.s32 $0xFFFFFFFF;
	p2 =	slt.u32 s8, $0xFFFFF086  }
0x1c: {  	p1 =	slt.u32 s9, $0xF7A;
	s5 =	simm.s32 @!p2 $0x0  }
0x1d: {  	s5 =	simm.s32 @p1 $0x1;
	p0 =	seq.s32 s7, s2  }
0x1e: {  	s7 =	smul.u32 @!p0 $0xF7A, s2;
	p2 =	seq.s32 @!p0 s5, $0x0  }
0x1f: {  	s9 =	smul.u32 $0xF7A, s1;
	s8 =	simm.s32 @!p0 $0x1BF5;
	p2 =	por !p2, p0  }
0x20: {  	[sflag:s8] =	ssyncset.s32 @!p0 $0xFFFFF086;
	s6 =	sadd.s32 @!p0 s3, s7;
	s7 =	simm.s32 @!p0 $0x108  }
0x21: {  	s3 =	sadd.s32 s3, s9;
	s6 =	sadd.s32 @!p0 $0x88, s6;
	s7 =	simm.s32 @p2 $0x1082  }
0x22: {  	[simem:s7], [sflag:s8] =	dma.local @!p0 [hbm:s6], $0xF7A  }
0x23: {  	s9 =	sor.u32 $0xD0000000, s2;
	s6 =	simm.s32 $0x108;
	_ =	swait.ge @!p0 [sflag:s8], $0x0  }
0x24: {  	s3 =	sadd.s32 $0x88, s3;
	s6 =	simm.s32 @!p1 $0x1082;
	[sflag:s4] =	ssyncset.s32 $0xFFFFF086  }
0x25: {  	[simem:s6], [sflag:s4] =	dma.local [hbm:s3], $0xF7A  }
0x26: {  	[smem:$0x3F97] =	sst s1;
	(tag) =	ssettag s2;
	_ =	strace s9  }
0x27: {  	s1 =	sld [smem:$0x3FA7]  }
0x28: {  	s2 =	sld [smem:$0x3FA8]  }
0x29: {  	s4 =	sld [smem:$0x3FAA]  }
0x2a: {  	p0 =	seq.s32 s5, $0x0;
	s5 =	sld [smem:$0x3FAB]  }
0x2b: {  	s6 =	sld [smem:$0x3FAC]  }
0x2c: {  	s7 =	sld [smem:$0x3FAD]  }
0x2d: {  	s3 =	simm.s32 $0x108;
	s8 =	sld [smem:$0x3FAE]  }
0x2e: {  	s3 =	simm.s32 @!p0 $0x1082;
	s9 =	sld [smem:$0x3FAF]  }
0x2f: {  	lr =	sadd.s32 s0, s3;
	s0 =	sld [smem:$0x3FA6]  }
0x30: {  	s3 =	sld [smem:$0x3FA9]  }
0x31: {  	[smem:$0x3FB2] =	sst s10  }
0x32: {  	s10 =	sld [smem:$0x3FB0];
	_ =	sdelay $0x3  }
0x33: {  	p0 =	seq.s32 s10, $0x1;
	s10 =	sld [smem:$0x3FB2];
	_ =	sdelay $0x3  }
0x34: {  	[smem:$0x3FB2] =	sst s10  }
0x35: {  	s10 =	sld [smem:$0x3FB1];
	_ =	sdelay $0x3  }
0x36: {  	p1 =	seq.s32 s10, $0x1;
	s10 =	sld [smem:$0x3FB2];
	_ =	sdelay $0x3  }
0x37: {  	[smem:$0x3FB2] =	sst s10  }
0x38: {  	s10 =	sld [smem:$0x3FB3]  }
0x39: {  	_ = 	snop;
	(pc) =	sbr.ind lr, $3  }
0x3a: {  	_ = 	snop  }
0x3b: {  	_ = 	snop  }
0x3c: {  	p2 =	seq.s32 s10, $0x1;
	s10 =	sld [smem:$0x3FB2]  }
0x3d: {  	_ =	shalt  }
0x3e: {  	_ =	shalt  }
0x3f: {  	_ =	shalt  }
0x40: {  	_ =	shalt  }
0x41: {  	_ =	shalt  }
0x42: {  	_ =	shalt  }
0x43: {  	_ =	shalt  }
0x44: {  	_ =	shalt  }
0x45: {  	_ =	shalt  }
0x46: {  	_ =	shalt  }
0x47: {  	_ =	shalt  }
0x48: {  	_ =	shalt  }
0x49: {  	_ =	shalt  }
0x4a: {  	_ =	shalt  }
0x4b: {  	_ =	shalt  }
0x4c: {  	_ =	shalt  }
0x4d: {  	_ =	shalt  }
0x4e: {  	_ =	shalt  }
0x4f: {  	_ =	shalt  }
0x50: {  	_ =	shalt  }
0x51: {  	_ =	shalt  }
0x52: {  	_ =	shalt  }
0x53: {  	_ =	shalt  }
0x54: {  	_ =	shalt  }
0x55: {  	_ =	shalt  }
0x56: {  	_ =	shalt  }
0x57: {  	_ =	shalt  }
0x58: {  	_ =	shalt  }
0x59: {  	_ =	shalt  }
0x5a: {  	_ =	shalt  }
0x5b: {  	_ =	shalt  }
0x5c: {  	_ =	shalt  }
0x5d: {  	_ =	shalt  }
0x5e: {  	_ =	shalt  }
0x5f: {  	_ =	shalt  }
0x60: {  	_ =	shalt  }
0x61: {  	_ =	shalt  }
0x62: {  	_ =	shalt  }
0x63: {  	_ =	shalt  }
0x64: {  	_ =	shalt  }
0x65: {  	_ =	shalt  }
0x66: {  	_ =	shalt  }
0x67: {  	_ =	shalt  }
0x68: {  	_ =	shalt  }
0x69: {  	_ =	shalt  }
0x6a: {  	_ =	shalt  }
0x6b: {  	_ =	shalt  }
0x6c: {  	_ =	shalt  }
0x6d: {  	_ =	shalt  }
0x6e: {  	_ =	shalt  }
0x6f: {  	_ =	shalt  }
0x70: {  	_ =	shalt  }
0x71: {  	_ =	shalt  }
0x72: {  	_ =	shalt  }
0x73: {  	_ =	shalt  }
0x74: {  	_ =	shalt  }
0x75: {  	_ =	shalt  }
0x76: {  	_ =	shalt  }
0x77: {  	_ =	shalt  }
0x78: {  	_ =	shalt  }
0x79: {  	_ =	shalt  }
0x7a: {  	_ =	shalt  }
0x7b: {  	_ =	shalt  }
0x7c: {  	_ =	shalt  }
0x7d: {  	_ =	shalt  }
0x7e: {  	_ =	shalt  }
0x7f: {  	_ =	shalt  }
0x80: {  	_ =	shalt  }
0x81: {  	_ =	shalt  }
0x82: {  	_ =	shalt  }
0x83: {  	_ =	shalt  }
0x84: {  	_ =	shalt  }
0x85: {  	_ =	shalt  }
0x86: {  	_ =	shalt  }
0x87: {  	_ =	shalt  }
.Lfunc_end0:
.L_simem_size_0:
called_computation.3_lowered:
.L_overlay_start_0:
0x88: {  	s2 =	sld [smem:$0x3FD9]  }
0x89: {  	s3 =	sld [smem:$0x3FFE];
	_ =	sdelay $0x1  }
0x8a: {  	s1 =	srdreg.scid  }
0x8b: {  	s0 =	sand.u32 $0x1, s1  }
0x8c: {  	s16 =	sshll.u32 s0, $0xA;
	s2 =	sadd.s32 s3, s2  }
0x8d: {  	s2 =	sadd.s32 s2, s16  }
0x8e: {  	[smem:$0x3FBE] =	sst s2  }
0x8f: {  	_ = 	snop  }
0x90: {  	(tm) =	ssettm $0x1  }
0x91: {  	s17 =	sld [smem:$0x3FFB];
	_ =	sdelay $0x3  }
0x92: {  	_ =	strace s17  }
0x93: {  	s2 =	sld [smem:$0x3FFC];
	_ =	sdelay $0x3  }
0x94: {  	_ =	strace s2  }
0x95: {  	s2 =	sld [smem:$0x3FFD];
	_ =	sdelay $0x3  }
0x96: {  	_ =	strace s2  }
0x97: {  	_ =	strace $0x8FFFFFFF  }
0x98: {  	s18 =	sld [smem:$0x3FDB];
	_ =	sdelay $0x1  }
0x99: {  	s19 =	simm.s32 $_scs_section_size  }
0x9a: {  	s4 =	simm.s32 $_size__tile_overlayer_lowered;
	s5 =	simm.s32 $_tile_overlayer_lowered  }
0x9b: {  	s22 =	simm.s32 $0x1BFF;
	s21 =	sshll.u32 s5, $0x1;
	s2 =	sadd.s32 s19, s18  }
0x9c: {  	s6 =	simm.s32 $0x0;
	s20 =	sshll.u32 s4, $0x1;
	s4 =	sadd.s32 s21, s2  }
0x9d: {  	[timem:s6], [sflag:s22] =	dma.local [hbm:s4], s20  }
0x9e: {  	_ =	swait.ge [sflag:s22], s20  }
0x9f: {  	s3 =	ssub.s32 $0x0, s20;
	[sflag:s22] =	ssyncset.done $0x0  }
0xa0: {  	[sflag:s22] =	ssyncadd.s32 s3;
	_ =	sdelay $0x1  }
0xa1: {  	s23 =	simm.s32 $0x1B8B  }
0xa2: {  	_ =	swait.ge [sflag:s23], $0x1  }
0xa3: {  	[sflag:s23] =	ssyncset.done $0x0  }
0xa4: {  	s25 =	simm.s32 $0x1B8E;
	s24 =	sld [smem:$0x3FFE];
	[sflag:s23] =	ssyncadd.s32 $0xFFFFFFFF  }
0xa5: {  	s26 =	simm.s32 $execute0_lowered;
	[smem:$0x3FD2] =	sst s25  }
0xa6: {  	s4 =	sshll.u32 s26, $0x1;
	_ =	strace $0x8000004F;
	[dreg:$0x1] =	wrdreg $0xFFFFFFFF  }
0xa7: {  	s28 =	simm.s32 $_size_execute0_lowered;
	s2 =	sadd.s32 s2, s4;
	[dreg:$0x0] =	wrdreg $0x0  }
0xa8: {  	s4 =	sshll.u32 s28, $0x1;
	[dreg:$0x2] =	wrdreg s2  }
0xa9: {  	[dreg:$0x3] =	wrdreg s4  }
0xaa: {  	[dreg:$0x4] =	wrdreg $0xC0  }
0xab: {  	_ =	task [dreg:s6], $0x5FFFF  }
0xac: {  	[dreg:$0x1] =	wrdreg $0xFFFFFFFF  }
0xad: {  	[dreg:$0x0] =	wrdreg $0x60  }
0xae: {  	[dreg:$0x2] =	wrdreg s24  }
0xaf: {  	[dreg:$0x3] =	wrdreg $0x0  }
0xb0: {  	[dreg:$0x4] =	wrdreg $0x9  }
0xb1: {  	_ =	task.clear_ibuf [dreg:s6], $0x5FFFF;
	_ =	strace $0x9000004F  }
0xb2: {  	s29 =	simm.s32 $0x9;
	_ =	strace $0x80000051  }
0xb3: {  	_ =	swait.ge [sflag:s29], $0x1  }
0xb4: {  	[sflag:s29] =	ssyncadd.s32 $0xFFFFFFFF  }
0xb5: {  	_ =	strace $0x90000051  }
0xb6: {  	_ =	sfence  }
0xb7: {  	s30 =	sld [smem:$0x0];
	_ =	sdelay $0x2  }
0xb8: {  	s31 =	sshll.u32 s1, $0xD;
	s1 =	sshrl.u32 s1, $0x2  }
0xb9: {  	s3 =	sand.u32 $0x4000, s31;
	s1 =	sadd.s32 s1, s30  }
0xba: {  	s0 =	sor.u32 s3, s0;
	s1 =	sshll.u32 s1, $0x11  }
0xbb: {  	s0 =	sor.u32 s1, s0  }
0xbc: {  	s0 =	sadd.s32 $0x8F2B, s0  }
0xbd: {  	[sflag:s0] =	ssyncadd.remote.s32 $0x1  }
0xbe: {  	_ =	sfence.sel $0xFFFF  }
0xbf: {  	[dreg:$0x0] =	wrdreg $0xFFFFFFFF;
	(pc) =	sbr.abs _section_cstart, $3  }
0xc0: {  	[dreg:$0x1] =	wrdreg $0xFFFFFFFF  }
0xc1: {  	_ =	task.clear_ibuf [dreg:s6], $0x2FFFF;
	_ =	strace $0x9FFFFFFF  }
0xc2: {  	(tm) =	ssettm $0x7FFFFFFF  }
0xc3: {  	_ =	shalt  }
tec
execute0_lowered:
.L_overlay_start_1:
0x0: {  	(tag) =	ssettag $0x1  }
0x1: {  	s0 =	rddreg [dreg:$0x0]  }
0x2: {  	s2 =	rddreg [dreg:$0x1]  }
0x3: {  	s5 =	stileid.u32;
	s1 =	srdreg.scid  }
0x4: {  	s3 =	simm.s32 $0x0;
	s28 =	simm.s32 $0x14280;
	s29 =	simm.s32 $0x14100  }
0x5: {  	s30 =	simm.s32 $0x14300;
	s31 =	simm.s32 $0x14180;
	s7 =	smul.u32 $0x2800, s5  }
0x6: {  	s1 =	sand.u32 $0x1, s1;
	[smem:$0x7FF] =	sst s3;
	s4 =	sadd.s32 $0x4EA00, s0  }
0x7: {  	s6 =	sadd.s32 $0x2E00, s0;
	s24 =	sadd.s32 $0xCC00, s0;
	s11 =	smul.u32 $0x50000, s5  }
0x8: {  	s10 =	sshll.u32 s5, $0x1;
	s13 =	sshll.u32 s5, $0x6;
	s14 =	smul.u32 $0x4E20, s5  }
0x9: {  	s8 =	smul.u32 $0x28000, s1;
	_ =	strace $0x80000050;
	s23 =	ssub.s32 $0x2, s1  }
0xa: {  	s10 =	sor.u32 s1, s10;
	s20 =	sor.u32 $0x1C09, s13;
	s5 =	smov.u32 s6  }
0xb: {  	s1 =	smul.u32 $0x2710, s1;
	s9 =	sadd.s32 s7, s0;
	s25 =	sshrl.u32 s23, $0x1  }
0xc: {  	s26 =	smul.u32 $0x2710, s10;
	s12 =	sshrl.u32 s11, $0x2;
	[dreg:$0xb] =	wrdreg s20  }
0xd: {  	s7 =	sadd.s32 s7, s8;
	s10 =	sadd.s32 s12, s2;
	s9 =	sadd.s32 $0x26A00, s9  }
0xe: {  	s1 =	sadd.s32 s1, s14;
	s0 =	sadd.s32 s7, s0;
	[dreg:$0x9] =	wrdreg s10  }
0xf: {  	s7 =	ssub.s32 s23, s25;
	[dreg:$0xa] =	wrdreg s9;
	s8 =	sshrl.u32 s26, $0x3  }
0x10: {  	s25 =	sadd.s32 $0x230, s1;
	s13 =	sadd.s32 $0x1E0, s1;
	s6 =	sadd.s32 s6, s8  }
0x11: {  	s15 =	sadd.s32 $0xA, s8;
	s16 =	sadd.s32 s24, s8;
	[dreg:$0xc] =	wrdreg s6  }
0x12: {  	s18 =	sadd.s32 $0x14, s8;
	s0 =	sadd.s32 $0x76A00, s0;
	[dreg:$0xd] =	wrdreg s16  }
0x13: {  	s12 =	sshrl.u32 s25, $0x3;
	s25 =	smax.u32 s7, $0x1;
	[dreg:$0x16] =	wrdreg s0  }
0x14: {  	s23 =	sadd.s32 $0x1E, s8;
	s17 =	sadd.s32 s5, s15;
	[dreg:$0x17] =	wrdreg s25  }
0x15: {  	s8 =	sadd.s32 $0x4D8, s8;
	s19 =	sadd.s32 s24, s15;
	[dreg:$0xe] =	wrdreg s17  }
0x16: {  	s14 =	sshrl.u32 s13, $0x3;
	s21 =	sadd.s32 s5, s18;
	[dreg:$0xf] =	wrdreg s19  }
0x17: {  	s7 =	simm.s32 $0x50;
	s22 =	sadd.s32 s24, s18;
	[dreg:$0x10] =	wrdreg s21  }
0x18: {  	s13 =	simm.s32 $0x19400;
	s26 =	sadd.s32 s5, s23;
	[dreg:$0x11] =	wrdreg s22  }
0x19: {  	s11 =	sadd.s32 s24, s23;
	s10 =	sadd.s32 s12, s24;
	[dreg:$0x12] =	wrdreg s26  }
0x1a: {  	s9 =	sadd.s32 s12, s5;
	s15 =	sadd.s32 s14, s24;
	[dreg:$0x13] =	wrdreg s11  }
0x1b: {  	s16 =	sadd.s32 $0x190, s1;
	s0 =	simm.s32 $0x14380;
	[dreg:$0x3] =	wrdreg s10  }
0x1c: {  	s12 =	simm.s32 $0x3;
	s25 =	simm.s32 $0x14000;
	[dreg:$0x4] =	wrdreg s9  }
0x1d: {  	[dreg:$0x5] =	wrdreg s15;
	s17 =	sadd.s32 s14, s5;
	s18 =	sshrl.u32 s16, $0x3  }
0x1e: {  	s19 =	sadd.s32 s5, s8;
	s22 =	sadd.s32 s24, s8;
	s26 =	sadd.s32 $0x140, s1  }
0x1f: {  	s1 =	simm.s32 $0x1;
	s8 =	simm.s32 $0x14400;
	s10 =	simm.s32 $0x2  }
0x20: {  	s11 =	simm.s32 $0x16C00;
	s14 =	simm.s32 $0x5;
	[dreg:$0x14] =	wrdreg s19  }
0x21: {  	s15 =	simm.s32 $0x4;
	s16 =	simm.s32 $0x1BC00;
	[dreg:$0x6] =	wrdreg s17  }
0x22: {  	s9 =	simm.s32 $0x0;
	s21 =	sadd.s32 s18, s24;
	[dreg:$0x15] =	wrdreg s22  }
0x23: {  	s23 =	sadd.s32 s18, s5;
	[dreg:$0x18] =	wrdreg s26;
	s26 =	simm.s32 $0x14080  }
0x24: {  	s17 =	simm.s32 $0x6;
	s18 =	simm.s32 $0x7;
	[dreg:$0x7] =	wrdreg s21  }
0x25: {  	s19 =	simm.s32 $0x8;
	[dreg:$0x8] =	wrdreg s23;
	s23 =	simm.s32 $0x9  }
.LBB2_1:
0x26: {  	[dreg:$0x19] =	wrdreg s9  }
0x27: {  	s6 =	rddreg [dreg:$0x9]  }
0x28: {  	s21 =	rddreg [dreg:$0xa];
	s6 =	sshrl.u32 s6, $0x3  }
0x29: {  	[dreg:$0x1a] =	wrdreg s6  }
0x2a: {  	[spmem:s6], [sflag:s20] =	dma.local [hbm:s21], $0x2800  }
0x2b: {  	_ =	swait.ge [sflag:s23], $0x2800  }
0x2c: {  	[sflag:s23] =	ssyncset.done $0x0  }
0x2d: {  	[sflag:s23] =	ssyncadd.s32 $0xFFFFD800  }
0x2e: {  	[bflag:$0x0] =	sbarrier.arrive $0xFFFF  }
0x2f: {  	s20 =	simm.s32 $0x14000;
	s22 =	rddreg [dreg:$0xc]  }
0x30: {  	[tilespmem:s20], [sflag:$0x1] =	stream.linear.gather [hbm4b:s22+s3], $0x50, $0x38;
	[tilespmem:$0x1E400] =	vst v63  }
0x31: {  	s9 =	rddreg [dreg:$0xd];
	s22 =	simm.s32 $0x14200  }
0x32: {  	[tilespmem:s22], [sflag:$0x1] =	stream.linear.gather [hbm4b:s9+s3], $0x50, $0x38;
	[tilespmem:$0x1E400] =	vst v63  }
0x33: {  	s21 =	rddreg [dreg:$0xe]  }
0x34: {  	[tilespmem:s26], [sflag:$0x2] =	stream.linear.gather [hbm4b:s21+s3], $0x50, $0x38;
	[tilespmem:$0x1E400] =	vst v63  }
0x35: {  	s9 =	rddreg [dreg:$0xf]  }
0x36: {  	[tilespmem:s28], [sflag:$0x2] =	stream.linear.gather [hbm4b:s9+s3], $0x50, $0x38;
	[tilespmem:$0x1E400] =	vst v63  }
0x37: {  	s21 =	rddreg [dreg:$0x10]  }
0x38: {  	[tilespmem:s29], [sflag:$0x3] =	stream.linear.gather [hbm4b:s21+s3], $0x50, $0x38;
	[tilespmem:$0x1E400] =	vst v63  }
0x39: {  	s9 =	rddreg [dreg:$0x11]  }
0x3a: {  	[tilespmem:s30], [sflag:$0x3] =	stream.linear.gather [hbm4b:s9+s3], $0x50, $0x38;
	[tilespmem:$0x1E400] =	vst v63  }
0x3b: {  	s21 =	rddreg [dreg:$0x12]  }
0x3c: {  	[tilespmem:s31], [sflag:$0x4] =	stream.linear.gather [hbm4b:s21+s3], $0x50, $0x38;
	[tilespmem:$0x1E400] =	vst v63  }
0x3d: {  	s9 =	rddreg [dreg:$0x13]  }
0x3e: {  	[tilespmem:s0], [sflag:$0x4] =	stream.linear.gather [hbm4b:s9+s3], $0x50, $0x38;
	[tilespmem:$0x1E400] =	vst v63  }
0x3f: {  	_ =	swait.ge [sflag:s1], $0x50  }
0x40: {  	[sflag:s1] =	ssyncset.done $0x0  }
0x41: {  	[sflag:s1] =	ssyncadd.s32 $0xFFFFFFB0  }
0x42: {  	_ =	swait.ge [sflag:s1], $0x50  }
0x43: {  	[sflag:s1] =	ssyncset.done $0x0  }
0x44: {  	[sflag:s1] =	ssyncadd.s32 $0xFFFFFFB0  }
0x45: {  	[tilespmem:s8], [sflag:$0x5] =	stream.indirect.gather [hbm4b:s4+s7], $0x80, s20, s7, $0xb8;
	[tilespmem:$0x1E400] =	vst v63  }
0x46: {  	_ =	swait.ge [sflag:s10], $0x50  }
0x47: {  	[sflag:s10] =	ssyncset.done $0x0  }
0x48: {  	[sflag:s10] =	ssyncadd.s32 $0xFFFFFFB0  }
0x49: {  	_ =	swait.ge [sflag:s10], $0x50  }
0x4a: {  	[sflag:s10] =	ssyncset.done $0x0  }
0x4b: {  	[sflag:s10] =	ssyncadd.s32 $0xFFFFFFB0  }
0x4c: {  	[tilespmem:s11], [sflag:$0x6] =	stream.indirect.gather [hbm4b:s4+s7], $0x80, s26, s7, $0xb8;
	[tilespmem:$0x1E400] =	vst v63  }
0x4d: {  	_ =	swait.ge [sflag:s12], $0x50  }
0x4e: {  	[sflag:s12] =	ssyncset.done $0x0  }
0x4f: {  	[sflag:s12] =	ssyncadd.s32 $0xFFFFFFB0  }
0x50: {  	_ =	swait.ge [sflag:s12], $0x50  }
0x51: {  	[sflag:s12] =	ssyncset.done $0x0  }
0x52: {  	[sflag:s12] =	ssyncadd.s32 $0xFFFFFFB0  }
0x53: {  	[tilespmem:s13], [sflag:$0x7] =	stream.indirect.gather [hbm4b:s4+s7], $0x80, s29, s7, $0xb8;
	[tilespmem:$0x1E400] =	vst v63  }
0x54: {  	_ =	swait.ge [sflag:s14], $0x2800  }
0x55: {  	[sflag:s14] =	ssyncset.done $0x0  }
0x56: {  	[sflag:s14] =	ssyncadd.s32 $0xFFFFD800  }
0x57: {  	[spmem:s2] =	stream.indirect.scatter.add.f32 [tilespmem:s8], [sflag:$0x9], $0x80, s22, s7, $0xb8;
	[tilespmem:$0x1E400] =	vst v63  }
0x58: {  	_ =	swait.ge [sflag:s23], $0x2800  }
0x59: {  	s6 =	rddreg [dreg:$0x18]  }
0x5a: {  	[sflag:s23] =	ssyncset.done $0x0;
	s9 =	sshrl.u32 s6, $0x3  }
0x5b: {  	[sflag:s23] =	ssyncadd.s32 $0xFFFFD800;
	s21 =	sadd.s32 s5, s9  }
0x5c: {  	[tilespmem:s20], [sflag:$0x1] =	stream.linear.gather [hbm4b:s21+s3], $0x50, $0x38;
	[tilespmem:$0x1E400] =	vst v63  }
0x5d: {  	s9 =	sadd.s32 s24, s9  }
0x5e: {  	[tilespmem:s22], [sflag:$0x1] =	stream.linear.gather [hbm4b:s9+s3], $0x50, $0x38;
	[tilespmem:$0x1E400] =	vst v63  }
0x5f: {  	_ =	swait.ge [sflag:s15], $0x50  }
0x60: {  	[sflag:s15] =	ssyncset.done $0x0  }
0x61: {  	[sflag:s15] =	ssyncadd.s32 $0xFFFFFFB0  }
0x62: {  	_ =	swait.ge [sflag:s15], $0x50  }
0x63: {  	[sflag:s15] =	ssyncset.done $0x0  }
0x64: {  	[sflag:s15] =	ssyncadd.s32 $0xFFFFFFB0  }
0x65: {  	[tilespmem:s16], [sflag:$0x8] =	stream.indirect.gather [hbm4b:s4+s7], $0x80, s31, s7, $0xb8;
	[tilespmem:$0x1E400] =	vst v63  }
0x66: {  	_ =	swait.ge [sflag:s17], $0x2800  }
0x67: {  	[sflag:s17] =	ssyncset.done $0x0  }
0x68: {  	[sflag:s17] =	ssyncadd.s32 $0xFFFFD800  }
0x69: {  	[spmem:s2] =	stream.indirect.scatter.add.f32 [tilespmem:s11], [sflag:$0x9], $0x80, s28, s7, $0xb8;
	[tilespmem:$0x1E400] =	vst v63  }
0x6a: {  	_ =	swait.ge [sflag:s23], $0x2800  }
0x6b: {  	s21 =	rddreg [dreg:$0x8];
	[sflag:s23] =	ssyncset.done $0x0  }
0x6c: {  	s22 =	rddreg [dreg:$0x7];
	[sflag:s23] =	ssyncadd.s32 $0xFFFFD800;
	s9 =	sadd.s32 $0x0, s21  }
0x6d: {  	[tilespmem:s26], [sflag:$0x2] =	stream.linear.gather [hbm4b:s9+s3], $0x50, $0x38;
	[tilespmem:$0x1E400] =	vst v63  }
0x6e: {  	s22 =	sadd.s32 $0x0, s22  }
0x6f: {  	[tilespmem:s28], [sflag:$0x2] =	stream.linear.gather [hbm4b:s22+s3], $0x50, $0x38;
	[tilespmem:$0x1E400] =	vst v63  }
0x70: {  	_ =	swait.ge [sflag:s1], $0x50  }
0x71: {  	[sflag:s1] =	ssyncset.done $0x0  }
0x72: {  	[sflag:s1] =	ssyncadd.s32 $0xFFFFFFB0  }
0x73: {  	_ =	swait.ge [sflag:s1], $0x50  }
0x74: {  	[sflag:s1] =	ssyncset.done $0x0  }
0x75: {  	[sflag:s1] =	ssyncadd.s32 $0xFFFFFFB0  }
0x76: {  	[tilespmem:s8], [sflag:$0x5] =	stream.indirect.gather [hbm4b:s4+s7], $0x80, s20, s7, $0xb8;
	[tilespmem:$0x1E400] =	vst v63  }
0x77: {  	_ =	swait.ge [sflag:s18], $0x2800  }
0x78: {  	[sflag:s18] =	ssyncset.done $0x0  }
0x79: {  	[sflag:s18] =	ssyncadd.s32 $0xFFFFD800  }
0x7a: {  	[spmem:s2] =	stream.indirect.scatter.add.f32 [tilespmem:s13], [sflag:$0x9], $0x80, s30, s7, $0xb8;
	[tilespmem:$0x1E400] =	vst v63  }
0x7b: {  	_ =	swait.ge [sflag:s23], $0x2800  }
0x7c: {  	s21 =	rddreg [dreg:$0x6];
	[sflag:s23] =	ssyncset.done $0x0  }
0x7d: {  	s22 =	rddreg [dreg:$0x5];
	[sflag:s23] =	ssyncadd.s32 $0xFFFFD800;
	s9 =	sadd.s32 $0x0, s21  }
0x7e: {  	[tilespmem:s29], [sflag:$0x3] =	stream.linear.gather [hbm4b:s9+s3], $0x50, $0x38;
	[tilespmem:$0x1E400] =	vst v63  }
0x7f: {  	s20 =	sadd.s32 $0x0, s22  }
0x80: {  	[tilespmem:s30], [sflag:$0x3] =	stream.linear.gather [hbm4b:s20+s3], $0x50, $0x38;
	[tilespmem:$0x1E400] =	vst v63  }
0x81: {  	_ =	swait.ge [sflag:s10], $0x50  }
0x82: {  	[sflag:s10] =	ssyncset.done $0x0  }
0x83: {  	[sflag:s10] =	ssyncadd.s32 $0xFFFFFFB0  }
0x84: {  	_ =	swait.ge [sflag:s10], $0x50  }
0x85: {  	[sflag:s10] =	ssyncset.done $0x0  }
0x86: {  	[sflag:s10] =	ssyncadd.s32 $0xFFFFFFB0  }
0x87: {  	[tilespmem:s11], [sflag:$0x6] =	stream.indirect.gather [hbm4b:s4+s7], $0x80, s26, s7, $0xb8;
	[tilespmem:$0x1E400] =	vst v63  }
0x88: {  	_ =	swait.ge [sflag:s19], $0x2800  }
0x89: {  	[sflag:s19] =	ssyncset.done $0x0  }
0x8a: {  	[sflag:s19] =	ssyncadd.s32 $0xFFFFD800  }
0x8b: {  	[spmem:s2] =	stream.indirect.scatter.add.f32 [tilespmem:s16], [sflag:$0x9], $0x80, s0, s7, $0xb8;
	[tilespmem:$0x1E400] =	vst v63  }
0x8c: {  	_ =	swait.ge [sflag:s23], $0x2800  }
0x8d: {  	s21 =	rddreg [dreg:$0x4];
	[sflag:s23] =	ssyncset.done $0x0  }
0x8e: {  	s22 =	rddreg [dreg:$0x3];
	[sflag:s23] =	ssyncadd.s32 $0xFFFFD800;
	s9 =	sadd.s32 $0x0, s21  }
0x8f: {  	[tilespmem:s31], [sflag:$0x4] =	stream.linear.gather [hbm4b:s9+s3], $0x50, $0x38;
	[tilespmem:$0x1E400] =	vst v63  }
0x90: {  	s26 =	sadd.s32 $0x0, s22  }
0x91: {  	[tilespmem:s0], [sflag:$0x4] =	stream.linear.gather [hbm4b:s26+s3], $0x50, $0x38;
	[tilespmem:$0x1E400] =	vst v63  }
0x92: {  	_ =	swait.ge [sflag:s12], $0x50  }
0x93: {  	[sflag:s12] =	ssyncset.done $0x0  }
0x94: {  	[sflag:s12] =	ssyncadd.s32 $0xFFFFFFB0  }
0x95: {  	_ =	swait.ge [sflag:s12], $0x50  }
0x96: {  	[sflag:s12] =	ssyncset.done $0x0  }
0x97: {  	s22 =	sadd.s32 $0x140, s6;
	s9 =	simm.s32 $0x28;
	[sflag:s12] =	ssyncadd.s32 $0xFFFFFFB0  }
.LBB2_2:
0x98: {  	[tilespmem:s13], [sflag:$0x7] =	stream.indirect.gather [hbm4b:s4+s7], $0x80, s29, s7, $0xb8;
	[tilespmem:$0x1E400] =	vst v63  }
0x99: {  	_ =	swait.ge [sflag:s14], $0x2800  }
0x9a: {  	[sflag:s14] =	ssyncset.done $0x0  }
0x9b: {  	s26 =	simm.s32 $0x14200;
	[sflag:s14] =	ssyncadd.s32 $0xFFFFD800  }
0x9c: {  	[spmem:s2] =	stream.indirect.scatter.add.f32 [tilespmem:s8], [sflag:$0x9], $0x80, s26, s7, $0xb8;
	[tilespmem:$0x1E400] =	vst v63  }
0x9d: {  	_ =	swait.ge [sflag:s23], $0x2800  }
0x9e: {  	s20 =	sshrl.u32 s22, $0x3;
	[sflag:s23] =	ssyncset.done $0x0  }
0x9f: {  	s6 =	smov.u32 s5;
	s5 =	sadd.s32 s5, s20;
	[sflag:s23] =	ssyncadd.s32 $0xFFFFD800  }
0xa0: {  	[tilespmem:s25], [sflag:$0x1] =	stream.linear.gather [hbm4b:s5+s3], $0x50, $0x38;
	[tilespmem:$0x1E400] =	vst v63  }
0xa1: {  	s20 =	sadd.s32 s24, s20  }
0xa2: {  	[tilespmem:s26], [sflag:$0x1] =	stream.linear.gather [hbm4b:s20+s3], $0x50, $0x38;
	[tilespmem:$0x1E400] =	vst v63  }
0xa3: {  	_ =	swait.ge [sflag:s15], $0x50  }
0xa4: {  	[sflag:s15] =	ssyncset.done $0x0  }
0xa5: {  	[sflag:s15] =	ssyncadd.s32 $0xFFFFFFB0  }
0xa6: {  	_ =	swait.ge [sflag:s15], $0x50  }
0xa7: {  	[sflag:s15] =	ssyncset.done $0x0  }
0xa8: {  	[sflag:s15] =	ssyncadd.s32 $0xFFFFFFB0  }
0xa9: {  	[tilespmem:s16], [sflag:$0x8] =	stream.indirect.gather [hbm4b:s4+s7], $0x80, s31, s7, $0xb8;
	[tilespmem:$0x1E400] =	vst v63  }
0xaa: {  	_ =	swait.ge [sflag:s17], $0x2800  }
0xab: {  	[sflag:s17] =	ssyncset.done $0x0  }
0xac: {  	[sflag:s17] =	ssyncadd.s32 $0xFFFFD800  }
0xad: {  	[spmem:s2] =	stream.indirect.scatter.add.f32 [tilespmem:s11], [sflag:$0x9], $0x80, s28, s7, $0xb8;
	[tilespmem:$0x1E400] =	vst v63  }
0xae: {  	s21 =	smov.u32 s9;
	_ =	swait.ge [sflag:s23], $0x2800  }
0xaf: {  	s26 =	simm.s32 $0x14080;
	s5 =	rddreg [dreg:$0x8];
	[sflag:s23] =	ssyncset.done $0x0  }
0xb0: {  	s20 =	rddreg [dreg:$0x7];
	[sflag:s23] =	ssyncadd.s32 $0xFFFFD800;
	s5 =	sadd.s32 s21, s5  }
0xb1: {  	[tilespmem:s26], [sflag:$0x2] =	stream.linear.gather [hbm4b:s5+s3], $0x50, $0x38;
	[tilespmem:$0x1E400] =	vst v63  }
0xb2: {  	s20 =	sadd.s32 s21, s20  }
0xb3: {  	[tilespmem:s28], [sflag:$0x2] =	stream.linear.gather [hbm4b:s20+s3], $0x50, $0x38;
	[tilespmem:$0x1E400] =	vst v63  }
0xb4: {  	_ =	swait.ge [sflag:s1], $0x50  }
0xb5: {  	[sflag:s1] =	ssyncset.done $0x0  }
0xb6: {  	[sflag:s1] =	ssyncadd.s32 $0xFFFFFFB0  }
0xb7: {  	_ =	swait.ge [sflag:s1], $0x50  }
0xb8: {  	[sflag:s1] =	ssyncset.done $0x0  }
0xb9: {  	[sflag:s1] =	ssyncadd.s32 $0xFFFFFFB0  }
0xba: {  	[tilespmem:s8], [sflag:$0x5] =	stream.indirect.gather [hbm4b:s4+s7], $0x80, s25, s7, $0xb8;
	[tilespmem:$0x1E400] =	vst v63  }
0xbb: {  	_ =	swait.ge [sflag:s18], $0x2800  }
0xbc: {  	[sflag:s18] =	ssyncset.done $0x0  }
0xbd: {  	[sflag:s18] =	ssyncadd.s32 $0xFFFFD800  }
0xbe: {  	[spmem:s2] =	stream.indirect.scatter.add.f32 [tilespmem:s13], [sflag:$0x9], $0x80, s30, s7, $0xb8;
	[tilespmem:$0x1E400] =	vst v63  }
0xbf: {  	_ =	swait.ge [sflag:s23], $0x2800  }
0xc0: {  	s5 =	rddreg [dreg:$0x6];
	[sflag:s23] =	ssyncset.done $0x0  }
0xc1: {  	s20 =	rddreg [dreg:$0x5];
	[sflag:s23] =	ssyncadd.s32 $0xFFFFD800;
	s5 =	sadd.s32 s21, s5  }
0xc2: {  	[tilespmem:s29], [sflag:$0x3] =	stream.linear.gather [hbm4b:s5+s3], $0x50, $0x38;
	[tilespmem:$0x1E400] =	vst v63  }
0xc3: {  	s20 =	sadd.s32 s21, s20  }
0xc4: {  	[tilespmem:s30], [sflag:$0x3] =	stream.linear.gather [hbm4b:s20+s3], $0x50, $0x38;
	[tilespmem:$0x1E400] =	vst v63  }
0xc5: {  	_ =	swait.ge [sflag:s10], $0x50  }
0xc6: {  	[sflag:s10] =	ssyncset.done $0x0  }
0xc7: {  	[sflag:s10] =	ssyncadd.s32 $0xFFFFFFB0  }
0xc8: {  	_ =	swait.ge [sflag:s10], $0x50  }
0xc9: {  	[sflag:s10] =	ssyncset.done $0x0  }
0xca: {  	[sflag:s10] =	ssyncadd.s32 $0xFFFFFFB0  }
0xcb: {  	[tilespmem:s11], [sflag:$0x6] =	stream.indirect.gather [hbm4b:s4+s7], $0x80, s26, s7, $0xb8;
	[tilespmem:$0x1E400] =	vst v63  }
0xcc: {  	_ =	swait.ge [sflag:s19], $0x2800  }
0xcd: {  	[sflag:s19] =	ssyncset.done $0x0  }
0xce: {  	[sflag:s19] =	ssyncadd.s32 $0xFFFFD800  }
0xcf: {  	[spmem:s2] =	stream.indirect.scatter.add.f32 [tilespmem:s16], [sflag:$0x9], $0x80, s0, s7, $0xb8;
	[tilespmem:$0x1E400] =	vst v63  }
0xd0: {  	_ =	swait.ge [sflag:s23], $0x2800  }
0xd1: {  	s5 =	rddreg [dreg:$0x4];
	[sflag:s23] =	ssyncset.done $0x0  }
0xd2: {  	s20 =	rddreg [dreg:$0x3];
	[sflag:s23] =	ssyncadd.s32 $0xFFFFD800;
	s5 =	sadd.s32 s21, s5  }
0xd3: {  	[tilespmem:s31], [sflag:$0x4] =	stream.linear.gather [hbm4b:s5+s3], $0x50, $0x38;
	[tilespmem:$0x1E400] =	vst v63  }
0xd4: {  	s21 =	sadd.s32 s21, s20  }
0xd5: {  	[tilespmem:s0], [sflag:$0x4] =	stream.linear.gather [hbm4b:s21+s3], $0x50, $0x38;
	[tilespmem:$0x1E400] =	vst v63  }
0xd6: {  	p0 =	sne.s32 s9, $0x488;
	_ =	swait.ge [sflag:s12], $0x50  }
.Ltmp0:
0xd7: {  	[sflag:s12] =	ssyncset.done $0x0;
	(pc) =	sbr.rel @p0 .LBB2_2-.Ltmp0, $4  }
0xd8: {  	[sflag:s12] =	ssyncadd.s32 $0xFFFFFFB0  }
0xd9: {  	_ =	swait.ge [sflag:s12], $0x50  }
0xda: {  	s9 =	sadd.s32 $0x28, s9;
	[sflag:s12] =	ssyncset.done $0x0  }
0xdb: {  	s22 =	sadd.s32 $0x140, s22;
	s5 =	smov.u32 s6;
	[sflag:s12] =	ssyncadd.s32 $0xFFFFFFB0  }
0xdc: {  	[tilespmem:s13], [sflag:$0x7] =	stream.indirect.gather [hbm4b:s4+s7], $0x80, s29, s7, $0xb8;
	[tilespmem:$0x1E400] =	vst v63  }
0xdd: {  	_ =	swait.ge [sflag:s14], $0x2800  }
0xde: {  	[sflag:s14] =	ssyncset.done $0x0  }
0xdf: {  	s20 =	simm.s32 $0x14200;
	[sflag:s14] =	ssyncadd.s32 $0xFFFFD800  }
0xe0: {  	[spmem:s2] =	stream.indirect.scatter.add.f32 [tilespmem:s8], [sflag:$0x9], $0x80, s20, s7, $0xb8;
	[tilespmem:$0x1E400] =	vst v63  }
0xe1: {  	_ =	swait.ge [sflag:s23], $0x2800  }
0xe2: {  	[sflag:s23] =	ssyncset.done $0x0  }
0xe3: {  	s9 =	simm.s32 $0x14000;
	s6 =	rddreg [dreg:$0x14];
	[sflag:s23] =	ssyncadd.s32 $0xFFFFD800  }
0xe4: {  	[tilespmem:s9], [sflag:$0x1] =	stream.linear.gather [hbm4b:s6+s3], $0x50, $0x38;
	[tilespmem:$0x1E400] =	vst v63  }
0xe5: {  	s22 =	rddreg [dreg:$0x15]  }
0xe6: {  	[tilespmem:s20], [sflag:$0x1] =	stream.linear.gather [hbm4b:s22+s3], $0x50, $0x38;
	[tilespmem:$0x1E400] =	vst v63  }
0xe7: {  	_ =	swait.ge [sflag:s15], $0x50  }
0xe8: {  	[sflag:s15] =	ssyncset.done $0x0  }
0xe9: {  	[sflag:s15] =	ssyncadd.s32 $0xFFFFFFB0  }
0xea: {  	_ =	swait.ge [sflag:s15], $0x50  }
0xeb: {  	[sflag:s15] =	ssyncset.done $0x0  }
0xec: {  	[sflag:s15] =	ssyncadd.s32 $0xFFFFFFB0  }
0xed: {  	[tilespmem:s16], [sflag:$0x8] =	stream.indirect.gather [hbm4b:s4+s7], $0x80, s31, s7, $0xb8;
	[tilespmem:$0x1E400] =	vst v63  }
0xee: {  	_ =	swait.ge [sflag:s17], $0x2800  }
0xef: {  	[sflag:s17] =	ssyncset.done $0x0  }
0xf0: {  	[sflag:s17] =	ssyncadd.s32 $0xFFFFD800  }
0xf1: {  	[spmem:s2] =	stream.indirect.scatter.add.f32 [tilespmem:s11], [sflag:$0x9], $0x80, s28, s7, $0xb8;
	[tilespmem:$0x1E400] =	vst v63  }
0xf2: {  	_ =	swait.ge [sflag:s23], $0x2800  }
0xf3: {  	[sflag:s23] =	ssyncset.done $0x0  }
0xf4: {  	[sflag:s23] =	ssyncadd.s32 $0xFFFFD800  }
0xf5: {  	_ =	swait.ge [sflag:s1], $0x50  }
0xf6: {  	[sflag:s1] =	ssyncset.done $0x0  }
0xf7: {  	[sflag:s1] =	ssyncadd.s32 $0xFFFFFFB0  }
0xf8: {  	_ =	swait.ge [sflag:s1], $0x50  }
0xf9: {  	[sflag:s1] =	ssyncset.done $0x0  }
0xfa: {  	[sflag:s1] =	ssyncadd.s32 $0xFFFFFFB0  }
0xfb: {  	[tilespmem:s8], [sflag:$0x5] =	stream.indirect.gather [hbm4b:s4+s7], $0x80, s9, s7, $0xb8;
	[tilespmem:$0x1E400] =	vst v63  }
0xfc: {  	_ =	swait.ge [sflag:s18], $0x2800  }
0xfd: {  	[sflag:s18] =	ssyncset.done $0x0  }
0xfe: {  	[sflag:s18] =	ssyncadd.s32 $0xFFFFD800  }
0xff: {  	[spmem:s2] =	stream.indirect.scatter.add.f32 [tilespmem:s13], [sflag:$0x9], $0x80, s30, s7, $0xb8;
	[tilespmem:$0x1E400] =	vst v63  }
0x100: {  	_ =	swait.ge [sflag:s23], $0x2800  }
0x101: {  	[sflag:s23] =	ssyncset.done $0x0  }
0x102: {  	[sflag:s23] =	ssyncadd.s32 $0xFFFFD800  }
0x103: {  	_ =	swait.ge [sflag:s19], $0x2800  }
0x104: {  	[sflag:s19] =	ssyncset.done $0x0  }
0x105: {  	[sflag:s19] =	ssyncadd.s32 $0xFFFFD800  }
0x106: {  	[spmem:s2] =	stream.indirect.scatter.add.f32 [tilespmem:s16], [sflag:$0x9], $0x80, s0, s7, $0xb8;
	[tilespmem:$0x1E400] =	vst v63  }
0x107: {  	_ =	swait.ge [sflag:s23], $0x2800  }
0x108: {  	[sflag:s23] =	ssyncset.done $0x0  }
0x109: {  	[sflag:s23] =	ssyncadd.s32 $0xFFFFD800  }
0x10a: {  	_ =	swait.ge [sflag:s14], $0x2800  }
0x10b: {  	[sflag:s14] =	ssyncset.done $0x0  }
0x10c: {  	[sflag:s14] =	ssyncadd.s32 $0xFFFFD800  }
0x10d: {  	[spmem:s2] =	stream.indirect.scatter.add.f32 [tilespmem:s8], [sflag:$0x9], $0x80, s20, s7, $0xb8;
	[tilespmem:$0x1E400] =	vst v63  }
0x10e: {  	_ =	swait.ge [sflag:s23], $0x2800  }
0x10f: {  	[sflag:s23] =	ssyncset.done $0x0  }
0x110: {  	[sflag:s23] =	ssyncadd.s32 $0xFFFFD800  }
0x111: {  	[bflag:$0x0] =	sbarrier.arrive $0xFFFF  }
0x112: {  	s20 =	rddreg [dreg:$0xb]  }
0x113: {  	s21 =	rddreg [dreg:$0x16]  }
0x114: {  	s22 =	rddreg [dreg:$0x1a]  }
0x115: {  	[hbm:s21], [sflag:s20] =	dma.local [spmem:s22], $0x2800  }
0x116: {  	_ =	swait.ge [sflag:s23], $0x2800  }
0x117: {  	s21 =	rddreg [dreg:$0x19]  }
0x118: {  	s22 =	rddreg [dreg:$0x17];
	s9 =	sadd.s32 $0x1, s21  }
0x119: {  	p0 =	sne.s32 s9, s22  }
.Ltmp1:
0x11a: {  	_ = 	snop;
	(pc) =	sbr.rel @p0 .LBB2_1-.Ltmp1, $3  }
0x11b: {  	_ =	sdelay $0x1  }
0x11c: {  	[sflag:s23] =	ssyncset.done $0x0  }
0x11d: {  	[sflag:s23] =	ssyncadd.s32 $0xFFFFD800  }
0x11e: {  	_ =	sfence.sel $0x180000  }
0x11f: {  	[bflag:$0x0] =	sbarrier.arrive $0xFFFF  }
0x120: {  	_ =	strace $0x90000050  }
0x121: {  	s0 =	stileid.u32;
	[bflag:$0x2] =	sbarrier.arrive $0xFFFF  }
0x122: {  	p0 =	sne.s32 s0, $0x0;
	s0 =	rddreg [dreg:$0x2]  }
0x123: {  	s0 =	sadd.s32 @!p0 $0x100000, s0  }
0x124: {  	[sflag:s0] =	ssyncadd.tile.s32 @!p0 $0x1;
	_ =	shalt  }
.Lfunc_end2:
_tile_overlayer_lowered:
.L_overlay_start_2:
0x125: {  	(tag) =	ssettag $0x2  }
0x126: {  	s0 =	rddreg [dreg:$0x0];
	s2 =	stileid.u32  }
0x127: {  	s1 =	rddreg [dreg:$0x1];
	p0 =	sne.s32 s2, $0x0  }
0x128: {  	s3 =	rddreg [dreg:$0x2];
	[bflag:$0x3] =	sbarrier.arrive $0xFFFF;
	s2 =	simm.s32 @!p0 $0x1C09  }
0x129: {  	[timem:s3], [sflag:s2] =	dma.local @!p0 [hbm:s0], s1  }
0x12a: {  	s0 =	simm.s32 @!p0 $0x9  }
0x12b: {  	_ =	swait.ge @!p0 [sflag:s0], s1  }
0x12c: {  	s1 =	ssub.s32 @!p0 $0x0, s1;
	[sflag:s0] =	ssyncset.done @!p0 $0x0  }
0x12d: {  	[sflag:s0] =	ssyncadd.s32 @!p0 s1  }
0x12e: {  	[bflag:$0x3] =	sbarrier.arrive $0xFFFF  }
0x12f: {  	_ =	shalt  }

</sc_bundles>
